<compile_context>
chip_gen: v7x
topology: tpu7x:2x2x1
jax: 0.10.2.dev20260603
libtpu: 0.0.44.dev20260713+nightly
codegen_flags: <defaults>
</compile_context>

<pallas_src>
import functools

import jax
import jax.numpy as jnp
from jax import lax
from jax.experimental import pallas as pl
from jax.experimental.pallas import tpu as pltpu
from jax.experimental.pallas import tpu_sc as plsc

_SLICES = ((0, 10), (10, 16), (16, 22), (22, 31), (31, 36))
_K = 512
_F = 36
_NC = 5
_COMMIT = 0.25
_BLOCK = 4096

_NUM_WORKERS = 32
_CHUNK = 1024


def _vq_distance_kernel(xt_ref, sf_ref, w_ref, cbn_ref,
                        acc_ref, i0_ref, i1_ref, i2_ref, i3_ref, i4_ref):
    idx_refs = (i0_ref, i1_ref, i2_ref, i3_ref, i4_ref)
    xt = xt_ref[...]
    mm = jnp.dot(w_ref[...], xt, preferred_element_type=jnp.float32)
    loss_lanes = lax.broadcasted_iota(jnp.int32, (1, 128), 1)
    acc_update = jnp.zeros((1, 128), dtype=jnp.float32)
    sub_iota = lax.broadcasted_iota(jnp.int32, (8, mm.shape[1]), 0)

    def comb(av, ai, bv, bi):
        take_b = (bv < av) | ((bv == av) & (bi < ai))
        return jnp.where(take_b, bv, av), jnp.where(take_b, bi, ai)

    for c in range(_NC):
        sf = sf_ref[c:c + 1, :]
        d = sf + cbn_ref[c * _K:(c + 1) * _K, :] + mm[c * _K:(c + 1) * _K, :]
        val = d[0:8, :]
        sid = jnp.zeros(val.shape, jnp.int32)
        for i in range(1, _K // 8):
            b = d[8 * i:8 * i + 8, :]
            cm = b < val
            val = jnp.minimum(val, b)
            sid = jnp.where(cm, i, sid)
        idx8 = sid * 8 + sub_iota
        v4, i4 = comb(val[0:4, :], idx8[0:4, :], val[4:8, :], idx8[4:8, :])
        v2, i2 = comb(v4[0:2, :], i4[0:2, :], v4[2:4, :], i4[2:4, :])
        m, idx = comb(v2[0:1, :], i2[0:1, :], v2[1:2, :], i2[1:2, :])
        idx_refs[c][...] = idx
        acc_update = acc_update + jnp.where(loss_lanes == c, jnp.sum(m), 0.0)

    @pl.when(pl.program_id(0) == 0)
    def _init():
        acc_ref[...] = jnp.zeros_like(acc_ref)

    acc_ref[...] += acc_update


def _make_gather_kernel(B):
    rows_per_worker = B // _NUM_WORKERS
    chunk = _CHUNK
    while rows_per_worker % chunk:
        chunk //= 2
    n_chunks = rows_per_worker // chunk
    n_groups = chunk // 16
    mesh = plsc.VectorSubcoreMesh(core_axis_name="c", subcore_axis_name="s")
    scratch = ([pltpu.VMEM((_K * (e - s),), jnp.float32) for (s, e) in _SLICES]
               + [pltpu.VMEM((chunk,), jnp.int32) for _ in range(_NC)]
               + [pltpu.VMEM((chunk * _F,), jnp.float32),
                  pltpu.SemaphoreType.DMA])

    @functools.partial(
        pl.kernel, mesh=mesh,
        out_type=jax.ShapeDtypeStruct((B * _F,), jnp.float32),
        scratch_types=scratch,
        compiler_params=pltpu.CompilerParams(needs_layout_passes=False),
    )
    def gather_kernel(i0, i1, i2, i3, i4, cb0, cb1, cb2, cb3, cb4, out_hbm,
                      cbv0, cbv1, cbv2, cbv3, cbv4,
                      iv0, iv1, iv2, iv3, iv4, out_v, sem):
        idx_hbm = (i0, i1, i2, i3, i4)
        cb_hbm = (cb0, cb1, cb2, cb3, cb4)
        cb_v = (cbv0, cbv1, cbv2, cbv3, cbv4)
        idx_v = (iv0, iv1, iv2, iv3, iv4)
        wid = lax.axis_index("s") * 2 + lax.axis_index("c")
        base = wid * rows_per_worker
        lane = lax.iota(jnp.int32, 16)

        def chunk_body(ch, _):
            row0 = base + ch * chunk
            handles = [pltpu.async_copy(cb_hbm[c], cb_v[c], sem)
                       for c in range(_NC)]
            handles += [
                pltpu.async_copy(idx_hbm[c].at[pl.ds(row0, chunk)],
                                 idx_v[c], sem)
                for c in range(_NC)]
            for h in handles:
                h.wait()

            def group_body(g, _):
                rows36 = (g * 16 + lane) * _F
                for c, (s, e) in enumerate(_SLICES):
                    fidx = idx_v[c][pl.ds(g * 16, 16)] * (e - s)
                    for dd in range(e - s):
                        vals = plsc.load_gather(cb_v[c], [fidx + dd])
                        plsc.store_scatter(out_v, [rows36 + (s + dd)], vals)
                return 0

            lax.fori_loop(0, n_groups, group_body, 0)
            pltpu.sync_copy(out_v, out_hbm.at[pl.ds(row0 * _F, chunk * _F)])
            return 0

        lax.fori_loop(0, n_chunks, chunk_body, 0)

    return gather_kernel


_PART_FRACS = (1, 1)


@jax.jit
def kernel(features, cb_handshape, cb_location, cb_orientation, cb_movement,
           cb_nonmanual):
    cbs = (cb_handshape, cb_location, cb_orientation, cb_movement, cb_nonmanual)
    B = features.shape[0]

    w = jnp.zeros((_NC * _K, _F), dtype=jnp.float32)
    cbn_parts = []
    for c, (s, e) in enumerate(_SLICES):
        w = w.at[c * _K:(c + 1) * _K, s:e].set(-2.0 * cbs[c])
        cbn_parts.append(jnp.sum(cbs[c] ** 2, axis=1))
    cbn = jnp.concatenate(cbn_parts).reshape(_NC * _K, 1)
    cbs_flat = tuple(cb.reshape(-1) for cb in cbs)

    unit = B // sum(_PART_FRACS)
    part_sizes = tuple(f * unit for f in _PART_FRACS)
    part_starts = tuple(sum(part_sizes[:p]) for p in range(len(part_sizes)))
    idx_spec = pl.BlockSpec((1, _BLOCK), lambda i: (0, i))

    accs, idx_parts, q_parts = [], [], []
    for p, (p0, Bp) in enumerate(zip(part_starts, part_sizes)):
        nblk = Bp // _BLOCK
        out_shapes = (
            jax.ShapeDtypeStruct((1, 128), jnp.float32),
        ) + tuple(jax.ShapeDtypeStruct((1, Bp), jnp.int32) for _ in range(_NC))
        gather_fn = _make_gather_kernel(Bp)
        fp = lax.slice_in_dim(features, p0, p0 + Bp, axis=0)
        sf_all = jnp.concatenate(
            [jnp.sum(fp[:, s:e] ** 2, axis=1)[None, :] for (s, e) in _SLICES]
            + [jnp.zeros((3, Bp), jnp.float32)], axis=0)
        xt = fp.T
        outs = pl.pallas_call(
            _vq_distance_kernel,
            grid=(nblk,),
            in_specs=[
                pl.BlockSpec((_F, _BLOCK), lambda i: (0, i)),
                pl.BlockSpec((8, _BLOCK), lambda i: (0, i)),
                pl.BlockSpec((_NC * _K, _F), lambda i: (0, 0)),
                pl.BlockSpec((_NC * _K, 1), lambda i: (0, 0)),
            ],
            out_specs=(
                pl.BlockSpec((1, 128), lambda i: (0, 0)),
            ) + tuple(idx_spec for _ in range(_NC)),
            out_shape=out_shapes,
        )(xt, sf_all, w, cbn)
        accs.append(outs[0])
        idxs = tuple(o.reshape(Bp) for o in outs[1:])
        idx_parts.append(idxs)
        q_parts.append(gather_fn(*idxs, *cbs_flat))

    acc = sum(accs[1:], accs[0])
    indices = tuple(
        jnp.concatenate([ip[c] for ip in idx_parts]) for c in range(_NC))
    quantized_st = jnp.concatenate(q_parts).reshape(B, _F)

    dims = jnp.array([float(e - s) for (s, e) in _SLICES], dtype=jnp.float32)
    sums = acc[0, :_NC]
    losses = (1.0 + _COMMIT) * sums / (B * dims)
    vq_loss = jnp.mean(losses)
    return (quantized_st, vq_loss) + indices

# --- scband reference (transcript-rebuilt; emitter-appended) ---
"""Pipeline reference for scband-product-vqlayer-7902739824790 (READ-ONLY COPY).

The authoritative reference and input builder live on the scoring server;
editing this copy changes nothing except your own understanding.
"""

import jax, jax.numpy as jnp
import numpy as np

COMPONENTS = ['handshape', 'location', 'orientation', 'movement', 'nonmanual']
SLICES = {'handshape': (0, 10), 'location': (10, 16), 'orientation': (16, 22), 'movement': (22, 31), 'nonmanual': (31, 36)}
NUM_EMB = {'handshape': 512, 'location': 512, 'orientation': 512, 'movement': 512, 'nonmanual': 512}
EMB_DIM = {'handshape': 10, 'location': 6, 'orientation': 6, 'movement': 9, 'nonmanual': 5}
COMMIT = 0.25
B = 131072


def setup_inputs(seed: int = 0) -> dict:
    key = jax.random.key(seed)
    keys = jax.random.split(key, 1 + len(COMPONENTS))
    inp = {'features': jax.random.normal(keys[0], (B, 36), dtype=jnp.float32)}
    for i, c in enumerate(COMPONENTS):
        K = NUM_EMB[c]
        D = EMB_DIM[c]
        inp['cb_' + c] = jax.random.uniform(keys[1 + i], (K, D), dtype=jnp.float32, minval=-1.0 / K, maxval=1.0 / K)
    return inp


def reference(features, cb_handshape, cb_location, cb_orientation, cb_movement, cb_nonmanual):
    cbs = {'handshape': cb_handshape, 'location': cb_location, 'orientation': cb_orientation, 'movement': cb_movement, 'nonmanual': cb_nonmanual}
    quantized_parts = []
    losses = []
    indices = []
    for c in COMPONENTS:
        s, e = SLICES[c]
        f = features[:, s:e]
        cb = cbs[c]
        distances = jnp.sum(f ** 2, axis=1, keepdims=True) + jnp.sum(cb ** 2, axis=1) - 2.0 * jnp.matmul(f, cb.T)
        idx = jnp.argmin(distances, axis=1)
        q = jnp.take(cb, idx, axis=0)
        recon_loss = jnp.mean((jax.lax.stop_gradient(q) - f) ** 2)
        commit_loss = jnp.mean((q - jax.lax.stop_gradient(f)) ** 2)
        losses.append(recon_loss + COMMIT * commit_loss)
        quantized_parts.append(q)
        indices.append(idx)
    quantized = jnp.concatenate(quantized_parts, axis=1)
    quantized_st = features + jax.lax.stop_gradient(quantized - features)
    vq_loss = jnp.mean(jnp.stack(losses))
    return (quantized_st, vq_loss) + tuple(indices)

if __name__ == "__main__":
    import jax
    _d = setup_inputs()
    print(jax.jit(kernel)(*tuple(_d.values())))

</pallas_src>

<mosaic_0001>
#map = affine_map<(d0, d1) -> (0)>
module attributes {stable_mosaic.version = 14 : i64} {
  func.func @gather_kernel(%arg0: i32, %arg1: i32, %arg2: memref<65536xi32, #tpu.memory_space<hbm>>, %arg3: memref<65536xi32, #tpu.memory_space<hbm>>, %arg4: memref<65536xi32, #tpu.memory_space<hbm>>, %arg5: memref<65536xi32, #tpu.memory_space<hbm>>, %arg6: memref<65536xi32, #tpu.memory_space<hbm>>, %arg7: memref<5120xf32, #tpu.memory_space<hbm>>, %arg8: memref<3072xf32, #tpu.memory_space<hbm>>, %arg9: memref<3072xf32, #tpu.memory_space<hbm>>, %arg10: memref<4608xf32, #tpu.memory_space<hbm>>, %arg11: memref<2560xf32, #tpu.memory_space<hbm>>, %arg12: memref<2359296xf32, #tpu.memory_space<hbm>>, %arg13: memref<5120xf32, #tpu.memory_space<vmem>>, %arg14: memref<3072xf32, #tpu.memory_space<vmem>>, %arg15: memref<3072xf32, #tpu.memory_space<vmem>>, %arg16: memref<4608xf32, #tpu.memory_space<vmem>>, %arg17: memref<2560xf32, #tpu.memory_space<vmem>>, %arg18: memref<1024xi32, #tpu.memory_space<vmem>>, %arg19: memref<1024xi32, #tpu.memory_space<vmem>>, %arg20: memref<1024xi32, #tpu.memory_space<vmem>>, %arg21: memref<1024xi32, #tpu.memory_space<vmem>>, %arg22: memref<1024xi32, #tpu.memory_space<vmem>>, %arg23: memref<36864xf32, #tpu.memory_space<vmem>>, %arg24: memref<!tpu.dma_semaphore, #tpu.memory_space<semaphore_mem>>) attributes {dimension_semantics = [#tpu.dimension_semantics<core_parallel>, #tpu.dimension_semantics<subcore_parallel>], iteration_bounds = array<i64: 2, 16>, scalar_prefetch = 0 : i64, scratch_operands = 12 : i64, tpu.core_type = #tpu.core_type<sc_vector_subcore>, window_params = [{transform_indices = #map}, {transform_indices = #map}, {transform_indices = #map}, {transform_indices = #map}, {transform_indices = #map}, {transform_indices = #map}, {transform_indices = #map}, {transform_indices = #map}, {transform_indices = #map}, {transform_indices = #map}, {transform_indices = #map}]} {
    %mul3A = arith.constant 2 : i32
    %mul3A_0 = arith.muli %arg1, %mul3A : i32
    %add3A = arith.addi %mul3A_0, %arg0 : i32
    %mul3A_1 = arith.constant 2048 : i32
    %mul3A_2 = arith.muli %add3A, %mul3A_1 : i32
    %iota3A = tpu.iota {dimensions = array<i32: 0>} : vector<16xi32>
    %scan3A = arith.constant 0 : i32
    %scan3A_3 = arith.constant 0 : i32
    %scan3A_4 = arith.constant 2 : i32
    %scan3A_5 = arith.addi %scan3A_3, %scan3A_4 : i32
    %scan3A_6 = arith.constant 1 : i32
    %scan3A_7 = scf.for %scan3A_9 = %scan3A_3 to %scan3A_5 step %scan3A_6 iter_args(%scan3A_10 = %scan3A) -> (i32)  : i32 {
      %mul3A_11 = arith.constant 1024 : i32
      %mul3A_12 = arith.muli %scan3A_9, %mul3A_11 : i32
      %add3A_13 = arith.addi %mul3A_2, %mul3A_12 : i32
      tpu.enqueue_dma source(%arg7 : memref<5120xf32, #tpu.memory_space<hbm>>) target(%arg13 : memref<5120xf32, #tpu.memory_space<vmem>>) target_semaphore(%arg24 : memref<!tpu.dma_semaphore, #tpu.memory_space<semaphore_mem>>)
      tpu.enqueue_dma source(%arg8 : memref<3072xf32, #tpu.memory_space<hbm>>) target(%arg14 : memref<3072xf32, #tpu.memory_space<vmem>>) target_semaphore(%arg24 : memref<!tpu.dma_semaphore, #tpu.memory_space<semaphore_mem>>)
      tpu.enqueue_dma source(%arg9 : memref<3072xf32, #tpu.memory_space<hbm>>) target(%arg15 : memref<3072xf32, #tpu.memory_space<vmem>>) target_semaphore(%arg24 : memref<!tpu.dma_semaphore, #tpu.memory_space<semaphore_mem>>)
      tpu.enqueue_dma source(%arg10 : memref<4608xf32, #tpu.memory_space<hbm>>) target(%arg16 : memref<4608xf32, #tpu.memory_space<vmem>>) target_semaphore(%arg24 : memref<!tpu.dma_semaphore, #tpu.memory_space<semaphore_mem>>)
      tpu.enqueue_dma source(%arg11 : memref<2560xf32, #tpu.memory_space<hbm>>) target(%arg17 : memref<2560xf32, #tpu.memory_space<vmem>>) target_semaphore(%arg24 : memref<!tpu.dma_semaphore, #tpu.memory_space<semaphore_mem>>)
      %dma_start3A = tpu.memref_slice %arg2[%add3A_13] : memref<65536xi32, #tpu.memory_space<hbm>> -> memref<1024xi32, #tpu.memory_space<hbm>>
      %dma_start3A_14 = tpu.memref_slice %arg2[%add3A_13] : memref<65536xi32, #tpu.memory_space<hbm>> -> memref<1024xi32, #tpu.memory_space<hbm>>
      tpu.enqueue_dma source(%dma_start3A_14 : memref<1024xi32, #tpu.memory_space<hbm>>) target(%arg18 : memref<1024xi32, #tpu.memory_space<vmem>>) target_semaphore(%arg24 : memref<!tpu.dma_semaphore, #tpu.memory_space<semaphore_mem>>)
      %dma_start3A_15 = tpu.memref_slice %arg3[%add3A_13] : memref<65536xi32, #tpu.memory_space<hbm>> -> memref<1024xi32, #tpu.memory_space<hbm>>
      %dma_start3A_16 = tpu.memref_slice %arg3[%add3A_13] : memref<65536xi32, #tpu.memory_space<hbm>> -> memref<1024xi32, #tpu.memory_space<hbm>>
      tpu.enqueue_dma source(%dma_start3A_16 : memref<1024xi32, #tpu.memory_space<hbm>>) target(%arg19 : memref<1024xi32, #tpu.memory_space<vmem>>) target_semaphore(%arg24 : memref<!tpu.dma_semaphore, #tpu.memory_space<semaphore_mem>>)
      %dma_start3A_17 = tpu.memref_slice %arg4[%add3A_13] : memref<65536xi32, #tpu.memory_space<hbm>> -> memref<1024xi32, #tpu.memory_space<hbm>>
      %dma_start3A_18 = tpu.memref_slice %arg4[%add3A_13] : memref<65536xi32, #tpu.memory_space<hbm>> -> memref<1024xi32, #tpu.memory_space<hbm>>
      tpu.enqueue_dma source(%dma_start3A_18 : memref<1024xi32, #tpu.memory_space<hbm>>) target(%arg20 : memref<1024xi32, #tpu.memory_space<vmem>>) target_semaphore(%arg24 : memref<!tpu.dma_semaphore, #tpu.memory_space<semaphore_mem>>)
      %dma_start3A_19 = tpu.memref_slice %arg5[%add3A_13] : memref<65536xi32, #tpu.memory_space<hbm>> -> memref<1024xi32, #tpu.memory_space<hbm>>
      %dma_start3A_20 = tpu.memref_slice %arg5[%add3A_13] : memref<65536xi32, #tpu.memory_space<hbm>> -> memref<1024xi32, #tpu.memory_space<hbm>>
      tpu.enqueue_dma source(%dma_start3A_20 : memref<1024xi32, #tpu.memory_space<hbm>>) target(%arg21 : memref<1024xi32, #tpu.memory_space<vmem>>) target_semaphore(%arg24 : memref<!tpu.dma_semaphore, #tpu.memory_space<semaphore_mem>>)
      %dma_start3A_21 = tpu.memref_slice %arg6[%add3A_13] : memref<65536xi32, #tpu.memory_space<hbm>> -> memref<1024xi32, #tpu.memory_space<hbm>>
      %dma_start3A_22 = tpu.memref_slice %arg6[%add3A_13] : memref<65536xi32, #tpu.memory_space<hbm>> -> memref<1024xi32, #tpu.memory_space<hbm>>
      tpu.enqueue_dma source(%dma_start3A_22 : memref<1024xi32, #tpu.memory_space<hbm>>) target(%arg22 : memref<1024xi32, #tpu.memory_space<vmem>>) target_semaphore(%arg24 : memref<!tpu.dma_semaphore, #tpu.memory_space<semaphore_mem>>)
      tpu.wait_dma2 semaphore(%arg24 : memref<!tpu.dma_semaphore, #tpu.memory_space<semaphore_mem>>) src(%arg7 : memref<5120xf32, #tpu.memory_space<hbm>>) dst(%arg13 : memref<5120xf32, #tpu.memory_space<vmem>>)
      tpu.wait_dma2 semaphore(%arg24 : memref<!tpu.dma_semaphore, #tpu.memory_space<semaphore_mem>>) src(%arg8 : memref<3072xf32, #tpu.memory_space<hbm>>) dst(%arg14 : memref<3072xf32, #tpu.memory_space<vmem>>)
      tpu.wait_dma2 semaphore(%arg24 : memref<!tpu.dma_semaphore, #tpu.memory_space<semaphore_mem>>) src(%arg9 : memref<3072xf32, #tpu.memory_space<hbm>>) dst(%arg15 : memref<3072xf32, #tpu.memory_space<vmem>>)
      tpu.wait_dma2 semaphore(%arg24 : memref<!tpu.dma_semaphore, #tpu.memory_space<semaphore_mem>>) src(%arg10 : memref<4608xf32, #tpu.memory_space<hbm>>) dst(%arg16 : memref<4608xf32, #tpu.memory_space<vmem>>)
      tpu.wait_dma2 semaphore(%arg24 : memref<!tpu.dma_semaphore, #tpu.memory_space<semaphore_mem>>) src(%arg11 : memref<2560xf32, #tpu.memory_space<hbm>>) dst(%arg17 : memref<2560xf32, #tpu.memory_space<vmem>>)
      %dma_wait3A = tpu.memref_slice %arg2[%add3A_13] : memref<65536xi32, #tpu.memory_space<hbm>> -> memref<1024xi32, #tpu.memory_space<hbm>>
      %dma_wait3A_23 = tpu.memref_slice %arg2[%add3A_13] : memref<65536xi32, #tpu.memory_space<hbm>> -> memref<1024xi32, #tpu.memory_space<hbm>>
      tpu.wait_dma2 semaphore(%arg24 : memref<!tpu.dma_semaphore, #tpu.memory_space<semaphore_mem>>) src(%dma_wait3A_23 : memref<1024xi32, #tpu.memory_space<hbm>>) dst(%arg18 : memref<1024xi32, #tpu.memory_space<vmem>>)
      %dma_wait3A_24 = tpu.memref_slice %arg3[%add3A_13] : memref<65536xi32, #tpu.memory_space<hbm>> -> memref<1024xi32, #tpu.memory_space<hbm>>
      %dma_wait3A_25 = tpu.memref_slice %arg3[%add3A_13] : memref<65536xi32, #tpu.memory_space<hbm>> -> memref<1024xi32, #tpu.memory_space<hbm>>
      tpu.wait_dma2 semaphore(%arg24 : memref<!tpu.dma_semaphore, #tpu.memory_space<semaphore_mem>>) src(%dma_wait3A_25 : memref<1024xi32, #tpu.memory_space<hbm>>) dst(%arg19 : memref<1024xi32, #tpu.memory_space<vmem>>)
      %dma_wait3A_26 = tpu.memref_slice %arg4[%add3A_13] : memref<65536xi32, #tpu.memory_space<hbm>> -> memref<1024xi32, #tpu.memory_space<hbm>>
      %dma_wait3A_27 = tpu.memref_slice %arg4[%add3A_13] : memref<65536xi32, #tpu.memory_space<hbm>> -> memref<1024xi32, #tpu.memory_space<hbm>>
      tpu.wait_dma2 semaphore(%arg24 : memref<!tpu.dma_semaphore, #tpu.memory_space<semaphore_mem>>) src(%dma_wait3A_27 : memref<1024xi32, #tpu.memory_space<hbm>>) dst(%arg20 : memref<1024xi32, #tpu.memory_space<vmem>>)
      %dma_wait3A_28 = tpu.memref_slice %arg5[%add3A_13] : memref<65536xi32, #tpu.memory_space<hbm>> -> memref<1024xi32, #tpu.memory_space<hbm>>
      %dma_wait3A_29 = tpu.memref_slice %arg5[%add3A_13] : memref<65536xi32, #tpu.memory_space<hbm>> -> memref<1024xi32, #tpu.memory_space<hbm>>
      tpu.wait_dma2 semaphore(%arg24 : memref<!tpu.dma_semaphore, #tpu.memory_space<semaphore_mem>>) src(%dma_wait3A_29 : memref<1024xi32, #tpu.memory_space<hbm>>) dst(%arg21 : memref<1024xi32, #tpu.memory_space<vmem>>)
      %dma_wait3A_30 = tpu.memref_slice %arg6[%add3A_13] : memref<65536xi32, #tpu.memory_space<hbm>> -> memref<1024xi32, #tpu.memory_space<hbm>>
      %dma_wait3A_31 = tpu.memref_slice %arg6[%add3A_13] : memref<65536xi32, #tpu.memory_space<hbm>> -> memref<1024xi32, #tpu.memory_space<hbm>>
      tpu.wait_dma2 semaphore(%arg24 : memref<!tpu.dma_semaphore, #tpu.memory_space<semaphore_mem>>) src(%dma_wait3A_31 : memref<1024xi32, #tpu.memory_space<hbm>>) dst(%arg22 : memref<1024xi32, #tpu.memory_space<vmem>>)
      %scan3A_32 = arith.constant 0 : i32
      %scan3A_33 = arith.constant 0 : i32
      %scan3A_34 = arith.constant 64 : i32
      %scan3A_35 = arith.addi %scan3A_33, %scan3A_34 : i32
      %scan3A_36 = arith.constant 1 : i32
      %scan3A_37 = scf.for %scan3A_42 = %scan3A_33 to %scan3A_35 step %scan3A_36 iter_args(%scan3A_43 = %scan3A_32) -> (i32)  : i32 {
        %mul3A_44 = arith.constant 16 : i32
        %mul3A_45 = arith.muli %scan3A_42, %mul3A_44 : i32
        %add3A_46 = vector.broadcast %mul3A_45 : i32 to vector<16xi32>
        %add3A_47 = arith.addi %add3A_46, %iota3A : vector<16xi32>
        %mul3A_48 = arith.constant 36 : i32
        %mul3A_49 = vector.broadcast %mul3A_48 : i32 to vector<16xi32>
        %mul3A_50 = arith.muli %add3A_47, %mul3A_49 : vector<16xi32>
        %mul3A_51 = arith.constant 16 : i32
        %mul3A_52 = arith.muli %scan3A_42, %mul3A_51 : i32
        %get3A = arith.index_cast %mul3A_52 : i32 to index
        %get3A_53 = tpu.vector_load %arg18[%get3A] {strides = array<i32>} : memref<1024xi32, #tpu.memory_space<vmem>>, vector<16xi32>,
        %mul3A_54 = arith.constant 10 : i32
        %mul3A_55 = vector.broadcast %mul3A_54 : i32 to vector<16xi32>
        %mul3A_56 = arith.muli %get3A_53, %mul3A_55 : vector<16xi32>
        %add3A_57 = arith.constant 0 : i32
        %add3A_58 = vector.broadcast %add3A_57 : i32 to vector<16xi32>
        %add3A_59 = arith.addi %mul3A_56, %add3A_58 : vector<16xi32>
        %gather3A = tpu.vector_load_idx %arg13[%add3A_59] : memref<5120xf32, #tpu.memory_space<vmem>>[vector<16xi32>], vector<16xf32>,
        %add3A_60 = arith.constant 0 : i32
        %add3A_61 = vector.broadcast %add3A_60 : i32 to vector<16xi32>
        %add3A_62 = arith.addi %mul3A_50, %add3A_61 : vector<16xi32>
        tpu.vector_store_idx %arg23[%add3A_62], %gather3A : memref<36864xf32, #tpu.memory_space<vmem>>[vector<16xi32>], vector<16xf32>,
        %add3A_63 = arith.constant 1 : i32
        %add3A_64 = vector.broadcast %add3A_63 : i32 to vector<16xi32>
        %add3A_65 = arith.addi %mul3A_56, %add3A_64 : vector<16xi32>
        %gather3A_66 = tpu.vector_load_idx %arg13[%add3A_65] : memref<5120xf32, #tpu.memory_space<vmem>>[vector<16xi32>], vector<16xf32>,
        %add3A_67 = arith.constant 1 : i32
        %add3A_68 = vector.broadcast %add3A_67 : i32 to vector<16xi32>
        %add3A_69 = arith.addi %mul3A_50, %add3A_68 : vector<16xi32>
        tpu.vector_store_idx %arg23[%add3A_69], %gather3A_66 : memref<36864xf32, #tpu.memory_space<vmem>>[vector<16xi32>], vector<16xf32>,
        %add3A_70 = arith.constant 2 : i32
        %add3A_71 = vector.broadcast %add3A_70 : i32 to vector<16xi32>
        %add3A_72 = arith.addi %mul3A_56, %add3A_71 : vector<16xi32>
        %gather3A_73 = tpu.vector_load_idx %arg13[%add3A_72] : memref<5120xf32, #tpu.memory_space<vmem>>[vector<16xi32>], vector<16xf32>,
        %add3A_74 = arith.constant 2 : i32
        %add3A_75 = vector.broadcast %add3A_74 : i32 to vector<16xi32>
        %add3A_76 = arith.addi %mul3A_50, %add3A_75 : vector<16xi32>
        tpu.vector_store_idx %arg23[%add3A_76], %gather3A_73 : memref<36864xf32, #tpu.memory_space<vmem>>[vector<16xi32>], vector<16xf32>,
        %add3A_77 = arith.constant 3 : i32
        %add3A_78 = vector.broadcast %add3A_77 : i32 to vector<16xi32>
        %add3A_79 = arith.addi %mul3A_56, %add3A_78 : vector<16xi32>
        %gather3A_80 = tpu.vector_load_idx %arg13[%add3A_79] : memref<5120xf32, #tpu.memory_space<vmem>>[vector<16xi32>], vector<16xf32>,
        %add3A_81 = arith.constant 3 : i32
        %add3A_82 = vector.broadcast %add3A_81 : i32 to vector<16xi32>
        %add3A_83 = arith.addi %mul3A_50, %add3A_82 : vector<16xi32>
        tpu.vector_store_idx %arg23[%add3A_83], %gather3A_80 : memref<36864xf32, #tpu.memory_space<vmem>>[vector<16xi32>], vector<16xf32>,
        %add3A_84 = arith.constant 4 : i32
        %add3A_85 = vector.broadcast %add3A_84 : i32 to vector<16xi32>
        %add3A_86 = arith.addi %mul3A_56, %add3A_85 : vector<16xi32>
        %gather3A_87 = tpu.vector_load_idx %arg13[%add3A_86] : memref<5120xf32, #tpu.memory_space<vmem>>[vector<16xi32>], vector<16xf32>,
        %add3A_88 = arith.constant 4 : i32
        %add3A_89 = vector.broadcast %add3A_88 : i32 to vector<16xi32>
        %add3A_90 = arith.addi %mul3A_50, %add3A_89 : vector<16xi32>
        tpu.vector_store_idx %arg23[%add3A_90], %gather3A_87 : memref<36864xf32, #tpu.memory_space<vmem>>[vector<16xi32>], vector<16xf32>,
        %add3A_91 = arith.constant 5 : i32
        %add3A_92 = vector.broadcast %add3A_91 : i32 to vector<16xi32>
        %add3A_93 = arith.addi %mul3A_56, %add3A_92 : vector<16xi32>
        %gather3A_94 = tpu.vector_load_idx %arg13[%add3A_93] : memref<5120xf32, #tpu.memory_space<vmem>>[vector<16xi32>], vector<16xf32>,
        %add3A_95 = arith.constant 5 : i32
        %add3A_96 = vector.broadcast %add3A_95 : i32 to vector<16xi32>
        %add3A_97 = arith.addi %mul3A_50, %add3A_96 : vector<16xi32>
        tpu.vector_store_idx %arg23[%add3A_97], %gather3A_94 : memref<36864xf32, #tpu.memory_space<vmem>>[vector<16xi32>], vector<16xf32>,
        %add3A_98 = arith.constant 6 : i32
        %add3A_99 = vector.broadcast %add3A_98 : i32 to vector<16xi32>
        %add3A_100 = arith.addi %mul3A_56, %add3A_99 : vector<16xi32>
        %gather3A_101 = tpu.vector_load_idx %arg13[%add3A_100] : memref<5120xf32, #tpu.memory_space<vmem>>[vector<16xi32>], vector<16xf32>,
        %add3A_102 = arith.constant 6 : i32
        %add3A_103 = vector.broadcast %add3A_102 : i32 to vector<16xi32>
        %add3A_104 = arith.addi %mul3A_50, %add3A_103 : vector<16xi32>
        tpu.vector_store_idx %arg23[%add3A_104], %gather3A_101 : memref<36864xf32, #tpu.memory_space<vmem>>[vector<16xi32>], vector<16xf32>,
        %add3A_105 = arith.constant 7 : i32
        %add3A_106 = vector.broadcast %add3A_105 : i32 to vector<16xi32>
        %add3A_107 = arith.addi %mul3A_56, %add3A_106 : vector<16xi32>
        %gather3A_108 = tpu.vector_load_idx %arg13[%add3A_107] : memref<5120xf32, #tpu.memory_space<vmem>>[vector<16xi32>], vector<16xf32>,
        %add3A_109 = arith.constant 7 : i32
        %add3A_110 = vector.broadcast %add3A_109 : i32 to vector<16xi32>
        %add3A_111 = arith.addi %mul3A_50, %add3A_110 : vector<16xi32>
        tpu.vector_store_idx %arg23[%add3A_111], %gather3A_108 : memref<36864xf32, #tpu.memory_space<vmem>>[vector<16xi32>], vector<16xf32>,
        %add3A_112 = arith.constant 8 : i32
        %add3A_113 = vector.broadcast %add3A_112 : i32 to vector<16xi32>
        %add3A_114 = arith.addi %mul3A_56, %add3A_113 : vector<16xi32>
        %gather3A_115 = tpu.vector_load_idx %arg13[%add3A_114] : memref<5120xf32, #tpu.memory_space<vmem>>[vector<16xi32>], vector<16xf32>,
        %add3A_116 = arith.constant 8 : i32
        %add3A_117 = vector.broadcast %add3A_116 : i32 to vector<16xi32>
        %add3A_118 = arith.addi %mul3A_50, %add3A_117 : vector<16xi32>
        tpu.vector_store_idx %arg23[%add3A_118], %gather3A_115 : memref<36864xf32, #tpu.memory_space<vmem>>[vector<16xi32>], vector<16xf32>,
        %add3A_119 = arith.constant 9 : i32
        %add3A_120 = vector.broadcast %add3A_119 : i32 to vector<16xi32>
        %add3A_121 = arith.addi %mul3A_56, %add3A_120 : vector<16xi32>
        %gather3A_122 = tpu.vector_load_idx %arg13[%add3A_121] : memref<5120xf32, #tpu.memory_space<vmem>>[vector<16xi32>], vector<16xf32>,
        %add3A_123 = arith.constant 9 : i32
        %add3A_124 = vector.broadcast %add3A_123 : i32 to vector<16xi32>
        %add3A_125 = arith.addi %mul3A_50, %add3A_124 : vector<16xi32>
        tpu.vector_store_idx %arg23[%add3A_125], %gather3A_122 : memref<36864xf32, #tpu.memory_space<vmem>>[vector<16xi32>], vector<16xf32>,
        %mul3A_126 = arith.constant 16 : i32
        %mul3A_127 = arith.muli %scan3A_42, %mul3A_126 : i32
        %get3A_128 = arith.index_cast %mul3A_127 : i32 to index
        %get3A_129 = tpu.vector_load %arg19[%get3A_128] {strides = array<i32>} : memref<1024xi32, #tpu.memory_space<vmem>>, vector<16xi32>,
        %mul3A_130 = arith.constant 6 : i32
        %mul3A_131 = vector.broadcast %mul3A_130 : i32 to vector<16xi32>
        %mul3A_132 = arith.muli %get3A_129, %mul3A_131 : vector<16xi32>
        %add3A_133 = arith.constant 0 : i32
        %add3A_134 = vector.broadcast %add3A_133 : i32 to vector<16xi32>
        %add3A_135 = arith.addi %mul3A_132, %add3A_134 : vector<16xi32>
        %gather3A_136 = tpu.vector_load_idx %arg14[%add3A_135] : memref<3072xf32, #tpu.memory_space<vmem>>[vector<16xi32>], vector<16xf32>,
        %add3A_137 = arith.constant 10 : i32
        %add3A_138 = vector.broadcast %add3A_137 : i32 to vector<16xi32>
        %add3A_139 = arith.addi %mul3A_50, %add3A_138 : vector<16xi32>
        tpu.vector_store_idx %arg23[%add3A_139], %gather3A_136 : memref<36864xf32, #tpu.memory_space<vmem>>[vector<16xi32>], vector<16xf32>,
        %add3A_140 = arith.constant 1 : i32
        %add3A_141 = vector.broadcast %add3A_140 : i32 to vector<16xi32>
        %add3A_142 = arith.addi %mul3A_132, %add3A_141 : vector<16xi32>
        %gather3A_143 = tpu.vector_load_idx %arg14[%add3A_142] : memref<3072xf32, #tpu.memory_space<vmem>>[vector<16xi32>], vector<16xf32>,
        %add3A_144 = arith.constant 11 : i32
        %add3A_145 = vector.broadcast %add3A_144 : i32 to vector<16xi32>
        %add3A_146 = arith.addi %mul3A_50, %add3A_145 : vector<16xi32>
        tpu.vector_store_idx %arg23[%add3A_146], %gather3A_143 : memref<36864xf32, #tpu.memory_space<vmem>>[vector<16xi32>], vector<16xf32>,
        %add3A_147 = arith.constant 2 : i32
        %add3A_148 = vector.broadcast %add3A_147 : i32 to vector<16xi32>
        %add3A_149 = arith.addi %mul3A_132, %add3A_148 : vector<16xi32>
        %gather3A_150 = tpu.vector_load_idx %arg14[%add3A_149] : memref<3072xf32, #tpu.memory_space<vmem>>[vector<16xi32>], vector<16xf32>,
        %add3A_151 = arith.constant 12 : i32
        %add3A_152 = vector.broadcast %add3A_151 : i32 to vector<16xi32>
        %add3A_153 = arith.addi %mul3A_50, %add3A_152 : vector<16xi32>
        tpu.vector_store_idx %arg23[%add3A_153], %gather3A_150 : memref<36864xf32, #tpu.memory_space<vmem>>[vector<16xi32>], vector<16xf32>,
        %add3A_154 = arith.constant 3 : i32
        %add3A_155 = vector.broadcast %add3A_154 : i32 to vector<16xi32>
        %add3A_156 = arith.addi %mul3A_132, %add3A_155 : vector<16xi32>
        %gather3A_157 = tpu.vector_load_idx %arg14[%add3A_156] : memref<3072xf32, #tpu.memory_space<vmem>>[vector<16xi32>], vector<16xf32>,
        %add3A_158 = arith.constant 13 : i32
        %add3A_159 = vector.broadcast %add3A_158 : i32 to vector<16xi32>
        %add3A_160 = arith.addi %mul3A_50, %add3A_159 : vector<16xi32>
        tpu.vector_store_idx %arg23[%add3A_160], %gather3A_157 : memref<36864xf32, #tpu.memory_space<vmem>>[vector<16xi32>], vector<16xf32>,
        %add3A_161 = arith.constant 4 : i32
        %add3A_162 = vector.broadcast %add3A_161 : i32 to vector<16xi32>
        %add3A_163 = arith.addi %mul3A_132, %add3A_162 : vector<16xi32>
        %gather3A_164 = tpu.vector_load_idx %arg14[%add3A_163] : memref<3072xf32, #tpu.memory_space<vmem>>[vector<16xi32>], vector<16xf32>,
        %add3A_165 = arith.constant 14 : i32
        %add3A_166 = vector.broadcast %add3A_165 : i32 to vector<16xi32>
        %add3A_167 = arith.addi %mul3A_50, %add3A_166 : vector<16xi32>
        tpu.vector_store_idx %arg23[%add3A_167], %gather3A_164 : memref<36864xf32, #tpu.memory_space<vmem>>[vector<16xi32>], vector<16xf32>,
        %add3A_168 = arith.constant 5 : i32
        %add3A_169 = vector.broadcast %add3A_168 : i32 to vector<16xi32>
        %add3A_170 = arith.addi %mul3A_132, %add3A_169 : vector<16xi32>
        %gather3A_171 = tpu.vector_load_idx %arg14[%add3A_170] : memref<3072xf32, #tpu.memory_space<vmem>>[vector<16xi32>], vector<16xf32>,
        %add3A_172 = arith.constant 15 : i32
        %add3A_173 = vector.broadcast %add3A_172 : i32 to vector<16xi32>
        %add3A_174 = arith.addi %mul3A_50, %add3A_173 : vector<16xi32>
        tpu.vector_store_idx %arg23[%add3A_174], %gather3A_171 : memref<36864xf32, #tpu.memory_space<vmem>>[vector<16xi32>], vector<16xf32>,
        %mul3A_175 = arith.constant 16 : i32
        %mul3A_176 = arith.muli %scan3A_42, %mul3A_175 : i32
        %get3A_177 = arith.index_cast %mul3A_176 : i32 to index
        %get3A_178 = tpu.vector_load %arg20[%get3A_177] {strides = array<i32>} : memref<1024xi32, #tpu.memory_space<vmem>>, vector<16xi32>,
        %mul3A_179 = arith.constant 6 : i32
        %mul3A_180 = vector.broadcast %mul3A_179 : i32 to vector<16xi32>
        %mul3A_181 = arith.muli %get3A_178, %mul3A_180 : vector<16xi32>
        %add3A_182 = arith.constant 0 : i32
        %add3A_183 = vector.broadcast %add3A_182 : i32 to vector<16xi32>
        %add3A_184 = arith.addi %mul3A_181, %add3A_183 : vector<16xi32>
        %gather3A_185 = tpu.vector_load_idx %arg15[%add3A_184] : memref<3072xf32, #tpu.memory_space<vmem>>[vector<16xi32>], vector<16xf32>,
        %add3A_186 = arith.constant 16 : i32
        %add3A_187 = vector.broadcast %add3A_186 : i32 to vector<16xi32>
        %add3A_188 = arith.addi %mul3A_50, %add3A_187 : vector<16xi32>
        tpu.vector_store_idx %arg23[%add3A_188], %gather3A_185 : memref<36864xf32, #tpu.memory_space<vmem>>[vector<16xi32>], vector<16xf32>,
        %add3A_189 = arith.constant 1 : i32
        %add3A_190 = vector.broadcast %add3A_189 : i32 to vector<16xi32>
        %add3A_191 = arith.addi %mul3A_181, %add3A_190 : vector<16xi32>
        %gather3A_192 = tpu.vector_load_idx %arg15[%add3A_191] : memref<3072xf32, #tpu.memory_space<vmem>>[vector<16xi32>], vector<16xf32>,
        %add3A_193 = arith.constant 17 : i32
        %add3A_194 = vector.broadcast %add3A_193 : i32 to vector<16xi32>
        %add3A_195 = arith.addi %mul3A_50, %add3A_194 : vector<16xi32>
        tpu.vector_store_idx %arg23[%add3A_195], %gather3A_192 : memref<36864xf32, #tpu.memory_space<vmem>>[vector<16xi32>], vector<16xf32>,
        %add3A_196 = arith.constant 2 : i32
        %add3A_197 = vector.broadcast %add3A_196 : i32 to vector<16xi32>
        %add3A_198 = arith.addi %mul3A_181, %add3A_197 : vector<16xi32>
        %gather3A_199 = tpu.vector_load_idx %arg15[%add3A_198] : memref<3072xf32, #tpu.memory_space<vmem>>[vector<16xi32>], vector<16xf32>,
        %add3A_200 = arith.constant 18 : i32
        %add3A_201 = vector.broadcast %add3A_200 : i32 to vector<16xi32>
        %add3A_202 = arith.addi %mul3A_50, %add3A_201 : vector<16xi32>
        tpu.vector_store_idx %arg23[%add3A_202], %gather3A_199 : memref<36864xf32, #tpu.memory_space<vmem>>[vector<16xi32>], vector<16xf32>,
        %add3A_203 = arith.constant 3 : i32
        %add3A_204 = vector.broadcast %add3A_203 : i32 to vector<16xi32>
        %add3A_205 = arith.addi %mul3A_181, %add3A_204 : vector<16xi32>
        %gather3A_206 = tpu.vector_load_idx %arg15[%add3A_205] : memref<3072xf32, #tpu.memory_space<vmem>>[vector<16xi32>], vector<16xf32>,
        %add3A_207 = arith.constant 19 : i32
        %add3A_208 = vector.broadcast %add3A_207 : i32 to vector<16xi32>
        %add3A_209 = arith.addi %mul3A_50, %add3A_208 : vector<16xi32>
        tpu.vector_store_idx %arg23[%add3A_209], %gather3A_206 : memref<36864xf32, #tpu.memory_space<vmem>>[vector<16xi32>], vector<16xf32>,
        %add3A_210 = arith.constant 4 : i32
        %add3A_211 = vector.broadcast %add3A_210 : i32 to vector<16xi32>
        %add3A_212 = arith.addi %mul3A_181, %add3A_211 : vector<16xi32>
        %gather3A_213 = tpu.vector_load_idx %arg15[%add3A_212] : memref<3072xf32, #tpu.memory_space<vmem>>[vector<16xi32>], vector<16xf32>,
        %add3A_214 = arith.constant 20 : i32
        %add3A_215 = vector.broadcast %add3A_214 : i32 to vector<16xi32>
        %add3A_216 = arith.addi %mul3A_50, %add3A_215 : vector<16xi32>
        tpu.vector_store_idx %arg23[%add3A_216], %gather3A_213 : memref<36864xf32, #tpu.memory_space<vmem>>[vector<16xi32>], vector<16xf32>,
        %add3A_217 = arith.constant 5 : i32
        %add3A_218 = vector.broadcast %add3A_217 : i32 to vector<16xi32>
        %add3A_219 = arith.addi %mul3A_181, %add3A_218 : vector<16xi32>
        %gather3A_220 = tpu.vector_load_idx %arg15[%add3A_219] : memref<3072xf32, #tpu.memory_space<vmem>>[vector<16xi32>], vector<16xf32>,
        %add3A_221 = arith.constant 21 : i32
        %add3A_222 = vector.broadcast %add3A_221 : i32 to vector<16xi32>
        %add3A_223 = arith.addi %mul3A_50, %add3A_222 : vector<16xi32>
        tpu.vector_store_idx %arg23[%add3A_223], %gather3A_220 : memref<36864xf32, #tpu.memory_space<vmem>>[vector<16xi32>], vector<16xf32>,
        %mul3A_224 = arith.constant 16 : i32
        %mul3A_225 = arith.muli %scan3A_42, %mul3A_224 : i32
        %get3A_226 = arith.index_cast %mul3A_225 : i32 to index
        %get3A_227 = tpu.vector_load %arg21[%get3A_226] {strides = array<i32>} : memref<1024xi32, #tpu.memory_space<vmem>>, vector<16xi32>,
        %mul3A_228 = arith.constant 9 : i32
        %mul3A_229 = vector.broadcast %mul3A_228 : i32 to vector<16xi32>
        %mul3A_230 = arith.muli %get3A_227, %mul3A_229 : vector<16xi32>
        %add3A_231 = arith.constant 0 : i32
        %add3A_232 = vector.broadcast %add3A_231 : i32 to vector<16xi32>
        %add3A_233 = arith.addi %mul3A_230, %add3A_232 : vector<16xi32>
        %gather3A_234 = tpu.vector_load_idx %arg16[%add3A_233] : memref<4608xf32, #tpu.memory_space<vmem>>[vector<16xi32>], vector<16xf32>,
        %add3A_235 = arith.constant 22 : i32
        %add3A_236 = vector.broadcast %add3A_235 : i32 to vector<16xi32>
        %add3A_237 = arith.addi %mul3A_50, %add3A_236 : vector<16xi32>
        tpu.vector_store_idx %arg23[%add3A_237], %gather3A_234 : memref<36864xf32, #tpu.memory_space<vmem>>[vector<16xi32>], vector<16xf32>,
        %add3A_238 = arith.constant 1 : i32
        %add3A_239 = vector.broadcast %add3A_238 : i32 to vector<16xi32>
        %add3A_240 = arith.addi %mul3A_230, %add3A_239 : vector<16xi32>
        %gather3A_241 = tpu.vector_load_idx %arg16[%add3A_240] : memref<4608xf32, #tpu.memory_space<vmem>>[vector<16xi32>], vector<16xf32>,
        %add3A_242 = arith.constant 23 : i32
        %add3A_243 = vector.broadcast %add3A_242 : i32 to vector<16xi32>
        %add3A_244 = arith.addi %mul3A_50, %add3A_243 : vector<16xi32>
        tpu.vector_store_idx %arg23[%add3A_244], %gather3A_241 : memref<36864xf32, #tpu.memory_space<vmem>>[vector<16xi32>], vector<16xf32>,
        %add3A_245 = arith.constant 2 : i32
        %add3A_246 = vector.broadcast %add3A_245 : i32 to vector<16xi32>
        %add3A_247 = arith.addi %mul3A_230, %add3A_246 : vector<16xi32>
        %gather3A_248 = tpu.vector_load_idx %arg16[%add3A_247] : memref<4608xf32, #tpu.memory_space<vmem>>[vector<16xi32>], vector<16xf32>,
        %add3A_249 = arith.constant 24 : i32
        %add3A_250 = vector.broadcast %add3A_249 : i32 to vector<16xi32>
        %add3A_251 = arith.addi %mul3A_50, %add3A_250 : vector<16xi32>
        tpu.vector_store_idx %arg23[%add3A_251], %gather3A_248 : memref<36864xf32, #tpu.memory_space<vmem>>[vector<16xi32>], vector<16xf32>,
        %add3A_252 = arith.constant 3 : i32
        %add3A_253 = vector.broadcast %add3A_252 : i32 to vector<16xi32>
        %add3A_254 = arith.addi %mul3A_230, %add3A_253 : vector<16xi32>
        %gather3A_255 = tpu.vector_load_idx %arg16[%add3A_254] : memref<4608xf32, #tpu.memory_space<vmem>>[vector<16xi32>], vector<16xf32>,
        %add3A_256 = arith.constant 25 : i32
        %add3A_257 = vector.broadcast %add3A_256 : i32 to vector<16xi32>
        %add3A_258 = arith.addi %mul3A_50, %add3A_257 : vector<16xi32>
        tpu.vector_store_idx %arg23[%add3A_258], %gather3A_255 : memref<36864xf32, #tpu.memory_space<vmem>>[vector<16xi32>], vector<16xf32>,
        %add3A_259 = arith.constant 4 : i32
        %add3A_260 = vector.broadcast %add3A_259 : i32 to vector<16xi32>
        %add3A_261 = arith.addi %mul3A_230, %add3A_260 : vector<16xi32>
        %gather3A_262 = tpu.vector_load_idx %arg16[%add3A_261] : memref<4608xf32, #tpu.memory_space<vmem>>[vector<16xi32>], vector<16xf32>,
        %add3A_263 = arith.constant 26 : i32
        %add3A_264 = vector.broadcast %add3A_263 : i32 to vector<16xi32>
        %add3A_265 = arith.addi %mul3A_50, %add3A_264 : vector<16xi32>
        tpu.vector_store_idx %arg23[%add3A_265], %gather3A_262 : memref<36864xf32, #tpu.memory_space<vmem>>[vector<16xi32>], vector<16xf32>,
        %add3A_266 = arith.constant 5 : i32
        %add3A_267 = vector.broadcast %add3A_266 : i32 to vector<16xi32>
        %add3A_268 = arith.addi %mul3A_230, %add3A_267 : vector<16xi32>
        %gather3A_269 = tpu.vector_load_idx %arg16[%add3A_268] : memref<4608xf32, #tpu.memory_space<vmem>>[vector<16xi32>], vector<16xf32>,
        %add3A_270 = arith.constant 27 : i32
        %add3A_271 = vector.broadcast %add3A_270 : i32 to vector<16xi32>
        %add3A_272 = arith.addi %mul3A_50, %add3A_271 : vector<16xi32>
        tpu.vector_store_idx %arg23[%add3A_272], %gather3A_269 : memref<36864xf32, #tpu.memory_space<vmem>>[vector<16xi32>], vector<16xf32>,
        %add3A_273 = arith.constant 6 : i32
        %add3A_274 = vector.broadcast %add3A_273 : i32 to vector<16xi32>
        %add3A_275 = arith.addi %mul3A_230, %add3A_274 : vector<16xi32>
        %gather3A_276 = tpu.vector_load_idx %arg16[%add3A_275] : memref<4608xf32, #tpu.memory_space<vmem>>[vector<16xi32>], vector<16xf32>,
        %add3A_277 = arith.constant 28 : i32
        %add3A_278 = vector.broadcast %add3A_277 : i32 to vector<16xi32>
        %add3A_279 = arith.addi %mul3A_50, %add3A_278 : vector<16xi32>
        tpu.vector_store_idx %arg23[%add3A_279], %gather3A_276 : memref<36864xf32, #tpu.memory_space<vmem>>[vector<16xi32>], vector<16xf32>,
        %add3A_280 = arith.constant 7 : i32
        %add3A_281 = vector.broadcast %add3A_280 : i32 to vector<16xi32>
        %add3A_282 = arith.addi %mul3A_230, %add3A_281 : vector<16xi32>
        %gather3A_283 = tpu.vector_load_idx %arg16[%add3A_282] : memref<4608xf32, #tpu.memory_space<vmem>>[vector<16xi32>], vector<16xf32>,
        %add3A_284 = arith.constant 29 : i32
        %add3A_285 = vector.broadcast %add3A_284 : i32 to vector<16xi32>
        %add3A_286 = arith.addi %mul3A_50, %add3A_285 : vector<16xi32>
        tpu.vector_store_idx %arg23[%add3A_286], %gather3A_283 : memref<36864xf32, #tpu.memory_space<vmem>>[vector<16xi32>], vector<16xf32>,
        %add3A_287 = arith.constant 8 : i32
        %add3A_288 = vector.broadcast %add3A_287 : i32 to vector<16xi32>
        %add3A_289 = arith.addi %mul3A_230, %add3A_288 : vector<16xi32>
        %gather3A_290 = tpu.vector_load_idx %arg16[%add3A_289] : memref<4608xf32, #tpu.memory_space<vmem>>[vector<16xi32>], vector<16xf32>,
        %add3A_291 = arith.constant 30 : i32
        %add3A_292 = vector.broadcast %add3A_291 : i32 to vector<16xi32>
        %add3A_293 = arith.addi %mul3A_50, %add3A_292 : vector<16xi32>
        tpu.vector_store_idx %arg23[%add3A_293], %gather3A_290 : memref<36864xf32, #tpu.memory_space<vmem>>[vector<16xi32>], vector<16xf32>,
        %mul3A_294 = arith.constant 16 : i32
        %mul3A_295 = arith.muli %scan3A_42, %mul3A_294 : i32
        %get3A_296 = arith.index_cast %mul3A_295 : i32 to index
        %get3A_297 = tpu.vector_load %arg22[%get3A_296] {strides = array<i32>} : memref<1024xi32, #tpu.memory_space<vmem>>, vector<16xi32>,
        %mul3A_298 = arith.constant 5 : i32
        %mul3A_299 = vector.broadcast %mul3A_298 : i32 to vector<16xi32>
        %mul3A_300 = arith.muli %get3A_297, %mul3A_299 : vector<16xi32>
        %add3A_301 = arith.constant 0 : i32
        %add3A_302 = vector.broadcast %add3A_301 : i32 to vector<16xi32>
        %add3A_303 = arith.addi %mul3A_300, %add3A_302 : vector<16xi32>
        %gather3A_304 = tpu.vector_load_idx %arg17[%add3A_303] : memref<2560xf32, #tpu.memory_space<vmem>>[vector<16xi32>], vector<16xf32>,
        %add3A_305 = arith.constant 31 : i32
        %add3A_306 = vector.broadcast %add3A_305 : i32 to vector<16xi32>
        %add3A_307 = arith.addi %mul3A_50, %add3A_306 : vector<16xi32>
        tpu.vector_store_idx %arg23[%add3A_307], %gather3A_304 : memref<36864xf32, #tpu.memory_space<vmem>>[vector<16xi32>], vector<16xf32>,
        %add3A_308 = arith.constant 1 : i32
        %add3A_309 = vector.broadcast %add3A_308 : i32 to vector<16xi32>
        %add3A_310 = arith.addi %mul3A_300, %add3A_309 : vector<16xi32>
        %gather3A_311 = tpu.vector_load_idx %arg17[%add3A_310] : memref<2560xf32, #tpu.memory_space<vmem>>[vector<16xi32>], vector<16xf32>,
        %add3A_312 = arith.constant 32 : i32
        %add3A_313 = vector.broadcast %add3A_312 : i32 to vector<16xi32>
        %add3A_314 = arith.addi %mul3A_50, %add3A_313 : vector<16xi32>
        tpu.vector_store_idx %arg23[%add3A_314], %gather3A_311 : memref<36864xf32, #tpu.memory_space<vmem>>[vector<16xi32>], vector<16xf32>,
        %add3A_315 = arith.constant 2 : i32
        %add3A_316 = vector.broadcast %add3A_315 : i32 to vector<16xi32>
        %add3A_317 = arith.addi %mul3A_300, %add3A_316 : vector<16xi32>
        %gather3A_318 = tpu.vector_load_idx %arg17[%add3A_317] : memref<2560xf32, #tpu.memory_space<vmem>>[vector<16xi32>], vector<16xf32>,
        %add3A_319 = arith.constant 33 : i32
        %add3A_320 = vector.broadcast %add3A_319 : i32 to vector<16xi32>
        %add3A_321 = arith.addi %mul3A_50, %add3A_320 : vector<16xi32>
        tpu.vector_store_idx %arg23[%add3A_321], %gather3A_318 : memref<36864xf32, #tpu.memory_space<vmem>>[vector<16xi32>], vector<16xf32>,
        %add3A_322 = arith.constant 3 : i32
        %add3A_323 = vector.broadcast %add3A_322 : i32 to vector<16xi32>
        %add3A_324 = arith.addi %mul3A_300, %add3A_323 : vector<16xi32>
        %gather3A_325 = tpu.vector_load_idx %arg17[%add3A_324] : memref<2560xf32, #tpu.memory_space<vmem>>[vector<16xi32>], vector<16xf32>,
        %add3A_326 = arith.constant 34 : i32
        %add3A_327 = vector.broadcast %add3A_326 : i32 to vector<16xi32>
        %add3A_328 = arith.addi %mul3A_50, %add3A_327 : vector<16xi32>
        tpu.vector_store_idx %arg23[%add3A_328], %gather3A_325 : memref<36864xf32, #tpu.memory_space<vmem>>[vector<16xi32>], vector<16xf32>,
        %add3A_329 = arith.constant 4 : i32
        %add3A_330 = vector.broadcast %add3A_329 : i32 to vector<16xi32>
        %add3A_331 = arith.addi %mul3A_300, %add3A_330 : vector<16xi32>
        %gather3A_332 = tpu.vector_load_idx %arg17[%add3A_331] : memref<2560xf32, #tpu.memory_space<vmem>>[vector<16xi32>], vector<16xf32>,
        %add3A_333 = arith.constant 35 : i32
        %add3A_334 = vector.broadcast %add3A_333 : i32 to vector<16xi32>
        %add3A_335 = arith.addi %mul3A_50, %add3A_334 : vector<16xi32>
        tpu.vector_store_idx %arg23[%add3A_335], %gather3A_332 : memref<36864xf32, #tpu.memory_space<vmem>>[vector<16xi32>], vector<16xf32>,
        %scan3A_336 = arith.constant 0 : i32
        scf.yield %scan3A_336 : i32
      }
      %scan3A_38 = arith.constant 64 : i32
      %mul3A_39 = arith.constant 36 : i32
      %mul3A_40 = arith.muli %add3A_13, %mul3A_39 : i32
      "tpu.region"() ({
        %run_scoped3A = tpu.sem_alloc : memref<!tpu.dma_semaphore, #tpu.memory_space<semaphore_mem>>
        %dma_start3A_42 = tpu.memref_slice %arg12[%mul3A_40] : memref<2359296xf32, #tpu.memory_space<hbm>> -> memref<36864xf32, #tpu.memory_space<hbm>>
        %dma_start3A_43 = tpu.memref_slice %arg12[%mul3A_40] : memref<2359296xf32, #tpu.memory_space<hbm>> -> memref<36864xf32, #tpu.memory_space<hbm>>
        tpu.enqueue_dma source(%arg23 : memref<36864xf32, #tpu.memory_space<vmem>>) target(%dma_start3A_43 : memref<36864xf32, #tpu.memory_space<hbm>>) target_semaphore(%run_scoped3A : memref<!tpu.dma_semaphore, #tpu.memory_space<semaphore_mem>>)
        %dma_wait3A_44 = tpu.memref_slice %arg12[%mul3A_40] : memref<2359296xf32, #tpu.memory_space<hbm>> -> memref<36864xf32, #tpu.memory_space<hbm>>
        %dma_wait3A_45 = tpu.memref_slice %arg12[%mul3A_40] : memref<2359296xf32, #tpu.memory_space<hbm>> -> memref<36864xf32, #tpu.memory_space<hbm>>
        tpu.wait_dma2 semaphore(%run_scoped3A : memref<!tpu.dma_semaphore, #tpu.memory_space<semaphore_mem>>) src(%arg23 : memref<36864xf32, #tpu.memory_space<vmem>>) dst(%dma_wait3A_45 : memref<36864xf32, #tpu.memory_space<hbm>>)
        tpu.yield
      }) : () -> ()
      %scan3A_41 = arith.constant 0 : i32
      scf.yield %scan3A_41 : i32
    }
    %scan3A_8 = arith.constant 2 : i32
    return
  }
}

#map = affine_map<(d0, d1) -> (0)>
module attributes {stable_mosaic.version = 14 : i64} {
  func.func @gather_kernel(%arg0: i32, %arg1: i32, %arg2: memref<65536xi32, #tpu.memory_space<hbm>>, %arg3: memref<65536xi32, #tpu.memory_space<hbm>>, %arg4: memref<65536xi32, #tpu.memory_space<hbm>>, %arg5: memref<65536xi32, #tpu.memory_space<hbm>>, %arg6: memref<65536xi32, #tpu.memory_space<hbm>>, %arg7: memref<5120xf32, #tpu.memory_space<hbm>>, %arg8: memref<3072xf32, #tpu.memory_space<hbm>>, %arg9: memref<3072xf32, #tpu.memory_space<hbm>>, %arg10: memref<4608xf32, #tpu.memory_space<hbm>>, %arg11: memref<2560xf32, #tpu.memory_space<hbm>>, %arg12: memref<2359296xf32, #tpu.memory_space<hbm>>, %arg13: memref<5120xf32, #tpu.memory_space<vmem>>, %arg14: memref<3072xf32, #tpu.memory_space<vmem>>, %arg15: memref<3072xf32, #tpu.memory_space<vmem>>, %arg16: memref<4608xf32, #tpu.memory_space<vmem>>, %arg17: memref<2560xf32, #tpu.memory_space<vmem>>, %arg18: memref<1024xi32, #tpu.memory_space<vmem>>, %arg19: memref<1024xi32, #tpu.memory_space<vmem>>, %arg20: memref<1024xi32, #tpu.memory_space<vmem>>, %arg21: memref<1024xi32, #tpu.memory_space<vmem>>, %arg22: memref<1024xi32, #tpu.memory_space<vmem>>, %arg23: memref<36864xf32, #tpu.memory_space<vmem>>, %arg24: memref<!tpu.dma_semaphore, #tpu.memory_space<semaphore_mem>>) attributes {dimension_semantics = [#tpu.dimension_semantics<core_parallel>, #tpu.dimension_semantics<subcore_parallel>], iteration_bounds = array<i64: 2, 16>, scalar_prefetch = 0 : i64, scratch_operands = 12 : i64, tpu.core_type = #tpu.core_type<sc_vector_subcore>, window_params = [{transform_indices = #map}, {transform_indices = #map}, {transform_indices = #map}, {transform_indices = #map}, {transform_indices = #map}, {transform_indices = #map}, {transform_indices = #map}, {transform_indices = #map}, {transform_indices = #map}, {transform_indices = #map}, {transform_indices = #map}]} {
    %mul3A = arith.constant 2 : i32
    %mul3A_0 = arith.muli %arg1, %mul3A : i32
    %add3A = arith.addi %mul3A_0, %arg0 : i32
    %mul3A_1 = arith.constant 2048 : i32
    %mul3A_2 = arith.muli %add3A, %mul3A_1 : i32
    %iota3A = tpu.iota {dimensions = array<i32: 0>} : vector<16xi32>
    %scan3A = arith.constant 0 : i32
    %scan3A_3 = arith.constant 0 : i32
    %scan3A_4 = arith.constant 2 : i32
    %scan3A_5 = arith.addi %scan3A_3, %scan3A_4 : i32
    %scan3A_6 = arith.constant 1 : i32
    %scan3A_7 = scf.for %scan3A_9 = %scan3A_3 to %scan3A_5 step %scan3A_6 iter_args(%scan3A_10 = %scan3A) -> (i32)  : i32 {
      %mul3A_11 = arith.constant 1024 : i32
      %mul3A_12 = arith.muli %scan3A_9, %mul3A_11 : i32
      %add3A_13 = arith.addi %mul3A_2, %mul3A_12 : i32
      tpu.enqueue_dma source(%arg7 : memref<5120xf32, #tpu.memory_space<hbm>>) target(%arg13 : memref<5120xf32, #tpu.memory_space<vmem>>) target_semaphore(%arg24 : memref<!tpu.dma_semaphore, #tpu.memory_space<semaphore_mem>>)
      tpu.enqueue_dma source(%arg8 : memref<3072xf32, #tpu.memory_space<hbm>>) target(%arg14 : memref<3072xf32, #tpu.memory_space<vmem>>) target_semaphore(%arg24 : memref<!tpu.dma_semaphore, #tpu.memory_space<semaphore_mem>>)
      tpu.enqueue_dma source(%arg9 : memref<3072xf32, #tpu.memory_space<hbm>>) target(%arg15 : memref<3072xf32, #tpu.memory_space<vmem>>) target_semaphore(%arg24 : memref<!tpu.dma_semaphore, #tpu.memory_space<semaphore_mem>>)
      tpu.enqueue_dma source(%arg10 : memref<4608xf32, #tpu.memory_space<hbm>>) target(%arg16 : memref<4608xf32, #tpu.memory_space<vmem>>) target_semaphore(%arg24 : memref<!tpu.dma_semaphore, #tpu.memory_space<semaphore_mem>>)
      tpu.enqueue_dma source(%arg11 : memref<2560xf32, #tpu.memory_space<hbm>>) target(%arg17 : memref<2560xf32, #tpu.memory_space<vmem>>) target_semaphore(%arg24 : memref<!tpu.dma_semaphore, #tpu.memory_space<semaphore_mem>>)
      %dma_start3A = tpu.memref_slice %arg2[%add3A_13] : memref<65536xi32, #tpu.memory_space<hbm>> -> memref<1024xi32, #tpu.memory_space<hbm>>
      %dma_start3A_14 = tpu.memref_slice %arg2[%add3A_13] : memref<65536xi32, #tpu.memory_space<hbm>> -> memref<1024xi32, #tpu.memory_space<hbm>>
      tpu.enqueue_dma source(%dma_start3A_14 : memref<1024xi32, #tpu.memory_space<hbm>>) target(%arg18 : memref<1024xi32, #tpu.memory_space<vmem>>) target_semaphore(%arg24 : memref<!tpu.dma_semaphore, #tpu.memory_space<semaphore_mem>>)
      %dma_start3A_15 = tpu.memref_slice %arg3[%add3A_13] : memref<65536xi32, #tpu.memory_space<hbm>> -> memref<1024xi32, #tpu.memory_space<hbm>>
      %dma_start3A_16 = tpu.memref_slice %arg3[%add3A_13] : memref<65536xi32, #tpu.memory_space<hbm>> -> memref<1024xi32, #tpu.memory_space<hbm>>
      tpu.enqueue_dma source(%dma_start3A_16 : memref<1024xi32, #tpu.memory_space<hbm>>) target(%arg19 : memref<1024xi32, #tpu.memory_space<vmem>>) target_semaphore(%arg24 : memref<!tpu.dma_semaphore, #tpu.memory_space<semaphore_mem>>)
      %dma_start3A_17 = tpu.memref_slice %arg4[%add3A_13] : memref<65536xi32, #tpu.memory_space<hbm>> -> memref<1024xi32, #tpu.memory_space<hbm>>
      %dma_start3A_18 = tpu.memref_slice %arg4[%add3A_13] : memref<65536xi32, #tpu.memory_space<hbm>> -> memref<1024xi32, #tpu.memory_space<hbm>>
      tpu.enqueue_dma source(%dma_start3A_18 : memref<1024xi32, #tpu.memory_space<hbm>>) target(%arg20 : memref<1024xi32, #tpu.memory_space<vmem>>) target_semaphore(%arg24 : memref<!tpu.dma_semaphore, #tpu.memory_space<semaphore_mem>>)
      %dma_start3A_19 = tpu.memref_slice %arg5[%add3A_13] : memref<65536xi32, #tpu.memory_space<hbm>> -> memref<1024xi32, #tpu.memory_space<hbm>>
      %dma_start3A_20 = tpu.memref_slice %arg5[%add3A_13] : memref<65536xi32, #tpu.memory_space<hbm>> -> memref<1024xi32, #tpu.memory_space<hbm>>
      tpu.enqueue_dma source(%dma_start3A_20 : memref<1024xi32, #tpu.memory_space<hbm>>) target(%arg21 : memref<1024xi32, #tpu.memory_space<vmem>>) target_semaphore(%arg24 : memref<!tpu.dma_semaphore, #tpu.memory_space<semaphore_mem>>)
      %dma_start3A_21 = tpu.memref_slice %arg6[%add3A_13] : memref<65536xi32, #tpu.memory_space<hbm>> -> memref<1024xi32, #tpu.memory_space<hbm>>
      %dma_start3A_22 = tpu.memref_slice %arg6[%add3A_13] : memref<65536xi32, #tpu.memory_space<hbm>> -> memref<1024xi32, #tpu.memory_space<hbm>>
      tpu.enqueue_dma source(%dma_start3A_22 : memref<1024xi32, #tpu.memory_space<hbm>>) target(%arg22 : memref<1024xi32, #tpu.memory_space<vmem>>) target_semaphore(%arg24 : memref<!tpu.dma_semaphore, #tpu.memory_space<semaphore_mem>>)
      tpu.wait_dma2 semaphore(%arg24 : memref<!tpu.dma_semaphore, #tpu.memory_space<semaphore_mem>>) src(%arg7 : memref<5120xf32, #tpu.memory_space<hbm>>) dst(%arg13 : memref<5120xf32, #tpu.memory_space<vmem>>)
      tpu.wait_dma2 semaphore(%arg24 : memref<!tpu.dma_semaphore, #tpu.memory_space<semaphore_mem>>) src(%arg8 : memref<3072xf32, #tpu.memory_space<hbm>>) dst(%arg14 : memref<3072xf32, #tpu.memory_space<vmem>>)
      tpu.wait_dma2 semaphore(%arg24 : memref<!tpu.dma_semaphore, #tpu.memory_space<semaphore_mem>>) src(%arg9 : memref<3072xf32, #tpu.memory_space<hbm>>) dst(%arg15 : memref<3072xf32, #tpu.memory_space<vmem>>)
      tpu.wait_dma2 semaphore(%arg24 : memref<!tpu.dma_semaphore, #tpu.memory_space<semaphore_mem>>) src(%arg10 : memref<4608xf32, #tpu.memory_space<hbm>>) dst(%arg16 : memref<4608xf32, #tpu.memory_space<vmem>>)
      tpu.wait_dma2 semaphore(%arg24 : memref<!tpu.dma_semaphore, #tpu.memory_space<semaphore_mem>>) src(%arg11 : memref<2560xf32, #tpu.memory_space<hbm>>) dst(%arg17 : memref<2560xf32, #tpu.memory_space<vmem>>)
      %dma_wait3A = tpu.memref_slice %arg2[%add3A_13] : memref<65536xi32, #tpu.memory_space<hbm>> -> memref<1024xi32, #tpu.memory_space<hbm>>
      %dma_wait3A_23 = tpu.memref_slice %arg2[%add3A_13] : memref<65536xi32, #tpu.memory_space<hbm>> -> memref<1024xi32, #tpu.memory_space<hbm>>
      tpu.wait_dma2 semaphore(%arg24 : memref<!tpu.dma_semaphore, #tpu.memory_space<semaphore_mem>>) src(%dma_wait3A_23 : memref<1024xi32, #tpu.memory_space<hbm>>) dst(%arg18 : memref<1024xi32, #tpu.memory_space<vmem>>)
      %dma_wait3A_24 = tpu.memref_slice %arg3[%add3A_13] : memref<65536xi32, #tpu.memory_space<hbm>> -> memref<1024xi32, #tpu.memory_space<hbm>>
      %dma_wait3A_25 = tpu.memref_slice %arg3[%add3A_13] : memref<65536xi32, #tpu.memory_space<hbm>> -> memref<1024xi32, #tpu.memory_space<hbm>>
      tpu.wait_dma2 semaphore(%arg24 : memref<!tpu.dma_semaphore, #tpu.memory_space<semaphore_mem>>) src(%dma_wait3A_25 : memref<1024xi32, #tpu.memory_space<hbm>>) dst(%arg19 : memref<1024xi32, #tpu.memory_space<vmem>>)
      %dma_wait3A_26 = tpu.memref_slice %arg4[%add3A_13] : memref<65536xi32, #tpu.memory_space<hbm>> -> memref<1024xi32, #tpu.memory_space<hbm>>
      %dma_wait3A_27 = tpu.memref_slice %arg4[%add3A_13] : memref<65536xi32, #tpu.memory_space<hbm>> -> memref<1024xi32, #tpu.memory_space<hbm>>
      tpu.wait_dma2 semaphore(%arg24 : memref<!tpu.dma_semaphore, #tpu.memory_space<semaphore_mem>>) src(%dma_wait3A_27 : memref<1024xi32, #tpu.memory_space<hbm>>) dst(%arg20 : memref<1024xi32, #tpu.memory_space<vmem>>)
      %dma_wait3A_28 = tpu.memref_slice %arg5[%add3A_13] : memref<65536xi32, #tpu.memory_space<hbm>> -> memref<1024xi32, #tpu.memory_space<hbm>>
      %dma_wait3A_29 = tpu.memref_slice %arg5[%add3A_13] : memref<65536xi32, #tpu.memory_space<hbm>> -> memref<1024xi32, #tpu.memory_space<hbm>>
      tpu.wait_dma2 semaphore(%arg24 : memref<!tpu.dma_semaphore, #tpu.memory_space<semaphore_mem>>) src(%dma_wait3A_29 : memref<1024xi32, #tpu.memory_space<hbm>>) dst(%arg21 : memref<1024xi32, #tpu.memory_space<vmem>>)
      %dma_wait3A_30 = tpu.memref_slice %arg6[%add3A_13] : memref<65536xi32, #tpu.memory_space<hbm>> -> memref<1024xi32, #tpu.memory_space<hbm>>
      %dma_wait3A_31 = tpu.memref_slice %arg6[%add3A_13] : memref<65536xi32, #tpu.memory_space<hbm>> -> memref<1024xi32, #tpu.memory_space<hbm>>
      tpu.wait_dma2 semaphore(%arg24 : memref<!tpu.dma_semaphore, #tpu.memory_space<semaphore_mem>>) src(%dma_wait3A_31 : memref<1024xi32, #tpu.memory_space<hbm>>) dst(%arg22 : memref<1024xi32, #tpu.memory_space<vmem>>)
      %scan3A_32 = arith.constant 0 : i32
      %scan3A_33 = arith.constant 0 : i32
      %scan3A_34 = arith.constant 64 : i32
      %scan3A_35 = arith.addi %scan3A_33, %scan3A_34 : i32
      %scan3A_36 = arith.constant 1 : i32
      %scan3A_37 = scf.for %scan3A_42 = %scan3A_33 to %scan3A_35 step %scan3A_36 iter_args(%scan3A_43 = %scan3A_32) -> (i32)  : i32 {
        %mul3A_44 = arith.constant 16 : i32
        %mul3A_45 = arith.muli %scan3A_42, %mul3A_44 : i32
        %add3A_46 = vector.broadcast %mul3A_45 : i32 to vector<16xi32>
        %add3A_47 = arith.addi %add3A_46, %iota3A : vector<16xi32>
        %mul3A_48 = arith.constant 36 : i32
        %mul3A_49 = vector.broadcast %mul3A_48 : i32 to vector<16xi32>
        %mul3A_50 = arith.muli %add3A_47, %mul3A_49 : vector<16xi32>
        %mul3A_51 = arith.constant 16 : i32
        %mul3A_52 = arith.muli %scan3A_42, %mul3A_51 : i32
        %get3A = arith.index_cast %mul3A_52 : i32 to index
        %get3A_53 = tpu.vector_load %arg18[%get3A] {strides = array<i32>} : memref<1024xi32, #tpu.memory_space<vmem>>, vector<16xi32>,
        %mul3A_54 = arith.constant 10 : i32
        %mul3A_55 = vector.broadcast %mul3A_54 : i32 to vector<16xi32>
        %mul3A_56 = arith.muli %get3A_53, %mul3A_55 : vector<16xi32>
        %add3A_57 = arith.constant 0 : i32
        %add3A_58 = vector.broadcast %add3A_57 : i32 to vector<16xi32>
        %add3A_59 = arith.addi %mul3A_56, %add3A_58 : vector<16xi32>
        %gather3A = tpu.vector_load_idx %arg13[%add3A_59] : memref<5120xf32, #tpu.memory_space<vmem>>[vector<16xi32>], vector<16xf32>,
        %add3A_60 = arith.constant 0 : i32
        %add3A_61 = vector.broadcast %add3A_60 : i32 to vector<16xi32>
        %add3A_62 = arith.addi %mul3A_50, %add3A_61 : vector<16xi32>
        tpu.vector_store_idx %arg23[%add3A_62], %gather3A : memref<36864xf32, #tpu.memory_space<vmem>>[vector<16xi32>], vector<16xf32>,
        %add3A_63 = arith.constant 1 : i32
        %add3A_64 = vector.broadcast %add3A_63 : i32 to vector<16xi32>
        %add3A_65 = arith.addi %mul3A_56, %add3A_64 : vector<16xi32>
        %gather3A_66 = tpu.vector_load_idx %arg13[%add3A_65] : memref<5120xf32, #tpu.memory_space<vmem>>[vector<16xi32>], vector<16xf32>,
        %add3A_67 = arith.constant 1 : i32
        %add3A_68 = vector.broadcast %add3A_67 : i32 to vector<16xi32>
        %add3A_69 = arith.addi %mul3A_50, %add3A_68 : vector<16xi32>
        tpu.vector_store_idx %arg23[%add3A_69], %gather3A_66 : memref<36864xf32, #tpu.memory_space<vmem>>[vector<16xi32>], vector<16xf32>,
        %add3A_70 = arith.constant 2 : i32
        %add3A_71 = vector.broadcast %add3A_70 : i32 to vector<16xi32>
        %add3A_72 = arith.addi %mul3A_56, %add3A_71 : vector<16xi32>
        %gather3A_73 = tpu.vector_load_idx %arg13[%add3A_72] : memref<5120xf32, #tpu.memory_space<vmem>>[vector<16xi32>], vector<16xf32>,
        %add3A_74 = arith.constant 2 : i32
        %add3A_75 = vector.broadcast %add3A_74 : i32 to vector<16xi32>
        %add3A_76 = arith.addi %mul3A_50, %add3A_75 : vector<16xi32>
        tpu.vector_store_idx %arg23[%add3A_76], %gather3A_73 : memref<36864xf32, #tpu.memory_space<vmem>>[vector<16xi32>], vector<16xf32>,
        %add3A_77 = arith.constant 3 : i32
        %add3A_78 = vector.broadcast %add3A_77 : i32 to vector<16xi32>
        %add3A_79 = arith.addi %mul3A_56, %add3A_78 : vector<16xi32>
        %gather3A_80 = tpu.vector_load_idx %arg13[%add3A_79] : memref<5120xf32, #tpu.memory_space<vmem>>[vector<16xi32>], vector<16xf32>,
        %add3A_81 = arith.constant 3 : i32
        %add3A_82 = vector.broadcast %add3A_81 : i32 to vector<16xi32>
        %add3A_83 = arith.addi %mul3A_50, %add3A_82 : vector<16xi32>
        tpu.vector_store_idx %arg23[%add3A_83], %gather3A_80 : memref<36864xf32, #tpu.memory_space<vmem>>[vector<16xi32>], vector<16xf32>,
        %add3A_84 = arith.constant 4 : i32
        %add3A_85 = vector.broadcast %add3A_84 : i32 to vector<16xi32>
        %add3A_86 = arith.addi %mul3A_56, %add3A_85 : vector<16xi32>
        %gather3A_87 = tpu.vector_load_idx %arg13[%add3A_86] : memref<5120xf32, #tpu.memory_space<vmem>>[vector<16xi32>], vector<16xf32>,
        %add3A_88 = arith.constant 4 : i32
        %add3A_89 = vector.broadcast %add3A_88 : i32 to vector<16xi32>
        %add3A_90 = arith.addi %mul3A_50, %add3A_89 : vector<16xi32>
        tpu.vector_store_idx %arg23[%add3A_90], %gather3A_87 : memref<36864xf32, #tpu.memory_space<vmem>>[vector<16xi32>], vector<16xf32>,
        %add3A_91 = arith.constant 5 : i32
        %add3A_92 = vector.broadcast %add3A_91 : i32 to vector<16xi32>
        %add3A_93 = arith.addi %mul3A_56, %add3A_92 : vector<16xi32>
        %gather3A_94 = tpu.vector_load_idx %arg13[%add3A_93] : memref<5120xf32, #tpu.memory_space<vmem>>[vector<16xi32>], vector<16xf32>,
        %add3A_95 = arith.constant 5 : i32
        %add3A_96 = vector.broadcast %add3A_95 : i32 to vector<16xi32>
        %add3A_97 = arith.addi %mul3A_50, %add3A_96 : vector<16xi32>
        tpu.vector_store_idx %arg23[%add3A_97], %gather3A_94 : memref<36864xf32, #tpu.memory_space<vmem>>[vector<16xi32>], vector<16xf32>,
        %add3A_98 = arith.constant 6 : i32
        %add3A_99 = vector.broadcast %add3A_98 : i32 to vector<16xi32>
        %add3A_100 = arith.addi %mul3A_56, %add3A_99 : vector<16xi32>
        %gather3A_101 = tpu.vector_load_idx %arg13[%add3A_100] : memref<5120xf32, #tpu.memory_space<vmem>>[vector<16xi32>], vector<16xf32>,
        %add3A_102 = arith.constant 6 : i32
        %add3A_103 = vector.broadcast %add3A_102 : i32 to vector<16xi32>
        %add3A_104 = arith.addi %mul3A_50, %add3A_103 : vector<16xi32>
        tpu.vector_store_idx %arg23[%add3A_104], %gather3A_101 : memref<36864xf32, #tpu.memory_space<vmem>>[vector<16xi32>], vector<16xf32>,
        %add3A_105 = arith.constant 7 : i32
        %add3A_106 = vector.broadcast %add3A_105 : i32 to vector<16xi32>
        %add3A_107 = arith.addi %mul3A_56, %add3A_106 : vector<16xi32>
        %gather3A_108 = tpu.vector_load_idx %arg13[%add3A_107] : memref<5120xf32, #tpu.memory_space<vmem>>[vector<16xi32>], vector<16xf32>,
        %add3A_109 = arith.constant 7 : i32
        %add3A_110 = vector.broadcast %add3A_109 : i32 to vector<16xi32>
        %add3A_111 = arith.addi %mul3A_50, %add3A_110 : vector<16xi32>
        tpu.vector_store_idx %arg23[%add3A_111], %gather3A_108 : memref<36864xf32, #tpu.memory_space<vmem>>[vector<16xi32>], vector<16xf32>,
        %add3A_112 = arith.constant 8 : i32
        %add3A_113 = vector.broadcast %add3A_112 : i32 to vector<16xi32>
        %add3A_114 = arith.addi %mul3A_56, %add3A_113 : vector<16xi32>
        %gather3A_115 = tpu.vector_load_idx %arg13[%add3A_114] : memref<5120xf32, #tpu.memory_space<vmem>>[vector<16xi32>], vector<16xf32>,
        %add3A_116 = arith.constant 8 : i32
        %add3A_117 = vector.broadcast %add3A_116 : i32 to vector<16xi32>
        %add3A_118 = arith.addi %mul3A_50, %add3A_117 : vector<16xi32>
        tpu.vector_store_idx %arg23[%add3A_118], %gather3A_115 : memref<36864xf32, #tpu.memory_space<vmem>>[vector<16xi32>], vector<16xf32>,
        %add3A_119 = arith.constant 9 : i32
        %add3A_120 = vector.broadcast %add3A_119 : i32 to vector<16xi32>
        %add3A_121 = arith.addi %mul3A_56, %add3A_120 : vector<16xi32>
        %gather3A_122 = tpu.vector_load_idx %arg13[%add3A_121] : memref<5120xf32, #tpu.memory_space<vmem>>[vector<16xi32>], vector<16xf32>,
        %add3A_123 = arith.constant 9 : i32
        %add3A_124 = vector.broadcast %add3A_123 : i32 to vector<16xi32>
        %add3A_125 = arith.addi %mul3A_50, %add3A_124 : vector<16xi32>
        tpu.vector_store_idx %arg23[%add3A_125], %gather3A_122 : memref<36864xf32, #tpu.memory_space<vmem>>[vector<16xi32>], vector<16xf32>,
        %mul3A_126 = arith.constant 16 : i32
        %mul3A_127 = arith.muli %scan3A_42, %mul3A_126 : i32
        %get3A_128 = arith.index_cast %mul3A_127 : i32 to index
        %get3A_129 = tpu.vector_load %arg19[%get3A_128] {strides = array<i32>} : memref<1024xi32, #tpu.memory_space<vmem>>, vector<16xi32>,
        %mul3A_130 = arith.constant 6 : i32
        %mul3A_131 = vector.broadcast %mul3A_130 : i32 to vector<16xi32>
        %mul3A_132 = arith.muli %get3A_129, %mul3A_131 : vector<16xi32>
        %add3A_133 = arith.constant 0 : i32
        %add3A_134 = vector.broadcast %add3A_133 : i32 to vector<16xi32>
        %add3A_135 = arith.addi %mul3A_132, %add3A_134 : vector<16xi32>
        %gather3A_136 = tpu.vector_load_idx %arg14[%add3A_135] : memref<3072xf32, #tpu.memory_space<vmem>>[vector<16xi32>], vector<16xf32>,
        %add3A_137 = arith.constant 10 : i32
        %add3A_138 = vector.broadcast %add3A_137 : i32 to vector<16xi32>
        %add3A_139 = arith.addi %mul3A_50, %add3A_138 : vector<16xi32>
        tpu.vector_store_idx %arg23[%add3A_139], %gather3A_136 : memref<36864xf32, #tpu.memory_space<vmem>>[vector<16xi32>], vector<16xf32>,
        %add3A_140 = arith.constant 1 : i32
        %add3A_141 = vector.broadcast %add3A_140 : i32 to vector<16xi32>
        %add3A_142 = arith.addi %mul3A_132, %add3A_141 : vector<16xi32>
        %gather3A_143 = tpu.vector_load_idx %arg14[%add3A_142] : memref<3072xf32, #tpu.memory_space<vmem>>[vector<16xi32>], vector<16xf32>,
        %add3A_144 = arith.constant 11 : i32
        %add3A_145 = vector.broadcast %add3A_144 : i32 to vector<16xi32>
        %add3A_146 = arith.addi %mul3A_50, %add3A_145 : vector<16xi32>
        tpu.vector_store_idx %arg23[%add3A_146], %gather3A_143 : memref<36864xf32, #tpu.memory_space<vmem>>[vector<16xi32>], vector<16xf32>,
        %add3A_147 = arith.constant 2 : i32
        %add3A_148 = vector.broadcast %add3A_147 : i32 to vector<16xi32>
        %add3A_149 = arith.addi %mul3A_132, %add3A_148 : vector<16xi32>
        %gather3A_150 = tpu.vector_load_idx %arg14[%add3A_149] : memref<3072xf32, #tpu.memory_space<vmem>>[vector<16xi32>], vector<16xf32>,
        %add3A_151 = arith.constant 12 : i32
        %add3A_152 = vector.broadcast %add3A_151 : i32 to vector<16xi32>
        %add3A_153 = arith.addi %mul3A_50, %add3A_152 : vector<16xi32>
        tpu.vector_store_idx %arg23[%add3A_153], %gather3A_150 : memref<36864xf32, #tpu.memory_space<vmem>>[vector<16xi32>], vector<16xf32>,
        %add3A_154 = arith.constant 3 : i32
        %add3A_155 = vector.broadcast %add3A_154 : i32 to vector<16xi32>
        %add3A_156 = arith.addi %mul3A_132, %add3A_155 : vector<16xi32>
        %gather3A_157 = tpu.vector_load_idx %arg14[%add3A_156] : memref<3072xf32, #tpu.memory_space<vmem>>[vector<16xi32>], vector<16xf32>,
        %add3A_158 = arith.constant 13 : i32
        %add3A_159 = vector.broadcast %add3A_158 : i32 to vector<16xi32>
        %add3A_160 = arith.addi %mul3A_50, %add3A_159 : vector<16xi32>
        tpu.vector_store_idx %arg23[%add3A_160], %gather3A_157 : memref<36864xf32, #tpu.memory_space<vmem>>[vector<16xi32>], vector<16xf32>,
        %add3A_161 = arith.constant 4 : i32
        %add3A_162 = vector.broadcast %add3A_161 : i32 to vector<16xi32>
        %add3A_163 = arith.addi %mul3A_132, %add3A_162 : vector<16xi32>
        %gather3A_164 = tpu.vector_load_idx %arg14[%add3A_163] : memref<3072xf32, #tpu.memory_space<vmem>>[vector<16xi32>], vector<16xf32>,
        %add3A_165 = arith.constant 14 : i32
        %add3A_166 = vector.broadcast %add3A_165 : i32 to vector<16xi32>
        %add3A_167 = arith.addi %mul3A_50, %add3A_166 : vector<16xi32>
        tpu.vector_store_idx %arg23[%add3A_167], %gather3A_164 : memref<36864xf32, #tpu.memory_space<vmem>>[vector<16xi32>], vector<16xf32>,
        %add3A_168 = arith.constant 5 : i32
        %add3A_169 = vector.broadcast %add3A_168 : i32 to vector<16xi32>
        %add3A_170 = arith.addi %mul3A_132, %add3A_169 : vector<16xi32>
        %gather3A_171 = tpu.vector_load_idx %arg14[%add3A_170] : memref<3072xf32, #tpu.memory_space<vmem>>[vector<16xi32>], vector<16xf32>,
        %add3A_172 = arith.constant 15 : i32
        %add3A_173 = vector.broadcast %add3A_172 : i32 to vector<16xi32>
        %add3A_174 = arith.addi %mul3A_50, %add3A_173 : vector<16xi32>
        tpu.vector_store_idx %arg23[%add3A_174], %gather3A_171 : memref<36864xf32, #tpu.memory_space<vmem>>[vector<16xi32>], vector<16xf32>,
        %mul3A_175 = arith.constant 16 : i32
        %mul3A_176 = arith.muli %scan3A_42, %mul3A_175 : i32
        %get3A_177 = arith.index_cast %mul3A_176 : i32 to index
        %get3A_178 = tpu.vector_load %arg20[%get3A_177] {strides = array<i32>} : memref<1024xi32, #tpu.memory_space<vmem>>, vector<16xi32>,
        %mul3A_179 = arith.constant 6 : i32
        %mul3A_180 = vector.broadcast %mul3A_179 : i32 to vector<16xi32>
        %mul3A_181 = arith.muli %get3A_178, %mul3A_180 : vector<16xi32>
        %add3A_182 = arith.constant 0 : i32
        %add3A_183 = vector.broadcast %add3A_182 : i32 to vector<16xi32>
        %add3A_184 = arith.addi %mul3A_181, %add3A_183 : vector<16xi32>
        %gather3A_185 = tpu.vector_load_idx %arg15[%add3A_184] : memref<3072xf32, #tpu.memory_space<vmem>>[vector<16xi32>], vector<16xf32>,
        %add3A_186 = arith.constant 16 : i32
        %add3A_187 = vector.broadcast %add3A_186 : i32 to vector<16xi32>
        %add3A_188 = arith.addi %mul3A_50, %add3A_187 : vector<16xi32>
        tpu.vector_store_idx %arg23[%add3A_188], %gather3A_185 : memref<36864xf32, #tpu.memory_space<vmem>>[vector<16xi32>], vector<16xf32>,
        %add3A_189 = arith.constant 1 : i32
        %add3A_190 = vector.broadcast %add3A_189 : i32 to vector<16xi32>
        %add3A_191 = arith.addi %mul3A_181, %add3A_190 : vector<16xi32>
        %gather3A_192 = tpu.vector_load_idx %arg15[%add3A_191] : memref<3072xf32, #tpu.memory_space<vmem>>[vector<16xi32>], vector<16xf32>,
        %add3A_193 = arith.constant 17 : i32
        %add3A_194 = vector.broadcast %add3A_193 : i32 to vector<16xi32>
        %add3A_195 = arith.addi %mul3A_50, %add3A_194 : vector<16xi32>
        tpu.vector_store_idx %arg23[%add3A_195], %gather3A_192 : memref<36864xf32, #tpu.memory_space<vmem>>[vector<16xi32>], vector<16xf32>,
        %add3A_196 = arith.constant 2 : i32
        %add3A_197 = vector.broadcast %add3A_196 : i32 to vector<16xi32>
        %add3A_198 = arith.addi %mul3A_181, %add3A_197 : vector<16xi32>
        %gather3A_199 = tpu.vector_load_idx %arg15[%add3A_198] : memref<3072xf32, #tpu.memory_space<vmem>>[vector<16xi32>], vector<16xf32>,
        %add3A_200 = arith.constant 18 : i32
        %add3A_201 = vector.broadcast %add3A_200 : i32 to vector<16xi32>
        %add3A_202 = arith.addi %mul3A_50, %add3A_201 : vector<16xi32>
        tpu.vector_store_idx %arg23[%add3A_202], %gather3A_199 : memref<36864xf32, #tpu.memory_space<vmem>>[vector<16xi32>], vector<16xf32>,
        %add3A_203 = arith.constant 3 : i32
        %add3A_204 = vector.broadcast %add3A_203 : i32 to vector<16xi32>
        %add3A_205 = arith.addi %mul3A_181, %add3A_204 : vector<16xi32>
        %gather3A_206 = tpu.vector_load_idx %arg15[%add3A_205] : memref<3072xf32, #tpu.memory_space<vmem>>[vector<16xi32>], vector<16xf32>,
        %add3A_207 = arith.constant 19 : i32
        %add3A_208 = vector.broadcast %add3A_207 : i32 to vector<16xi32>
        %add3A_209 = arith.addi %mul3A_50, %add3A_208 : vector<16xi32>
        tpu.vector_store_idx %arg23[%add3A_209], %gather3A_206 : memref<36864xf32, #tpu.memory_space<vmem>>[vector<16xi32>], vector<16xf32>,
        %add3A_210 = arith.constant 4 : i32
        %add3A_211 = vector.broadcast %add3A_210 : i32 to vector<16xi32>
        %add3A_212 = arith.addi %mul3A_181, %add3A_211 : vector<16xi32>
        %gather3A_213 = tpu.vector_load_idx %arg15[%add3A_212] : memref<3072xf32, #tpu.memory_space<vmem>>[vector<16xi32>], vector<16xf32>,
        %add3A_214 = arith.constant 20 : i32
        %add3A_215 = vector.broadcast %add3A_214 : i32 to vector<16xi32>
        %add3A_216 = arith.addi %mul3A_50, %add3A_215 : vector<16xi32>
        tpu.vector_store_idx %arg23[%add3A_216], %gather3A_213 : memref<36864xf32, #tpu.memory_space<vmem>>[vector<16xi32>], vector<16xf32>,
        %add3A_217 = arith.constant 5 : i32
        %add3A_218 = vector.broadcast %add3A_217 : i32 to vector<16xi32>
        %add3A_219 = arith.addi %mul3A_181, %add3A_218 : vector<16xi32>
        %gather3A_220 = tpu.vector_load_idx %arg15[%add3A_219] : memref<3072xf32, #tpu.memory_space<vmem>>[vector<16xi32>], vector<16xf32>,
        %add3A_221 = arith.constant 21 : i32
        %add3A_222 = vector.broadcast %add3A_221 : i32 to vector<16xi32>
        %add3A_223 = arith.addi %mul3A_50, %add3A_222 : vector<16xi32>
        tpu.vector_store_idx %arg23[%add3A_223], %gather3A_220 : memref<36864xf32, #tpu.memory_space<vmem>>[vector<16xi32>], vector<16xf32>,
        %mul3A_224 = arith.constant 16 : i32
        %mul3A_225 = arith.muli %scan3A_42, %mul3A_224 : i32
        %get3A_226 = arith.index_cast %mul3A_225 : i32 to index
        %get3A_227 = tpu.vector_load %arg21[%get3A_226] {strides = array<i32>} : memref<1024xi32, #tpu.memory_space<vmem>>, vector<16xi32>,
        %mul3A_228 = arith.constant 9 : i32
        %mul3A_229 = vector.broadcast %mul3A_228 : i32 to vector<16xi32>
        %mul3A_230 = arith.muli %get3A_227, %mul3A_229 : vector<16xi32>
        %add3A_231 = arith.constant 0 : i32
        %add3A_232 = vector.broadcast %add3A_231 : i32 to vector<16xi32>
        %add3A_233 = arith.addi %mul3A_230, %add3A_232 : vector<16xi32>
        %gather3A_234 = tpu.vector_load_idx %arg16[%add3A_233] : memref<4608xf32, #tpu.memory_space<vmem>>[vector<16xi32>], vector<16xf32>,
        %add3A_235 = arith.constant 22 : i32
        %add3A_236 = vector.broadcast %add3A_235 : i32 to vector<16xi32>
        %add3A_237 = arith.addi %mul3A_50, %add3A_236 : vector<16xi32>
        tpu.vector_store_idx %arg23[%add3A_237], %gather3A_234 : memref<36864xf32, #tpu.memory_space<vmem>>[vector<16xi32>], vector<16xf32>,
        %add3A_238 = arith.constant 1 : i32
        %add3A_239 = vector.broadcast %add3A_238 : i32 to vector<16xi32>
        %add3A_240 = arith.addi %mul3A_230, %add3A_239 : vector<16xi32>
        %gather3A_241 = tpu.vector_load_idx %arg16[%add3A_240] : memref<4608xf32, #tpu.memory_space<vmem>>[vector<16xi32>], vector<16xf32>,
        %add3A_242 = arith.constant 23 : i32
        %add3A_243 = vector.broadcast %add3A_242 : i32 to vector<16xi32>
        %add3A_244 = arith.addi %mul3A_50, %add3A_243 : vector<16xi32>
        tpu.vector_store_idx %arg23[%add3A_244], %gather3A_241 : memref<36864xf32, #tpu.memory_space<vmem>>[vector<16xi32>], vector<16xf32>,
        %add3A_245 = arith.constant 2 : i32
        %add3A_246 = vector.broadcast %add3A_245 : i32 to vector<16xi32>
        %add3A_247 = arith.addi %mul3A_230, %add3A_246 : vector<16xi32>
        %gather3A_248 = tpu.vector_load_idx %arg16[%add3A_247] : memref<4608xf32, #tpu.memory_space<vmem>>[vector<16xi32>], vector<16xf32>,
        %add3A_249 = arith.constant 24 : i32
        %add3A_250 = vector.broadcast %add3A_249 : i32 to vector<16xi32>
        %add3A_251 = arith.addi %mul3A_50, %add3A_250 : vector<16xi32>
        tpu.vector_store_idx %arg23[%add3A_251], %gather3A_248 : memref<36864xf32, #tpu.memory_space<vmem>>[vector<16xi32>], vector<16xf32>,
        %add3A_252 = arith.constant 3 : i32
        %add3A_253 = vector.broadcast %add3A_252 : i32 to vector<16xi32>
        %add3A_254 = arith.addi %mul3A_230, %add3A_253 : vector<16xi32>
        %gather3A_255 = tpu.vector_load_idx %arg16[%add3A_254] : memref<4608xf32, #tpu.memory_space<vmem>>[vector<16xi32>], vector<16xf32>,
        %add3A_256 = arith.constant 25 : i32
        %add3A_257 = vector.broadcast %add3A_256 : i32 to vector<16xi32>
        %add3A_258 = arith.addi %mul3A_50, %add3A_257 : vector<16xi32>
        tpu.vector_store_idx %arg23[%add3A_258], %gather3A_255 : memref<36864xf32, #tpu.memory_space<vmem>>[vector<16xi32>], vector<16xf32>,
        %add3A_259 = arith.constant 4 : i32
        %add3A_260 = vector.broadcast %add3A_259 : i32 to vector<16xi32>
        %add3A_261 = arith.addi %mul3A_230, %add3A_260 : vector<16xi32>
        %gather3A_262 = tpu.vector_load_idx %arg16[%add3A_261] : memref<4608xf32, #tpu.memory_space<vmem>>[vector<16xi32>], vector<16xf32>,
        %add3A_263 = arith.constant 26 : i32
        %add3A_264 = vector.broadcast %add3A_263 : i32 to vector<16xi32>
        %add3A_265 = arith.addi %mul3A_50, %add3A_264 : vector<16xi32>
        tpu.vector_store_idx %arg23[%add3A_265], %gather3A_262 : memref<36864xf32, #tpu.memory_space<vmem>>[vector<16xi32>], vector<16xf32>,
        %add3A_266 = arith.constant 5 : i32
        %add3A_267 = vector.broadcast %add3A_266 : i32 to vector<16xi32>
        %add3A_268 = arith.addi %mul3A_230, %add3A_267 : vector<16xi32>
        %gather3A_269 = tpu.vector_load_idx %arg16[%add3A_268] : memref<4608xf32, #tpu.memory_space<vmem>>[vector<16xi32>], vector<16xf32>,
        %add3A_270 = arith.constant 27 : i32
        %add3A_271 = vector.broadcast %add3A_270 : i32 to vector<16xi32>
        %add3A_272 = arith.addi %mul3A_50, %add3A_271 : vector<16xi32>
        tpu.vector_store_idx %arg23[%add3A_272], %gather3A_269 : memref<36864xf32, #tpu.memory_space<vmem>>[vector<16xi32>], vector<16xf32>,
        %add3A_273 = arith.constant 6 : i32
        %add3A_274 = vector.broadcast %add3A_273 : i32 to vector<16xi32>
        %add3A_275 = arith.addi %mul3A_230, %add3A_274 : vector<16xi32>
        %gather3A_276 = tpu.vector_load_idx %arg16[%add3A_275] : memref<4608xf32, #tpu.memory_space<vmem>>[vector<16xi32>], vector<16xf32>,
        %add3A_277 = arith.constant 28 : i32
        %add3A_278 = vector.broadcast %add3A_277 : i32 to vector<16xi32>
        %add3A_279 = arith.addi %mul3A_50, %add3A_278 : vector<16xi32>
        tpu.vector_store_idx %arg23[%add3A_279], %gather3A_276 : memref<36864xf32, #tpu.memory_space<vmem>>[vector<16xi32>], vector<16xf32>,
        %add3A_280 = arith.constant 7 : i32
        %add3A_281 = vector.broadcast %add3A_280 : i32 to vector<16xi32>
        %add3A_282 = arith.addi %mul3A_230, %add3A_281 : vector<16xi32>
        %gather3A_283 = tpu.vector_load_idx %arg16[%add3A_282] : memref<4608xf32, #tpu.memory_space<vmem>>[vector<16xi32>], vector<16xf32>,
        %add3A_284 = arith.constant 29 : i32
        %add3A_285 = vector.broadcast %add3A_284 : i32 to vector<16xi32>
        %add3A_286 = arith.addi %mul3A_50, %add3A_285 : vector<16xi32>
        tpu.vector_store_idx %arg23[%add3A_286], %gather3A_283 : memref<36864xf32, #tpu.memory_space<vmem>>[vector<16xi32>], vector<16xf32>,
        %add3A_287 = arith.constant 8 : i32
        %add3A_288 = vector.broadcast %add3A_287 : i32 to vector<16xi32>
        %add3A_289 = arith.addi %mul3A_230, %add3A_288 : vector<16xi32>
        %gather3A_290 = tpu.vector_load_idx %arg16[%add3A_289] : memref<4608xf32, #tpu.memory_space<vmem>>[vector<16xi32>], vector<16xf32>,
        %add3A_291 = arith.constant 30 : i32
        %add3A_292 = vector.broadcast %add3A_291 : i32 to vector<16xi32>
        %add3A_293 = arith.addi %mul3A_50, %add3A_292 : vector<16xi32>
        tpu.vector_store_idx %arg23[%add3A_293], %gather3A_290 : memref<36864xf32, #tpu.memory_space<vmem>>[vector<16xi32>], vector<16xf32>,
        %mul3A_294 = arith.constant 16 : i32
        %mul3A_295 = arith.muli %scan3A_42, %mul3A_294 : i32
        %get3A_296 = arith.index_cast %mul3A_295 : i32 to index
        %get3A_297 = tpu.vector_load %arg22[%get3A_296] {strides = array<i32>} : memref<1024xi32, #tpu.memory_space<vmem>>, vector<16xi32>,
        %mul3A_298 = arith.constant 5 : i32
        %mul3A_299 = vector.broadcast %mul3A_298 : i32 to vector<16xi32>
        %mul3A_300 = arith.muli %get3A_297, %mul3A_299 : vector<16xi32>
        %add3A_301 = arith.constant 0 : i32
        %add3A_302 = vector.broadcast %add3A_301 : i32 to vector<16xi32>
        %add3A_303 = arith.addi %mul3A_300, %add3A_302 : vector<16xi32>
        %gather3A_304 = tpu.vector_load_idx %arg17[%add3A_303] : memref<2560xf32, #tpu.memory_space<vmem>>[vector<16xi32>], vector<16xf32>,
        %add3A_305 = arith.constant 31 : i32
        %add3A_306 = vector.broadcast %add3A_305 : i32 to vector<16xi32>
        %add3A_307 = arith.addi %mul3A_50, %add3A_306 : vector<16xi32>
        tpu.vector_store_idx %arg23[%add3A_307], %gather3A_304 : memref<36864xf32, #tpu.memory_space<vmem>>[vector<16xi32>], vector<16xf32>,
        %add3A_308 = arith.constant 1 : i32
        %add3A_309 = vector.broadcast %add3A_308 : i32 to vector<16xi32>
        %add3A_310 = arith.addi %mul3A_300, %add3A_309 : vector<16xi32>
        %gather3A_311 = tpu.vector_load_idx %arg17[%add3A_310] : memref<2560xf32, #tpu.memory_space<vmem>>[vector<16xi32>], vector<16xf32>,
        %add3A_312 = arith.constant 32 : i32
        %add3A_313 = vector.broadcast %add3A_312 : i32 to vector<16xi32>
        %add3A_314 = arith.addi %mul3A_50, %add3A_313 : vector<16xi32>
        tpu.vector_store_idx %arg23[%add3A_314], %gather3A_311 : memref<36864xf32, #tpu.memory_space<vmem>>[vector<16xi32>], vector<16xf32>,
        %add3A_315 = arith.constant 2 : i32
        %add3A_316 = vector.broadcast %add3A_315 : i32 to vector<16xi32>
        %add3A_317 = arith.addi %mul3A_300, %add3A_316 : vector<16xi32>
        %gather3A_318 = tpu.vector_load_idx %arg17[%add3A_317] : memref<2560xf32, #tpu.memory_space<vmem>>[vector<16xi32>], vector<16xf32>,
        %add3A_319 = arith.constant 33 : i32
        %add3A_320 = vector.broadcast %add3A_319 : i32 to vector<16xi32>
        %add3A_321 = arith.addi %mul3A_50, %add3A_320 : vector<16xi32>
        tpu.vector_store_idx %arg23[%add3A_321], %gather3A_318 : memref<36864xf32, #tpu.memory_space<vmem>>[vector<16xi32>], vector<16xf32>,
        %add3A_322 = arith.constant 3 : i32
        %add3A_323 = vector.broadcast %add3A_322 : i32 to vector<16xi32>
        %add3A_324 = arith.addi %mul3A_300, %add3A_323 : vector<16xi32>
        %gather3A_325 = tpu.vector_load_idx %arg17[%add3A_324] : memref<2560xf32, #tpu.memory_space<vmem>>[vector<16xi32>], vector<16xf32>,
        %add3A_326 = arith.constant 34 : i32
        %add3A_327 = vector.broadcast %add3A_326 : i32 to vector<16xi32>
        %add3A_328 = arith.addi %mul3A_50, %add3A_327 : vector<16xi32>
        tpu.vector_store_idx %arg23[%add3A_328], %gather3A_325 : memref<36864xf32, #tpu.memory_space<vmem>>[vector<16xi32>], vector<16xf32>,
        %add3A_329 = arith.constant 4 : i32
        %add3A_330 = vector.broadcast %add3A_329 : i32 to vector<16xi32>
        %add3A_331 = arith.addi %mul3A_300, %add3A_330 : vector<16xi32>
        %gather3A_332 = tpu.vector_load_idx %arg17[%add3A_331] : memref<2560xf32, #tpu.memory_space<vmem>>[vector<16xi32>], vector<16xf32>,
        %add3A_333 = arith.constant 35 : i32
        %add3A_334 = vector.broadcast %add3A_333 : i32 to vector<16xi32>
        %add3A_335 = arith.addi %mul3A_50, %add3A_334 : vector<16xi32>
        tpu.vector_store_idx %arg23[%add3A_335], %gather3A_332 : memref<36864xf32, #tpu.memory_space<vmem>>[vector<16xi32>], vector<16xf32>,
        %scan3A_336 = arith.constant 0 : i32
        scf.yield %scan3A_336 : i32
      }
      %scan3A_38 = arith.constant 64 : i32
      %mul3A_39 = arith.constant 36 : i32
      %mul3A_40 = arith.muli %add3A_13, %mul3A_39 : i32
      "tpu.region"() ({
        %run_scoped3A = tpu.sem_alloc : memref<!tpu.dma_semaphore, #tpu.memory_space<semaphore_mem>>
        %dma_start3A_42 = tpu.memref_slice %arg12[%mul3A_40] : memref<2359296xf32, #tpu.memory_space<hbm>> -> memref<36864xf32, #tpu.memory_space<hbm>>
        %dma_start3A_43 = tpu.memref_slice %arg12[%mul3A_40] : memref<2359296xf32, #tpu.memory_space<hbm>> -> memref<36864xf32, #tpu.memory_space<hbm>>
        tpu.enqueue_dma source(%arg23 : memref<36864xf32, #tpu.memory_space<vmem>>) target(%dma_start3A_43 : memref<36864xf32, #tpu.memory_space<hbm>>) target_semaphore(%run_scoped3A : memref<!tpu.dma_semaphore, #tpu.memory_space<semaphore_mem>>)
        %dma_wait3A_44 = tpu.memref_slice %arg12[%mul3A_40] : memref<2359296xf32, #tpu.memory_space<hbm>> -> memref<36864xf32, #tpu.memory_space<hbm>>
        %dma_wait3A_45 = tpu.memref_slice %arg12[%mul3A_40] : memref<2359296xf32, #tpu.memory_space<hbm>> -> memref<36864xf32, #tpu.memory_space<hbm>>
        tpu.wait_dma2 semaphore(%run_scoped3A : memref<!tpu.dma_semaphore, #tpu.memory_space<semaphore_mem>>) src(%arg23 : memref<36864xf32, #tpu.memory_space<vmem>>) dst(%dma_wait3A_45 : memref<36864xf32, #tpu.memory_space<hbm>>)
        tpu.yield
      }) : () -> ()
      %scan3A_41 = arith.constant 0 : i32
      scf.yield %scan3A_41 : i32
    }
    %scan3A_8 = arith.constant 2 : i32
    return
  }
}

module attributes {stable_mosaic.version = 14 : i64} {
  func.func @_vq_distance_kernel(%arg0: i32, %arg1: memref<36x4096xf32, #tpu.memory_space<vmem>>, %arg2: memref<8x4096xf32, #tpu.memory_space<vmem>>, %arg3: memref<2560x36xf32, #tpu.memory_space<vmem>>, %arg4: memref<2560x1xf32, #tpu.memory_space<vmem>>, %arg5: memref<1x128xf32, #tpu.memory_space<vmem>>, %arg6: memref<1x4096xi32, #tpu.memory_space<vmem>>, %arg7: memref<1x4096xi32, #tpu.memory_space<vmem>>, %arg8: memref<1x4096xi32, #tpu.memory_space<vmem>>, %arg9: memref<1x4096xi32, #tpu.memory_space<vmem>>, %arg10: memref<1x4096xi32, #tpu.memory_space<vmem>>) attributes {dimension_semantics = [#tpu.dimension_semantics<arbitrary>], iteration_bounds = array<i64: 16>, scalar_prefetch = 0 : i64, scratch_operands = 0 : i64, tpu.core_type = #tpu.core_type<tc>, window_params = [{transform_indices = @transform_0, window_bounds = array<i64: 36, 4096>}, {transform_indices = @transform_1, window_bounds = array<i64: 8, 4096>}, {pipeline_mode = #tpu.pipeline_mode<synchronous>, transform_indices = @transform_2, window_bounds = array<i64: 2560, 36>}, {pipeline_mode = #tpu.pipeline_mode<synchronous>, transform_indices = @transform_3, window_bounds = array<i64: 2560, 1>}, {pipeline_mode = #tpu.pipeline_mode<synchronous>, transform_indices = @transform_4, window_bounds = array<i64: 1, 128>}, {transform_indices = @transform_5, window_bounds = array<i64: 1, 4096>}, {transform_indices = @transform_6, window_bounds = array<i64: 1, 4096>}, {transform_indices = @transform_7, window_bounds = array<i64: 1, 4096>}, {transform_indices = @transform_8, window_bounds = array<i64: 1, 4096>}, {transform_indices = @transform_9, window_bounds = array<i64: 1, 4096>}]} {
    %get3A = arith.constant 0 : index
    %get3A_0 = arith.constant 0 : index
    %get3A_1 = vector.load %arg1[%get3A, %get3A_0] : memref<36x4096xf32, #tpu.memory_space<vmem>>, vector<36x4096xf32>
    %get3A_2 = arith.constant 0 : index
    %get3A_3 = arith.constant 0 : index
    %get3A_4 = vector.load %arg3[%get3A_2, %get3A_3] : memref<2560x36xf32, #tpu.memory_space<vmem>>, vector<2560x36xf32>
    %dot_general3A = arith.constant dense<0.000000e+00> : vector<2560x4096xf32>
    %dot_general3A_5 = tpu.matmul %get3A_4, %get3A_1, %dot_general3A {dimension_numbers = #tpu.dot_dimension_numbers<[1], [0], [0], [1], [0, 0, 1, 1], [], []>, transpose_lhs_hint = false} : vector<2560x36xf32>, vector<36x4096xf32>, vector<2560x4096xf32> -> vector<2560x4096xf32>
    %iota3A = tpu.iota {dimensions = array<i32: 1>} : vector<1x128xi32>
    %broadcast_in_dim3A = arith.constant 0.000000e+00 : f32
    %broadcast_in_dim3A_6 = vector.broadcast %broadcast_in_dim3A : f32 to vector<1x128xf32>
    %iota3A_7 = tpu.iota {dimensions = array<i32: 0>} : vector<8x4096xi32>
    %get3A_8 = arith.constant 0 : index
    %get3A_9 = arith.constant 0 : index
    %get3A_10 = vector.load %arg2[%get3A_8, %get3A_9] : memref<8x4096xf32, #tpu.memory_space<vmem>>, vector<1x4096xf32>
    %get3A_11 = arith.constant 0 : index
    %get3A_12 = arith.constant 0 : index
    %get3A_13 = vector.load %arg4[%get3A_11, %get3A_12] : memref<2560x1xf32, #tpu.memory_space<vmem>>, vector<512x1xf32>
    %add3A = vector.broadcast %get3A_10 : vector<1x4096xf32> to vector<512x4096xf32>
    %add3A_14 = vector.broadcast %get3A_13 : vector<512x1xf32> to vector<512x4096xf32>
    %add3A_15 = arith.addf %add3A, %add3A_14 : vector<512x4096xf32>
    %slice3A = vector.extract_strided_slice %dot_general3A_5 {offsets = [0, 0], sizes = [512, 4096], strides = [1, 1]} : vector<2560x4096xf32> to vector<512x4096xf32>
    %add3A_16 = arith.addf %add3A_15, %slice3A : vector<512x4096xf32>
    %slice3A_17 = vector.extract_strided_slice %add3A_16 {offsets = [0, 0], sizes = [8, 4096], strides = [1, 1]} : vector<512x4096xf32> to vector<8x4096xf32>
    %broadcast_in_dim3A_18 = arith.constant 0 : i32
    %broadcast_in_dim3A_19 = vector.broadcast %broadcast_in_dim3A_18 : i32 to vector<8x4096xi32>
    %slice3A_20 = vector.extract_strided_slice %add3A_16 {offsets = [8, 0], sizes = [8, 4096], strides = [1, 1]} : vector<512x4096xf32> to vector<8x4096xf32>
    %lt3A = arith.cmpf olt, %slice3A_20, %slice3A_17 : vector<8x4096xf32>
    %min3A = arith.minimumf %slice3A_17, %slice3A_20 : vector<8x4096xf32>
    %jit3A = arith.constant 1 : i32
    %broadcast_in_dim3A_21 = vector.broadcast %jit3A : i32 to vector<8x4096xi32>
    %select_n3A = arith.select %lt3A, %broadcast_in_dim3A_21, %broadcast_in_dim3A_19 : vector<8x4096xi1>, vector<8x4096xi32>
    %slice3A_22 = vector.extract_strided_slice %add3A_16 {offsets = [16, 0], sizes = [8, 4096], strides = [1, 1]} : vector<512x4096xf32> to vector<8x4096xf32>
    %lt3A_23 = arith.cmpf olt, %slice3A_22, %min3A : vector<8x4096xf32>
    %min3A_24 = arith.minimumf %min3A, %slice3A_22 : vector<8x4096xf32>
    %jit3A_25 = arith.constant 2 : i32
    %broadcast_in_dim3A_26 = vector.broadcast %jit3A_25 : i32 to vector<8x4096xi32>
    %select_n3A_27 = arith.select %lt3A_23, %broadcast_in_dim3A_26, %select_n3A : vector<8x4096xi1>, vector<8x4096xi32>
    %slice3A_28 = vector.extract_strided_slice %add3A_16 {offsets = [24, 0], sizes = [8, 4096], strides = [1, 1]} : vector<512x4096xf32> to vector<8x4096xf32>
    %lt3A_29 = arith.cmpf olt, %slice3A_28, %min3A_24 : vector<8x4096xf32>
    %min3A_30 = arith.minimumf %min3A_24, %slice3A_28 : vector<8x4096xf32>
    %jit3A_31 = arith.constant 3 : i32
    %broadcast_in_dim3A_32 = vector.broadcast %jit3A_31 : i32 to vector<8x4096xi32>
    %select_n3A_33 = arith.select %lt3A_29, %broadcast_in_dim3A_32, %select_n3A_27 : vector<8x4096xi1>, vector<8x4096xi32>
    %slice3A_34 = vector.extract_strided_slice %add3A_16 {offsets = [32, 0], sizes = [8, 4096], strides = [1, 1]} : vector<512x4096xf32> to vector<8x4096xf32>
    %lt3A_35 = arith.cmpf olt, %slice3A_34, %min3A_30 : vector<8x4096xf32>
    %min3A_36 = arith.minimumf %min3A_30, %slice3A_34 : vector<8x4096xf32>
    %jit3A_37 = arith.constant 4 : i32
    %broadcast_in_dim3A_38 = vector.broadcast %jit3A_37 : i32 to vector<8x4096xi32>
    %select_n3A_39 = arith.select %lt3A_35, %broadcast_in_dim3A_38, %select_n3A_33 : vector<8x4096xi1>, vector<8x4096xi32>
    %slice3A_40 = vector.extract_strided_slice %add3A_16 {offsets = [40, 0], sizes = [8, 4096], strides = [1, 1]} : vector<512x4096xf32> to vector<8x4096xf32>
    %lt3A_41 = arith.cmpf olt, %slice3A_40, %min3A_36 : vector<8x4096xf32>
    %min3A_42 = arith.minimumf %min3A_36, %slice3A_40 : vector<8x4096xf32>
    %jit3A_43 = arith.constant 5 : i32
    %broadcast_in_dim3A_44 = vector.broadcast %jit3A_43 : i32 to vector<8x4096xi32>
    %select_n3A_45 = arith.select %lt3A_41, %broadcast_in_dim3A_44, %select_n3A_39 : vector<8x4096xi1>, vector<8x4096xi32>
    %slice3A_46 = vector.extract_strided_slice %add3A_16 {offsets = [48, 0], sizes = [8, 4096], strides = [1, 1]} : vector<512x4096xf32> to vector<8x4096xf32>
    %lt3A_47 = arith.cmpf olt, %slice3A_46, %min3A_42 : vector<8x4096xf32>
    %min3A_48 = arith.minimumf %min3A_42, %slice3A_46 : vector<8x4096xf32>
    %jit3A_49 = arith.constant 6 : i32
    %broadcast_in_dim3A_50 = vector.broadcast %jit3A_49 : i32 to vector<8x4096xi32>
    %select_n3A_51 = arith.select %lt3A_47, %broadcast_in_dim3A_50, %select_n3A_45 : vector<8x4096xi1>, vector<8x4096xi32>
    %slice3A_52 = vector.extract_strided_slice %add3A_16 {offsets = [56, 0], sizes = [8, 4096], strides = [1, 1]} : vector<512x4096xf32> to vector<8x4096xf32>
    %lt3A_53 = arith.cmpf olt, %slice3A_52, %min3A_48 : vector<8x4096xf32>
    %min3A_54 = arith.minimumf %min3A_48, %slice3A_52 : vector<8x4096xf32>
    %jit3A_55 = arith.constant 7 : i32
    %broadcast_in_dim3A_56 = vector.broadcast %jit3A_55 : i32 to vector<8x4096xi32>
    %select_n3A_57 = arith.select %lt3A_53, %broadcast_in_dim3A_56, %select_n3A_51 : vector<8x4096xi1>, vector<8x4096xi32>
    %slice3A_58 = vector.extract_strided_slice %add3A_16 {offsets = [64, 0], sizes = [8, 4096], strides = [1, 1]} : vector<512x4096xf32> to vector<8x4096xf32>
    %lt3A_59 = arith.cmpf olt, %slice3A_58, %min3A_54 : vector<8x4096xf32>
    %min3A_60 = arith.minimumf %min3A_54, %slice3A_58 : vector<8x4096xf32>
    %jit3A_61 = arith.constant 8 : i32
    %broadcast_in_dim3A_62 = vector.broadcast %jit3A_61 : i32 to vector<8x4096xi32>
    %select_n3A_63 = arith.select %lt3A_59, %broadcast_in_dim3A_62, %select_n3A_57 : vector<8x4096xi1>, vector<8x4096xi32>
    %slice3A_64 = vector.extract_strided_slice %add3A_16 {offsets = [72, 0], sizes = [8, 4096], strides = [1, 1]} : vector<512x4096xf32> to vector<8x4096xf32>
    %lt3A_65 = arith.cmpf olt, %slice3A_64, %min3A_60 : vector<8x4096xf32>
    %min3A_66 = arith.minimumf %min3A_60, %slice3A_64 : vector<8x4096xf32>
    %jit3A_67 = arith.constant 9 : i32
    %broadcast_in_dim3A_68 = vector.broadcast %jit3A_67 : i32 to vector<8x4096xi32>
    %select_n3A_69 = arith.select %lt3A_65, %broadcast_in_dim3A_68, %select_n3A_63 : vector<8x4096xi1>, vector<8x4096xi32>
    %slice3A_70 = vector.extract_strided_slice %add3A_16 {offsets = [80, 0], sizes = [8, 4096], strides = [1, 1]} : vector<512x4096xf32> to vector<8x4096xf32>
    %lt3A_71 = arith.cmpf olt, %slice3A_70, %min3A_66 : vector<8x4096xf32>
    %min3A_72 = arith.minimumf %min3A_66, %slice3A_70 : vector<8x4096xf32>
    %jit3A_73 = arith.constant 10 : i32
    %broadcast_in_dim3A_74 = vector.broadcast %jit3A_73 : i32 to vector<8x4096xi32>
    %select_n3A_75 = arith.select %lt3A_71, %broadcast_in_dim3A_74, %select_n3A_69 : vector<8x4096xi1>, vector<8x4096xi32>
    %slice3A_76 = vector.extract_strided_slice %add3A_16 {offsets = [88, 0], sizes = [8, 4096], strides = [1, 1]} : vector<512x4096xf32> to vector<8x4096xf32>
    %lt3A_77 = arith.cmpf olt, %slice3A_76, %min3A_72 : vector<8x4096xf32>
    %min3A_78 = arith.minimumf %min3A_72, %slice3A_76 : vector<8x4096xf32>
    %jit3A_79 = arith.constant 11 : i32
    %broadcast_in_dim3A_80 = vector.broadcast %jit3A_79 : i32 to vector<8x4096xi32>
    %select_n3A_81 = arith.select %lt3A_77, %broadcast_in_dim3A_80, %select_n3A_75 : vector<8x4096xi1>, vector<8x4096xi32>
    %slice3A_82 = vector.extract_strided_slice %add3A_16 {offsets = [96, 0], sizes = [8, 4096], strides = [1, 1]} : vector<512x4096xf32> to vector<8x4096xf32>
    %lt3A_83 = arith.cmpf olt, %slice3A_82, %min3A_78 : vector<8x4096xf32>
    %min3A_84 = arith.minimumf %min3A_78, %slice3A_82 : vector<8x4096xf32>
    %jit3A_85 = arith.constant 12 : i32
    %broadcast_in_dim3A_86 = vector.broadcast %jit3A_85 : i32 to vector<8x4096xi32>
    %select_n3A_87 = arith.select %lt3A_83, %broadcast_in_dim3A_86, %select_n3A_81 : vector<8x4096xi1>, vector<8x4096xi32>
    %slice3A_88 = vector.extract_strided_slice %add3A_16 {offsets = [104, 0], sizes = [8, 4096], strides = [1, 1]} : vector<512x4096xf32> to vector<8x4096xf32>
    %lt3A_89 = arith.cmpf olt, %slice3A_88, %min3A_84 : vector<8x4096xf32>
    %min3A_90 = arith.minimumf %min3A_84, %slice3A_88 : vector<8x4096xf32>
    %jit3A_91 = arith.constant 13 : i32
    %broadcast_in_dim3A_92 = vector.broadcast %jit3A_91 : i32 to vector<8x4096xi32>
    %select_n3A_93 = arith.select %lt3A_89, %broadcast_in_dim3A_92, %select_n3A_87 : vector<8x4096xi1>, vector<8x4096xi32>
    %slice3A_94 = vector.extract_strided_slice %add3A_16 {offsets = [112, 0], sizes = [8, 4096], strides = [1, 1]} : vector<512x4096xf32> to vector<8x4096xf32>
    %lt3A_95 = arith.cmpf olt, %slice3A_94, %min3A_90 : vector<8x4096xf32>
    %min3A_96 = arith.minimumf %min3A_90, %slice3A_94 : vector<8x4096xf32>
    %jit3A_97 = arith.constant 14 : i32
    %broadcast_in_dim3A_98 = vector.broadcast %jit3A_97 : i32 to vector<8x4096xi32>
    %select_n3A_99 = arith.select %lt3A_95, %broadcast_in_dim3A_98, %select_n3A_93 : vector<8x4096xi1>, vector<8x4096xi32>
    %slice3A_100 = vector.extract_strided_slice %add3A_16 {offsets = [120, 0], sizes = [8, 4096], strides = [1, 1]} : vector<512x4096xf32> to vector<8x4096xf32>
    %lt3A_101 = arith.cmpf olt, %slice3A_100, %min3A_96 : vector<8x4096xf32>
    %min3A_102 = arith.minimumf %min3A_96, %slice3A_100 : vector<8x4096xf32>
    %jit3A_103 = arith.constant 15 : i32
    %broadcast_in_dim3A_104 = vector.broadcast %jit3A_103 : i32 to vector<8x4096xi32>
    %select_n3A_105 = arith.select %lt3A_101, %broadcast_in_dim3A_104, %select_n3A_99 : vector<8x4096xi1>, vector<8x4096xi32>
    %slice3A_106 = vector.extract_strided_slice %add3A_16 {offsets = [128, 0], sizes = [8, 4096], strides = [1, 1]} : vector<512x4096xf32> to vector<8x4096xf32>
    %lt3A_107 = arith.cmpf olt, %slice3A_106, %min3A_102 : vector<8x4096xf32>
    %min3A_108 = arith.minimumf %min3A_102, %slice3A_106 : vector<8x4096xf32>
    %jit3A_109 = arith.constant 16 : i32
    %broadcast_in_dim3A_110 = vector.broadcast %jit3A_109 : i32 to vector<8x4096xi32>
    %select_n3A_111 = arith.select %lt3A_107, %broadcast_in_dim3A_110, %select_n3A_105 : vector<8x4096xi1>, vector<8x4096xi32>
    %slice3A_112 = vector.extract_strided_slice %add3A_16 {offsets = [136, 0], sizes = [8, 4096], strides = [1, 1]} : vector<512x4096xf32> to vector<8x4096xf32>
    %lt3A_113 = arith.cmpf olt, %slice3A_112, %min3A_108 : vector<8x4096xf32>
    %min3A_114 = arith.minimumf %min3A_108, %slice3A_112 : vector<8x4096xf32>
    %jit3A_115 = arith.constant 17 : i32
    %broadcast_in_dim3A_116 = vector.broadcast %jit3A_115 : i32 to vector<8x4096xi32>
    %select_n3A_117 = arith.select %lt3A_113, %broadcast_in_dim3A_116, %select_n3A_111 : vector<8x4096xi1>, vector<8x4096xi32>
    %slice3A_118 = vector.extract_strided_slice %add3A_16 {offsets = [144, 0], sizes = [8, 4096], strides = [1, 1]} : vector<512x4096xf32> to vector<8x4096xf32>
    %lt3A_119 = arith.cmpf olt, %slice3A_118, %min3A_114 : vector<8x4096xf32>
    %min3A_120 = arith.minimumf %min3A_114, %slice3A_118 : vector<8x4096xf32>
    %jit3A_121 = arith.constant 18 : i32
    %broadcast_in_dim3A_122 = vector.broadcast %jit3A_121 : i32 to vector<8x4096xi32>
    %select_n3A_123 = arith.select %lt3A_119, %broadcast_in_dim3A_122, %select_n3A_117 : vector<8x4096xi1>, vector<8x4096xi32>
    %slice3A_124 = vector.extract_strided_slice %add3A_16 {offsets = [152, 0], sizes = [8, 4096], strides = [1, 1]} : vector<512x4096xf32> to vector<8x4096xf32>
    %lt3A_125 = arith.cmpf olt, %slice3A_124, %min3A_120 : vector<8x4096xf32>
    %min3A_126 = arith.minimumf %min3A_120, %slice3A_124 : vector<8x4096xf32>
    %jit3A_127 = arith.constant 19 : i32
    %broadcast_in_dim3A_128 = vector.broadcast %jit3A_127 : i32 to vector<8x4096xi32>
    %select_n3A_129 = arith.select %lt3A_125, %broadcast_in_dim3A_128, %select_n3A_123 : vector<8x4096xi1>, vector<8x4096xi32>
    %slice3A_130 = vector.extract_strided_slice %add3A_16 {offsets = [160, 0], sizes = [8, 4096], strides = [1, 1]} : vector<512x4096xf32> to vector<8x4096xf32>
    %lt3A_131 = arith.cmpf olt, %slice3A_130, %min3A_126 : vector<8x4096xf32>
    %min3A_132 = arith.minimumf %min3A_126, %slice3A_130 : vector<8x4096xf32>
    %jit3A_133 = arith.constant 20 : i32
    %broadcast_in_dim3A_134 = vector.broadcast %jit3A_133 : i32 to vector<8x4096xi32>
    %select_n3A_135 = arith.select %lt3A_131, %broadcast_in_dim3A_134, %select_n3A_129 : vector<8x4096xi1>, vector<8x4096xi32>
    %slice3A_136 = vector.extract_strided_slice %add3A_16 {offsets = [168, 0], sizes = [8, 4096], strides = [1, 1]} : vector<512x4096xf32> to vector<8x4096xf32>
    %lt3A_137 = arith.cmpf olt, %slice3A_136, %min3A_132 : vector<8x4096xf32>
    %min3A_138 = arith.minimumf %min3A_132, %slice3A_136 : vector<8x4096xf32>
    %jit3A_139 = arith.constant 21 : i32
    %broadcast_in_dim3A_140 = vector.broadcast %jit3A_139 : i32 to vector<8x4096xi32>
    %select_n3A_141 = arith.select %lt3A_137, %broadcast_in_dim3A_140, %select_n3A_135 : vector<8x4096xi1>, vector<8x4096xi32>
    %slice3A_142 = vector.extract_strided_slice %add3A_16 {offsets = [176, 0], sizes = [8, 4096], strides = [1, 1]} : vector<512x4096xf32> to vector<8x4096xf32>
    %lt3A_143 = arith.cmpf olt, %slice3A_142, %min3A_138 : vector<8x4096xf32>
    %min3A_144 = arith.minimumf %min3A_138, %slice3A_142 : vector<8x4096xf32>
    %jit3A_145 = arith.constant 22 : i32
    %broadcast_in_dim3A_146 = vector.broadcast %jit3A_145 : i32 to vector<8x4096xi32>
    %select_n3A_147 = arith.select %lt3A_143, %broadcast_in_dim3A_146, %select_n3A_141 : vector<8x4096xi1>, vector<8x4096xi32>
    %slice3A_148 = vector.extract_strided_slice %add3A_16 {offsets = [184, 0], sizes = [8, 4096], strides = [1, 1]} : vector<512x4096xf32> to vector<8x4096xf32>
    %lt3A_149 = arith.cmpf olt, %slice3A_148, %min3A_144 : vector<8x4096xf32>
    %min3A_150 = arith.minimumf %min3A_144, %slice3A_148 : vector<8x4096xf32>
    %jit3A_151 = arith.constant 23 : i32
    %broadcast_in_dim3A_152 = vector.broadcast %jit3A_151 : i32 to vector<8x4096xi32>
    %select_n3A_153 = arith.select %lt3A_149, %broadcast_in_dim3A_152, %select_n3A_147 : vector<8x4096xi1>, vector<8x4096xi32>
    %slice3A_154 = vector.extract_strided_slice %add3A_16 {offsets = [192, 0], sizes = [8, 4096], strides = [1, 1]} : vector<512x4096xf32> to vector<8x4096xf32>
    %lt3A_155 = arith.cmpf olt, %slice3A_154, %min3A_150 : vector<8x4096xf32>
    %min3A_156 = arith.minimumf %min3A_150, %slice3A_154 : vector<8x4096xf32>
    %jit3A_157 = arith.constant 24 : i32
    %broadcast_in_dim3A_158 = vector.broadcast %jit3A_157 : i32 to vector<8x4096xi32>
    %select_n3A_159 = arith.select %lt3A_155, %broadcast_in_dim3A_158, %select_n3A_153 : vector<8x4096xi1>, vector<8x4096xi32>
    %slice3A_160 = vector.extract_strided_slice %add3A_16 {offsets = [200, 0], sizes = [8, 4096], strides = [1, 1]} : vector<512x4096xf32> to vector<8x4096xf32>
    %lt3A_161 = arith.cmpf olt, %slice3A_160, %min3A_156 : vector<8x4096xf32>
    %min3A_162 = arith.minimumf %min3A_156, %slice3A_160 : vector<8x4096xf32>
    %jit3A_163 = arith.constant 25 : i32
    %broadcast_in_dim3A_164 = vector.broadcast %jit3A_163 : i32 to vector<8x4096xi32>
    %select_n3A_165 = arith.select %lt3A_161, %broadcast_in_dim3A_164, %select_n3A_159 : vector<8x4096xi1>, vector<8x4096xi32>
    %slice3A_166 = vector.extract_strided_slice %add3A_16 {offsets = [208, 0], sizes = [8, 4096], strides = [1, 1]} : vector<512x4096xf32> to vector<8x4096xf32>
    %lt3A_167 = arith.cmpf olt, %slice3A_166, %min3A_162 : vector<8x4096xf32>
    %min3A_168 = arith.minimumf %min3A_162, %slice3A_166 : vector<8x4096xf32>
    %jit3A_169 = arith.constant 26 : i32
    %broadcast_in_dim3A_170 = vector.broadcast %jit3A_169 : i32 to vector<8x4096xi32>
    %select_n3A_171 = arith.select %lt3A_167, %broadcast_in_dim3A_170, %select_n3A_165 : vector<8x4096xi1>, vector<8x4096xi32>
    %slice3A_172 = vector.extract_strided_slice %add3A_16 {offsets = [216, 0], sizes = [8, 4096], strides = [1, 1]} : vector<512x4096xf32> to vector<8x4096xf32>
    %lt3A_173 = arith.cmpf olt, %slice3A_172, %min3A_168 : vector<8x4096xf32>
    %min3A_174 = arith.minimumf %min3A_168, %slice3A_172 : vector<8x4096xf32>
    %jit3A_175 = arith.constant 27 : i32
    %broadcast_in_dim3A_176 = vector.broadcast %jit3A_175 : i32 to vector<8x4096xi32>
    %select_n3A_177 = arith.select %lt3A_173, %broadcast_in_dim3A_176, %select_n3A_171 : vector<8x4096xi1>, vector<8x4096xi32>
    %slice3A_178 = vector.extract_strided_slice %add3A_16 {offsets = [224, 0], sizes = [8, 4096], strides = [1, 1]} : vector<512x4096xf32> to vector<8x4096xf32>
    %lt3A_179 = arith.cmpf olt, %slice3A_178, %min3A_174 : vector<8x4096xf32>
    %min3A_180 = arith.minimumf %min3A_174, %slice3A_178 : vector<8x4096xf32>
    %jit3A_181 = arith.constant 28 : i32
    %broadcast_in_dim3A_182 = vector.broadcast %jit3A_181 : i32 to vector<8x4096xi32>
    %select_n3A_183 = arith.select %lt3A_179, %broadcast_in_dim3A_182, %select_n3A_177 : vector<8x4096xi1>, vector<8x4096xi32>
    %slice3A_184 = vector.extract_strided_slice %add3A_16 {offsets = [232, 0], sizes = [8, 4096], strides = [1, 1]} : vector<512x4096xf32> to vector<8x4096xf32>
    %lt3A_185 = arith.cmpf olt, %slice3A_184, %min3A_180 : vector<8x4096xf32>
    %min3A_186 = arith.minimumf %min3A_180, %slice3A_184 : vector<8x4096xf32>
    %jit3A_187 = arith.constant 29 : i32
    %broadcast_in_dim3A_188 = vector.broadcast %jit3A_187 : i32 to vector<8x4096xi32>
    %select_n3A_189 = arith.select %lt3A_185, %broadcast_in_dim3A_188, %select_n3A_183 : vector<8x4096xi1>, vector<8x4096xi32>
    %slice3A_190 = vector.extract_strided_slice %add3A_16 {offsets = [240, 0], sizes = [8, 4096], strides = [1, 1]} : vector<512x4096xf32> to vector<8x4096xf32>
    %lt3A_191 = arith.cmpf olt, %slice3A_190, %min3A_186 : vector<8x4096xf32>
    %min3A_192 = arith.minimumf %min3A_186, %slice3A_190 : vector<8x4096xf32>
    %jit3A_193 = arith.constant 30 : i32
    %broadcast_in_dim3A_194 = vector.broadcast %jit3A_193 : i32 to vector<8x4096xi32>
    %select_n3A_195 = arith.select %lt3A_191, %broadcast_in_dim3A_194, %select_n3A_189 : vector<8x4096xi1>, vector<8x4096xi32>
    %slice3A_196 = vector.extract_strided_slice %add3A_16 {offsets = [248, 0], sizes = [8, 4096], strides = [1, 1]} : vector<512x4096xf32> to vector<8x4096xf32>
    %lt3A_197 = arith.cmpf olt, %slice3A_196, %min3A_192 : vector<8x4096xf32>
    %min3A_198 = arith.minimumf %min3A_192, %slice3A_196 : vector<8x4096xf32>
    %jit3A_199 = arith.constant 31 : i32
    %broadcast_in_dim3A_200 = vector.broadcast %jit3A_199 : i32 to vector<8x4096xi32>
    %select_n3A_201 = arith.select %lt3A_197, %broadcast_in_dim3A_200, %select_n3A_195 : vector<8x4096xi1>, vector<8x4096xi32>
    %slice3A_202 = vector.extract_strided_slice %add3A_16 {offsets = [256, 0], sizes = [8, 4096], strides = [1, 1]} : vector<512x4096xf32> to vector<8x4096xf32>
    %lt3A_203 = arith.cmpf olt, %slice3A_202, %min3A_198 : vector<8x4096xf32>
    %min3A_204 = arith.minimumf %min3A_198, %slice3A_202 : vector<8x4096xf32>
    %jit3A_205 = arith.constant 32 : i32
    %broadcast_in_dim3A_206 = vector.broadcast %jit3A_205 : i32 to vector<8x4096xi32>
    %select_n3A_207 = arith.select %lt3A_203, %broadcast_in_dim3A_206, %select_n3A_201 : vector<8x4096xi1>, vector<8x4096xi32>
    %slice3A_208 = vector.extract_strided_slice %add3A_16 {offsets = [264, 0], sizes = [8, 4096], strides = [1, 1]} : vector<512x4096xf32> to vector<8x4096xf32>
    %lt3A_209 = arith.cmpf olt, %slice3A_208, %min3A_204 : vector<8x4096xf32>
    %min3A_210 = arith.minimumf %min3A_204, %slice3A_208 : vector<8x4096xf32>
    %jit3A_211 = arith.constant 33 : i32
    %broadcast_in_dim3A_212 = vector.broadcast %jit3A_211 : i32 to vector<8x4096xi32>
    %select_n3A_213 = arith.select %lt3A_209, %broadcast_in_dim3A_212, %select_n3A_207 : vector<8x4096xi1>, vector<8x4096xi32>
    %slice3A_214 = vector.extract_strided_slice %add3A_16 {offsets = [272, 0], sizes = [8, 4096], strides = [1, 1]} : vector<512x4096xf32> to vector<8x4096xf32>
    %lt3A_215 = arith.cmpf olt, %slice3A_214, %min3A_210 : vector<8x4096xf32>
    %min3A_216 = arith.minimumf %min3A_210, %slice3A_214 : vector<8x4096xf32>
    %jit3A_217 = arith.constant 34 : i32
    %broadcast_in_dim3A_218 = vector.broadcast %jit3A_217 : i32 to vector<8x4096xi32>
    %select_n3A_219 = arith.select %lt3A_215, %broadcast_in_dim3A_218, %select_n3A_213 : vector<8x4096xi1>, vector<8x4096xi32>
    %slice3A_220 = vector.extract_strided_slice %add3A_16 {offsets = [280, 0], sizes = [8, 4096], strides = [1, 1]} : vector<512x4096xf32> to vector<8x4096xf32>
    %lt3A_221 = arith.cmpf olt, %slice3A_220, %min3A_216 : vector<8x4096xf32>
    %min3A_222 = arith.minimumf %min3A_216, %slice3A_220 : vector<8x4096xf32>
    %jit3A_223 = arith.constant 35 : i32
    %broadcast_in_dim3A_224 = vector.broadcast %jit3A_223 : i32 to vector<8x4096xi32>
    %select_n3A_225 = arith.select %lt3A_221, %broadcast_in_dim3A_224, %select_n3A_219 : vector<8x4096xi1>, vector<8x4096xi32>
    %slice3A_226 = vector.extract_strided_slice %add3A_16 {offsets = [288, 0], sizes = [8, 4096], strides = [1, 1]} : vector<512x4096xf32> to vector<8x4096xf32>
    %lt3A_227 = arith.cmpf olt, %slice3A_226, %min3A_222 : vector<8x4096xf32>
    %min3A_228 = arith.minimumf %min3A_222, %slice3A_226 : vector<8x4096xf32>
    %jit3A_229 = arith.constant 36 : i32
    %broadcast_in_dim3A_230 = vector.broadcast %jit3A_229 : i32 to vector<8x4096xi32>
    %select_n3A_231 = arith.select %lt3A_227, %broadcast_in_dim3A_230, %select_n3A_225 : vector<8x4096xi1>, vector<8x4096xi32>
    %slice3A_232 = vector.extract_strided_slice %add3A_16 {offsets = [296, 0], sizes = [8, 4096], strides = [1, 1]} : vector<512x4096xf32> to vector<8x4096xf32>
    %lt3A_233 = arith.cmpf olt, %slice3A_232, %min3A_228 : vector<8x4096xf32>
    %min3A_234 = arith.minimumf %min3A_228, %slice3A_232 : vector<8x4096xf32>
    %jit3A_235 = arith.constant 37 : i32
    %broadcast_in_dim3A_236 = vector.broadcast %jit3A_235 : i32 to vector<8x4096xi32>
    %select_n3A_237 = arith.select %lt3A_233, %broadcast_in_dim3A_236, %select_n3A_231 : vector<8x4096xi1>, vector<8x4096xi32>
    %slice3A_238 = vector.extract_strided_slice %add3A_16 {offsets = [304, 0], sizes = [8, 4096], strides = [1, 1]} : vector<512x4096xf32> to vector<8x4096xf32>
    %lt3A_239 = arith.cmpf olt, %slice3A_238, %min3A_234 : vector<8x4096xf32>
    %min3A_240 = arith.minimumf %min3A_234, %slice3A_238 : vector<8x4096xf32>
    %jit3A_241 = arith.constant 38 : i32
    %broadcast_in_dim3A_242 = vector.broadcast %jit3A_241 : i32 to vector<8x4096xi32>
    %select_n3A_243 = arith.select %lt3A_239, %broadcast_in_dim3A_242, %select_n3A_237 : vector<8x4096xi1>, vector<8x4096xi32>
    %slice3A_244 = vector.extract_strided_slice %add3A_16 {offsets = [312, 0], sizes = [8, 4096], strides = [1, 1]} : vector<512x4096xf32> to vector<8x4096xf32>
    %lt3A_245 = arith.cmpf olt, %slice3A_244, %min3A_240 : vector<8x4096xf32>
    %min3A_246 = arith.minimumf %min3A_240, %slice3A_244 : vector<8x4096xf32>
    %jit3A_247 = arith.constant 39 : i32
    %broadcast_in_dim3A_248 = vector.broadcast %jit3A_247 : i32 to vector<8x4096xi32>
    %select_n3A_249 = arith.select %lt3A_245, %broadcast_in_dim3A_248, %select_n3A_243 : vector<8x4096xi1>, vector<8x4096xi32>
    %slice3A_250 = vector.extract_strided_slice %add3A_16 {offsets = [320, 0], sizes = [8, 4096], strides = [1, 1]} : vector<512x4096xf32> to vector<8x4096xf32>
    %lt3A_251 = arith.cmpf olt, %slice3A_250, %min3A_246 : vector<8x4096xf32>
    %min3A_252 = arith.minimumf %min3A_246, %slice3A_250 : vector<8x4096xf32>
    %jit3A_253 = arith.constant 40 : i32
    %broadcast_in_dim3A_254 = vector.broadcast %jit3A_253 : i32 to vector<8x4096xi32>
    %select_n3A_255 = arith.select %lt3A_251, %broadcast_in_dim3A_254, %select_n3A_249 : vector<8x4096xi1>, vector<8x4096xi32>
    %slice3A_256 = vector.extract_strided_slice %add3A_16 {offsets = [328, 0], sizes = [8, 4096], strides = [1, 1]} : vector<512x4096xf32> to vector<8x4096xf32>
    %lt3A_257 = arith.cmpf olt, %slice3A_256, %min3A_252 : vector<8x4096xf32>
    %min3A_258 = arith.minimumf %min3A_252, %slice3A_256 : vector<8x4096xf32>
    %jit3A_259 = arith.constant 41 : i32
    %broadcast_in_dim3A_260 = vector.broadcast %jit3A_259 : i32 to vector<8x4096xi32>
    %select_n3A_261 = arith.select %lt3A_257, %broadcast_in_dim3A_260, %select_n3A_255 : vector<8x4096xi1>, vector<8x4096xi32>
    %slice3A_262 = vector.extract_strided_slice %add3A_16 {offsets = [336, 0], sizes = [8, 4096], strides = [1, 1]} : vector<512x4096xf32> to vector<8x4096xf32>
    %lt3A_263 = arith.cmpf olt, %slice3A_262, %min3A_258 : vector<8x4096xf32>
    %min3A_264 = arith.minimumf %min3A_258, %slice3A_262 : vector<8x4096xf32>
    %jit3A_265 = arith.constant 42 : i32
    %broadcast_in_dim3A_266 = vector.broadcast %jit3A_265 : i32 to vector<8x4096xi32>
    %select_n3A_267 = arith.select %lt3A_263, %broadcast_in_dim3A_266, %select_n3A_261 : vector<8x4096xi1>, vector<8x4096xi32>
    %slice3A_268 = vector.extract_strided_slice %add3A_16 {offsets = [344, 0], sizes = [8, 4096], strides = [1, 1]} : vector<512x4096xf32> to vector<8x4096xf32>
    %lt3A_269 = arith.cmpf olt, %slice3A_268, %min3A_264 : vector<8x4096xf32>
    %min3A_270 = arith.minimumf %min3A_264, %slice3A_268 : vector<8x4096xf32>
    %jit3A_271 = arith.constant 43 : i32
    %broadcast_in_dim3A_272 = vector.broadcast %jit3A_271 : i32 to vector<8x4096xi32>
    %select_n3A_273 = arith.select %lt3A_269, %broadcast_in_dim3A_272, %select_n3A_267 : vector<8x4096xi1>, vector<8x4096xi32>
    %slice3A_274 = vector.extract_strided_slice %add3A_16 {offsets = [352, 0], sizes = [8, 4096], strides = [1, 1]} : vector<512x4096xf32> to vector<8x4096xf32>
    %lt3A_275 = arith.cmpf olt, %slice3A_274, %min3A_270 : vector<8x4096xf32>
    %min3A_276 = arith.minimumf %min3A_270, %slice3A_274 : vector<8x4096xf32>
    %jit3A_277 = arith.constant 44 : i32
    %broadcast_in_dim3A_278 = vector.broadcast %jit3A_277 : i32 to vector<8x4096xi32>
    %select_n3A_279 = arith.select %lt3A_275, %broadcast_in_dim3A_278, %select_n3A_273 : vector<8x4096xi1>, vector<8x4096xi32>
    %slice3A_280 = vector.extract_strided_slice %add3A_16 {offsets = [360, 0], sizes = [8, 4096], strides = [1, 1]} : vector<512x4096xf32> to vector<8x4096xf32>
    %lt3A_281 = arith.cmpf olt, %slice3A_280, %min3A_276 : vector<8x4096xf32>
    %min3A_282 = arith.minimumf %min3A_276, %slice3A_280 : vector<8x4096xf32>
    %jit3A_283 = arith.constant 45 : i32
    %broadcast_in_dim3A_284 = vector.broadcast %jit3A_283 : i32 to vector<8x4096xi32>
    %select_n3A_285 = arith.select %lt3A_281, %broadcast_in_dim3A_284, %select_n3A_279 : vector<8x4096xi1>, vector<8x4096xi32>
    %slice3A_286 = vector.extract_strided_slice %add3A_16 {offsets = [368, 0], sizes = [8, 4096], strides = [1, 1]} : vector<512x4096xf32> to vector<8x4096xf32>
    %lt3A_287 = arith.cmpf olt, %slice3A_286, %min3A_282 : vector<8x4096xf32>
    %min3A_288 = arith.minimumf %min3A_282, %slice3A_286 : vector<8x4096xf32>
    %jit3A_289 = arith.constant 46 : i32
    %broadcast_in_dim3A_290 = vector.broadcast %jit3A_289 : i32 to vector<8x4096xi32>
    %select_n3A_291 = arith.select %lt3A_287, %broadcast_in_dim3A_290, %select_n3A_285 : vector<8x4096xi1>, vector<8x4096xi32>
    %slice3A_292 = vector.extract_strided_slice %add3A_16 {offsets = [376, 0], sizes = [8, 4096], strides = [1, 1]} : vector<512x4096xf32> to vector<8x4096xf32>
    %lt3A_293 = arith.cmpf olt, %slice3A_292, %min3A_288 : vector<8x4096xf32>
    %min3A_294 = arith.minimumf %min3A_288, %slice3A_292 : vector<8x4096xf32>
    %jit3A_295 = arith.constant 47 : i32
    %broadcast_in_dim3A_296 = vector.broadcast %jit3A_295 : i32 to vector<8x4096xi32>
    %select_n3A_297 = arith.select %lt3A_293, %broadcast_in_dim3A_296, %select_n3A_291 : vector<8x4096xi1>, vector<8x4096xi32>
    %slice3A_298 = vector.extract_strided_slice %add3A_16 {offsets = [384, 0], sizes = [8, 4096], strides = [1, 1]} : vector<512x4096xf32> to vector<8x4096xf32>
    %lt3A_299 = arith.cmpf olt, %slice3A_298, %min3A_294 : vector<8x4096xf32>
    %min3A_300 = arith.minimumf %min3A_294, %slice3A_298 : vector<8x4096xf32>
    %jit3A_301 = arith.constant 48 : i32
    %broadcast_in_dim3A_302 = vector.broadcast %jit3A_301 : i32 to vector<8x4096xi32>
    %select_n3A_303 = arith.select %lt3A_299, %broadcast_in_dim3A_302, %select_n3A_297 : vector<8x4096xi1>, vector<8x4096xi32>
    %slice3A_304 = vector.extract_strided_slice %add3A_16 {offsets = [392, 0], sizes = [8, 4096], strides = [1, 1]} : vector<512x4096xf32> to vector<8x4096xf32>
    %lt3A_305 = arith.cmpf olt, %slice3A_304, %min3A_300 : vector<8x4096xf32>
    %min3A_306 = arith.minimumf %min3A_300, %slice3A_304 : vector<8x4096xf32>
    %jit3A_307 = arith.constant 49 : i32
    %broadcast_in_dim3A_308 = vector.broadcast %jit3A_307 : i32 to vector<8x4096xi32>
    %select_n3A_309 = arith.select %lt3A_305, %broadcast_in_dim3A_308, %select_n3A_303 : vector<8x4096xi1>, vector<8x4096xi32>
    %slice3A_310 = vector.extract_strided_slice %add3A_16 {offsets = [400, 0], sizes = [8, 4096], strides = [1, 1]} : vector<512x4096xf32> to vector<8x4096xf32>
    %lt3A_311 = arith.cmpf olt, %slice3A_310, %min3A_306 : vector<8x4096xf32>
    %min3A_312 = arith.minimumf %min3A_306, %slice3A_310 : vector<8x4096xf32>
    %jit3A_313 = arith.constant 50 : i32
    %broadcast_in_dim3A_314 = vector.broadcast %jit3A_313 : i32 to vector<8x4096xi32>
    %select_n3A_315 = arith.select %lt3A_311, %broadcast_in_dim3A_314, %select_n3A_309 : vector<8x4096xi1>, vector<8x4096xi32>
    %slice3A_316 = vector.extract_strided_slice %add3A_16 {offsets = [408, 0], sizes = [8, 4096], strides = [1, 1]} : vector<512x4096xf32> to vector<8x4096xf32>
    %lt3A_317 = arith.cmpf olt, %slice3A_316, %min3A_312 : vector<8x4096xf32>
    %min3A_318 = arith.minimumf %min3A_312, %slice3A_316 : vector<8x4096xf32>
    %jit3A_319 = arith.constant 51 : i32
    %broadcast_in_dim3A_320 = vector.broadcast %jit3A_319 : i32 to vector<8x4096xi32>
    %select_n3A_321 = arith.select %lt3A_317, %broadcast_in_dim3A_320, %select_n3A_315 : vector<8x4096xi1>, vector<8x4096xi32>
    %slice3A_322 = vector.extract_strided_slice %add3A_16 {offsets = [416, 0], sizes = [8, 4096], strides = [1, 1]} : vector<512x4096xf32> to vector<8x4096xf32>
    %lt3A_323 = arith.cmpf olt, %slice3A_322, %min3A_318 : vector<8x4096xf32>
    %min3A_324 = arith.minimumf %min3A_318, %slice3A_322 : vector<8x4096xf32>
    %jit3A_325 = arith.constant 52 : i32
    %broadcast_in_dim3A_326 = vector.broadcast %jit3A_325 : i32 to vector<8x4096xi32>
    %select_n3A_327 = arith.select %lt3A_323, %broadcast_in_dim3A_326, %select_n3A_321 : vector<8x4096xi1>, vector<8x4096xi32>
    %slice3A_328 = vector.extract_strided_slice %add3A_16 {offsets = [424, 0], sizes = [8, 4096], strides = [1, 1]} : vector<512x4096xf32> to vector<8x4096xf32>
    %lt3A_329 = arith.cmpf olt, %slice3A_328, %min3A_324 : vector<8x4096xf32>
    %min3A_330 = arith.minimumf %min3A_324, %slice3A_328 : vector<8x4096xf32>
    %jit3A_331 = arith.constant 53 : i32
    %broadcast_in_dim3A_332 = vector.broadcast %jit3A_331 : i32 to vector<8x4096xi32>
    %select_n3A_333 = arith.select %lt3A_329, %broadcast_in_dim3A_332, %select_n3A_327 : vector<8x4096xi1>, vector<8x4096xi32>
    %slice3A_334 = vector.extract_strided_slice %add3A_16 {offsets = [432, 0], sizes = [8, 4096], strides = [1, 1]} : vector<512x4096xf32> to vector<8x4096xf32>
    %lt3A_335 = arith.cmpf olt, %slice3A_334, %min3A_330 : vector<8x4096xf32>
    %min3A_336 = arith.minimumf %min3A_330, %slice3A_334 : vector<8x4096xf32>
    %jit3A_337 = arith.constant 54 : i32
    %broadcast_in_dim3A_338 = vector.broadcast %jit3A_337 : i32 to vector<8x4096xi32>
    %select_n3A_339 = arith.select %lt3A_335, %broadcast_in_dim3A_338, %select_n3A_333 : vector<8x4096xi1>, vector<8x4096xi32>
    %slice3A_340 = vector.extract_strided_slice %add3A_16 {offsets = [440, 0], sizes = [8, 4096], strides = [1, 1]} : vector<512x4096xf32> to vector<8x4096xf32>
    %lt3A_341 = arith.cmpf olt, %slice3A_340, %min3A_336 : vector<8x4096xf32>
    %min3A_342 = arith.minimumf %min3A_336, %slice3A_340 : vector<8x4096xf32>
    %jit3A_343 = arith.constant 55 : i32
    %broadcast_in_dim3A_344 = vector.broadcast %jit3A_343 : i32 to vector<8x4096xi32>
    %select_n3A_345 = arith.select %lt3A_341, %broadcast_in_dim3A_344, %select_n3A_339 : vector<8x4096xi1>, vector<8x4096xi32>
    %slice3A_346 = vector.extract_strided_slice %add3A_16 {offsets = [448, 0], sizes = [8, 4096], strides = [1, 1]} : vector<512x4096xf32> to vector<8x4096xf32>
    %lt3A_347 = arith.cmpf olt, %slice3A_346, %min3A_342 : vector<8x4096xf32>
    %min3A_348 = arith.minimumf %min3A_342, %slice3A_346 : vector<8x4096xf32>
    %jit3A_349 = arith.constant 56 : i32
    %broadcast_in_dim3A_350 = vector.broadcast %jit3A_349 : i32 to vector<8x4096xi32>
    %select_n3A_351 = arith.select %lt3A_347, %broadcast_in_dim3A_350, %select_n3A_345 : vector<8x4096xi1>, vector<8x4096xi32>
    %slice3A_352 = vector.extract_strided_slice %add3A_16 {offsets = [456, 0], sizes = [8, 4096], strides = [1, 1]} : vector<512x4096xf32> to vector<8x4096xf32>
    %lt3A_353 = arith.cmpf olt, %slice3A_352, %min3A_348 : vector<8x4096xf32>
    %min3A_354 = arith.minimumf %min3A_348, %slice3A_352 : vector<8x4096xf32>
    %jit3A_355 = arith.constant 57 : i32
    %broadcast_in_dim3A_356 = vector.broadcast %jit3A_355 : i32 to vector<8x4096xi32>
    %select_n3A_357 = arith.select %lt3A_353, %broadcast_in_dim3A_356, %select_n3A_351 : vector<8x4096xi1>, vector<8x4096xi32>
    %slice3A_358 = vector.extract_strided_slice %add3A_16 {offsets = [464, 0], sizes = [8, 4096], strides = [1, 1]} : vector<512x4096xf32> to vector<8x4096xf32>
    %lt3A_359 = arith.cmpf olt, %slice3A_358, %min3A_354 : vector<8x4096xf32>
    %min3A_360 = arith.minimumf %min3A_354, %slice3A_358 : vector<8x4096xf32>
    %jit3A_361 = arith.constant 58 : i32
    %broadcast_in_dim3A_362 = vector.broadcast %jit3A_361 : i32 to vector<8x4096xi32>
    %select_n3A_363 = arith.select %lt3A_359, %broadcast_in_dim3A_362, %select_n3A_357 : vector<8x4096xi1>, vector<8x4096xi32>
    %slice3A_364 = vector.extract_strided_slice %add3A_16 {offsets = [472, 0], sizes = [8, 4096], strides = [1, 1]} : vector<512x4096xf32> to vector<8x4096xf32>
    %lt3A_365 = arith.cmpf olt, %slice3A_364, %min3A_360 : vector<8x4096xf32>
    %min3A_366 = arith.minimumf %min3A_360, %slice3A_364 : vector<8x4096xf32>
    %jit3A_367 = arith.constant 59 : i32
    %broadcast_in_dim3A_368 = vector.broadcast %jit3A_367 : i32 to vector<8x4096xi32>
    %select_n3A_369 = arith.select %lt3A_365, %broadcast_in_dim3A_368, %select_n3A_363 : vector<8x4096xi1>, vector<8x4096xi32>
    %slice3A_370 = vector.extract_strided_slice %add3A_16 {offsets = [480, 0], sizes = [8, 4096], strides = [1, 1]} : vector<512x4096xf32> to vector<8x4096xf32>
    %lt3A_371 = arith.cmpf olt, %slice3A_370, %min3A_366 : vector<8x4096xf32>
    %min3A_372 = arith.minimumf %min3A_366, %slice3A_370 : vector<8x4096xf32>
    %jit3A_373 = arith.constant 60 : i32
    %broadcast_in_dim3A_374 = vector.broadcast %jit3A_373 : i32 to vector<8x4096xi32>
    %select_n3A_375 = arith.select %lt3A_371, %broadcast_in_dim3A_374, %select_n3A_369 : vector<8x4096xi1>, vector<8x4096xi32>
    %slice3A_376 = vector.extract_strided_slice %add3A_16 {offsets = [488, 0], sizes = [8, 4096], strides = [1, 1]} : vector<512x4096xf32> to vector<8x4096xf32>
    %lt3A_377 = arith.cmpf olt, %slice3A_376, %min3A_372 : vector<8x4096xf32>
    %min3A_378 = arith.minimumf %min3A_372, %slice3A_376 : vector<8x4096xf32>
    %jit3A_379 = arith.constant 61 : i32
    %broadcast_in_dim3A_380 = vector.broadcast %jit3A_379 : i32 to vector<8x4096xi32>
    %select_n3A_381 = arith.select %lt3A_377, %broadcast_in_dim3A_380, %select_n3A_375 : vector<8x4096xi1>, vector<8x4096xi32>
    %slice3A_382 = vector.extract_strided_slice %add3A_16 {offsets = [496, 0], sizes = [8, 4096], strides = [1, 1]} : vector<512x4096xf32> to vector<8x4096xf32>
    %lt3A_383 = arith.cmpf olt, %slice3A_382, %min3A_378 : vector<8x4096xf32>
    %min3A_384 = arith.minimumf %min3A_378, %slice3A_382 : vector<8x4096xf32>
    %jit3A_385 = arith.constant 62 : i32
    %broadcast_in_dim3A_386 = vector.broadcast %jit3A_385 : i32 to vector<8x4096xi32>
    %select_n3A_387 = arith.select %lt3A_383, %broadcast_in_dim3A_386, %select_n3A_381 : vector<8x4096xi1>, vector<8x4096xi32>
    %slice3A_388 = vector.extract_strided_slice %add3A_16 {offsets = [504, 0], sizes = [8, 4096], strides = [1, 1]} : vector<512x4096xf32> to vector<8x4096xf32>
    %lt3A_389 = arith.cmpf olt, %slice3A_388, %min3A_384 : vector<8x4096xf32>
    %min3A_390 = arith.minimumf %min3A_384, %slice3A_388 : vector<8x4096xf32>
    %jit3A_391 = arith.constant 63 : i32
    %broadcast_in_dim3A_392 = vector.broadcast %jit3A_391 : i32 to vector<8x4096xi32>
    %select_n3A_393 = arith.select %lt3A_389, %broadcast_in_dim3A_392, %select_n3A_387 : vector<8x4096xi1>, vector<8x4096xi32>
    %mul3A = arith.constant 8 : i32
    %mul3A_394 = vector.broadcast %mul3A : i32 to vector<8x4096xi32>
    %mul3A_395 = arith.muli %select_n3A_393, %mul3A_394 : vector<8x4096xi32>
    %add3A_396 = arith.addi %mul3A_395, %iota3A_7 : vector<8x4096xi32>
    %slice3A_397 = vector.extract_strided_slice %min3A_390 {offsets = [0, 0], sizes = [4, 4096], strides = [1, 1]} : vector<8x4096xf32> to vector<4x4096xf32>
    %slice3A_398 = vector.extract_strided_slice %add3A_396 {offsets = [0, 0], sizes = [4, 4096], strides = [1, 1]} : vector<8x4096xi32> to vector<4x4096xi32>
    %slice3A_399 = vector.extract_strided_slice %min3A_390 {offsets = [4, 0], sizes = [4, 4096], strides = [1, 1]} : vector<8x4096xf32> to vector<4x4096xf32>
    %slice3A_400 = vector.extract_strided_slice %add3A_396 {offsets = [4, 0], sizes = [4, 4096], strides = [1, 1]} : vector<8x4096xi32> to vector<4x4096xi32>
    %lt3A_401 = arith.cmpf olt, %slice3A_399, %slice3A_397 : vector<4x4096xf32>
    %eq3A = arith.cmpf oeq, %slice3A_399, %slice3A_397 : vector<4x4096xf32>
    %lt3A_402 = arith.cmpi slt, %slice3A_400, %slice3A_398 : vector<4x4096xi32>
    %and3A = arith.andi %eq3A, %lt3A_402 : vector<4x4096xi1>
    %or3A = arith.ori %lt3A_401, %and3A : vector<4x4096xi1>
    %select_n3A_403 = arith.select %or3A, %slice3A_399, %slice3A_397 : vector<4x4096xi1>, vector<4x4096xf32>
    %select_n3A_404 = arith.select %or3A, %slice3A_400, %slice3A_398 : vector<4x4096xi1>, vector<4x4096xi32>
    %slice3A_405 = vector.extract_strided_slice %select_n3A_403 {offsets = [0, 0], sizes = [2, 4096], strides = [1, 1]} : vector<4x4096xf32> to vector<2x4096xf32>
    %slice3A_406 = vector.extract_strided_slice %select_n3A_404 {offsets = [0, 0], sizes = [2, 4096], strides = [1, 1]} : vector<4x4096xi32> to vector<2x4096xi32>
    %slice3A_407 = vector.extract_strided_slice %select_n3A_403 {offsets = [2, 0], sizes = [2, 4096], strides = [1, 1]} : vector<4x4096xf32> to vector<2x4096xf32>
    %slice3A_408 = vector.extract_strided_slice %select_n3A_404 {offsets = [2, 0], sizes = [2, 4096], strides = [1, 1]} : vector<4x4096xi32> to vector<2x4096xi32>
    %lt3A_409 = arith.cmpf olt, %slice3A_407, %slice3A_405 : vector<2x4096xf32>
    %eq3A_410 = arith.cmpf oeq, %slice3A_407, %slice3A_405 : vector<2x4096xf32>
    %lt3A_411 = arith.cmpi slt, %slice3A_408, %slice3A_406 : vector<2x4096xi32>
    %and3A_412 = arith.andi %eq3A_410, %lt3A_411 : vector<2x4096xi1>
    %or3A_413 = arith.ori %lt3A_409, %and3A_412 : vector<2x4096xi1>
    %select_n3A_414 = arith.select %or3A_413, %slice3A_407, %slice3A_405 : vector<2x4096xi1>, vector<2x4096xf32>
    %select_n3A_415 = arith.select %or3A_413, %slice3A_408, %slice3A_406 : vector<2x4096xi1>, vector<2x4096xi32>
    %slice3A_416 = vector.extract_strided_slice %select_n3A_414 {offsets = [0, 0], sizes = [1, 4096], strides = [1, 1]} : vector<2x4096xf32> to vector<1x4096xf32>
    %slice3A_417 = vector.extract_strided_slice %select_n3A_415 {offsets = [0, 0], sizes = [1, 4096], strides = [1, 1]} : vector<2x4096xi32> to vector<1x4096xi32>
    %slice3A_418 = vector.extract_strided_slice %select_n3A_414 {offsets = [1, 0], sizes = [1, 4096], strides = [1, 1]} : vector<2x4096xf32> to vector<1x4096xf32>
    %slice3A_419 = vector.extract_strided_slice %select_n3A_415 {offsets = [1, 0], sizes = [1, 4096], strides = [1, 1]} : vector<2x4096xi32> to vector<1x4096xi32>
    %lt3A_420 = arith.cmpf olt, %slice3A_418, %slice3A_416 : vector<1x4096xf32>
    %eq3A_421 = arith.cmpf oeq, %slice3A_418, %slice3A_416 : vector<1x4096xf32>
    %lt3A_422 = arith.cmpi slt, %slice3A_419, %slice3A_417 : vector<1x4096xi32>
    %and3A_423 = arith.andi %eq3A_421, %lt3A_422 : vector<1x4096xi1>
    %or3A_424 = arith.ori %lt3A_420, %and3A_423 : vector<1x4096xi1>
    %select_n3A_425 = arith.select %or3A_424, %slice3A_418, %slice3A_416 : vector<1x4096xi1>, vector<1x4096xf32>
    %select_n3A_426 = arith.select %or3A_424, %slice3A_419, %slice3A_417 : vector<1x4096xi1>, vector<1x4096xi32>
    %swap3A = arith.constant 0 : index
    %swap3A_427 = arith.constant 0 : index
    %swap3A_428 = vector.load %arg6[%swap3A, %swap3A_427] : memref<1x4096xi32, #tpu.memory_space<vmem>>, vector<1x4096xi32>
    tpu.vector_store %arg6[%swap3A, %swap3A_427], %select_n3A_426 {strides = array<i32>} : memref<1x4096xi32, #tpu.memory_space<vmem>>, vector<1x4096xi32>,
    %eq3A_429 = arith.constant 0 : i32
    %eq3A_430 = vector.broadcast %eq3A_429 : i32 to vector<1x128xi32>
    %eq3A_431 = arith.cmpi eq, %iota3A, %eq3A_430 : vector<1x128xi32>
    %reduce_sum3A = vector.shape_cast %select_n3A_425 : vector<1x4096xf32> to vector<1x1x4096xf32>
    %reduce_sum3A_432 = arith.constant dense<0.000000e+00> : vector<1xf32>
    %reduce_sum3A_433 = vector.multi_reduction <add>, %reduce_sum3A, %reduce_sum3A_432 [1, 2] : vector<1x1x4096xf32> to vector<1xf32>
    %reduce_sum3A_434 = vector.shape_cast %reduce_sum3A_433 : vector<1xf32> to vector<1x1x1xf32>
    %reduce_sum3A_435 = vector.extract %reduce_sum3A_434[0, 0, 0] : f32 from vector<1x1x1xf32>
    %jit3A_436 = arith.constant 0.000000e+00 : f32
    %broadcast_in_dim3A_437 = vector.broadcast %reduce_sum3A_435 : f32 to vector<1x128xf32>
    %broadcast_in_dim3A_438 = vector.broadcast %jit3A_436 : f32 to vector<1x128xf32>
    %select_n3A_439 = arith.select %eq3A_431, %broadcast_in_dim3A_437, %broadcast_in_dim3A_438 : vector<1x128xi1>, vector<1x128xf32>
    %add3A_440 = arith.addf %broadcast_in_dim3A_6, %select_n3A_439 : vector<1x128xf32>
    %get3A_441 = arith.constant 1 : index
    %get3A_442 = arith.constant 0 : index
    %get3A_443 = vector.load %arg2[%get3A_441, %get3A_442] : memref<8x4096xf32, #tpu.memory_space<vmem>>, vector<1x4096xf32>
    %get3A_444 = arith.constant 512 : index
    %get3A_445 = arith.constant 0 : index
    %get3A_446 = vector.load %arg4[%get3A_444, %get3A_445] : memref<2560x1xf32, #tpu.memory_space<vmem>>, vector<512x1xf32>
    %add3A_447 = vector.broadcast %get3A_443 : vector<1x4096xf32> to vector<512x4096xf32>
    %add3A_448 = vector.broadcast %get3A_446 : vector<512x1xf32> to vector<512x4096xf32>
    %add3A_449 = arith.addf %add3A_447, %add3A_448 : vector<512x4096xf32>
    %slice3A_450 = vector.extract_strided_slice %dot_general3A_5 {offsets = [512, 0], sizes = [512, 4096], strides = [1, 1]} : vector<2560x4096xf32> to vector<512x4096xf32>
    %add3A_451 = arith.addf %add3A_449, %slice3A_450 : vector<512x4096xf32>
    %slice3A_452 = vector.extract_strided_slice %add3A_451 {offsets = [0, 0], sizes = [8, 4096], strides = [1, 1]} : vector<512x4096xf32> to vector<8x4096xf32>
    %broadcast_in_dim3A_453 = arith.constant 0 : i32
    %broadcast_in_dim3A_454 = vector.broadcast %broadcast_in_dim3A_453 : i32 to vector<8x4096xi32>
    %slice3A_455 = vector.extract_strided_slice %add3A_451 {offsets = [8, 0], sizes = [8, 4096], strides = [1, 1]} : vector<512x4096xf32> to vector<8x4096xf32>
    %lt3A_456 = arith.cmpf olt, %slice3A_455, %slice3A_452 : vector<8x4096xf32>
    %min3A_457 = arith.minimumf %slice3A_452, %slice3A_455 : vector<8x4096xf32>
    %jit3A_458 = arith.constant 1 : i32
    %broadcast_in_dim3A_459 = vector.broadcast %jit3A_458 : i32 to vector<8x4096xi32>
    %select_n3A_460 = arith.select %lt3A_456, %broadcast_in_dim3A_459, %broadcast_in_dim3A_454 : vector<8x4096xi1>, vector<8x4096xi32>
    %slice3A_461 = vector.extract_strided_slice %add3A_451 {offsets = [16, 0], sizes = [8, 4096], strides = [1, 1]} : vector<512x4096xf32> to vector<8x4096xf32>
    %lt3A_462 = arith.cmpf olt, %slice3A_461, %min3A_457 : vector<8x4096xf32>
    %min3A_463 = arith.minimumf %min3A_457, %slice3A_461 : vector<8x4096xf32>
    %jit3A_464 = arith.constant 2 : i32
    %broadcast_in_dim3A_465 = vector.broadcast %jit3A_464 : i32 to vector<8x4096xi32>
    %select_n3A_466 = arith.select %lt3A_462, %broadcast_in_dim3A_465, %select_n3A_460 : vector<8x4096xi1>, vector<8x4096xi32>
    %slice3A_467 = vector.extract_strided_slice %add3A_451 {offsets = [24, 0], sizes = [8, 4096], strides = [1, 1]} : vector<512x4096xf32> to vector<8x4096xf32>
    %lt3A_468 = arith.cmpf olt, %slice3A_467, %min3A_463 : vector<8x4096xf32>
    %min3A_469 = arith.minimumf %min3A_463, %slice3A_467 : vector<8x4096xf32>
    %jit3A_470 = arith.constant 3 : i32
    %broadcast_in_dim3A_471 = vector.broadcast %jit3A_470 : i32 to vector<8x4096xi32>
    %select_n3A_472 = arith.select %lt3A_468, %broadcast_in_dim3A_471, %select_n3A_466 : vector<8x4096xi1>, vector<8x4096xi32>
    %slice3A_473 = vector.extract_strided_slice %add3A_451 {offsets = [32, 0], sizes = [8, 4096], strides = [1, 1]} : vector<512x4096xf32> to vector<8x4096xf32>
    %lt3A_474 = arith.cmpf olt, %slice3A_473, %min3A_469 : vector<8x4096xf32>
    %min3A_475 = arith.minimumf %min3A_469, %slice3A_473 : vector<8x4096xf32>
    %jit3A_476 = arith.constant 4 : i32
    %broadcast_in_dim3A_477 = vector.broadcast %jit3A_476 : i32 to vector<8x4096xi32>
    %select_n3A_478 = arith.select %lt3A_474, %broadcast_in_dim3A_477, %select_n3A_472 : vector<8x4096xi1>, vector<8x4096xi32>
    %slice3A_479 = vector.extract_strided_slice %add3A_451 {offsets = [40, 0], sizes = [8, 4096], strides = [1, 1]} : vector<512x4096xf32> to vector<8x4096xf32>
    %lt3A_480 = arith.cmpf olt, %slice3A_479, %min3A_475 : vector<8x4096xf32>
    %min3A_481 = arith.minimumf %min3A_475, %slice3A_479 : vector<8x4096xf32>
    %jit3A_482 = arith.constant 5 : i32
    %broadcast_in_dim3A_483 = vector.broadcast %jit3A_482 : i32 to vector<8x4096xi32>
    %select_n3A_484 = arith.select %lt3A_480, %broadcast_in_dim3A_483, %select_n3A_478 : vector<8x4096xi1>, vector<8x4096xi32>
    %slice3A_485 = vector.extract_strided_slice %add3A_451 {offsets = [48, 0], sizes = [8, 4096], strides = [1, 1]} : vector<512x4096xf32> to vector<8x4096xf32>
    %lt3A_486 = arith.cmpf olt, %slice3A_485, %min3A_481 : vector<8x4096xf32>
    %min3A_487 = arith.minimumf %min3A_481, %slice3A_485 : vector<8x4096xf32>
    %jit3A_488 = arith.constant 6 : i32
    %broadcast_in_dim3A_489 = vector.broadcast %jit3A_488 : i32 to vector<8x4096xi32>
    %select_n3A_490 = arith.select %lt3A_486, %broadcast_in_dim3A_489, %select_n3A_484 : vector<8x4096xi1>, vector<8x4096xi32>
    %slice3A_491 = vector.extract_strided_slice %add3A_451 {offsets = [56, 0], sizes = [8, 4096], strides = [1, 1]} : vector<512x4096xf32> to vector<8x4096xf32>
    %lt3A_492 = arith.cmpf olt, %slice3A_491, %min3A_487 : vector<8x4096xf32>
    %min3A_493 = arith.minimumf %min3A_487, %slice3A_491 : vector<8x4096xf32>
    %jit3A_494 = arith.constant 7 : i32
    %broadcast_in_dim3A_495 = vector.broadcast %jit3A_494 : i32 to vector<8x4096xi32>
    %select_n3A_496 = arith.select %lt3A_492, %broadcast_in_dim3A_495, %select_n3A_490 : vector<8x4096xi1>, vector<8x4096xi32>
    %slice3A_497 = vector.extract_strided_slice %add3A_451 {offsets = [64, 0], sizes = [8, 4096], strides = [1, 1]} : vector<512x4096xf32> to vector<8x4096xf32>
    %lt3A_498 = arith.cmpf olt, %slice3A_497, %min3A_493 : vector<8x4096xf32>
    %min3A_499 = arith.minimumf %min3A_493, %slice3A_497 : vector<8x4096xf32>
    %jit3A_500 = arith.constant 8 : i32
    %broadcast_in_dim3A_501 = vector.broadcast %jit3A_500 : i32 to vector<8x4096xi32>
    %select_n3A_502 = arith.select %lt3A_498, %broadcast_in_dim3A_501, %select_n3A_496 : vector<8x4096xi1>, vector<8x4096xi32>
    %slice3A_503 = vector.extract_strided_slice %add3A_451 {offsets = [72, 0], sizes = [8, 4096], strides = [1, 1]} : vector<512x4096xf32> to vector<8x4096xf32>
    %lt3A_504 = arith.cmpf olt, %slice3A_503, %min3A_499 : vector<8x4096xf32>
    %min3A_505 = arith.minimumf %min3A_499, %slice3A_503 : vector<8x4096xf32>
    %jit3A_506 = arith.constant 9 : i32
    %broadcast_in_dim3A_507 = vector.broadcast %jit3A_506 : i32 to vector<8x4096xi32>
    %select_n3A_508 = arith.select %lt3A_504, %broadcast_in_dim3A_507, %select_n3A_502 : vector<8x4096xi1>, vector<8x4096xi32>
    %slice3A_509 = vector.extract_strided_slice %add3A_451 {offsets = [80, 0], sizes = [8, 4096], strides = [1, 1]} : vector<512x4096xf32> to vector<8x4096xf32>
    %lt3A_510 = arith.cmpf olt, %slice3A_509, %min3A_505 : vector<8x4096xf32>
    %min3A_511 = arith.minimumf %min3A_505, %slice3A_509 : vector<8x4096xf32>
    %jit3A_512 = arith.constant 10 : i32
    %broadcast_in_dim3A_513 = vector.broadcast %jit3A_512 : i32 to vector<8x4096xi32>
    %select_n3A_514 = arith.select %lt3A_510, %broadcast_in_dim3A_513, %select_n3A_508 : vector<8x4096xi1>, vector<8x4096xi32>
    %slice3A_515 = vector.extract_strided_slice %add3A_451 {offsets = [88, 0], sizes = [8, 4096], strides = [1, 1]} : vector<512x4096xf32> to vector<8x4096xf32>
    %lt3A_516 = arith.cmpf olt, %slice3A_515, %min3A_511 : vector<8x4096xf32>
    %min3A_517 = arith.minimumf %min3A_511, %slice3A_515 : vector<8x4096xf32>
    %jit3A_518 = arith.constant 11 : i32
    %broadcast_in_dim3A_519 = vector.broadcast %jit3A_518 : i32 to vector<8x4096xi32>
    %select_n3A_520 = arith.select %lt3A_516, %broadcast_in_dim3A_519, %select_n3A_514 : vector<8x4096xi1>, vector<8x4096xi32>
    %slice3A_521 = vector.extract_strided_slice %add3A_451 {offsets = [96, 0], sizes = [8, 4096], strides = [1, 1]} : vector<512x4096xf32> to vector<8x4096xf32>
    %lt3A_522 = arith.cmpf olt, %slice3A_521, %min3A_517 : vector<8x4096xf32>
    %min3A_523 = arith.minimumf %min3A_517, %slice3A_521 : vector<8x4096xf32>
    %jit3A_524 = arith.constant 12 : i32
    %broadcast_in_dim3A_525 = vector.broadcast %jit3A_524 : i32 to vector<8x4096xi32>
    %select_n3A_526 = arith.select %lt3A_522, %broadcast_in_dim3A_525, %select_n3A_520 : vector<8x4096xi1>, vector<8x4096xi32>
    %slice3A_527 = vector.extract_strided_slice %add3A_451 {offsets = [104, 0], sizes = [8, 4096], strides = [1, 1]} : vector<512x4096xf32> to vector<8x4096xf32>
    %lt3A_528 = arith.cmpf olt, %slice3A_527, %min3A_523 : vector<8x4096xf32>
    %min3A_529 = arith.minimumf %min3A_523, %slice3A_527 : vector<8x4096xf32>
    %jit3A_530 = arith.constant 13 : i32
    %broadcast_in_dim3A_531 = vector.broadcast %jit3A_530 : i32 to vector<8x4096xi32>
    %select_n3A_532 = arith.select %lt3A_528, %broadcast_in_dim3A_531, %select_n3A_526 : vector<8x4096xi1>, vector<8x4096xi32>
    %slice3A_533 = vector.extract_strided_slice %add3A_451 {offsets = [112, 0], sizes = [8, 4096], strides = [1, 1]} : vector<512x4096xf32> to vector<8x4096xf32>
    %lt3A_534 = arith.cmpf olt, %slice3A_533, %min3A_529 : vector<8x4096xf32>
    %min3A_535 = arith.minimumf %min3A_529, %slice3A_533 : vector<8x4096xf32>
    %jit3A_536 = arith.constant 14 : i32
    %broadcast_in_dim3A_537 = vector.broadcast %jit3A_536 : i32 to vector<8x4096xi32>
    %select_n3A_538 = arith.select %lt3A_534, %broadcast_in_dim3A_537, %select_n3A_532 : vector<8x4096xi1>, vector<8x4096xi32>
    %slice3A_539 = vector.extract_strided_slice %add3A_451 {offsets = [120, 0], sizes = [8, 4096], strides = [1, 1]} : vector<512x4096xf32> to vector<8x4096xf32>
    %lt3A_540 = arith.cmpf olt, %slice3A_539, %min3A_535 : vector<8x4096xf32>
    %min3A_541 = arith.minimumf %min3A_535, %slice3A_539 : vector<8x4096xf32>
    %jit3A_542 = arith.constant 15 : i32
    %broadcast_in_dim3A_543 = vector.broadcast %jit3A_542 : i32 to vector<8x4096xi32>
    %select_n3A_544 = arith.select %lt3A_540, %broadcast_in_dim3A_543, %select_n3A_538 : vector<8x4096xi1>, vector<8x4096xi32>
    %slice3A_545 = vector.extract_strided_slice %add3A_451 {offsets = [128, 0], sizes = [8, 4096], strides = [1, 1]} : vector<512x4096xf32> to vector<8x4096xf32>
    %lt3A_546 = arith.cmpf olt, %slice3A_545, %min3A_541 : vector<8x4096xf32>
    %min3A_547 = arith.minimumf %min3A_541, %slice3A_545 : vector<8x4096xf32>
    %jit3A_548 = arith.constant 16 : i32
    %broadcast_in_dim3A_549 = vector.broadcast %jit3A_548 : i32 to vector<8x4096xi32>
    %select_n3A_550 = arith.select %lt3A_546, %broadcast_in_dim3A_549, %select_n3A_544 : vector<8x4096xi1>, vector<8x4096xi32>
    %slice3A_551 = vector.extract_strided_slice %add3A_451 {offsets = [136, 0], sizes = [8, 4096], strides = [1, 1]} : vector<512x4096xf32> to vector<8x4096xf32>
    %lt3A_552 = arith.cmpf olt, %slice3A_551, %min3A_547 : vector<8x4096xf32>
    %min3A_553 = arith.minimumf %min3A_547, %slice3A_551 : vector<8x4096xf32>
    %jit3A_554 = arith.constant 17 : i32
    %broadcast_in_dim3A_555 = vector.broadcast %jit3A_554 : i32 to vector<8x4096xi32>
    %select_n3A_556 = arith.select %lt3A_552, %broadcast_in_dim3A_555, %select_n3A_550 : vector<8x4096xi1>, vector<8x4096xi32>
    %slice3A_557 = vector.extract_strided_slice %add3A_451 {offsets = [144, 0], sizes = [8, 4096], strides = [1, 1]} : vector<512x4096xf32> to vector<8x4096xf32>
    %lt3A_558 = arith.cmpf olt, %slice3A_557, %min3A_553 : vector<8x4096xf32>
    %min3A_559 = arith.minimumf %min3A_553, %slice3A_557 : vector<8x4096xf32>
    %jit3A_560 = arith.constant 18 : i32
    %broadcast_in_dim3A_561 = vector.broadcast %jit3A_560 : i32 to vector<8x4096xi32>
    %select_n3A_562 = arith.select %lt3A_558, %broadcast_in_dim3A_561, %select_n3A_556 : vector<8x4096xi1>, vector<8x4096xi32>
    %slice3A_563 = vector.extract_strided_slice %add3A_451 {offsets = [152, 0], sizes = [8, 4096], strides = [1, 1]} : vector<512x4096xf32> to vector<8x4096xf32>
    %lt3A_564 = arith.cmpf olt, %slice3A_563, %min3A_559 : vector<8x4096xf32>
    %min3A_565 = arith.minimumf %min3A_559, %slice3A_563 : vector<8x4096xf32>
    %jit3A_566 = arith.constant 19 : i32
    %broadcast_in_dim3A_567 = vector.broadcast %jit3A_566 : i32 to vector<8x4096xi32>
    %select_n3A_568 = arith.select %lt3A_564, %broadcast_in_dim3A_567, %select_n3A_562 : vector<8x4096xi1>, vector<8x4096xi32>
    %slice3A_569 = vector.extract_strided_slice %add3A_451 {offsets = [160, 0], sizes = [8, 4096], strides = [1, 1]} : vector<512x4096xf32> to vector<8x4096xf32>
    %lt3A_570 = arith.cmpf olt, %slice3A_569, %min3A_565 : vector<8x4096xf32>
    %min3A_571 = arith.minimumf %min3A_565, %slice3A_569 : vector<8x4096xf32>
    %jit3A_572 = arith.constant 20 : i32
    %broadcast_in_dim3A_573 = vector.broadcast %jit3A_572 : i32 to vector<8x4096xi32>
    %select_n3A_574 = arith.select %lt3A_570, %broadcast_in_dim3A_573, %select_n3A_568 : vector<8x4096xi1>, vector<8x4096xi32>
    %slice3A_575 = vector.extract_strided_slice %add3A_451 {offsets = [168, 0], sizes = [8, 4096], strides = [1, 1]} : vector<512x4096xf32> to vector<8x4096xf32>
    %lt3A_576 = arith.cmpf olt, %slice3A_575, %min3A_571 : vector<8x4096xf32>
    %min3A_577 = arith.minimumf %min3A_571, %slice3A_575 : vector<8x4096xf32>
    %jit3A_578 = arith.constant 21 : i32
    %broadcast_in_dim3A_579 = vector.broadcast %jit3A_578 : i32 to vector<8x4096xi32>
    %select_n3A_580 = arith.select %lt3A_576, %broadcast_in_dim3A_579, %select_n3A_574 : vector<8x4096xi1>, vector<8x4096xi32>
    %slice3A_581 = vector.extract_strided_slice %add3A_451 {offsets = [176, 0], sizes = [8, 4096], strides = [1, 1]} : vector<512x4096xf32> to vector<8x4096xf32>
    %lt3A_582 = arith.cmpf olt, %slice3A_581, %min3A_577 : vector<8x4096xf32>
    %min3A_583 = arith.minimumf %min3A_577, %slice3A_581 : vector<8x4096xf32>
    %jit3A_584 = arith.constant 22 : i32
    %broadcast_in_dim3A_585 = vector.broadcast %jit3A_584 : i32 to vector<8x4096xi32>
    %select_n3A_586 = arith.select %lt3A_582, %broadcast_in_dim3A_585, %select_n3A_580 : vector<8x4096xi1>, vector<8x4096xi32>
    %slice3A_587 = vector.extract_strided_slice %add3A_451 {offsets = [184, 0], sizes = [8, 4096], strides = [1, 1]} : vector<512x4096xf32> to vector<8x4096xf32>
    %lt3A_588 = arith.cmpf olt, %slice3A_587, %min3A_583 : vector<8x4096xf32>
    %min3A_589 = arith.minimumf %min3A_583, %slice3A_587 : vector<8x4096xf32>
    %jit3A_590 = arith.constant 23 : i32
    %broadcast_in_dim3A_591 = vector.broadcast %jit3A_590 : i32 to vector<8x4096xi32>
    %select_n3A_592 = arith.select %lt3A_588, %broadcast_in_dim3A_591, %select_n3A_586 : vector<8x4096xi1>, vector<8x4096xi32>
    %slice3A_593 = vector.extract_strided_slice %add3A_451 {offsets = [192, 0], sizes = [8, 4096], strides = [1, 1]} : vector<512x4096xf32> to vector<8x4096xf32>
    %lt3A_594 = arith.cmpf olt, %slice3A_593, %min3A_589 : vector<8x4096xf32>
    %min3A_595 = arith.minimumf %min3A_589, %slice3A_593 : vector<8x4096xf32>
    %jit3A_596 = arith.constant 24 : i32
    %broadcast_in_dim3A_597 = vector.broadcast %jit3A_596 : i32 to vector<8x4096xi32>
    %select_n3A_598 = arith.select %lt3A_594, %broadcast_in_dim3A_597, %select_n3A_592 : vector<8x4096xi1>, vector<8x4096xi32>
    %slice3A_599 = vector.extract_strided_slice %add3A_451 {offsets = [200, 0], sizes = [8, 4096], strides = [1, 1]} : vector<512x4096xf32> to vector<8x4096xf32>
    %lt3A_600 = arith.cmpf olt, %slice3A_599, %min3A_595 : vector<8x4096xf32>
    %min3A_601 = arith.minimumf %min3A_595, %slice3A_599 : vector<8x4096xf32>
    %jit3A_602 = arith.constant 25 : i32
    %broadcast_in_dim3A_603 = vector.broadcast %jit3A_602 : i32 to vector<8x4096xi32>
    %select_n3A_604 = arith.select %lt3A_600, %broadcast_in_dim3A_603, %select_n3A_598 : vector<8x4096xi1>, vector<8x4096xi32>
    %slice3A_605 = vector.extract_strided_slice %add3A_451 {offsets = [208, 0], sizes = [8, 4096], strides = [1, 1]} : vector<512x4096xf32> to vector<8x4096xf32>
    %lt3A_606 = arith.cmpf olt, %slice3A_605, %min3A_601 : vector<8x4096xf32>
    %min3A_607 = arith.minimumf %min3A_601, %slice3A_605 : vector<8x4096xf32>
    %jit3A_608 = arith.constant 26 : i32
    %broadcast_in_dim3A_609 = vector.broadcast %jit3A_608 : i32 to vector<8x4096xi32>
    %select_n3A_610 = arith.select %lt3A_606, %broadcast_in_dim3A_609, %select_n3A_604 : vector<8x4096xi1>, vector<8x4096xi32>
    %slice3A_611 = vector.extract_strided_slice %add3A_451 {offsets = [216, 0], sizes = [8, 4096], strides = [1, 1]} : vector<512x4096xf32> to vector<8x4096xf32>
    %lt3A_612 = arith.cmpf olt, %slice3A_611, %min3A_607 : vector<8x4096xf32>
    %min3A_613 = arith.minimumf %min3A_607, %slice3A_611 : vector<8x4096xf32>
    %jit3A_614 = arith.constant 27 : i32
    %broadcast_in_dim3A_615 = vector.broadcast %jit3A_614 : i32 to vector<8x4096xi32>
    %select_n3A_616 = arith.select %lt3A_612, %broadcast_in_dim3A_615, %select_n3A_610 : vector<8x4096xi1>, vector<8x4096xi32>
    %slice3A_617 = vector.extract_strided_slice %add3A_451 {offsets = [224, 0], sizes = [8, 4096], strides = [1, 1]} : vector<512x4096xf32> to vector<8x4096xf32>
    %lt3A_618 = arith.cmpf olt, %slice3A_617, %min3A_613 : vector<8x4096xf32>
    %min3A_619 = arith.minimumf %min3A_613, %slice3A_617 : vector<8x4096xf32>
    %jit3A_620 = arith.constant 28 : i32
    %broadcast_in_dim3A_621 = vector.broadcast %jit3A_620 : i32 to vector<8x4096xi32>
    %select_n3A_622 = arith.select %lt3A_618, %broadcast_in_dim3A_621, %select_n3A_616 : vector<8x4096xi1>, vector<8x4096xi32>
    %slice3A_623 = vector.extract_strided_slice %add3A_451 {offsets = [232, 0], sizes = [8, 4096], strides = [1, 1]} : vector<512x4096xf32> to vector<8x4096xf32>
    %lt3A_624 = arith.cmpf olt, %slice3A_623, %min3A_619 : vector<8x4096xf32>
    %min3A_625 = arith.minimumf %min3A_619, %slice3A_623 : vector<8x4096xf32>
    %jit3A_626 = arith.constant 29 : i32
    %broadcast_in_dim3A_627 = vector.broadcast %jit3A_626 : i32 to vector<8x4096xi32>
    %select_n3A_628 = arith.select %lt3A_624, %broadcast_in_dim3A_627, %select_n3A_622 : vector<8x4096xi1>, vector<8x4096xi32>
    %slice3A_629 = vector.extract_strided_slice %add3A_451 {offsets = [240, 0], sizes = [8, 4096], strides = [1, 1]} : vector<512x4096xf32> to vector<8x4096xf32>
    %lt3A_630 = arith.cmpf olt, %slice3A_629, %min3A_625 : vector<8x4096xf32>
    %min3A_631 = arith.minimumf %min3A_625, %slice3A_629 : vector<8x4096xf32>
    %jit3A_632 = arith.constant 30 : i32
    %broadcast_in_dim3A_633 = vector.broadcast %jit3A_632 : i32 to vector<8x4096xi32>
    %select_n3A_634 = arith.select %lt3A_630, %broadcast_in_dim3A_633, %select_n3A_628 : vector<8x4096xi1>, vector<8x4096xi32>
    %slice3A_635 = vector.extract_strided_slice %add3A_451 {offsets = [248, 0], sizes = [8, 4096], strides = [1, 1]} : vector<512x4096xf32> to vector<8x4096xf32>
    %lt3A_636 = arith.cmpf olt, %slice3A_635, %min3A_631 : vector<8x4096xf32>
    %min3A_637 = arith.minimumf %min3A_631, %slice3A_635 : vector<8x4096xf32>
    %jit3A_638 = arith.constant 31 : i32
    %broadcast_in_dim3A_639 = vector.broadcast %jit3A_638 : i32 to vector<8x4096xi32>
    %select_n3A_640 = arith.select %lt3A_636, %broadcast_in_dim3A_639, %select_n3A_634 : vector<8x4096xi1>, vector<8x4096xi32>
    %slice3A_641 = vector.extract_strided_slice %add3A_451 {offsets = [256, 0], sizes = [8, 4096], strides = [1, 1]} : vector<512x4096xf32> to vector<8x4096xf32>
    %lt3A_642 = arith.cmpf olt, %slice3A_641, %min3A_637 : vector<8x4096xf32>
    %min3A_643 = arith.minimumf %min3A_637, %slice3A_641 : vector<8x4096xf32>
    %jit3A_644 = arith.constant 32 : i32
    %broadcast_in_dim3A_645 = vector.broadcast %jit3A_644 : i32 to vector<8x4096xi32>
    %select_n3A_646 = arith.select %lt3A_642, %broadcast_in_dim3A_645, %select_n3A_640 : vector<8x4096xi1>, vector<8x4096xi32>
    %slice3A_647 = vector.extract_strided_slice %add3A_451 {offsets = [264, 0], sizes = [8, 4096], strides = [1, 1]} : vector<512x4096xf32> to vector<8x4096xf32>
    %lt3A_648 = arith.cmpf olt, %slice3A_647, %min3A_643 : vector<8x4096xf32>
    %min3A_649 = arith.minimumf %min3A_643, %slice3A_647 : vector<8x4096xf32>
    %jit3A_650 = arith.constant 33 : i32
    %broadcast_in_dim3A_651 = vector.broadcast %jit3A_650 : i32 to vector<8x4096xi32>
    %select_n3A_652 = arith.select %lt3A_648, %broadcast_in_dim3A_651, %select_n3A_646 : vector<8x4096xi1>, vector<8x4096xi32>
    %slice3A_653 = vector.extract_strided_slice %add3A_451 {offsets = [272, 0], sizes = [8, 4096], strides = [1, 1]} : vector<512x4096xf32> to vector<8x4096xf32>
    %lt3A_654 = arith.cmpf olt, %slice3A_653, %min3A_649 : vector<8x4096xf32>
    %min3A_655 = arith.minimumf %min3A_649, %slice3A_653 : vector<8x4096xf32>
    %jit3A_656 = arith.constant 34 : i32
    %broadcast_in_dim3A_657 = vector.broadcast %jit3A_656 : i32 to vector<8x4096xi32>
    %select_n3A_658 = arith.select %lt3A_654, %broadcast_in_dim3A_657, %select_n3A_652 : vector<8x4096xi1>, vector<8x4096xi32>
    %slice3A_659 = vector.extract_strided_slice %add3A_451 {offsets = [280, 0], sizes = [8, 4096], strides = [1, 1]} : vector<512x4096xf32> to vector<8x4096xf32>
    %lt3A_660 = arith.cmpf olt, %slice3A_659, %min3A_655 : vector<8x4096xf32>
    %min3A_661 = arith.minimumf %min3A_655, %slice3A_659 : vector<8x4096xf32>
    %jit3A_662 = arith.constant 35 : i32
    %broadcast_in_dim3A_663 = vector.broadcast %jit3A_662 : i32 to vector<8x4096xi32>
    %select_n3A_664 = arith.select %lt3A_660, %broadcast_in_dim3A_663, %select_n3A_658 : vector<8x4096xi1>, vector<8x4096xi32>
    %slice3A_665 = vector.extract_strided_slice %add3A_451 {offsets = [288, 0], sizes = [8, 4096], strides = [1, 1]} : vector<512x4096xf32> to vector<8x4096xf32>
    %lt3A_666 = arith.cmpf olt, %slice3A_665, %min3A_661 : vector<8x4096xf32>
    %min3A_667 = arith.minimumf %min3A_661, %slice3A_665 : vector<8x4096xf32>
    %jit3A_668 = arith.constant 36 : i32
    %broadcast_in_dim3A_669 = vector.broadcast %jit3A_668 : i32 to vector<8x4096xi32>
    %select_n3A_670 = arith.select %lt3A_666, %broadcast_in_dim3A_669, %select_n3A_664 : vector<8x4096xi1>, vector<8x4096xi32>
    %slice3A_671 = vector.extract_strided_slice %add3A_451 {offsets = [296, 0], sizes = [8, 4096], strides = [1, 1]} : vector<512x4096xf32> to vector<8x4096xf32>
    %lt3A_672 = arith.cmpf olt, %slice3A_671, %min3A_667 : vector<8x4096xf32>
    %min3A_673 = arith.minimumf %min3A_667, %slice3A_671 : vector<8x4096xf32>
    %jit3A_674 = arith.constant 37 : i32
    %broadcast_in_dim3A_675 = vector.broadcast %jit3A_674 : i32 to vector<8x4096xi32>
    %select_n3A_676 = arith.select %lt3A_672, %broadcast_in_dim3A_675, %select_n3A_670 : vector<8x4096xi1>, vector<8x4096xi32>
    %slice3A_677 = vector.extract_strided_slice %add3A_451 {offsets = [304, 0], sizes = [8, 4096], strides = [1, 1]} : vector<512x4096xf32> to vector<8x4096xf32>
    %lt3A_678 = arith.cmpf olt, %slice3A_677, %min3A_673 : vector<8x4096xf32>
    %min3A_679 = arith.minimumf %min3A_673, %slice3A_677 : vector<8x4096xf32>
    %jit3A_680 = arith.constant 38 : i32
    %broadcast_in_dim3A_681 = vector.broadcast %jit3A_680 : i32 to vector<8x4096xi32>
    %select_n3A_682 = arith.select %lt3A_678, %broadcast_in_dim3A_681, %select_n3A_676 : vector<8x4096xi1>, vector<8x4096xi32>
    %slice3A_683 = vector.extract_strided_slice %add3A_451 {offsets = [312, 0], sizes = [8, 4096], strides = [1, 1]} : vector<512x4096xf32> to vector<8x4096xf32>
    %lt3A_684 = arith.cmpf olt, %slice3A_683, %min3A_679 : vector<8x4096xf32>
    %min3A_685 = arith.minimumf %min3A_679, %slice3A_683 : vector<8x4096xf32>
    %jit3A_686 = arith.constant 39 : i32
    %broadcast_in_dim3A_687 = vector.broadcast %jit3A_686 : i32 to vector<8x4096xi32>
    %select_n3A_688 = arith.select %lt3A_684, %broadcast_in_dim3A_687, %select_n3A_682 : vector<8x4096xi1>, vector<8x4096xi32>
    %slice3A_689 = vector.extract_strided_slice %add3A_451 {offsets = [320, 0], sizes = [8, 4096], strides = [1, 1]} : vector<512x4096xf32> to vector<8x4096xf32>
    %lt3A_690 = arith.cmpf olt, %slice3A_689, %min3A_685 : vector<8x4096xf32>
    %min3A_691 = arith.minimumf %min3A_685, %slice3A_689 : vector<8x4096xf32>
    %jit3A_692 = arith.constant 40 : i32
    %broadcast_in_dim3A_693 = vector.broadcast %jit3A_692 : i32 to vector<8x4096xi32>
    %select_n3A_694 = arith.select %lt3A_690, %broadcast_in_dim3A_693, %select_n3A_688 : vector<8x4096xi1>, vector<8x4096xi32>
    %slice3A_695 = vector.extract_strided_slice %add3A_451 {offsets = [328, 0], sizes = [8, 4096], strides = [1, 1]} : vector<512x4096xf32> to vector<8x4096xf32>
    %lt3A_696 = arith.cmpf olt, %slice3A_695, %min3A_691 : vector<8x4096xf32>
    %min3A_697 = arith.minimumf %min3A_691, %slice3A_695 : vector<8x4096xf32>
    %jit3A_698 = arith.constant 41 : i32
    %broadcast_in_dim3A_699 = vector.broadcast %jit3A_698 : i32 to vector<8x4096xi32>
    %select_n3A_700 = arith.select %lt3A_696, %broadcast_in_dim3A_699, %select_n3A_694 : vector<8x4096xi1>, vector<8x4096xi32>
    %slice3A_701 = vector.extract_strided_slice %add3A_451 {offsets = [336, 0], sizes = [8, 4096], strides = [1, 1]} : vector<512x4096xf32> to vector<8x4096xf32>
    %lt3A_702 = arith.cmpf olt, %slice3A_701, %min3A_697 : vector<8x4096xf32>
    %min3A_703 = arith.minimumf %min3A_697, %slice3A_701 : vector<8x4096xf32>
    %jit3A_704 = arith.constant 42 : i32
    %broadcast_in_dim3A_705 = vector.broadcast %jit3A_704 : i32 to vector<8x4096xi32>
    %select_n3A_706 = arith.select %lt3A_702, %broadcast_in_dim3A_705, %select_n3A_700 : vector<8x4096xi1>, vector<8x4096xi32>
    %slice3A_707 = vector.extract_strided_slice %add3A_451 {offsets = [344, 0], sizes = [8, 4096], strides = [1, 1]} : vector<512x4096xf32> to vector<8x4096xf32>
    %lt3A_708 = arith.cmpf olt, %slice3A_707, %min3A_703 : vector<8x4096xf32>
    %min3A_709 = arith.minimumf %min3A_703, %slice3A_707 : vector<8x4096xf32>
    %jit3A_710 = arith.constant 43 : i32
    %broadcast_in_dim3A_711 = vector.broadcast %jit3A_710 : i32 to vector<8x4096xi32>
    %select_n3A_712 = arith.select %lt3A_708, %broadcast_in_dim3A_711, %select_n3A_706 : vector<8x4096xi1>, vector<8x4096xi32>
    %slice3A_713 = vector.extract_strided_slice %add3A_451 {offsets = [352, 0], sizes = [8, 4096], strides = [1, 1]} : vector<512x4096xf32> to vector<8x4096xf32>
    %lt3A_714 = arith.cmpf olt, %slice3A_713, %min3A_709 : vector<8x4096xf32>
    %min3A_715 = arith.minimumf %min3A_709, %slice3A_713 : vector<8x4096xf32>
    %jit3A_716 = arith.constant 44 : i32
    %broadcast_in_dim3A_717 = vector.broadcast %jit3A_716 : i32 to vector<8x4096xi32>
    %select_n3A_718 = arith.select %lt3A_714, %broadcast_in_dim3A_717, %select_n3A_712 : vector<8x4096xi1>, vector<8x4096xi32>
    %slice3A_719 = vector.extract_strided_slice %add3A_451 {offsets = [360, 0], sizes = [8, 4096], strides = [1, 1]} : vector<512x4096xf32> to vector<8x4096xf32>
    %lt3A_720 = arith.cmpf olt, %slice3A_719, %min3A_715 : vector<8x4096xf32>
    %min3A_721 = arith.minimumf %min3A_715, %slice3A_719 : vector<8x4096xf32>
    %jit3A_722 = arith.constant 45 : i32
    %broadcast_in_dim3A_723 = vector.broadcast %jit3A_722 : i32 to vector<8x4096xi32>
    %select_n3A_724 = arith.select %lt3A_720, %broadcast_in_dim3A_723, %select_n3A_718 : vector<8x4096xi1>, vector<8x4096xi32>
    %slice3A_725 = vector.extract_strided_slice %add3A_451 {offsets = [368, 0], sizes = [8, 4096], strides = [1, 1]} : vector<512x4096xf32> to vector<8x4096xf32>
    %lt3A_726 = arith.cmpf olt, %slice3A_725, %min3A_721 : vector<8x4096xf32>
    %min3A_727 = arith.minimumf %min3A_721, %slice3A_725 : vector<8x4096xf32>
    %jit3A_728 = arith.constant 46 : i32
    %broadcast_in_dim3A_729 = vector.broadcast %jit3A_728 : i32 to vector<8x4096xi32>
    %select_n3A_730 = arith.select %lt3A_726, %broadcast_in_dim3A_729, %select_n3A_724 : vector<8x4096xi1>, vector<8x4096xi32>
    %slice3A_731 = vector.extract_strided_slice %add3A_451 {offsets = [376, 0], sizes = [8, 4096], strides = [1, 1]} : vector<512x4096xf32> to vector<8x4096xf32>
    %lt3A_732 = arith.cmpf olt, %slice3A_731, %min3A_727 : vector<8x4096xf32>
    %min3A_733 = arith.minimumf %min3A_727, %slice3A_731 : vector<8x4096xf32>
    %jit3A_734 = arith.constant 47 : i32
    %broadcast_in_dim3A_735 = vector.broadcast %jit3A_734 : i32 to vector<8x4096xi32>
    %select_n3A_736 = arith.select %lt3A_732, %broadcast_in_dim3A_735, %select_n3A_730 : vector<8x4096xi1>, vector<8x4096xi32>
    %slice3A_737 = vector.extract_strided_slice %add3A_451 {offsets = [384, 0], sizes = [8, 4096], strides = [1, 1]} : vector<512x4096xf32> to vector<8x4096xf32>
    %lt3A_738 = arith.cmpf olt, %slice3A_737, %min3A_733 : vector<8x4096xf32>
    %min3A_739 = arith.minimumf %min3A_733, %slice3A_737 : vector<8x4096xf32>
    %jit3A_740 = arith.constant 48 : i32
    %broadcast_in_dim3A_741 = vector.broadcast %jit3A_740 : i32 to vector<8x4096xi32>
    %select_n3A_742 = arith.select %lt3A_738, %broadcast_in_dim3A_741, %select_n3A_736 : vector<8x4096xi1>, vector<8x4096xi32>
    %slice3A_743 = vector.extract_strided_slice %add3A_451 {offsets = [392, 0], sizes = [8, 4096], strides = [1, 1]} : vector<512x4096xf32> to vector<8x4096xf32>
    %lt3A_744 = arith.cmpf olt, %slice3A_743, %min3A_739 : vector<8x4096xf32>
    %min3A_745 = arith.minimumf %min3A_739, %slice3A_743 : vector<8x4096xf32>
    %jit3A_746 = arith.constant 49 : i32
    %broadcast_in_dim3A_747 = vector.broadcast %jit3A_746 : i32 to vector<8x4096xi32>
    %select_n3A_748 = arith.select %lt3A_744, %broadcast_in_dim3A_747, %select_n3A_742 : vector<8x4096xi1>, vector<8x4096xi32>
    %slice3A_749 = vector.extract_strided_slice %add3A_451 {offsets = [400, 0], sizes = [8, 4096], strides = [1, 1]} : vector<512x4096xf32> to vector<8x4096xf32>
    %lt3A_750 = arith.cmpf olt, %slice3A_749, %min3A_745 : vector<8x4096xf32>
    %min3A_751 = arith.minimumf %min3A_745, %slice3A_749 : vector<8x4096xf32>
    %jit3A_752 = arith.constant 50 : i32
    %broadcast_in_dim3A_753 = vector.broadcast %jit3A_752 : i32 to vector<8x4096xi32>
    %select_n3A_754 = arith.select %lt3A_750, %broadcast_in_dim3A_753, %select_n3A_748 : vector<8x4096xi1>, vector<8x4096xi32>
    %slice3A_755 = vector.extract_strided_slice %add3A_451 {offsets = [408, 0], sizes = [8, 4096], strides = [1, 1]} : vector<512x4096xf32> to vector<8x4096xf32>
    %lt3A_756 = arith.cmpf olt, %slice3A_755, %min3A_751 : vector<8x4096xf32>
    %min3A_757 = arith.minimumf %min3A_751, %slice3A_755 : vector<8x4096xf32>
    %jit3A_758 = arith.constant 51 : i32
    %broadcast_in_dim3A_759 = vector.broadcast %jit3A_758 : i32 to vector<8x4096xi32>
    %select_n3A_760 = arith.select %lt3A_756, %broadcast_in_dim3A_759, %select_n3A_754 : vector<8x4096xi1>, vector<8x4096xi32>
    %slice3A_761 = vector.extract_strided_slice %add3A_451 {offsets = [416, 0], sizes = [8, 4096], strides = [1, 1]} : vector<512x4096xf32> to vector<8x4096xf32>
    %lt3A_762 = arith.cmpf olt, %slice3A_761, %min3A_757 : vector<8x4096xf32>
    %min3A_763 = arith.minimumf %min3A_757, %slice3A_761 : vector<8x4096xf32>
    %jit3A_764 = arith.constant 52 : i32
    %broadcast_in_dim3A_765 = vector.broadcast %jit3A_764 : i32 to vector<8x4096xi32>
    %select_n3A_766 = arith.select %lt3A_762, %broadcast_in_dim3A_765, %select_n3A_760 : vector<8x4096xi1>, vector<8x4096xi32>
    %slice3A_767 = vector.extract_strided_slice %add3A_451 {offsets = [424, 0], sizes = [8, 4096], strides = [1, 1]} : vector<512x4096xf32> to vector<8x4096xf32>
    %lt3A_768 = arith.cmpf olt, %slice3A_767, %min3A_763 : vector<8x4096xf32>
    %min3A_769 = arith.minimumf %min3A_763, %slice3A_767 : vector<8x4096xf32>
    %jit3A_770 = arith.constant 53 : i32
    %broadcast_in_dim3A_771 = vector.broadcast %jit3A_770 : i32 to vector<8x4096xi32>
    %select_n3A_772 = arith.select %lt3A_768, %broadcast_in_dim3A_771, %select_n3A_766 : vector<8x4096xi1>, vector<8x4096xi32>
    %slice3A_773 = vector.extract_strided_slice %add3A_451 {offsets = [432, 0], sizes = [8, 4096], strides = [1, 1]} : vector<512x4096xf32> to vector<8x4096xf32>
    %lt3A_774 = arith.cmpf olt, %slice3A_773, %min3A_769 : vector<8x4096xf32>
    %min3A_775 = arith.minimumf %min3A_769, %slice3A_773 : vector<8x4096xf32>
    %jit3A_776 = arith.constant 54 : i32
    %broadcast_in_dim3A_777 = vector.broadcast %jit3A_776 : i32 to vector<8x4096xi32>
    %select_n3A_778 = arith.select %lt3A_774, %broadcast_in_dim3A_777, %select_n3A_772 : vector<8x4096xi1>, vector<8x4096xi32>
    %slice3A_779 = vector.extract_strided_slice %add3A_451 {offsets = [440, 0], sizes = [8, 4096], strides = [1, 1]} : vector<512x4096xf32> to vector<8x4096xf32>
    %lt3A_780 = arith.cmpf olt, %slice3A_779, %min3A_775 : vector<8x4096xf32>
    %min3A_781 = arith.minimumf %min3A_775, %slice3A_779 : vector<8x4096xf32>
    %jit3A_782 = arith.constant 55 : i32
    %broadcast_in_dim3A_783 = vector.broadcast %jit3A_782 : i32 to vector<8x4096xi32>
    %select_n3A_784 = arith.select %lt3A_780, %broadcast_in_dim3A_783, %select_n3A_778 : vector<8x4096xi1>, vector<8x4096xi32>
    %slice3A_785 = vector.extract_strided_slice %add3A_451 {offsets = [448, 0], sizes = [8, 4096], strides = [1, 1]} : vector<512x4096xf32> to vector<8x4096xf32>
    %lt3A_786 = arith.cmpf olt, %slice3A_785, %min3A_781 : vector<8x4096xf32>
    %min3A_787 = arith.minimumf %min3A_781, %slice3A_785 : vector<8x4096xf32>
    %jit3A_788 = arith.constant 56 : i32
    %broadcast_in_dim3A_789 = vector.broadcast %jit3A_788 : i32 to vector<8x4096xi32>
    %select_n3A_790 = arith.select %lt3A_786, %broadcast_in_dim3A_789, %select_n3A_784 : vector<8x4096xi1>, vector<8x4096xi32>
    %slice3A_791 = vector.extract_strided_slice %add3A_451 {offsets = [456, 0], sizes = [8, 4096], strides = [1, 1]} : vector<512x4096xf32> to vector<8x4096xf32>
    %lt3A_792 = arith.cmpf olt, %slice3A_791, %min3A_787 : vector<8x4096xf32>
    %min3A_793 = arith.minimumf %min3A_787, %slice3A_791 : vector<8x4096xf32>
    %jit3A_794 = arith.constant 57 : i32
    %broadcast_in_dim3A_795 = vector.broadcast %jit3A_794 : i32 to vector<8x4096xi32>
    %select_n3A_796 = arith.select %lt3A_792, %broadcast_in_dim3A_795, %select_n3A_790 : vector<8x4096xi1>, vector<8x4096xi32>
    %slice3A_797 = vector.extract_strided_slice %add3A_451 {offsets = [464, 0], sizes = [8, 4096], strides = [1, 1]} : vector<512x4096xf32> to vector<8x4096xf32>
    %lt3A_798 = arith.cmpf olt, %slice3A_797, %min3A_793 : vector<8x4096xf32>
    %min3A_799 = arith.minimumf %min3A_793, %slice3A_797 : vector<8x4096xf32>
    %jit3A_800 = arith.constant 58 : i32
    %broadcast_in_dim3A_801 = vector.broadcast %jit3A_800 : i32 to vector<8x4096xi32>
    %select_n3A_802 = arith.select %lt3A_798, %broadcast_in_dim3A_801, %select_n3A_796 : vector<8x4096xi1>, vector<8x4096xi32>
    %slice3A_803 = vector.extract_strided_slice %add3A_451 {offsets = [472, 0], sizes = [8, 4096], strides = [1, 1]} : vector<512x4096xf32> to vector<8x4096xf32>
    %lt3A_804 = arith.cmpf olt, %slice3A_803, %min3A_799 : vector<8x4096xf32>
    %min3A_805 = arith.minimumf %min3A_799, %slice3A_803 : vector<8x4096xf32>
    %jit3A_806 = arith.constant 59 : i32
    %broadcast_in_dim3A_807 = vector.broadcast %jit3A_806 : i32 to vector<8x4096xi32>
    %select_n3A_808 = arith.select %lt3A_804, %broadcast_in_dim3A_807, %select_n3A_802 : vector<8x4096xi1>, vector<8x4096xi32>
    %slice3A_809 = vector.extract_strided_slice %add3A_451 {offsets = [480, 0], sizes = [8, 4096], strides = [1, 1]} : vector<512x4096xf32> to vector<8x4096xf32>
    %lt3A_810 = arith.cmpf olt, %slice3A_809, %min3A_805 : vector<8x4096xf32>
    %min3A_811 = arith.minimumf %min3A_805, %slice3A_809 : vector<8x4096xf32>
    %jit3A_812 = arith.constant 60 : i32
    %broadcast_in_dim3A_813 = vector.broadcast %jit3A_812 : i32 to vector<8x4096xi32>
    %select_n3A_814 = arith.select %lt3A_810, %broadcast_in_dim3A_813, %select_n3A_808 : vector<8x4096xi1>, vector<8x4096xi32>
    %slice3A_815 = vector.extract_strided_slice %add3A_451 {offsets = [488, 0], sizes = [8, 4096], strides = [1, 1]} : vector<512x4096xf32> to vector<8x4096xf32>
    %lt3A_816 = arith.cmpf olt, %slice3A_815, %min3A_811 : vector<8x4096xf32>
    %min3A_817 = arith.minimumf %min3A_811, %slice3A_815 : vector<8x4096xf32>
    %jit3A_818 = arith.constant 61 : i32
    %broadcast_in_dim3A_819 = vector.broadcast %jit3A_818 : i32 to vector<8x4096xi32>
    %select_n3A_820 = arith.select %lt3A_816, %broadcast_in_dim3A_819, %select_n3A_814 : vector<8x4096xi1>, vector<8x4096xi32>
    %slice3A_821 = vector.extract_strided_slice %add3A_451 {offsets = [496, 0], sizes = [8, 4096], strides = [1, 1]} : vector<512x4096xf32> to vector<8x4096xf32>
    %lt3A_822 = arith.cmpf olt, %slice3A_821, %min3A_817 : vector<8x4096xf32>
    %min3A_823 = arith.minimumf %min3A_817, %slice3A_821 : vector<8x4096xf32>
    %jit3A_824 = arith.constant 62 : i32
    %broadcast_in_dim3A_825 = vector.broadcast %jit3A_824 : i32 to vector<8x4096xi32>
    %select_n3A_826 = arith.select %lt3A_822, %broadcast_in_dim3A_825, %select_n3A_820 : vector<8x4096xi1>, vector<8x4096xi32>
    %slice3A_827 = vector.extract_strided_slice %add3A_451 {offsets = [504, 0], sizes = [8, 4096], strides = [1, 1]} : vector<512x4096xf32> to vector<8x4096xf32>
    %lt3A_828 = arith.cmpf olt, %slice3A_827, %min3A_823 : vector<8x4096xf32>
    %min3A_829 = arith.minimumf %min3A_823, %slice3A_827 : vector<8x4096xf32>
    %jit3A_830 = arith.constant 63 : i32
    %broadcast_in_dim3A_831 = vector.broadcast %jit3A_830 : i32 to vector<8x4096xi32>
    %select_n3A_832 = arith.select %lt3A_828, %broadcast_in_dim3A_831, %select_n3A_826 : vector<8x4096xi1>, vector<8x4096xi32>
    %mul3A_833 = arith.constant 8 : i32
    %mul3A_834 = vector.broadcast %mul3A_833 : i32 to vector<8x4096xi32>
    %mul3A_835 = arith.muli %select_n3A_832, %mul3A_834 : vector<8x4096xi32>
    %add3A_836 = arith.addi %mul3A_835, %iota3A_7 : vector<8x4096xi32>
    %slice3A_837 = vector.extract_strided_slice %min3A_829 {offsets = [0, 0], sizes = [4, 4096], strides = [1, 1]} : vector<8x4096xf32> to vector<4x4096xf32>
    %slice3A_838 = vector.extract_strided_slice %add3A_836 {offsets = [0, 0], sizes = [4, 4096], strides = [1, 1]} : vector<8x4096xi32> to vector<4x4096xi32>
    %slice3A_839 = vector.extract_strided_slice %min3A_829 {offsets = [4, 0], sizes = [4, 4096], strides = [1, 1]} : vector<8x4096xf32> to vector<4x4096xf32>
    %slice3A_840 = vector.extract_strided_slice %add3A_836 {offsets = [4, 0], sizes = [4, 4096], strides = [1, 1]} : vector<8x4096xi32> to vector<4x4096xi32>
    %lt3A_841 = arith.cmpf olt, %slice3A_839, %slice3A_837 : vector<4x4096xf32>
    %eq3A_842 = arith.cmpf oeq, %slice3A_839, %slice3A_837 : vector<4x4096xf32>
    %lt3A_843 = arith.cmpi slt, %slice3A_840, %slice3A_838 : vector<4x4096xi32>
    %and3A_844 = arith.andi %eq3A_842, %lt3A_843 : vector<4x4096xi1>
    %or3A_845 = arith.ori %lt3A_841, %and3A_844 : vector<4x4096xi1>
    %select_n3A_846 = arith.select %or3A_845, %slice3A_839, %slice3A_837 : vector<4x4096xi1>, vector<4x4096xf32>
    %select_n3A_847 = arith.select %or3A_845, %slice3A_840, %slice3A_838 : vector<4x4096xi1>, vector<4x4096xi32>
    %slice3A_848 = vector.extract_strided_slice %select_n3A_846 {offsets = [0, 0], sizes = [2, 4096], strides = [1, 1]} : vector<4x4096xf32> to vector<2x4096xf32>
    %slice3A_849 = vector.extract_strided_slice %select_n3A_847 {offsets = [0, 0], sizes = [2, 4096], strides = [1, 1]} : vector<4x4096xi32> to vector<2x4096xi32>
    %slice3A_850 = vector.extract_strided_slice %select_n3A_846 {offsets = [2, 0], sizes = [2, 4096], strides = [1, 1]} : vector<4x4096xf32> to vector<2x4096xf32>
    %slice3A_851 = vector.extract_strided_slice %select_n3A_847 {offsets = [2, 0], sizes = [2, 4096], strides = [1, 1]} : vector<4x4096xi32> to vector<2x4096xi32>
    %lt3A_852 = arith.cmpf olt, %slice3A_850, %slice3A_848 : vector<2x4096xf32>
    %eq3A_853 = arith.cmpf oeq, %slice3A_850, %slice3A_848 : vector<2x4096xf32>
    %lt3A_854 = arith.cmpi slt, %slice3A_851, %slice3A_849 : vector<2x4096xi32>
    %and3A_855 = arith.andi %eq3A_853, %lt3A_854 : vector<2x4096xi1>
    %or3A_856 = arith.ori %lt3A_852, %and3A_855 : vector<2x4096xi1>
    %select_n3A_857 = arith.select %or3A_856, %slice3A_850, %slice3A_848 : vector<2x4096xi1>, vector<2x4096xf32>
    %select_n3A_858 = arith.select %or3A_856, %slice3A_851, %slice3A_849 : vector<2x4096xi1>, vector<2x4096xi32>
    %slice3A_859 = vector.extract_strided_slice %select_n3A_857 {offsets = [0, 0], sizes = [1, 4096], strides = [1, 1]} : vector<2x4096xf32> to vector<1x4096xf32>
    %slice3A_860 = vector.extract_strided_slice %select_n3A_858 {offsets = [0, 0], sizes = [1, 4096], strides = [1, 1]} : vector<2x4096xi32> to vector<1x4096xi32>
    %slice3A_861 = vector.extract_strided_slice %select_n3A_857 {offsets = [1, 0], sizes = [1, 4096], strides = [1, 1]} : vector<2x4096xf32> to vector<1x4096xf32>
    %slice3A_862 = vector.extract_strided_slice %select_n3A_858 {offsets = [1, 0], sizes = [1, 4096], strides = [1, 1]} : vector<2x4096xi32> to vector<1x4096xi32>
    %lt3A_863 = arith.cmpf olt, %slice3A_861, %slice3A_859 : vector<1x4096xf32>
    %eq3A_864 = arith.cmpf oeq, %slice3A_861, %slice3A_859 : vector<1x4096xf32>
    %lt3A_865 = arith.cmpi slt, %slice3A_862, %slice3A_860 : vector<1x4096xi32>
    %and3A_866 = arith.andi %eq3A_864, %lt3A_865 : vector<1x4096xi1>
    %or3A_867 = arith.ori %lt3A_863, %and3A_866 : vector<1x4096xi1>
    %select_n3A_868 = arith.select %or3A_867, %slice3A_861, %slice3A_859 : vector<1x4096xi1>, vector<1x4096xf32>
    %select_n3A_869 = arith.select %or3A_867, %slice3A_862, %slice3A_860 : vector<1x4096xi1>, vector<1x4096xi32>
    %swap3A_870 = arith.constant 0 : index
    %swap3A_871 = arith.constant 0 : index
    %swap3A_872 = vector.load %arg7[%swap3A_870, %swap3A_871] : memref<1x4096xi32, #tpu.memory_space<vmem>>, vector<1x4096xi32>
    tpu.vector_store %arg7[%swap3A_870, %swap3A_871], %select_n3A_869 {strides = array<i32>} : memref<1x4096xi32, #tpu.memory_space<vmem>>, vector<1x4096xi32>,
    %eq3A_873 = arith.constant 1 : i32
    %eq3A_874 = vector.broadcast %eq3A_873 : i32 to vector<1x128xi32>
    %eq3A_875 = arith.cmpi eq, %iota3A, %eq3A_874 : vector<1x128xi32>
    %reduce_sum3A_876 = vector.shape_cast %select_n3A_868 : vector<1x4096xf32> to vector<1x1x4096xf32>
    %reduce_sum3A_877 = arith.constant dense<0.000000e+00> : vector<1xf32>
    %reduce_sum3A_878 = vector.multi_reduction <add>, %reduce_sum3A_876, %reduce_sum3A_877 [1, 2] : vector<1x1x4096xf32> to vector<1xf32>
    %reduce_sum3A_879 = vector.shape_cast %reduce_sum3A_878 : vector<1xf32> to vector<1x1x1xf32>
    %reduce_sum3A_880 = vector.extract %reduce_sum3A_879[0, 0, 0] : f32 from vector<1x1x1xf32>
    %jit3A_881 = arith.constant 0.000000e+00 : f32
    %broadcast_in_dim3A_882 = vector.broadcast %reduce_sum3A_880 : f32 to vector<1x128xf32>
    %broadcast_in_dim3A_883 = vector.broadcast %jit3A_881 : f32 to vector<1x128xf32>
    %select_n3A_884 = arith.select %eq3A_875, %broadcast_in_dim3A_882, %broadcast_in_dim3A_883 : vector<1x128xi1>, vector<1x128xf32>
    %add3A_885 = arith.addf %add3A_440, %select_n3A_884 : vector<1x128xf32>
    %get3A_886 = arith.constant 2 : index
    %get3A_887 = arith.constant 0 : index
    %get3A_888 = vector.load %arg2[%get3A_886, %get3A_887] : memref<8x4096xf32, #tpu.memory_space<vmem>>, vector<1x4096xf32>
    %get3A_889 = arith.constant 1024 : index
    %get3A_890 = arith.constant 0 : index
    %get3A_891 = vector.load %arg4[%get3A_889, %get3A_890] : memref<2560x1xf32, #tpu.memory_space<vmem>>, vector<512x1xf32>
    %add3A_892 = vector.broadcast %get3A_888 : vector<1x4096xf32> to vector<512x4096xf32>
    %add3A_893 = vector.broadcast %get3A_891 : vector<512x1xf32> to vector<512x4096xf32>
    %add3A_894 = arith.addf %add3A_892, %add3A_893 : vector<512x4096xf32>
    %slice3A_895 = vector.extract_strided_slice %dot_general3A_5 {offsets = [1024, 0], sizes = [512, 4096], strides = [1, 1]} : vector<2560x4096xf32> to vector<512x4096xf32>
    %add3A_896 = arith.addf %add3A_894, %slice3A_895 : vector<512x4096xf32>
    %slice3A_897 = vector.extract_strided_slice %add3A_896 {offsets = [0, 0], sizes = [8, 4096], strides = [1, 1]} : vector<512x4096xf32> to vector<8x4096xf32>
    %broadcast_in_dim3A_898 = arith.constant 0 : i32
    %broadcast_in_dim3A_899 = vector.broadcast %broadcast_in_dim3A_898 : i32 to vector<8x4096xi32>
    %slice3A_900 = vector.extract_strided_slice %add3A_896 {offsets = [8, 0], sizes = [8, 4096], strides = [1, 1]} : vector<512x4096xf32> to vector<8x4096xf32>
    %lt3A_901 = arith.cmpf olt, %slice3A_900, %slice3A_897 : vector<8x4096xf32>
    %min3A_902 = arith.minimumf %slice3A_897, %slice3A_900 : vector<8x4096xf32>
    %jit3A_903 = arith.constant 1 : i32
    %broadcast_in_dim3A_904 = vector.broadcast %jit3A_903 : i32 to vector<8x4096xi32>
    %select_n3A_905 = arith.select %lt3A_901, %broadcast_in_dim3A_904, %broadcast_in_dim3A_899 : vector<8x4096xi1>, vector<8x4096xi32>
    %slice3A_906 = vector.extract_strided_slice %add3A_896 {offsets = [16, 0], sizes = [8, 4096], strides = [1, 1]} : vector<512x4096xf32> to vector<8x4096xf32>
    %lt3A_907 = arith.cmpf olt, %slice3A_906, %min3A_902 : vector<8x4096xf32>
    %min3A_908 = arith.minimumf %min3A_902, %slice3A_906 : vector<8x4096xf32>
    %jit3A_909 = arith.constant 2 : i32
    %broadcast_in_dim3A_910 = vector.broadcast %jit3A_909 : i32 to vector<8x4096xi32>
    %select_n3A_911 = arith.select %lt3A_907, %broadcast_in_dim3A_910, %select_n3A_905 : vector<8x4096xi1>, vector<8x4096xi32>
    %slice3A_912 = vector.extract_strided_slice %add3A_896 {offsets = [24, 0], sizes = [8, 4096], strides = [1, 1]} : vector<512x4096xf32> to vector<8x4096xf32>
    %lt3A_913 = arith.cmpf olt, %slice3A_912, %min3A_908 : vector<8x4096xf32>
    %min3A_914 = arith.minimumf %min3A_908, %slice3A_912 : vector<8x4096xf32>
    %jit3A_915 = arith.constant 3 : i32
    %broadcast_in_dim3A_916 = vector.broadcast %jit3A_915 : i32 to vector<8x4096xi32>
    %select_n3A_917 = arith.select %lt3A_913, %broadcast_in_dim3A_916, %select_n3A_911 : vector<8x4096xi1>, vector<8x4096xi32>
    %slice3A_918 = vector.extract_strided_slice %add3A_896 {offsets = [32, 0], sizes = [8, 4096], strides = [1, 1]} : vector<512x4096xf32> to vector<8x4096xf32>
    %lt3A_919 = arith.cmpf olt, %slice3A_918, %min3A_914 : vector<8x4096xf32>
    %min3A_920 = arith.minimumf %min3A_914, %slice3A_918 : vector<8x4096xf32>
    %jit3A_921 = arith.constant 4 : i32
    %broadcast_in_dim3A_922 = vector.broadcast %jit3A_921 : i32 to vector<8x4096xi32>
    %select_n3A_923 = arith.select %lt3A_919, %broadcast_in_dim3A_922, %select_n3A_917 : vector<8x4096xi1>, vector<8x4096xi32>
    %slice3A_924 = vector.extract_strided_slice %add3A_896 {offsets = [40, 0], sizes = [8, 4096], strides = [1, 1]} : vector<512x4096xf32> to vector<8x4096xf32>
    %lt3A_925 = arith.cmpf olt, %slice3A_924, %min3A_920 : vector<8x4096xf32>
    %min3A_926 = arith.minimumf %min3A_920, %slice3A_924 : vector<8x4096xf32>
    %jit3A_927 = arith.constant 5 : i32
    %broadcast_in_dim3A_928 = vector.broadcast %jit3A_927 : i32 to vector<8x4096xi32>
    %select_n3A_929 = arith.select %lt3A_925, %broadcast_in_dim3A_928, %select_n3A_923 : vector<8x4096xi1>, vector<8x4096xi32>
    %slice3A_930 = vector.extract_strided_slice %add3A_896 {offsets = [48, 0], sizes = [8, 4096], strides = [1, 1]} : vector<512x4096xf32> to vector<8x4096xf32>
    %lt3A_931 = arith.cmpf olt, %slice3A_930, %min3A_926 : vector<8x4096xf32>
    %min3A_932 = arith.minimumf %min3A_926, %slice3A_930 : vector<8x4096xf32>
    %jit3A_933 = arith.constant 6 : i32
    %broadcast_in_dim3A_934 = vector.broadcast %jit3A_933 : i32 to vector<8x4096xi32>
    %select_n3A_935 = arith.select %lt3A_931, %broadcast_in_dim3A_934, %select_n3A_929 : vector<8x4096xi1>, vector<8x4096xi32>
    %slice3A_936 = vector.extract_strided_slice %add3A_896 {offsets = [56, 0], sizes = [8, 4096], strides = [1, 1]} : vector<512x4096xf32> to vector<8x4096xf32>
    %lt3A_937 = arith.cmpf olt, %slice3A_936, %min3A_932 : vector<8x4096xf32>
    %min3A_938 = arith.minimumf %min3A_932, %slice3A_936 : vector<8x4096xf32>
    %jit3A_939 = arith.constant 7 : i32
    %broadcast_in_dim3A_940 = vector.broadcast %jit3A_939 : i32 to vector<8x4096xi32>
    %select_n3A_941 = arith.select %lt3A_937, %broadcast_in_dim3A_940, %select_n3A_935 : vector<8x4096xi1>, vector<8x4096xi32>
    %slice3A_942 = vector.extract_strided_slice %add3A_896 {offsets = [64, 0], sizes = [8, 4096], strides = [1, 1]} : vector<512x4096xf32> to vector<8x4096xf32>
    %lt3A_943 = arith.cmpf olt, %slice3A_942, %min3A_938 : vector<8x4096xf32>
    %min3A_944 = arith.minimumf %min3A_938, %slice3A_942 : vector<8x4096xf32>
    %jit3A_945 = arith.constant 8 : i32
    %broadcast_in_dim3A_946 = vector.broadcast %jit3A_945 : i32 to vector<8x4096xi32>
    %select_n3A_947 = arith.select %lt3A_943, %broadcast_in_dim3A_946, %select_n3A_941 : vector<8x4096xi1>, vector<8x4096xi32>
    %slice3A_948 = vector.extract_strided_slice %add3A_896 {offsets = [72, 0], sizes = [8, 4096], strides = [1, 1]} : vector<512x4096xf32> to vector<8x4096xf32>
    %lt3A_949 = arith.cmpf olt, %slice3A_948, %min3A_944 : vector<8x4096xf32>
    %min3A_950 = arith.minimumf %min3A_944, %slice3A_948 : vector<8x4096xf32>
    %jit3A_951 = arith.constant 9 : i32
    %broadcast_in_dim3A_952 = vector.broadcast %jit3A_951 : i32 to vector<8x4096xi32>
    %select_n3A_953 = arith.select %lt3A_949, %broadcast_in_dim3A_952, %select_n3A_947 : vector<8x4096xi1>, vector<8x4096xi32>
    %slice3A_954 = vector.extract_strided_slice %add3A_896 {offsets = [80, 0], sizes = [8, 4096], strides = [1, 1]} : vector<512x4096xf32> to vector<8x4096xf32>
    %lt3A_955 = arith.cmpf olt, %slice3A_954, %min3A_950 : vector<8x4096xf32>
    %min3A_956 = arith.minimumf %min3A_950, %slice3A_954 : vector<8x4096xf32>
    %jit3A_957 = arith.constant 10 : i32
    %broadcast_in_dim3A_958 = vector.broadcast %jit3A_957 : i32 to vector<8x4096xi32>
    %select_n3A_959 = arith.select %lt3A_955, %broadcast_in_dim3A_958, %select_n3A_953 : vector<8x4096xi1>, vector<8x4096xi32>
    %slice3A_960 = vector.extract_strided_slice %add3A_896 {offsets = [88, 0], sizes = [8, 4096], strides = [1, 1]} : vector<512x4096xf32> to vector<8x4096xf32>
    %lt3A_961 = arith.cmpf olt, %slice3A_960, %min3A_956 : vector<8x4096xf32>
    %min3A_962 = arith.minimumf %min3A_956, %slice3A_960 : vector<8x4096xf32>
    %jit3A_963 = arith.constant 11 : i32
    %broadcast_in_dim3A_964 = vector.broadcast %jit3A_963 : i32 to vector<8x4096xi32>
    %select_n3A_965 = arith.select %lt3A_961, %broadcast_in_dim3A_964, %select_n3A_959 : vector<8x4096xi1>, vector<8x4096xi32>
    %slice3A_966 = vector.extract_strided_slice %add3A_896 {offsets = [96, 0], sizes = [8, 4096], strides = [1, 1]} : vector<512x4096xf32> to vector<8x4096xf32>
    %lt3A_967 = arith.cmpf olt, %slice3A_966, %min3A_962 : vector<8x4096xf32>
    %min3A_968 = arith.minimumf %min3A_962, %slice3A_966 : vector<8x4096xf32>
    %jit3A_969 = arith.constant 12 : i32
    %broadcast_in_dim3A_970 = vector.broadcast %jit3A_969 : i32 to vector<8x4096xi32>
    %select_n3A_971 = arith.select %lt3A_967, %broadcast_in_dim3A_970, %select_n3A_965 : vector<8x4096xi1>, vector<8x4096xi32>
    %slice3A_972 = vector.extract_strided_slice %add3A_896 {offsets = [104, 0], sizes = [8, 4096], strides = [1, 1]} : vector<512x4096xf32> to vector<8x4096xf32>
    %lt3A_973 = arith.cmpf olt, %slice3A_972, %min3A_968 : vector<8x4096xf32>
    %min3A_974 = arith.minimumf %min3A_968, %slice3A_972 : vector<8x4096xf32>
    %jit3A_975 = arith.constant 13 : i32
    %broadcast_in_dim3A_976 = vector.broadcast %jit3A_975 : i32 to vector<8x4096xi32>
    %select_n3A_977 = arith.select %lt3A_973, %broadcast_in_dim3A_976, %select_n3A_971 : vector<8x4096xi1>, vector<8x4096xi32>
    %slice3A_978 = vector.extract_strided_slice %add3A_896 {offsets = [112, 0], sizes = [8, 4096], strides = [1, 1]} : vector<512x4096xf32> to vector<8x4096xf32>
    %lt3A_979 = arith.cmpf olt, %slice3A_978, %min3A_974 : vector<8x4096xf32>
    %min3A_980 = arith.minimumf %min3A_974, %slice3A_978 : vector<8x4096xf32>
    %jit3A_981 = arith.constant 14 : i32
    %broadcast_in_dim3A_982 = vector.broadcast %jit3A_981 : i32 to vector<8x4096xi32>
    %select_n3A_983 = arith.select %lt3A_979, %broadcast_in_dim3A_982, %select_n3A_977 : vector<8x4096xi1>, vector<8x4096xi32>
    %slice3A_984 = vector.extract_strided_slice %add3A_896 {offsets = [120, 0], sizes = [8, 4096], strides = [1, 1]} : vector<512x4096xf32> to vector<8x4096xf32>
    %lt3A_985 = arith.cmpf olt, %slice3A_984, %min3A_980 : vector<8x4096xf32>
    %min3A_986 = arith.minimumf %min3A_980, %slice3A_984 : vector<8x4096xf32>
    %jit3A_987 = arith.constant 15 : i32
    %broadcast_in_dim3A_988 = vector.broadcast %jit3A_987 : i32 to vector<8x4096xi32>
    %select_n3A_989 = arith.select %lt3A_985, %broadcast_in_dim3A_988, %select_n3A_983 : vector<8x4096xi1>, vector<8x4096xi32>
    %slice3A_990 = vector.extract_strided_slice %add3A_896 {offsets = [128, 0], sizes = [8, 4096], strides = [1, 1]} : vector<512x4096xf32> to vector<8x4096xf32>
    %lt3A_991 = arith.cmpf olt, %slice3A_990, %min3A_986 : vector<8x4096xf32>
    %min3A_992 = arith.minimumf %min3A_986, %slice3A_990 : vector<8x4096xf32>
    %jit3A_993 = arith.constant 16 : i32
    %broadcast_in_dim3A_994 = vector.broadcast %jit3A_993 : i32 to vector<8x4096xi32>
    %select_n3A_995 = arith.select %lt3A_991, %broadcast_in_dim3A_994, %select_n3A_989 : vector<8x4096xi1>, vector<8x4096xi32>
    %slice3A_996 = vector.extract_strided_slice %add3A_896 {offsets = [136, 0], sizes = [8, 4096], strides = [1, 1]} : vector<512x4096xf32> to vector<8x4096xf32>
    %lt3A_997 = arith.cmpf olt, %slice3A_996, %min3A_992 : vector<8x4096xf32>
    %min3A_998 = arith.minimumf %min3A_992, %slice3A_996 : vector<8x4096xf32>
    %jit3A_999 = arith.constant 17 : i32
    %broadcast_in_dim3A_1000 = vector.broadcast %jit3A_999 : i32 to vector<8x4096xi32>
    %select_n3A_1001 = arith.select %lt3A_997, %broadcast_in_dim3A_1000, %select_n3A_995 : vector<8x4096xi1>, vector<8x4096xi32>
    %slice3A_1002 = vector.extract_strided_slice %add3A_896 {offsets = [144, 0], sizes = [8, 4096], strides = [1, 1]} : vector<512x4096xf32> to vector<8x4096xf32>
    %lt3A_1003 = arith.cmpf olt, %slice3A_1002, %min3A_998 : vector<8x4096xf32>
    %min3A_1004 = arith.minimumf %min3A_998, %slice3A_1002 : vector<8x4096xf32>
    %jit3A_1005 = arith.constant 18 : i32
    %broadcast_in_dim3A_1006 = vector.broadcast %jit3A_1005 : i32 to vector<8x4096xi32>
    %select_n3A_1007 = arith.select %lt3A_1003, %broadcast_in_dim3A_1006, %select_n3A_1001 : vector<8x4096xi1>, vector<8x4096xi32>
    %slice3A_1008 = vector.extract_strided_slice %add3A_896 {offsets = [152, 0], sizes = [8, 4096], strides = [1, 1]} : vector<512x4096xf32> to vector<8x4096xf32>
    %lt3A_1009 = arith.cmpf olt, %slice3A_1008, %min3A_1004 : vector<8x4096xf32>
    %min3A_1010 = arith.minimumf %min3A_1004, %slice3A_1008 : vector<8x4096xf32>
    %jit3A_1011 = arith.constant 19 : i32
    %broadcast_in_dim3A_1012 = vector.broadcast %jit3A_1011 : i32 to vector<8x4096xi32>
    %select_n3A_1013 = arith.select %lt3A_1009, %broadcast_in_dim3A_1012, %select_n3A_1007 : vector<8x4096xi1>, vector<8x4096xi32>
    %slice3A_1014 = vector.extract_strided_slice %add3A_896 {offsets = [160, 0], sizes = [8, 4096], strides = [1, 1]} : vector<512x4096xf32> to vector<8x4096xf32>
    %lt3A_1015 = arith.cmpf olt, %slice3A_1014, %min3A_1010 : vector<8x4096xf32>
    %min3A_1016 = arith.minimumf %min3A_1010, %slice3A_1014 : vector<8x4096xf32>
    %jit3A_1017 = arith.constant 20 : i32
    %broadcast_in_dim3A_1018 = vector.broadcast %jit3A_1017 : i32 to vector<8x4096xi32>
    %select_n3A_1019 = arith.select %lt3A_1015, %broadcast_in_dim3A_1018, %select_n3A_1013 : vector<8x4096xi1>, vector<8x4096xi32>
    %slice3A_1020 = vector.extract_strided_slice %add3A_896 {offsets = [168, 0], sizes = [8, 4096], strides = [1, 1]} : vector<512x4096xf32> to vector<8x4096xf32>
    %lt3A_1021 = arith.cmpf olt, %slice3A_1020, %min3A_1016 : vector<8x4096xf32>
    %min3A_1022 = arith.minimumf %min3A_1016, %slice3A_1020 : vector<8x4096xf32>
    %jit3A_1023 = arith.constant 21 : i32
    %broadcast_in_dim3A_1024 = vector.broadcast %jit3A_1023 : i32 to vector<8x4096xi32>
    %select_n3A_1025 = arith.select %lt3A_1021, %broadcast_in_dim3A_1024, %select_n3A_1019 : vector<8x4096xi1>, vector<8x4096xi32>
    %slice3A_1026 = vector.extract_strided_slice %add3A_896 {offsets = [176, 0], sizes = [8, 4096], strides = [1, 1]} : vector<512x4096xf32> to vector<8x4096xf32>
    %lt3A_1027 = arith.cmpf olt, %slice3A_1026, %min3A_1022 : vector<8x4096xf32>
    %min3A_1028 = arith.minimumf %min3A_1022, %slice3A_1026 : vector<8x4096xf32>
    %jit3A_1029 = arith.constant 22 : i32
    %broadcast_in_dim3A_1030 = vector.broadcast %jit3A_1029 : i32 to vector<8x4096xi32>
    %select_n3A_1031 = arith.select %lt3A_1027, %broadcast_in_dim3A_1030, %select_n3A_1025 : vector<8x4096xi1>, vector<8x4096xi32>
    %slice3A_1032 = vector.extract_strided_slice %add3A_896 {offsets = [184, 0], sizes = [8, 4096], strides = [1, 1]} : vector<512x4096xf32> to vector<8x4096xf32>
    %lt3A_1033 = arith.cmpf olt, %slice3A_1032, %min3A_1028 : vector<8x4096xf32>
    %min3A_1034 = arith.minimumf %min3A_1028, %slice3A_1032 : vector<8x4096xf32>
    %jit3A_1035 = arith.constant 23 : i32
    %broadcast_in_dim3A_1036 = vector.broadcast %jit3A_1035 : i32 to vector<8x4096xi32>
    %select_n3A_1037 = arith.select %lt3A_1033, %broadcast_in_dim3A_1036, %select_n3A_1031 : vector<8x4096xi1>, vector<8x4096xi32>
    %slice3A_1038 = vector.extract_strided_slice %add3A_896 {offsets = [192, 0], sizes = [8, 4096], strides = [1, 1]} : vector<512x4096xf32> to vector<8x4096xf32>
    %lt3A_1039 = arith.cmpf olt, %slice3A_1038, %min3A_1034 : vector<8x4096xf32>
    %min3A_1040 = arith.minimumf %min3A_1034, %slice3A_1038 : vector<8x4096xf32>
    %jit3A_1041 = arith.constant 24 : i32
    %broadcast_in_dim3A_1042 = vector.broadcast %jit3A_1041 : i32 to vector<8x4096xi32>
    %select_n3A_1043 = arith.select %lt3A_1039, %broadcast_in_dim3A_1042, %select_n3A_1037 : vector<8x4096xi1>, vector<8x4096xi32>
    %slice3A_1044 = vector.extract_strided_slice %add3A_896 {offsets = [200, 0], sizes = [8, 4096], strides = [1, 1]} : vector<512x4096xf32> to vector<8x4096xf32>
    %lt3A_1045 = arith.cmpf olt, %slice3A_1044, %min3A_1040 : vector<8x4096xf32>
    %min3A_1046 = arith.minimumf %min3A_1040, %slice3A_1044 : vector<8x4096xf32>
    %jit3A_1047 = arith.constant 25 : i32
    %broadcast_in_dim3A_1048 = vector.broadcast %jit3A_1047 : i32 to vector<8x4096xi32>
    %select_n3A_1049 = arith.select %lt3A_1045, %broadcast_in_dim3A_1048, %select_n3A_1043 : vector<8x4096xi1>, vector<8x4096xi32>
    %slice3A_1050 = vector.extract_strided_slice %add3A_896 {offsets = [208, 0], sizes = [8, 4096], strides = [1, 1]} : vector<512x4096xf32> to vector<8x4096xf32>
    %lt3A_1051 = arith.cmpf olt, %slice3A_1050, %min3A_1046 : vector<8x4096xf32>
    %min3A_1052 = arith.minimumf %min3A_1046, %slice3A_1050 : vector<8x4096xf32>
    %jit3A_1053 = arith.constant 26 : i32
    %broadcast_in_dim3A_1054 = vector.broadcast %jit3A_1053 : i32 to vector<8x4096xi32>
    %select_n3A_1055 = arith.select %lt3A_1051, %broadcast_in_dim3A_1054, %select_n3A_1049 : vector<8x4096xi1>, vector<8x4096xi32>
    %slice3A_1056 = vector.extract_strided_slice %add3A_896 {offsets = [216, 0], sizes = [8, 4096], strides = [1, 1]} : vector<512x4096xf32> to vector<8x4096xf32>
    %lt3A_1057 = arith.cmpf olt, %slice3A_1056, %min3A_1052 : vector<8x4096xf32>
    %min3A_1058 = arith.minimumf %min3A_1052, %slice3A_1056 : vector<8x4096xf32>
    %jit3A_1059 = arith.constant 27 : i32
    %broadcast_in_dim3A_1060 = vector.broadcast %jit3A_1059 : i32 to vector<8x4096xi32>
    %select_n3A_1061 = arith.select %lt3A_1057, %broadcast_in_dim3A_1060, %select_n3A_1055 : vector<8x4096xi1>, vector<8x4096xi32>
    %slice3A_1062 = vector.extract_strided_slice %add3A_896 {offsets = [224, 0], sizes = [8, 4096], strides = [1, 1]} : vector<512x4096xf32> to vector<8x4096xf32>
    %lt3A_1063 = arith.cmpf olt, %slice3A_1062, %min3A_1058 : vector<8x4096xf32>
    %min3A_1064 = arith.minimumf %min3A_1058, %slice3A_1062 : vector<8x4096xf32>
    %jit3A_1065 = arith.constant 28 : i32
    %broadcast_in_dim3A_1066 = vector.broadcast %jit3A_1065 : i32 to vector<8x4096xi32>
    %select_n3A_1067 = arith.select %lt3A_1063, %broadcast_in_dim3A_1066, %select_n3A_1061 : vector<8x4096xi1>, vector<8x4096xi32>
    %slice3A_1068 = vector.extract_strided_slice %add3A_896 {offsets = [232, 0], sizes = [8, 4096], strides = [1, 1]} : vector<512x4096xf32> to vector<8x4096xf32>
    %lt3A_1069 = arith.cmpf olt, %slice3A_1068, %min3A_1064 : vector<8x4096xf32>
    %min3A_1070 = arith.minimumf %min3A_1064, %slice3A_1068 : vector<8x4096xf32>
    %jit3A_1071 = arith.constant 29 : i32
    %broadcast_in_dim3A_1072 = vector.broadcast %jit3A_1071 : i32 to vector<8x4096xi32>
    %select_n3A_1073 = arith.select %lt3A_1069, %broadcast_in_dim3A_1072, %select_n3A_1067 : vector<8x4096xi1>, vector<8x4096xi32>
    %slice3A_1074 = vector.extract_strided_slice %add3A_896 {offsets = [240, 0], sizes = [8, 4096], strides = [1, 1]} : vector<512x4096xf32> to vector<8x4096xf32>
    %lt3A_1075 = arith.cmpf olt, %slice3A_1074, %min3A_1070 : vector<8x4096xf32>
    %min3A_1076 = arith.minimumf %min3A_1070, %slice3A_1074 : vector<8x4096xf32>
    %jit3A_1077 = arith.constant 30 : i32
    %broadcast_in_dim3A_1078 = vector.broadcast %jit3A_1077 : i32 to vector<8x4096xi32>
    %select_n3A_1079 = arith.select %lt3A_1075, %broadcast_in_dim3A_1078, %select_n3A_1073 : vector<8x4096xi1>, vector<8x4096xi32>
    %slice3A_1080 = vector.extract_strided_slice %add3A_896 {offsets = [248, 0], sizes = [8, 4096], strides = [1, 1]} : vector<512x4096xf32> to vector<8x4096xf32>
    %lt3A_1081 = arith.cmpf olt, %slice3A_1080, %min3A_1076 : vector<8x4096xf32>
    %min3A_1082 = arith.minimumf %min3A_1076, %slice3A_1080 : vector<8x4096xf32>
    %jit3A_1083 = arith.constant 31 : i32
    %broadcast_in_dim3A_1084 = vector.broadcast %jit3A_1083 : i32 to vector<8x4096xi32>
    %select_n3A_1085 = arith.select %lt3A_1081, %broadcast_in_dim3A_1084, %select_n3A_1079 : vector<8x4096xi1>, vector<8x4096xi32>
    %slice3A_1086 = vector.extract_strided_slice %add3A_896 {offsets = [256, 0], sizes = [8, 4096], strides = [1, 1]} : vector<512x4096xf32> to vector<8x4096xf32>
    %lt3A_1087 = arith.cmpf olt, %slice3A_1086, %min3A_1082 : vector<8x4096xf32>
    %min3A_1088 = arith.minimumf %min3A_1082, %slice3A_1086 : vector<8x4096xf32>
    %jit3A_1089 = arith.constant 32 : i32
    %broadcast_in_dim3A_1090 = vector.broadcast %jit3A_1089 : i32 to vector<8x4096xi32>
    %select_n3A_1091 = arith.select %lt3A_1087, %broadcast_in_dim3A_1090, %select_n3A_1085 : vector<8x4096xi1>, vector<8x4096xi32>
    %slice3A_1092 = vector.extract_strided_slice %add3A_896 {offsets = [264, 0], sizes = [8, 4096], strides = [1, 1]} : vector<512x4096xf32> to vector<8x4096xf32>
    %lt3A_1093 = arith.cmpf olt, %slice3A_1092, %min3A_1088 : vector<8x4096xf32>
    %min3A_1094 = arith.minimumf %min3A_1088, %slice3A_1092 : vector<8x4096xf32>
    %jit3A_1095 = arith.constant 33 : i32
    %broadcast_in_dim3A_1096 = vector.broadcast %jit3A_1095 : i32 to vector<8x4096xi32>
    %select_n3A_1097 = arith.select %lt3A_1093, %broadcast_in_dim3A_1096, %select_n3A_1091 : vector<8x4096xi1>, vector<8x4096xi32>
    %slice3A_1098 = vector.extract_strided_slice %add3A_896 {offsets = [272, 0], sizes = [8, 4096], strides = [1, 1]} : vector<512x4096xf32> to vector<8x4096xf32>
    %lt3A_1099 = arith.cmpf olt, %slice3A_1098, %min3A_1094 : vector<8x4096xf32>
    %min3A_1100 = arith.minimumf %min3A_1094, %slice3A_1098 : vector<8x4096xf32>
    %jit3A_1101 = arith.constant 34 : i32
    %broadcast_in_dim3A_1102 = vector.broadcast %jit3A_1101 : i32 to vector<8x4096xi32>
    %select_n3A_1103 = arith.select %lt3A_1099, %broadcast_in_dim3A_1102, %select_n3A_1097 : vector<8x4096xi1>, vector<8x4096xi32>
    %slice3A_1104 = vector.extract_strided_slice %add3A_896 {offsets = [280, 0], sizes = [8, 4096], strides = [1, 1]} : vector<512x4096xf32> to vector<8x4096xf32>
    %lt3A_1105 = arith.cmpf olt, %slice3A_1104, %min3A_1100 : vector<8x4096xf32>
    %min3A_1106 = arith.minimumf %min3A_1100, %slice3A_1104 : vector<8x4096xf32>
    %jit3A_1107 = arith.constant 35 : i32
    %broadcast_in_dim3A_1108 = vector.broadcast %jit3A_1107 : i32 to vector<8x4096xi32>
    %select_n3A_1109 = arith.select %lt3A_1105, %broadcast_in_dim3A_1108, %select_n3A_1103 : vector<8x4096xi1>, vector<8x4096xi32>
    %slice3A_1110 = vector.extract_strided_slice %add3A_896 {offsets = [288, 0], sizes = [8, 4096], strides = [1, 1]} : vector<512x4096xf32> to vector<8x4096xf32>
    %lt3A_1111 = arith.cmpf olt, %slice3A_1110, %min3A_1106 : vector<8x4096xf32>
    %min3A_1112 = arith.minimumf %min3A_1106, %slice3A_1110 : vector<8x4096xf32>
    %jit3A_1113 = arith.constant 36 : i32
    %broadcast_in_dim3A_1114 = vector.broadcast %jit3A_1113 : i32 to vector<8x4096xi32>
    %select_n3A_1115 = arith.select %lt3A_1111, %broadcast_in_dim3A_1114, %select_n3A_1109 : vector<8x4096xi1>, vector<8x4096xi32>
    %slice3A_1116 = vector.extract_strided_slice %add3A_896 {offsets = [296, 0], sizes = [8, 4096], strides = [1, 1]} : vector<512x4096xf32> to vector<8x4096xf32>
    %lt3A_1117 = arith.cmpf olt, %slice3A_1116, %min3A_1112 : vector<8x4096xf32>
    %min3A_1118 = arith.minimumf %min3A_1112, %slice3A_1116 : vector<8x4096xf32>
    %jit3A_1119 = arith.constant 37 : i32
    %broadcast_in_dim3A_1120 = vector.broadcast %jit3A_1119 : i32 to vector<8x4096xi32>
    %select_n3A_1121 = arith.select %lt3A_1117, %broadcast_in_dim3A_1120, %select_n3A_1115 : vector<8x4096xi1>, vector<8x4096xi32>
    %slice3A_1122 = vector.extract_strided_slice %add3A_896 {offsets = [304, 0], sizes = [8, 4096], strides = [1, 1]} : vector<512x4096xf32> to vector<8x4096xf32>
    %lt3A_1123 = arith.cmpf olt, %slice3A_1122, %min3A_1118 : vector<8x4096xf32>
    %min3A_1124 = arith.minimumf %min3A_1118, %slice3A_1122 : vector<8x4096xf32>
    %jit3A_1125 = arith.constant 38 : i32
    %broadcast_in_dim3A_1126 = vector.broadcast %jit3A_1125 : i32 to vector<8x4096xi32>
    %select_n3A_1127 = arith.select %lt3A_1123, %broadcast_in_dim3A_1126, %select_n3A_1121 : vector<8x4096xi1>, vector<8x4096xi32>
    %slice3A_1128 = vector.extract_strided_slice %add3A_896 {offsets = [312, 0], sizes = [8, 4096], strides = [1, 1]} : vector<512x4096xf32> to vector<8x4096xf32>
    %lt3A_1129 = arith.cmpf olt, %slice3A_1128, %min3A_1124 : vector<8x4096xf32>
    %min3A_1130 = arith.minimumf %min3A_1124, %slice3A_1128 : vector<8x4096xf32>
    %jit3A_1131 = arith.constant 39 : i32
    %broadcast_in_dim3A_1132 = vector.broadcast %jit3A_1131 : i32 to vector<8x4096xi32>
    %select_n3A_1133 = arith.select %lt3A_1129, %broadcast_in_dim3A_1132, %select_n3A_1127 : vector<8x4096xi1>, vector<8x4096xi32>
    %slice3A_1134 = vector.extract_strided_slice %add3A_896 {offsets = [320, 0], sizes = [8, 4096], strides = [1, 1]} : vector<512x4096xf32> to vector<8x4096xf32>
    %lt3A_1135 = arith.cmpf olt, %slice3A_1134, %min3A_1130 : vector<8x4096xf32>
    %min3A_1136 = arith.minimumf %min3A_1130, %slice3A_1134 : vector<8x4096xf32>
    %jit3A_1137 = arith.constant 40 : i32
    %broadcast_in_dim3A_1138 = vector.broadcast %jit3A_1137 : i32 to vector<8x4096xi32>
    %select_n3A_1139 = arith.select %lt3A_1135, %broadcast_in_dim3A_1138, %select_n3A_1133 : vector<8x4096xi1>, vector<8x4096xi32>
    %slice3A_1140 = vector.extract_strided_slice %add3A_896 {offsets = [328, 0], sizes = [8, 4096], strides = [1, 1]} : vector<512x4096xf32> to vector<8x4096xf32>
    %lt3A_1141 = arith.cmpf olt, %slice3A_1140, %min3A_1136 : vector<8x4096xf32>
    %min3A_1142 = arith.minimumf %min3A_1136, %slice3A_1140 : vector<8x4096xf32>
    %jit3A_1143 = arith.constant 41 : i32
    %broadcast_in_dim3A_1144 = vector.broadcast %jit3A_1143 : i32 to vector<8x4096xi32>
    %select_n3A_1145 = arith.select %lt3A_1141, %broadcast_in_dim3A_1144, %select_n3A_1139 : vector<8x4096xi1>, vector<8x4096xi32>
    %slice3A_1146 = vector.extract_strided_slice %add3A_896 {offsets = [336, 0], sizes = [8, 4096], strides = [1, 1]} : vector<512x4096xf32> to vector<8x4096xf32>
    %lt3A_1147 = arith.cmpf olt, %slice3A_1146, %min3A_1142 : vector<8x4096xf32>
    %min3A_1148 = arith.minimumf %min3A_1142, %slice3A_1146 : vector<8x4096xf32>
    %jit3A_1149 = arith.constant 42 : i32
    %broadcast_in_dim3A_1150 = vector.broadcast %jit3A_1149 : i32 to vector<8x4096xi32>
    %select_n3A_1151 = arith.select %lt3A_1147, %broadcast_in_dim3A_1150, %select_n3A_1145 : vector<8x4096xi1>, vector<8x4096xi32>
    %slice3A_1152 = vector.extract_strided_slice %add3A_896 {offsets = [344, 0], sizes = [8, 4096], strides = [1, 1]} : vector<512x4096xf32> to vector<8x4096xf32>
    %lt3A_1153 = arith.cmpf olt, %slice3A_1152, %min3A_1148 : vector<8x4096xf32>
    %min3A_1154 = arith.minimumf %min3A_1148, %slice3A_1152 : vector<8x4096xf32>
    %jit3A_1155 = arith.constant 43 : i32
    %broadcast_in_dim3A_1156 = vector.broadcast %jit3A_1155 : i32 to vector<8x4096xi32>
    %select_n3A_1157 = arith.select %lt3A_1153, %broadcast_in_dim3A_1156, %select_n3A_1151 : vector<8x4096xi1>, vector<8x4096xi32>
    %slice3A_1158 = vector.extract_strided_slice %add3A_896 {offsets = [352, 0], sizes = [8, 4096], strides = [1, 1]} : vector<512x4096xf32> to vector<8x4096xf32>
    %lt3A_1159 = arith.cmpf olt, %slice3A_1158, %min3A_1154 : vector<8x4096xf32>
    %min3A_1160 = arith.minimumf %min3A_1154, %slice3A_1158 : vector<8x4096xf32>
    %jit3A_1161 = arith.constant 44 : i32
    %broadcast_in_dim3A_1162 = vector.broadcast %jit3A_1161 : i32 to vector<8x4096xi32>
    %select_n3A_1163 = arith.select %lt3A_1159, %broadcast_in_dim3A_1162, %select_n3A_1157 : vector<8x4096xi1>, vector<8x4096xi32>
    %slice3A_1164 = vector.extract_strided_slice %add3A_896 {offsets = [360, 0], sizes = [8, 4096], strides = [1, 1]} : vector<512x4096xf32> to vector<8x4096xf32>
    %lt3A_1165 = arith.cmpf olt, %slice3A_1164, %min3A_1160 : vector<8x4096xf32>
    %min3A_1166 = arith.minimumf %min3A_1160, %slice3A_1164 : vector<8x4096xf32>
    %jit3A_1167 = arith.constant 45 : i32
    %broadcast_in_dim3A_1168 = vector.broadcast %jit3A_1167 : i32 to vector<8x4096xi32>
    %select_n3A_1169 = arith.select %lt3A_1165, %broadcast_in_dim3A_1168, %select_n3A_1163 : vector<8x4096xi1>, vector<8x4096xi32>
    %slice3A_1170 = vector.extract_strided_slice %add3A_896 {offsets = [368, 0], sizes = [8, 4096], strides = [1, 1]} : vector<512x4096xf32> to vector<8x4096xf32>
    %lt3A_1171 = arith.cmpf olt, %slice3A_1170, %min3A_1166 : vector<8x4096xf32>
    %min3A_1172 = arith.minimumf %min3A_1166, %slice3A_1170 : vector<8x4096xf32>
    %jit3A_1173 = arith.constant 46 : i32
    %broadcast_in_dim3A_1174 = vector.broadcast %jit3A_1173 : i32 to vector<8x4096xi32>
    %select_n3A_1175 = arith.select %lt3A_1171, %broadcast_in_dim3A_1174, %select_n3A_1169 : vector<8x4096xi1>, vector<8x4096xi32>
    %slice3A_1176 = vector.extract_strided_slice %add3A_896 {offsets = [376, 0], sizes = [8, 4096], strides = [1, 1]} : vector<512x4096xf32> to vector<8x4096xf32>
    %lt3A_1177 = arith.cmpf olt, %slice3A_1176, %min3A_1172 : vector<8x4096xf32>
    %min3A_1178 = arith.minimumf %min3A_1172, %slice3A_1176 : vector<8x4096xf32>
    %jit3A_1179 = arith.constant 47 : i32
    %broadcast_in_dim3A_1180 = vector.broadcast %jit3A_1179 : i32 to vector<8x4096xi32>
    %select_n3A_1181 = arith.select %lt3A_1177, %broadcast_in_dim3A_1180, %select_n3A_1175 : vector<8x4096xi1>, vector<8x4096xi32>
    %slice3A_1182 = vector.extract_strided_slice %add3A_896 {offsets = [384, 0], sizes = [8, 4096], strides = [1, 1]} : vector<512x4096xf32> to vector<8x4096xf32>
    %lt3A_1183 = arith.cmpf olt, %slice3A_1182, %min3A_1178 : vector<8x4096xf32>
    %min3A_1184 = arith.minimumf %min3A_1178, %slice3A_1182 : vector<8x4096xf32>
    %jit3A_1185 = arith.constant 48 : i32
    %broadcast_in_dim3A_1186 = vector.broadcast %jit3A_1185 : i32 to vector<8x4096xi32>
    %select_n3A_1187 = arith.select %lt3A_1183, %broadcast_in_dim3A_1186, %select_n3A_1181 : vector<8x4096xi1>, vector<8x4096xi32>
    %slice3A_1188 = vector.extract_strided_slice %add3A_896 {offsets = [392, 0], sizes = [8, 4096], strides = [1, 1]} : vector<512x4096xf32> to vector<8x4096xf32>
    %lt3A_1189 = arith.cmpf olt, %slice3A_1188, %min3A_1184 : vector<8x4096xf32>
    %min3A_1190 = arith.minimumf %min3A_1184, %slice3A_1188 : vector<8x4096xf32>
    %jit3A_1191 = arith.constant 49 : i32
    %broadcast_in_dim3A_1192 = vector.broadcast %jit3A_1191 : i32 to vector<8x4096xi32>
    %select_n3A_1193 = arith.select %lt3A_1189, %broadcast_in_dim3A_1192, %select_n3A_1187 : vector<8x4096xi1>, vector<8x4096xi32>
    %slice3A_1194 = vector.extract_strided_slice %add3A_896 {offsets = [400, 0], sizes = [8, 4096], strides = [1, 1]} : vector<512x4096xf32> to vector<8x4096xf32>
    %lt3A_1195 = arith.cmpf olt, %slice3A_1194, %min3A_1190 : vector<8x4096xf32>
    %min3A_1196 = arith.minimumf %min3A_1190, %slice3A_1194 : vector<8x4096xf32>
    %jit3A_1197 = arith.constant 50 : i32
    %broadcast_in_dim3A_1198 = vector.broadcast %jit3A_1197 : i32 to vector<8x4096xi32>
    %select_n3A_1199 = arith.select %lt3A_1195, %broadcast_in_dim3A_1198, %select_n3A_1193 : vector<8x4096xi1>, vector<8x4096xi32>
    %slice3A_1200 = vector.extract_strided_slice %add3A_896 {offsets = [408, 0], sizes = [8, 4096], strides = [1, 1]} : vector<512x4096xf32> to vector<8x4096xf32>
    %lt3A_1201 = arith.cmpf olt, %slice3A_1200, %min3A_1196 : vector<8x4096xf32>
    %min3A_1202 = arith.minimumf %min3A_1196, %slice3A_1200 : vector<8x4096xf32>
    %jit3A_1203 = arith.constant 51 : i32
    %broadcast_in_dim3A_1204 = vector.broadcast %jit3A_1203 : i32 to vector<8x4096xi32>
    %select_n3A_1205 = arith.select %lt3A_1201, %broadcast_in_dim3A_1204, %select_n3A_1199 : vector<8x4096xi1>, vector<8x4096xi32>
    %slice3A_1206 = vector.extract_strided_slice %add3A_896 {offsets = [416, 0], sizes = [8, 4096], strides = [1, 1]} : vector<512x4096xf32> to vector<8x4096xf32>
    %lt3A_1207 = arith.cmpf olt, %slice3A_1206, %min3A_1202 : vector<8x4096xf32>
    %min3A_1208 = arith.minimumf %min3A_1202, %slice3A_1206 : vector<8x4096xf32>
    %jit3A_1209 = arith.constant 52 : i32
    %broadcast_in_dim3A_1210 = vector.broadcast %jit3A_1209 : i32 to vector<8x4096xi32>
    %select_n3A_1211 = arith.select %lt3A_1207, %broadcast_in_dim3A_1210, %select_n3A_1205 : vector<8x4096xi1>, vector<8x4096xi32>
    %slice3A_1212 = vector.extract_strided_slice %add3A_896 {offsets = [424, 0], sizes = [8, 4096], strides = [1, 1]} : vector<512x4096xf32> to vector<8x4096xf32>
    %lt3A_1213 = arith.cmpf olt, %slice3A_1212, %min3A_1208 : vector<8x4096xf32>
    %min3A_1214 = arith.minimumf %min3A_1208, %slice3A_1212 : vector<8x4096xf32>
    %jit3A_1215 = arith.constant 53 : i32
    %broadcast_in_dim3A_1216 = vector.broadcast %jit3A_1215 : i32 to vector<8x4096xi32>
    %select_n3A_1217 = arith.select %lt3A_1213, %broadcast_in_dim3A_1216, %select_n3A_1211 : vector<8x4096xi1>, vector<8x4096xi32>
    %slice3A_1218 = vector.extract_strided_slice %add3A_896 {offsets = [432, 0], sizes = [8, 4096], strides = [1, 1]} : vector<512x4096xf32> to vector<8x4096xf32>
    %lt3A_1219 = arith.cmpf olt, %slice3A_1218, %min3A_1214 : vector<8x4096xf32>
    %min3A_1220 = arith.minimumf %min3A_1214, %slice3A_1218 : vector<8x4096xf32>
    %jit3A_1221 = arith.constant 54 : i32
    %broadcast_in_dim3A_1222 = vector.broadcast %jit3A_1221 : i32 to vector<8x4096xi32>
    %select_n3A_1223 = arith.select %lt3A_1219, %broadcast_in_dim3A_1222, %select_n3A_1217 : vector<8x4096xi1>, vector<8x4096xi32>
    %slice3A_1224 = vector.extract_strided_slice %add3A_896 {offsets = [440, 0], sizes = [8, 4096], strides = [1, 1]} : vector<512x4096xf32> to vector<8x4096xf32>
    %lt3A_1225 = arith.cmpf olt, %slice3A_1224, %min3A_1220 : vector<8x4096xf32>
    %min3A_1226 = arith.minimumf %min3A_1220, %slice3A_1224 : vector<8x4096xf32>
    %jit3A_1227 = arith.constant 55 : i32
    %broadcast_in_dim3A_1228 = vector.broadcast %jit3A_1227 : i32 to vector<8x4096xi32>
    %select_n3A_1229 = arith.select %lt3A_1225, %broadcast_in_dim3A_1228, %select_n3A_1223 : vector<8x4096xi1>, vector<8x4096xi32>
    %slice3A_1230 = vector.extract_strided_slice %add3A_896 {offsets = [448, 0], sizes = [8, 4096], strides = [1, 1]} : vector<512x4096xf32> to vector<8x4096xf32>
    %lt3A_1231 = arith.cmpf olt, %slice3A_1230, %min3A_1226 : vector<8x4096xf32>
    %min3A_1232 = arith.minimumf %min3A_1226, %slice3A_1230 : vector<8x4096xf32>
    %jit3A_1233 = arith.constant 56 : i32
    %broadcast_in_dim3A_1234 = vector.broadcast %jit3A_1233 : i32 to vector<8x4096xi32>
    %select_n3A_1235 = arith.select %lt3A_1231, %broadcast_in_dim3A_1234, %select_n3A_1229 : vector<8x4096xi1>, vector<8x4096xi32>
    %slice3A_1236 = vector.extract_strided_slice %add3A_896 {offsets = [456, 0], sizes = [8, 4096], strides = [1, 1]} : vector<512x4096xf32> to vector<8x4096xf32>
    %lt3A_1237 = arith.cmpf olt, %slice3A_1236, %min3A_1232 : vector<8x4096xf32>
    %min3A_1238 = arith.minimumf %min3A_1232, %slice3A_1236 : vector<8x4096xf32>
    %jit3A_1239 = arith.constant 57 : i32
    %broadcast_in_dim3A_1240 = vector.broadcast %jit3A_1239 : i32 to vector<8x4096xi32>
    %select_n3A_1241 = arith.select %lt3A_1237, %broadcast_in_dim3A_1240, %select_n3A_1235 : vector<8x4096xi1>, vector<8x4096xi32>
    %slice3A_1242 = vector.extract_strided_slice %add3A_896 {offsets = [464, 0], sizes = [8, 4096], strides = [1, 1]} : vector<512x4096xf32> to vector<8x4096xf32>
    %lt3A_1243 = arith.cmpf olt, %slice3A_1242, %min3A_1238 : vector<8x4096xf32>
    %min3A_1244 = arith.minimumf %min3A_1238, %slice3A_1242 : vector<8x4096xf32>
    %jit3A_1245 = arith.constant 58 : i32
    %broadcast_in_dim3A_1246 = vector.broadcast %jit3A_1245 : i32 to vector<8x4096xi32>
    %select_n3A_1247 = arith.select %lt3A_1243, %broadcast_in_dim3A_1246, %select_n3A_1241 : vector<8x4096xi1>, vector<8x4096xi32>
    %slice3A_1248 = vector.extract_strided_slice %add3A_896 {offsets = [472, 0], sizes = [8, 4096], strides = [1, 1]} : vector<512x4096xf32> to vector<8x4096xf32>
    %lt3A_1249 = arith.cmpf olt, %slice3A_1248, %min3A_1244 : vector<8x4096xf32>
    %min3A_1250 = arith.minimumf %min3A_1244, %slice3A_1248 : vector<8x4096xf32>
    %jit3A_1251 = arith.constant 59 : i32
    %broadcast_in_dim3A_1252 = vector.broadcast %jit3A_1251 : i32 to vector<8x4096xi32>
    %select_n3A_1253 = arith.select %lt3A_1249, %broadcast_in_dim3A_1252, %select_n3A_1247 : vector<8x4096xi1>, vector<8x4096xi32>
    %slice3A_1254 = vector.extract_strided_slice %add3A_896 {offsets = [480, 0], sizes = [8, 4096], strides = [1, 1]} : vector<512x4096xf32> to vector<8x4096xf32>
    %lt3A_1255 = arith.cmpf olt, %slice3A_1254, %min3A_1250 : vector<8x4096xf32>
    %min3A_1256 = arith.minimumf %min3A_1250, %slice3A_1254 : vector<8x4096xf32>
    %jit3A_1257 = arith.constant 60 : i32
    %broadcast_in_dim3A_1258 = vector.broadcast %jit3A_1257 : i32 to vector<8x4096xi32>
    %select_n3A_1259 = arith.select %lt3A_1255, %broadcast_in_dim3A_1258, %select_n3A_1253 : vector<8x4096xi1>, vector<8x4096xi32>
    %slice3A_1260 = vector.extract_strided_slice %add3A_896 {offsets = [488, 0], sizes = [8, 4096], strides = [1, 1]} : vector<512x4096xf32> to vector<8x4096xf32>
    %lt3A_1261 = arith.cmpf olt, %slice3A_1260, %min3A_1256 : vector<8x4096xf32>
    %min3A_1262 = arith.minimumf %min3A_1256, %slice3A_1260 : vector<8x4096xf32>
    %jit3A_1263 = arith.constant 61 : i32
    %broadcast_in_dim3A_1264 = vector.broadcast %jit3A_1263 : i32 to vector<8x4096xi32>
    %select_n3A_1265 = arith.select %lt3A_1261, %broadcast_in_dim3A_1264, %select_n3A_1259 : vector<8x4096xi1>, vector<8x4096xi32>
    %slice3A_1266 = vector.extract_strided_slice %add3A_896 {offsets = [496, 0], sizes = [8, 4096], strides = [1, 1]} : vector<512x4096xf32> to vector<8x4096xf32>
    %lt3A_1267 = arith.cmpf olt, %slice3A_1266, %min3A_1262 : vector<8x4096xf32>
    %min3A_1268 = arith.minimumf %min3A_1262, %slice3A_1266 : vector<8x4096xf32>
    %jit3A_1269 = arith.constant 62 : i32
    %broadcast_in_dim3A_1270 = vector.broadcast %jit3A_1269 : i32 to vector<8x4096xi32>
    %select_n3A_1271 = arith.select %lt3A_1267, %broadcast_in_dim3A_1270, %select_n3A_1265 : vector<8x4096xi1>, vector<8x4096xi32>
    %slice3A_1272 = vector.extract_strided_slice %add3A_896 {offsets = [504, 0], sizes = [8, 4096], strides = [1, 1]} : vector<512x4096xf32> to vector<8x4096xf32>
    %lt3A_1273 = arith.cmpf olt, %slice3A_1272, %min3A_1268 : vector<8x4096xf32>
    %min3A_1274 = arith.minimumf %min3A_1268, %slice3A_1272 : vector<8x4096xf32>
    %jit3A_1275 = arith.constant 63 : i32
    %broadcast_in_dim3A_1276 = vector.broadcast %jit3A_1275 : i32 to vector<8x4096xi32>
    %select_n3A_1277 = arith.select %lt3A_1273, %broadcast_in_dim3A_1276, %select_n3A_1271 : vector<8x4096xi1>, vector<8x4096xi32>
    %mul3A_1278 = arith.constant 8 : i32
    %mul3A_1279 = vector.broadcast %mul3A_1278 : i32 to vector<8x4096xi32>
    %mul3A_1280 = arith.muli %select_n3A_1277, %mul3A_1279 : vector<8x4096xi32>
    %add3A_1281 = arith.addi %mul3A_1280, %iota3A_7 : vector<8x4096xi32>
    %slice3A_1282 = vector.extract_strided_slice %min3A_1274 {offsets = [0, 0], sizes = [4, 4096], strides = [1, 1]} : vector<8x4096xf32> to vector<4x4096xf32>
    %slice3A_1283 = vector.extract_strided_slice %add3A_1281 {offsets = [0, 0], sizes = [4, 4096], strides = [1, 1]} : vector<8x4096xi32> to vector<4x4096xi32>
    %slice3A_1284 = vector.extract_strided_slice %min3A_1274 {offsets = [4, 0], sizes = [4, 4096], strides = [1, 1]} : vector<8x4096xf32> to vector<4x4096xf32>
    %slice3A_1285 = vector.extract_strided_slice %add3A_1281 {offsets = [4, 0], sizes = [4, 4096], strides = [1, 1]} : vector<8x4096xi32> to vector<4x4096xi32>
    %lt3A_1286 = arith.cmpf olt, %slice3A_1284, %slice3A_1282 : vector<4x4096xf32>
    %eq3A_1287 = arith.cmpf oeq, %slice3A_1284, %slice3A_1282 : vector<4x4096xf32>
    %lt3A_1288 = arith.cmpi slt, %slice3A_1285, %slice3A_1283 : vector<4x4096xi32>
    %and3A_1289 = arith.andi %eq3A_1287, %lt3A_1288 : vector<4x4096xi1>
    %or3A_1290 = arith.ori %lt3A_1286, %and3A_1289 : vector<4x4096xi1>
    %select_n3A_1291 = arith.select %or3A_1290, %slice3A_1284, %slice3A_1282 : vector<4x4096xi1>, vector<4x4096xf32>
    %select_n3A_1292 = arith.select %or3A_1290, %slice3A_1285, %slice3A_1283 : vector<4x4096xi1>, vector<4x4096xi32>
    %slice3A_1293 = vector.extract_strided_slice %select_n3A_1291 {offsets = [0, 0], sizes = [2, 4096], strides = [1, 1]} : vector<4x4096xf32> to vector<2x4096xf32>
    %slice3A_1294 = vector.extract_strided_slice %select_n3A_1292 {offsets = [0, 0], sizes = [2, 4096], strides = [1, 1]} : vector<4x4096xi32> to vector<2x4096xi32>
    %slice3A_1295 = vector.extract_strided_slice %select_n3A_1291 {offsets = [2, 0], sizes = [2, 4096], strides = [1, 1]} : vector<4x4096xf32> to vector<2x4096xf32>
    %slice3A_1296 = vector.extract_strided_slice %select_n3A_1292 {offsets = [2, 0], sizes = [2, 4096], strides = [1, 1]} : vector<4x4096xi32> to vector<2x4096xi32>
    %lt3A_1297 = arith.cmpf olt, %slice3A_1295, %slice3A_1293 : vector<2x4096xf32>
    %eq3A_1298 = arith.cmpf oeq, %slice3A_1295, %slice3A_1293 : vector<2x4096xf32>
    %lt3A_1299 = arith.cmpi slt, %slice3A_1296, %slice3A_1294 : vector<2x4096xi32>
    %and3A_1300 = arith.andi %eq3A_1298, %lt3A_1299 : vector<2x4096xi1>
    %or3A_1301 = arith.ori %lt3A_1297, %and3A_1300 : vector<2x4096xi1>
    %select_n3A_1302 = arith.select %or3A_1301, %slice3A_1295, %slice3A_1293 : vector<2x4096xi1>, vector<2x4096xf32>
    %select_n3A_1303 = arith.select %or3A_1301, %slice3A_1296, %slice3A_1294 : vector<2x4096xi1>, vector<2x4096xi32>
    %slice3A_1304 = vector.extract_strided_slice %select_n3A_1302 {offsets = [0, 0], sizes = [1, 4096], strides = [1, 1]} : vector<2x4096xf32> to vector<1x4096xf32>
    %slice3A_1305 = vector.extract_strided_slice %select_n3A_1303 {offsets = [0, 0], sizes = [1, 4096], strides = [1, 1]} : vector<2x4096xi32> to vector<1x4096xi32>
    %slice3A_1306 = vector.extract_strided_slice %select_n3A_1302 {offsets = [1, 0], sizes = [1, 4096], strides = [1, 1]} : vector<2x4096xf32> to vector<1x4096xf32>
    %slice3A_1307 = vector.extract_strided_slice %select_n3A_1303 {offsets = [1, 0], sizes = [1, 4096], strides = [1, 1]} : vector<2x4096xi32> to vector<1x4096xi32>
    %lt3A_1308 = arith.cmpf olt, %slice3A_1306, %slice3A_1304 : vector<1x4096xf32>
    %eq3A_1309 = arith.cmpf oeq, %slice3A_1306, %slice3A_1304 : vector<1x4096xf32>
    %lt3A_1310 = arith.cmpi slt, %slice3A_1307, %slice3A_1305 : vector<1x4096xi32>
    %and3A_1311 = arith.andi %eq3A_1309, %lt3A_1310 : vector<1x4096xi1>
    %or3A_1312 = arith.ori %lt3A_1308, %and3A_1311 : vector<1x4096xi1>
    %select_n3A_1313 = arith.select %or3A_1312, %slice3A_1306, %slice3A_1304 : vector<1x4096xi1>, vector<1x4096xf32>
    %select_n3A_1314 = arith.select %or3A_1312, %slice3A_1307, %slice3A_1305 : vector<1x4096xi1>, vector<1x4096xi32>
    %swap3A_1315 = arith.constant 0 : index
    %swap3A_1316 = arith.constant 0 : index
    %swap3A_1317 = vector.load %arg8[%swap3A_1315, %swap3A_1316] : memref<1x4096xi32, #tpu.memory_space<vmem>>, vector<1x4096xi32>
    tpu.vector_store %arg8[%swap3A_1315, %swap3A_1316], %select_n3A_1314 {strides = array<i32>} : memref<1x4096xi32, #tpu.memory_space<vmem>>, vector<1x4096xi32>,
    %eq3A_1318 = arith.constant 2 : i32
    %eq3A_1319 = vector.broadcast %eq3A_1318 : i32 to vector<1x128xi32>
    %eq3A_1320 = arith.cmpi eq, %iota3A, %eq3A_1319 : vector<1x128xi32>
    %reduce_sum3A_1321 = vector.shape_cast %select_n3A_1313 : vector<1x4096xf32> to vector<1x1x4096xf32>
    %reduce_sum3A_1322 = arith.constant dense<0.000000e+00> : vector<1xf32>
    %reduce_sum3A_1323 = vector.multi_reduction <add>, %reduce_sum3A_1321, %reduce_sum3A_1322 [1, 2] : vector<1x1x4096xf32> to vector<1xf32>
    %reduce_sum3A_1324 = vector.shape_cast %reduce_sum3A_1323 : vector<1xf32> to vector<1x1x1xf32>
    %reduce_sum3A_1325 = vector.extract %reduce_sum3A_1324[0, 0, 0] : f32 from vector<1x1x1xf32>
    %jit3A_1326 = arith.constant 0.000000e+00 : f32
    %broadcast_in_dim3A_1327 = vector.broadcast %reduce_sum3A_1325 : f32 to vector<1x128xf32>
    %broadcast_in_dim3A_1328 = vector.broadcast %jit3A_1326 : f32 to vector<1x128xf32>
    %select_n3A_1329 = arith.select %eq3A_1320, %broadcast_in_dim3A_1327, %broadcast_in_dim3A_1328 : vector<1x128xi1>, vector<1x128xf32>
    %add3A_1330 = arith.addf %add3A_885, %select_n3A_1329 : vector<1x128xf32>
    %get3A_1331 = arith.constant 3 : index
    %get3A_1332 = arith.constant 0 : index
    %get3A_1333 = vector.load %arg2[%get3A_1331, %get3A_1332] : memref<8x4096xf32, #tpu.memory_space<vmem>>, vector<1x4096xf32>
    %get3A_1334 = arith.constant 1536 : index
    %get3A_1335 = arith.constant 0 : index
    %get3A_1336 = vector.load %arg4[%get3A_1334, %get3A_1335] : memref<2560x1xf32, #tpu.memory_space<vmem>>, vector<512x1xf32>
    %add3A_1337 = vector.broadcast %get3A_1333 : vector<1x4096xf32> to vector<512x4096xf32>
    %add3A_1338 = vector.broadcast %get3A_1336 : vector<512x1xf32> to vector<512x4096xf32>
    %add3A_1339 = arith.addf %add3A_1337, %add3A_1338 : vector<512x4096xf32>
    %slice3A_1340 = vector.extract_strided_slice %dot_general3A_5 {offsets = [1536, 0], sizes = [512, 4096], strides = [1, 1]} : vector<2560x4096xf32> to vector<512x4096xf32>
    %add3A_1341 = arith.addf %add3A_1339, %slice3A_1340 : vector<512x4096xf32>
    %slice3A_1342 = vector.extract_strided_slice %add3A_1341 {offsets = [0, 0], sizes = [8, 4096], strides = [1, 1]} : vector<512x4096xf32> to vector<8x4096xf32>
    %broadcast_in_dim3A_1343 = arith.constant 0 : i32
    %broadcast_in_dim3A_1344 = vector.broadcast %broadcast_in_dim3A_1343 : i32 to vector<8x4096xi32>
    %slice3A_1345 = vector.extract_strided_slice %add3A_1341 {offsets = [8, 0], sizes = [8, 4096], strides = [1, 1]} : vector<512x4096xf32> to vector<8x4096xf32>
    %lt3A_1346 = arith.cmpf olt, %slice3A_1345, %slice3A_1342 : vector<8x4096xf32>
    %min3A_1347 = arith.minimumf %slice3A_1342, %slice3A_1345 : vector<8x4096xf32>
    %jit3A_1348 = arith.constant 1 : i32
    %broadcast_in_dim3A_1349 = vector.broadcast %jit3A_1348 : i32 to vector<8x4096xi32>
    %select_n3A_1350 = arith.select %lt3A_1346, %broadcast_in_dim3A_1349, %broadcast_in_dim3A_1344 : vector<8x4096xi1>, vector<8x4096xi32>
    %slice3A_1351 = vector.extract_strided_slice %add3A_1341 {offsets = [16, 0], sizes = [8, 4096], strides = [1, 1]} : vector<512x4096xf32> to vector<8x4096xf32>
    %lt3A_1352 = arith.cmpf olt, %slice3A_1351, %min3A_1347 : vector<8x4096xf32>
    %min3A_1353 = arith.minimumf %min3A_1347, %slice3A_1351 : vector<8x4096xf32>
    %jit3A_1354 = arith.constant 2 : i32
    %broadcast_in_dim3A_1355 = vector.broadcast %jit3A_1354 : i32 to vector<8x4096xi32>
    %select_n3A_1356 = arith.select %lt3A_1352, %broadcast_in_dim3A_1355, %select_n3A_1350 : vector<8x4096xi1>, vector<8x4096xi32>
    %slice3A_1357 = vector.extract_strided_slice %add3A_1341 {offsets = [24, 0], sizes = [8, 4096], strides = [1, 1]} : vector<512x4096xf32> to vector<8x4096xf32>
    %lt3A_1358 = arith.cmpf olt, %slice3A_1357, %min3A_1353 : vector<8x4096xf32>
    %min3A_1359 = arith.minimumf %min3A_1353, %slice3A_1357 : vector<8x4096xf32>
    %jit3A_1360 = arith.constant 3 : i32
    %broadcast_in_dim3A_1361 = vector.broadcast %jit3A_1360 : i32 to vector<8x4096xi32>
    %select_n3A_1362 = arith.select %lt3A_1358, %broadcast_in_dim3A_1361, %select_n3A_1356 : vector<8x4096xi1>, vector<8x4096xi32>
    %slice3A_1363 = vector.extract_strided_slice %add3A_1341 {offsets = [32, 0], sizes = [8, 4096], strides = [1, 1]} : vector<512x4096xf32> to vector<8x4096xf32>
    %lt3A_1364 = arith.cmpf olt, %slice3A_1363, %min3A_1359 : vector<8x4096xf32>
    %min3A_1365 = arith.minimumf %min3A_1359, %slice3A_1363 : vector<8x4096xf32>
    %jit3A_1366 = arith.constant 4 : i32
    %broadcast_in_dim3A_1367 = vector.broadcast %jit3A_1366 : i32 to vector<8x4096xi32>
    %select_n3A_1368 = arith.select %lt3A_1364, %broadcast_in_dim3A_1367, %select_n3A_1362 : vector<8x4096xi1>, vector<8x4096xi32>
    %slice3A_1369 = vector.extract_strided_slice %add3A_1341 {offsets = [40, 0], sizes = [8, 4096], strides = [1, 1]} : vector<512x4096xf32> to vector<8x4096xf32>
    %lt3A_1370 = arith.cmpf olt, %slice3A_1369, %min3A_1365 : vector<8x4096xf32>
    %min3A_1371 = arith.minimumf %min3A_1365, %slice3A_1369 : vector<8x4096xf32>
    %jit3A_1372 = arith.constant 5 : i32
    %broadcast_in_dim3A_1373 = vector.broadcast %jit3A_1372 : i32 to vector<8x4096xi32>
    %select_n3A_1374 = arith.select %lt3A_1370, %broadcast_in_dim3A_1373, %select_n3A_1368 : vector<8x4096xi1>, vector<8x4096xi32>
    %slice3A_1375 = vector.extract_strided_slice %add3A_1341 {offsets = [48, 0], sizes = [8, 4096], strides = [1, 1]} : vector<512x4096xf32> to vector<8x4096xf32>
    %lt3A_1376 = arith.cmpf olt, %slice3A_1375, %min3A_1371 : vector<8x4096xf32>
    %min3A_1377 = arith.minimumf %min3A_1371, %slice3A_1375 : vector<8x4096xf32>
    %jit3A_1378 = arith.constant 6 : i32
    %broadcast_in_dim3A_1379 = vector.broadcast %jit3A_1378 : i32 to vector<8x4096xi32>
    %select_n3A_1380 = arith.select %lt3A_1376, %broadcast_in_dim3A_1379, %select_n3A_1374 : vector<8x4096xi1>, vector<8x4096xi32>
    %slice3A_1381 = vector.extract_strided_slice %add3A_1341 {offsets = [56, 0], sizes = [8, 4096], strides = [1, 1]} : vector<512x4096xf32> to vector<8x4096xf32>
    %lt3A_1382 = arith.cmpf olt, %slice3A_1381, %min3A_1377 : vector<8x4096xf32>
    %min3A_1383 = arith.minimumf %min3A_1377, %slice3A_1381 : vector<8x4096xf32>
    %jit3A_1384 = arith.constant 7 : i32
    %broadcast_in_dim3A_1385 = vector.broadcast %jit3A_1384 : i32 to vector<8x4096xi32>
    %select_n3A_1386 = arith.select %lt3A_1382, %broadcast_in_dim3A_1385, %select_n3A_1380 : vector<8x4096xi1>, vector<8x4096xi32>
    %slice3A_1387 = vector.extract_strided_slice %add3A_1341 {offsets = [64, 0], sizes = [8, 4096], strides = [1, 1]} : vector<512x4096xf32> to vector<8x4096xf32>
    %lt3A_1388 = arith.cmpf olt, %slice3A_1387, %min3A_1383 : vector<8x4096xf32>
    %min3A_1389 = arith.minimumf %min3A_1383, %slice3A_1387 : vector<8x4096xf32>
    %jit3A_1390 = arith.constant 8 : i32
    %broadcast_in_dim3A_1391 = vector.broadcast %jit3A_1390 : i32 to vector<8x4096xi32>
    %select_n3A_1392 = arith.select %lt3A_1388, %broadcast_in_dim3A_1391, %select_n3A_1386 : vector<8x4096xi1>, vector<8x4096xi32>
    %slice3A_1393 = vector.extract_strided_slice %add3A_1341 {offsets = [72, 0], sizes = [8, 4096], strides = [1, 1]} : vector<512x4096xf32> to vector<8x4096xf32>
    %lt3A_1394 = arith.cmpf olt, %slice3A_1393, %min3A_1389 : vector<8x4096xf32>
    %min3A_1395 = arith.minimumf %min3A_1389, %slice3A_1393 : vector<8x4096xf32>
    %jit3A_1396 = arith.constant 9 : i32
    %broadcast_in_dim3A_1397 = vector.broadcast %jit3A_1396 : i32 to vector<8x4096xi32>
    %select_n3A_1398 = arith.select %lt3A_1394, %broadcast_in_dim3A_1397, %select_n3A_1392 : vector<8x4096xi1>, vector<8x4096xi32>
    %slice3A_1399 = vector.extract_strided_slice %add3A_1341 {offsets = [80, 0], sizes = [8, 4096], strides = [1, 1]} : vector<512x4096xf32> to vector<8x4096xf32>
    %lt3A_1400 = arith.cmpf olt, %slice3A_1399, %min3A_1395 : vector<8x4096xf32>
    %min3A_1401 = arith.minimumf %min3A_1395, %slice3A_1399 : vector<8x4096xf32>
    %jit3A_1402 = arith.constant 10 : i32
    %broadcast_in_dim3A_1403 = vector.broadcast %jit3A_1402 : i32 to vector<8x4096xi32>
    %select_n3A_1404 = arith.select %lt3A_1400, %broadcast_in_dim3A_1403, %select_n3A_1398 : vector<8x4096xi1>, vector<8x4096xi32>
    %slice3A_1405 = vector.extract_strided_slice %add3A_1341 {offsets = [88, 0], sizes = [8, 4096], strides = [1, 1]} : vector<512x4096xf32> to vector<8x4096xf32>
    %lt3A_1406 = arith.cmpf olt, %slice3A_1405, %min3A_1401 : vector<8x4096xf32>
    %min3A_1407 = arith.minimumf %min3A_1401, %slice3A_1405 : vector<8x4096xf32>
    %jit3A_1408 = arith.constant 11 : i32
    %broadcast_in_dim3A_1409 = vector.broadcast %jit3A_1408 : i32 to vector<8x4096xi32>
    %select_n3A_1410 = arith.select %lt3A_1406, %broadcast_in_dim3A_1409, %select_n3A_1404 : vector<8x4096xi1>, vector<8x4096xi32>
    %slice3A_1411 = vector.extract_strided_slice %add3A_1341 {offsets = [96, 0], sizes = [8, 4096], strides = [1, 1]} : vector<512x4096xf32> to vector<8x4096xf32>
    %lt3A_1412 = arith.cmpf olt, %slice3A_1411, %min3A_1407 : vector<8x4096xf32>
    %min3A_1413 = arith.minimumf %min3A_1407, %slice3A_1411 : vector<8x4096xf32>
    %jit3A_1414 = arith.constant 12 : i32
    %broadcast_in_dim3A_1415 = vector.broadcast %jit3A_1414 : i32 to vector<8x4096xi32>
    %select_n3A_1416 = arith.select %lt3A_1412, %broadcast_in_dim3A_1415, %select_n3A_1410 : vector<8x4096xi1>, vector<8x4096xi32>
    %slice3A_1417 = vector.extract_strided_slice %add3A_1341 {offsets = [104, 0], sizes = [8, 4096], strides = [1, 1]} : vector<512x4096xf32> to vector<8x4096xf32>
    %lt3A_1418 = arith.cmpf olt, %slice3A_1417, %min3A_1413 : vector<8x4096xf32>
    %min3A_1419 = arith.minimumf %min3A_1413, %slice3A_1417 : vector<8x4096xf32>
    %jit3A_1420 = arith.constant 13 : i32
    %broadcast_in_dim3A_1421 = vector.broadcast %jit3A_1420 : i32 to vector<8x4096xi32>
    %select_n3A_1422 = arith.select %lt3A_1418, %broadcast_in_dim3A_1421, %select_n3A_1416 : vector<8x4096xi1>, vector<8x4096xi32>
    %slice3A_1423 = vector.extract_strided_slice %add3A_1341 {offsets = [112, 0], sizes = [8, 4096], strides = [1, 1]} : vector<512x4096xf32> to vector<8x4096xf32>
    %lt3A_1424 = arith.cmpf olt, %slice3A_1423, %min3A_1419 : vector<8x4096xf32>
    %min3A_1425 = arith.minimumf %min3A_1419, %slice3A_1423 : vector<8x4096xf32>
    %jit3A_1426 = arith.constant 14 : i32
    %broadcast_in_dim3A_1427 = vector.broadcast %jit3A_1426 : i32 to vector<8x4096xi32>
    %select_n3A_1428 = arith.select %lt3A_1424, %broadcast_in_dim3A_1427, %select_n3A_1422 : vector<8x4096xi1>, vector<8x4096xi32>
    %slice3A_1429 = vector.extract_strided_slice %add3A_1341 {offsets = [120, 0], sizes = [8, 4096], strides = [1, 1]} : vector<512x4096xf32> to vector<8x4096xf32>
    %lt3A_1430 = arith.cmpf olt, %slice3A_1429, %min3A_1425 : vector<8x4096xf32>
    %min3A_1431 = arith.minimumf %min3A_1425, %slice3A_1429 : vector<8x4096xf32>
    %jit3A_1432 = arith.constant 15 : i32
    %broadcast_in_dim3A_1433 = vector.broadcast %jit3A_1432 : i32 to vector<8x4096xi32>
    %select_n3A_1434 = arith.select %lt3A_1430, %broadcast_in_dim3A_1433, %select_n3A_1428 : vector<8x4096xi1>, vector<8x4096xi32>
    %slice3A_1435 = vector.extract_strided_slice %add3A_1341 {offsets = [128, 0], sizes = [8, 4096], strides = [1, 1]} : vector<512x4096xf32> to vector<8x4096xf32>
    %lt3A_1436 = arith.cmpf olt, %slice3A_1435, %min3A_1431 : vector<8x4096xf32>
    %min3A_1437 = arith.minimumf %min3A_1431, %slice3A_1435 : vector<8x4096xf32>
    %jit3A_1438 = arith.constant 16 : i32
    %broadcast_in_dim3A_1439 = vector.broadcast %jit3A_1438 : i32 to vector<8x4096xi32>
    %select_n3A_1440 = arith.select %lt3A_1436, %broadcast_in_dim3A_1439, %select_n3A_1434 : vector<8x4096xi1>, vector<8x4096xi32>
    %slice3A_1441 = vector.extract_strided_slice %add3A_1341 {offsets = [136, 0], sizes = [8, 4096], strides = [1, 1]} : vector<512x4096xf32> to vector<8x4096xf32>
    %lt3A_1442 = arith.cmpf olt, %slice3A_1441, %min3A_1437 : vector<8x4096xf32>
    %min3A_1443 = arith.minimumf %min3A_1437, %slice3A_1441 : vector<8x4096xf32>
    %jit3A_1444 = arith.constant 17 : i32
    %broadcast_in_dim3A_1445 = vector.broadcast %jit3A_1444 : i32 to vector<8x4096xi32>
    %select_n3A_1446 = arith.select %lt3A_1442, %broadcast_in_dim3A_1445, %select_n3A_1440 : vector<8x4096xi1>, vector<8x4096xi32>
    %slice3A_1447 = vector.extract_strided_slice %add3A_1341 {offsets = [144, 0], sizes = [8, 4096], strides = [1, 1]} : vector<512x4096xf32> to vector<8x4096xf32>
    %lt3A_1448 = arith.cmpf olt, %slice3A_1447, %min3A_1443 : vector<8x4096xf32>
    %min3A_1449 = arith.minimumf %min3A_1443, %slice3A_1447 : vector<8x4096xf32>
    %jit3A_1450 = arith.constant 18 : i32
    %broadcast_in_dim3A_1451 = vector.broadcast %jit3A_1450 : i32 to vector<8x4096xi32>
    %select_n3A_1452 = arith.select %lt3A_1448, %broadcast_in_dim3A_1451, %select_n3A_1446 : vector<8x4096xi1>, vector<8x4096xi32>
    %slice3A_1453 = vector.extract_strided_slice %add3A_1341 {offsets = [152, 0], sizes = [8, 4096], strides = [1, 1]} : vector<512x4096xf32> to vector<8x4096xf32>
    %lt3A_1454 = arith.cmpf olt, %slice3A_1453, %min3A_1449 : vector<8x4096xf32>
    %min3A_1455 = arith.minimumf %min3A_1449, %slice3A_1453 : vector<8x4096xf32>
    %jit3A_1456 = arith.constant 19 : i32
    %broadcast_in_dim3A_1457 = vector.broadcast %jit3A_1456 : i32 to vector<8x4096xi32>
    %select_n3A_1458 = arith.select %lt3A_1454, %broadcast_in_dim3A_1457, %select_n3A_1452 : vector<8x4096xi1>, vector<8x4096xi32>
    %slice3A_1459 = vector.extract_strided_slice %add3A_1341 {offsets = [160, 0], sizes = [8, 4096], strides = [1, 1]} : vector<512x4096xf32> to vector<8x4096xf32>
    %lt3A_1460 = arith.cmpf olt, %slice3A_1459, %min3A_1455 : vector<8x4096xf32>
    %min3A_1461 = arith.minimumf %min3A_1455, %slice3A_1459 : vector<8x4096xf32>
    %jit3A_1462 = arith.constant 20 : i32
    %broadcast_in_dim3A_1463 = vector.broadcast %jit3A_1462 : i32 to vector<8x4096xi32>
    %select_n3A_1464 = arith.select %lt3A_1460, %broadcast_in_dim3A_1463, %select_n3A_1458 : vector<8x4096xi1>, vector<8x4096xi32>
    %slice3A_1465 = vector.extract_strided_slice %add3A_1341 {offsets = [168, 0], sizes = [8, 4096], strides = [1, 1]} : vector<512x4096xf32> to vector<8x4096xf32>
    %lt3A_1466 = arith.cmpf olt, %slice3A_1465, %min3A_1461 : vector<8x4096xf32>
    %min3A_1467 = arith.minimumf %min3A_1461, %slice3A_1465 : vector<8x4096xf32>
    %jit3A_1468 = arith.constant 21 : i32
    %broadcast_in_dim3A_1469 = vector.broadcast %jit3A_1468 : i32 to vector<8x4096xi32>
    %select_n3A_1470 = arith.select %lt3A_1466, %broadcast_in_dim3A_1469, %select_n3A_1464 : vector<8x4096xi1>, vector<8x4096xi32>
    %slice3A_1471 = vector.extract_strided_slice %add3A_1341 {offsets = [176, 0], sizes = [8, 4096], strides = [1, 1]} : vector<512x4096xf32> to vector<8x4096xf32>
    %lt3A_1472 = arith.cmpf olt, %slice3A_1471, %min3A_1467 : vector<8x4096xf32>
    %min3A_1473 = arith.minimumf %min3A_1467, %slice3A_1471 : vector<8x4096xf32>
    %jit3A_1474 = arith.constant 22 : i32
    %broadcast_in_dim3A_1475 = vector.broadcast %jit3A_1474 : i32 to vector<8x4096xi32>
    %select_n3A_1476 = arith.select %lt3A_1472, %broadcast_in_dim3A_1475, %select_n3A_1470 : vector<8x4096xi1>, vector<8x4096xi32>
    %slice3A_1477 = vector.extract_strided_slice %add3A_1341 {offsets = [184, 0], sizes = [8, 4096], strides = [1, 1]} : vector<512x4096xf32> to vector<8x4096xf32>
    %lt3A_1478 = arith.cmpf olt, %slice3A_1477, %min3A_1473 : vector<8x4096xf32>
    %min3A_1479 = arith.minimumf %min3A_1473, %slice3A_1477 : vector<8x4096xf32>
    %jit3A_1480 = arith.constant 23 : i32
    %broadcast_in_dim3A_1481 = vector.broadcast %jit3A_1480 : i32 to vector<8x4096xi32>
    %select_n3A_1482 = arith.select %lt3A_1478, %broadcast_in_dim3A_1481, %select_n3A_1476 : vector<8x4096xi1>, vector<8x4096xi32>
    %slice3A_1483 = vector.extract_strided_slice %add3A_1341 {offsets = [192, 0], sizes = [8, 4096], strides = [1, 1]} : vector<512x4096xf32> to vector<8x4096xf32>
    %lt3A_1484 = arith.cmpf olt, %slice3A_1483, %min3A_1479 : vector<8x4096xf32>
    %min3A_1485 = arith.minimumf %min3A_1479, %slice3A_1483 : vector<8x4096xf32>
    %jit3A_1486 = arith.constant 24 : i32
    %broadcast_in_dim3A_1487 = vector.broadcast %jit3A_1486 : i32 to vector<8x4096xi32>
    %select_n3A_1488 = arith.select %lt3A_1484, %broadcast_in_dim3A_1487, %select_n3A_1482 : vector<8x4096xi1>, vector<8x4096xi32>
    %slice3A_1489 = vector.extract_strided_slice %add3A_1341 {offsets = [200, 0], sizes = [8, 4096], strides = [1, 1]} : vector<512x4096xf32> to vector<8x4096xf32>
    %lt3A_1490 = arith.cmpf olt, %slice3A_1489, %min3A_1485 : vector<8x4096xf32>
    %min3A_1491 = arith.minimumf %min3A_1485, %slice3A_1489 : vector<8x4096xf32>
    %jit3A_1492 = arith.constant 25 : i32
    %broadcast_in_dim3A_1493 = vector.broadcast %jit3A_1492 : i32 to vector<8x4096xi32>
    %select_n3A_1494 = arith.select %lt3A_1490, %broadcast_in_dim3A_1493, %select_n3A_1488 : vector<8x4096xi1>, vector<8x4096xi32>
    %slice3A_1495 = vector.extract_strided_slice %add3A_1341 {offsets = [208, 0], sizes = [8, 4096], strides = [1, 1]} : vector<512x4096xf32> to vector<8x4096xf32>
    %lt3A_1496 = arith.cmpf olt, %slice3A_1495, %min3A_1491 : vector<8x4096xf32>
    %min3A_1497 = arith.minimumf %min3A_1491, %slice3A_1495 : vector<8x4096xf32>
    %jit3A_1498 = arith.constant 26 : i32
    %broadcast_in_dim3A_1499 = vector.broadcast %jit3A_1498 : i32 to vector<8x4096xi32>
    %select_n3A_1500 = arith.select %lt3A_1496, %broadcast_in_dim3A_1499, %select_n3A_1494 : vector<8x4096xi1>, vector<8x4096xi32>
    %slice3A_1501 = vector.extract_strided_slice %add3A_1341 {offsets = [216, 0], sizes = [8, 4096], strides = [1, 1]} : vector<512x4096xf32> to vector<8x4096xf32>
    %lt3A_1502 = arith.cmpf olt, %slice3A_1501, %min3A_1497 : vector<8x4096xf32>
    %min3A_1503 = arith.minimumf %min3A_1497, %slice3A_1501 : vector<8x4096xf32>
    %jit3A_1504 = arith.constant 27 : i32
    %broadcast_in_dim3A_1505 = vector.broadcast %jit3A_1504 : i32 to vector<8x4096xi32>
    %select_n3A_1506 = arith.select %lt3A_1502, %broadcast_in_dim3A_1505, %select_n3A_1500 : vector<8x4096xi1>, vector<8x4096xi32>
    %slice3A_1507 = vector.extract_strided_slice %add3A_1341 {offsets = [224, 0], sizes = [8, 4096], strides = [1, 1]} : vector<512x4096xf32> to vector<8x4096xf32>
    %lt3A_1508 = arith.cmpf olt, %slice3A_1507, %min3A_1503 : vector<8x4096xf32>
    %min3A_1509 = arith.minimumf %min3A_1503, %slice3A_1507 : vector<8x4096xf32>
    %jit3A_1510 = arith.constant 28 : i32
    %broadcast_in_dim3A_1511 = vector.broadcast %jit3A_1510 : i32 to vector<8x4096xi32>
    %select_n3A_1512 = arith.select %lt3A_1508, %broadcast_in_dim3A_1511, %select_n3A_1506 : vector<8x4096xi1>, vector<8x4096xi32>
    %slice3A_1513 = vector.extract_strided_slice %add3A_1341 {offsets = [232, 0], sizes = [8, 4096], strides = [1, 1]} : vector<512x4096xf32> to vector<8x4096xf32>
    %lt3A_1514 = arith.cmpf olt, %slice3A_1513, %min3A_1509 : vector<8x4096xf32>
    %min3A_1515 = arith.minimumf %min3A_1509, %slice3A_1513 : vector<8x4096xf32>
    %jit3A_1516 = arith.constant 29 : i32
    %broadcast_in_dim3A_1517 = vector.broadcast %jit3A_1516 : i32 to vector<8x4096xi32>
    %select_n3A_1518 = arith.select %lt3A_1514, %broadcast_in_dim3A_1517, %select_n3A_1512 : vector<8x4096xi1>, vector<8x4096xi32>
    %slice3A_1519 = vector.extract_strided_slice %add3A_1341 {offsets = [240, 0], sizes = [8, 4096], strides = [1, 1]} : vector<512x4096xf32> to vector<8x4096xf32>
    %lt3A_1520 = arith.cmpf olt, %slice3A_1519, %min3A_1515 : vector<8x4096xf32>
    %min3A_1521 = arith.minimumf %min3A_1515, %slice3A_1519 : vector<8x4096xf32>
    %jit3A_1522 = arith.constant 30 : i32
    %broadcast_in_dim3A_1523 = vector.broadcast %jit3A_1522 : i32 to vector<8x4096xi32>
    %select_n3A_1524 = arith.select %lt3A_1520, %broadcast_in_dim3A_1523, %select_n3A_1518 : vector<8x4096xi1>, vector<8x4096xi32>
    %slice3A_1525 = vector.extract_strided_slice %add3A_1341 {offsets = [248, 0], sizes = [8, 4096], strides = [1, 1]} : vector<512x4096xf32> to vector<8x4096xf32>
    %lt3A_1526 = arith.cmpf olt, %slice3A_1525, %min3A_1521 : vector<8x4096xf32>
    %min3A_1527 = arith.minimumf %min3A_1521, %slice3A_1525 : vector<8x4096xf32>
    %jit3A_1528 = arith.constant 31 : i32
    %broadcast_in_dim3A_1529 = vector.broadcast %jit3A_1528 : i32 to vector<8x4096xi32>
    %select_n3A_1530 = arith.select %lt3A_1526, %broadcast_in_dim3A_1529, %select_n3A_1524 : vector<8x4096xi1>, vector<8x4096xi32>
    %slice3A_1531 = vector.extract_strided_slice %add3A_1341 {offsets = [256, 0], sizes = [8, 4096], strides = [1, 1]} : vector<512x4096xf32> to vector<8x4096xf32>
    %lt3A_1532 = arith.cmpf olt, %slice3A_1531, %min3A_1527 : vector<8x4096xf32>
    %min3A_1533 = arith.minimumf %min3A_1527, %slice3A_1531 : vector<8x4096xf32>
    %jit3A_1534 = arith.constant 32 : i32
    %broadcast_in_dim3A_1535 = vector.broadcast %jit3A_1534 : i32 to vector<8x4096xi32>
    %select_n3A_1536 = arith.select %lt3A_1532, %broadcast_in_dim3A_1535, %select_n3A_1530 : vector<8x4096xi1>, vector<8x4096xi32>
    %slice3A_1537 = vector.extract_strided_slice %add3A_1341 {offsets = [264, 0], sizes = [8, 4096], strides = [1, 1]} : vector<512x4096xf32> to vector<8x4096xf32>
    %lt3A_1538 = arith.cmpf olt, %slice3A_1537, %min3A_1533 : vector<8x4096xf32>
    %min3A_1539 = arith.minimumf %min3A_1533, %slice3A_1537 : vector<8x4096xf32>
    %jit3A_1540 = arith.constant 33 : i32
    %broadcast_in_dim3A_1541 = vector.broadcast %jit3A_1540 : i32 to vector<8x4096xi32>
    %select_n3A_1542 = arith.select %lt3A_1538, %broadcast_in_dim3A_1541, %select_n3A_1536 : vector<8x4096xi1>, vector<8x4096xi32>
    %slice3A_1543 = vector.extract_strided_slice %add3A_1341 {offsets = [272, 0], sizes = [8, 4096], strides = [1, 1]} : vector<512x4096xf32> to vector<8x4096xf32>
    %lt3A_1544 = arith.cmpf olt, %slice3A_1543, %min3A_1539 : vector<8x4096xf32>
    %min3A_1545 = arith.minimumf %min3A_1539, %slice3A_1543 : vector<8x4096xf32>
    %jit3A_1546 = arith.constant 34 : i32
    %broadcast_in_dim3A_1547 = vector.broadcast %jit3A_1546 : i32 to vector<8x4096xi32>
    %select_n3A_1548 = arith.select %lt3A_1544, %broadcast_in_dim3A_1547, %select_n3A_1542 : vector<8x4096xi1>, vector<8x4096xi32>
    %slice3A_1549 = vector.extract_strided_slice %add3A_1341 {offsets = [280, 0], sizes = [8, 4096], strides = [1, 1]} : vector<512x4096xf32> to vector<8x4096xf32>
    %lt3A_1550 = arith.cmpf olt, %slice3A_1549, %min3A_1545 : vector<8x4096xf32>
    %min3A_1551 = arith.minimumf %min3A_1545, %slice3A_1549 : vector<8x4096xf32>
    %jit3A_1552 = arith.constant 35 : i32
    %broadcast_in_dim3A_1553 = vector.broadcast %jit3A_1552 : i32 to vector<8x4096xi32>
    %select_n3A_1554 = arith.select %lt3A_1550, %broadcast_in_dim3A_1553, %select_n3A_1548 : vector<8x4096xi1>, vector<8x4096xi32>
    %slice3A_1555 = vector.extract_strided_slice %add3A_1341 {offsets = [288, 0], sizes = [8, 4096], strides = [1, 1]} : vector<512x4096xf32> to vector<8x4096xf32>
    %lt3A_1556 = arith.cmpf olt, %slice3A_1555, %min3A_1551 : vector<8x4096xf32>
    %min3A_1557 = arith.minimumf %min3A_1551, %slice3A_1555 : vector<8x4096xf32>
    %jit3A_1558 = arith.constant 36 : i32
    %broadcast_in_dim3A_1559 = vector.broadcast %jit3A_1558 : i32 to vector<8x4096xi32>
    %select_n3A_1560 = arith.select %lt3A_1556, %broadcast_in_dim3A_1559, %select_n3A_1554 : vector<8x4096xi1>, vector<8x4096xi32>
    %slice3A_1561 = vector.extract_strided_slice %add3A_1341 {offsets = [296, 0], sizes = [8, 4096], strides = [1, 1]} : vector<512x4096xf32> to vector<8x4096xf32>
    %lt3A_1562 = arith.cmpf olt, %slice3A_1561, %min3A_1557 : vector<8x4096xf32>
    %min3A_1563 = arith.minimumf %min3A_1557, %slice3A_1561 : vector<8x4096xf32>
    %jit3A_1564 = arith.constant 37 : i32
    %broadcast_in_dim3A_1565 = vector.broadcast %jit3A_1564 : i32 to vector<8x4096xi32>
    %select_n3A_1566 = arith.select %lt3A_1562, %broadcast_in_dim3A_1565, %select_n3A_1560 : vector<8x4096xi1>, vector<8x4096xi32>
    %slice3A_1567 = vector.extract_strided_slice %add3A_1341 {offsets = [304, 0], sizes = [8, 4096], strides = [1, 1]} : vector<512x4096xf32> to vector<8x4096xf32>
    %lt3A_1568 = arith.cmpf olt, %slice3A_1567, %min3A_1563 : vector<8x4096xf32>
    %min3A_1569 = arith.minimumf %min3A_1563, %slice3A_1567 : vector<8x4096xf32>
    %jit3A_1570 = arith.constant 38 : i32
    %broadcast_in_dim3A_1571 = vector.broadcast %jit3A_1570 : i32 to vector<8x4096xi32>
    %select_n3A_1572 = arith.select %lt3A_1568, %broadcast_in_dim3A_1571, %select_n3A_1566 : vector<8x4096xi1>, vector<8x4096xi32>
    %slice3A_1573 = vector.extract_strided_slice %add3A_1341 {offsets = [312, 0], sizes = [8, 4096], strides = [1, 1]} : vector<512x4096xf32> to vector<8x4096xf32>
    %lt3A_1574 = arith.cmpf olt, %slice3A_1573, %min3A_1569 : vector<8x4096xf32>
    %min3A_1575 = arith.minimumf %min3A_1569, %slice3A_1573 : vector<8x4096xf32>
    %jit3A_1576 = arith.constant 39 : i32
    %broadcast_in_dim3A_1577 = vector.broadcast %jit3A_1576 : i32 to vector<8x4096xi32>
    %select_n3A_1578 = arith.select %lt3A_1574, %broadcast_in_dim3A_1577, %select_n3A_1572 : vector<8x4096xi1>, vector<8x4096xi32>
    %slice3A_1579 = vector.extract_strided_slice %add3A_1341 {offsets = [320, 0], sizes = [8, 4096], strides = [1, 1]} : vector<512x4096xf32> to vector<8x4096xf32>
    %lt3A_1580 = arith.cmpf olt, %slice3A_1579, %min3A_1575 : vector<8x4096xf32>
    %min3A_1581 = arith.minimumf %min3A_1575, %slice3A_1579 : vector<8x4096xf32>
    %jit3A_1582 = arith.constant 40 : i32
    %broadcast_in_dim3A_1583 = vector.broadcast %jit3A_1582 : i32 to vector<8x4096xi32>
    %select_n3A_1584 = arith.select %lt3A_1580, %broadcast_in_dim3A_1583, %select_n3A_1578 : vector<8x4096xi1>, vector<8x4096xi32>
    %slice3A_1585 = vector.extract_strided_slice %add3A_1341 {offsets = [328, 0], sizes = [8, 4096], strides = [1, 1]} : vector<512x4096xf32> to vector<8x4096xf32>
    %lt3A_1586 = arith.cmpf olt, %slice3A_1585, %min3A_1581 : vector<8x4096xf32>
    %min3A_1587 = arith.minimumf %min3A_1581, %slice3A_1585 : vector<8x4096xf32>
    %jit3A_1588 = arith.constant 41 : i32
    %broadcast_in_dim3A_1589 = vector.broadcast %jit3A_1588 : i32 to vector<8x4096xi32>
    %select_n3A_1590 = arith.select %lt3A_1586, %broadcast_in_dim3A_1589, %select_n3A_1584 : vector<8x4096xi1>, vector<8x4096xi32>
    %slice3A_1591 = vector.extract_strided_slice %add3A_1341 {offsets = [336, 0], sizes = [8, 4096], strides = [1, 1]} : vector<512x4096xf32> to vector<8x4096xf32>
    %lt3A_1592 = arith.cmpf olt, %slice3A_1591, %min3A_1587 : vector<8x4096xf32>
    %min3A_1593 = arith.minimumf %min3A_1587, %slice3A_1591 : vector<8x4096xf32>
    %jit3A_1594 = arith.constant 42 : i32
    %broadcast_in_dim3A_1595 = vector.broadcast %jit3A_1594 : i32 to vector<8x4096xi32>
    %select_n3A_1596 = arith.select %lt3A_1592, %broadcast_in_dim3A_1595, %select_n3A_1590 : vector<8x4096xi1>, vector<8x4096xi32>
    %slice3A_1597 = vector.extract_strided_slice %add3A_1341 {offsets = [344, 0], sizes = [8, 4096], strides = [1, 1]} : vector<512x4096xf32> to vector<8x4096xf32>
    %lt3A_1598 = arith.cmpf olt, %slice3A_1597, %min3A_1593 : vector<8x4096xf32>
    %min3A_1599 = arith.minimumf %min3A_1593, %slice3A_1597 : vector<8x4096xf32>
    %jit3A_1600 = arith.constant 43 : i32
    %broadcast_in_dim3A_1601 = vector.broadcast %jit3A_1600 : i32 to vector<8x4096xi32>
    %select_n3A_1602 = arith.select %lt3A_1598, %broadcast_in_dim3A_1601, %select_n3A_1596 : vector<8x4096xi1>, vector<8x4096xi32>
    %slice3A_1603 = vector.extract_strided_slice %add3A_1341 {offsets = [352, 0], sizes = [8, 4096], strides = [1, 1]} : vector<512x4096xf32> to vector<8x4096xf32>
    %lt3A_1604 = arith.cmpf olt, %slice3A_1603, %min3A_1599 : vector<8x4096xf32>
    %min3A_1605 = arith.minimumf %min3A_1599, %slice3A_1603 : vector<8x4096xf32>
    %jit3A_1606 = arith.constant 44 : i32
    %broadcast_in_dim3A_1607 = vector.broadcast %jit3A_1606 : i32 to vector<8x4096xi32>
    %select_n3A_1608 = arith.select %lt3A_1604, %broadcast_in_dim3A_1607, %select_n3A_1602 : vector<8x4096xi1>, vector<8x4096xi32>
    %slice3A_1609 = vector.extract_strided_slice %add3A_1341 {offsets = [360, 0], sizes = [8, 4096], strides = [1, 1]} : vector<512x4096xf32> to vector<8x4096xf32>
    %lt3A_1610 = arith.cmpf olt, %slice3A_1609, %min3A_1605 : vector<8x4096xf32>
    %min3A_1611 = arith.minimumf %min3A_1605, %slice3A_1609 : vector<8x4096xf32>
    %jit3A_1612 = arith.constant 45 : i32
    %broadcast_in_dim3A_1613 = vector.broadcast %jit3A_1612 : i32 to vector<8x4096xi32>
    %select_n3A_1614 = arith.select %lt3A_1610, %broadcast_in_dim3A_1613, %select_n3A_1608 : vector<8x4096xi1>, vector<8x4096xi32>
    %slice3A_1615 = vector.extract_strided_slice %add3A_1341 {offsets = [368, 0], sizes = [8, 4096], strides = [1, 1]} : vector<512x4096xf32> to vector<8x4096xf32>
    %lt3A_1616 = arith.cmpf olt, %slice3A_1615, %min3A_1611 : vector<8x4096xf32>
    %min3A_1617 = arith.minimumf %min3A_1611, %slice3A_1615 : vector<8x4096xf32>
    %jit3A_1618 = arith.constant 46 : i32
    %broadcast_in_dim3A_1619 = vector.broadcast %jit3A_1618 : i32 to vector<8x4096xi32>
    %select_n3A_1620 = arith.select %lt3A_1616, %broadcast_in_dim3A_1619, %select_n3A_1614 : vector<8x4096xi1>, vector<8x4096xi32>
    %slice3A_1621 = vector.extract_strided_slice %add3A_1341 {offsets = [376, 0], sizes = [8, 4096], strides = [1, 1]} : vector<512x4096xf32> to vector<8x4096xf32>
    %lt3A_1622 = arith.cmpf olt, %slice3A_1621, %min3A_1617 : vector<8x4096xf32>
    %min3A_1623 = arith.minimumf %min3A_1617, %slice3A_1621 : vector<8x4096xf32>
    %jit3A_1624 = arith.constant 47 : i32
    %broadcast_in_dim3A_1625 = vector.broadcast %jit3A_1624 : i32 to vector<8x4096xi32>
    %select_n3A_1626 = arith.select %lt3A_1622, %broadcast_in_dim3A_1625, %select_n3A_1620 : vector<8x4096xi1>, vector<8x4096xi32>
    %slice3A_1627 = vector.extract_strided_slice %add3A_1341 {offsets = [384, 0], sizes = [8, 4096], strides = [1, 1]} : vector<512x4096xf32> to vector<8x4096xf32>
    %lt3A_1628 = arith.cmpf olt, %slice3A_1627, %min3A_1623 : vector<8x4096xf32>
    %min3A_1629 = arith.minimumf %min3A_1623, %slice3A_1627 : vector<8x4096xf32>
    %jit3A_1630 = arith.constant 48 : i32
    %broadcast_in_dim3A_1631 = vector.broadcast %jit3A_1630 : i32 to vector<8x4096xi32>
    %select_n3A_1632 = arith.select %lt3A_1628, %broadcast_in_dim3A_1631, %select_n3A_1626 : vector<8x4096xi1>, vector<8x4096xi32>
    %slice3A_1633 = vector.extract_strided_slice %add3A_1341 {offsets = [392, 0], sizes = [8, 4096], strides = [1, 1]} : vector<512x4096xf32> to vector<8x4096xf32>
    %lt3A_1634 = arith.cmpf olt, %slice3A_1633, %min3A_1629 : vector<8x4096xf32>
    %min3A_1635 = arith.minimumf %min3A_1629, %slice3A_1633 : vector<8x4096xf32>
    %jit3A_1636 = arith.constant 49 : i32
    %broadcast_in_dim3A_1637 = vector.broadcast %jit3A_1636 : i32 to vector<8x4096xi32>
    %select_n3A_1638 = arith.select %lt3A_1634, %broadcast_in_dim3A_1637, %select_n3A_1632 : vector<8x4096xi1>, vector<8x4096xi32>
    %slice3A_1639 = vector.extract_strided_slice %add3A_1341 {offsets = [400, 0], sizes = [8, 4096], strides = [1, 1]} : vector<512x4096xf32> to vector<8x4096xf32>
    %lt3A_1640 = arith.cmpf olt, %slice3A_1639, %min3A_1635 : vector<8x4096xf32>
    %min3A_1641 = arith.minimumf %min3A_1635, %slice3A_1639 : vector<8x4096xf32>
    %jit3A_1642 = arith.constant 50 : i32
    %broadcast_in_dim3A_1643 = vector.broadcast %jit3A_1642 : i32 to vector<8x4096xi32>
    %select_n3A_1644 = arith.select %lt3A_1640, %broadcast_in_dim3A_1643, %select_n3A_1638 : vector<8x4096xi1>, vector<8x4096xi32>
    %slice3A_1645 = vector.extract_strided_slice %add3A_1341 {offsets = [408, 0], sizes = [8, 4096], strides = [1, 1]} : vector<512x4096xf32> to vector<8x4096xf32>
    %lt3A_1646 = arith.cmpf olt, %slice3A_1645, %min3A_1641 : vector<8x4096xf32>
    %min3A_1647 = arith.minimumf %min3A_1641, %slice3A_1645 : vector<8x4096xf32>
    %jit3A_1648 = arith.constant 51 : i32
    %broadcast_in_dim3A_1649 = vector.broadcast %jit3A_1648 : i32 to vector<8x4096xi32>
    %select_n3A_1650 = arith.select %lt3A_1646, %broadcast_in_dim3A_1649, %select_n3A_1644 : vector<8x4096xi1>, vector<8x4096xi32>
    %slice3A_1651 = vector.extract_strided_slice %add3A_1341 {offsets = [416, 0], sizes = [8, 4096], strides = [1, 1]} : vector<512x4096xf32> to vector<8x4096xf32>
    %lt3A_1652 = arith.cmpf olt, %slice3A_1651, %min3A_1647 : vector<8x4096xf32>
    %min3A_1653 = arith.minimumf %min3A_1647, %slice3A_1651 : vector<8x4096xf32>
    %jit3A_1654 = arith.constant 52 : i32
    %broadcast_in_dim3A_1655 = vector.broadcast %jit3A_1654 : i32 to vector<8x4096xi32>
    %select_n3A_1656 = arith.select %lt3A_1652, %broadcast_in_dim3A_1655, %select_n3A_1650 : vector<8x4096xi1>, vector<8x4096xi32>
    %slice3A_1657 = vector.extract_strided_slice %add3A_1341 {offsets = [424, 0], sizes = [8, 4096], strides = [1, 1]} : vector<512x4096xf32> to vector<8x4096xf32>
    %lt3A_1658 = arith.cmpf olt, %slice3A_1657, %min3A_1653 : vector<8x4096xf32>
    %min3A_1659 = arith.minimumf %min3A_1653, %slice3A_1657 : vector<8x4096xf32>
    %jit3A_1660 = arith.constant 53 : i32
    %broadcast_in_dim3A_1661 = vector.broadcast %jit3A_1660 : i32 to vector<8x4096xi32>
    %select_n3A_1662 = arith.select %lt3A_1658, %broadcast_in_dim3A_1661, %select_n3A_1656 : vector<8x4096xi1>, vector<8x4096xi32>
    %slice3A_1663 = vector.extract_strided_slice %add3A_1341 {offsets = [432, 0], sizes = [8, 4096], strides = [1, 1]} : vector<512x4096xf32> to vector<8x4096xf32>
    %lt3A_1664 = arith.cmpf olt, %slice3A_1663, %min3A_1659 : vector<8x4096xf32>
    %min3A_1665 = arith.minimumf %min3A_1659, %slice3A_1663 : vector<8x4096xf32>
    %jit3A_1666 = arith.constant 54 : i32
    %broadcast_in_dim3A_1667 = vector.broadcast %jit3A_1666 : i32 to vector<8x4096xi32>
    %select_n3A_1668 = arith.select %lt3A_1664, %broadcast_in_dim3A_1667, %select_n3A_1662 : vector<8x4096xi1>, vector<8x4096xi32>
    %slice3A_1669 = vector.extract_strided_slice %add3A_1341 {offsets = [440, 0], sizes = [8, 4096], strides = [1, 1]} : vector<512x4096xf32> to vector<8x4096xf32>
    %lt3A_1670 = arith.cmpf olt, %slice3A_1669, %min3A_1665 : vector<8x4096xf32>
    %min3A_1671 = arith.minimumf %min3A_1665, %slice3A_1669 : vector<8x4096xf32>
    %jit3A_1672 = arith.constant 55 : i32
    %broadcast_in_dim3A_1673 = vector.broadcast %jit3A_1672 : i32 to vector<8x4096xi32>
    %select_n3A_1674 = arith.select %lt3A_1670, %broadcast_in_dim3A_1673, %select_n3A_1668 : vector<8x4096xi1>, vector<8x4096xi32>
    %slice3A_1675 = vector.extract_strided_slice %add3A_1341 {offsets = [448, 0], sizes = [8, 4096], strides = [1, 1]} : vector<512x4096xf32> to vector<8x4096xf32>
    %lt3A_1676 = arith.cmpf olt, %slice3A_1675, %min3A_1671 : vector<8x4096xf32>
    %min3A_1677 = arith.minimumf %min3A_1671, %slice3A_1675 : vector<8x4096xf32>
    %jit3A_1678 = arith.constant 56 : i32
    %broadcast_in_dim3A_1679 = vector.broadcast %jit3A_1678 : i32 to vector<8x4096xi32>
    %select_n3A_1680 = arith.select %lt3A_1676, %broadcast_in_dim3A_1679, %select_n3A_1674 : vector<8x4096xi1>, vector<8x4096xi32>
    %slice3A_1681 = vector.extract_strided_slice %add3A_1341 {offsets = [456, 0], sizes = [8, 4096], strides = [1, 1]} : vector<512x4096xf32> to vector<8x4096xf32>
    %lt3A_1682 = arith.cmpf olt, %slice3A_1681, %min3A_1677 : vector<8x4096xf32>
    %min3A_1683 = arith.minimumf %min3A_1677, %slice3A_1681 : vector<8x4096xf32>
    %jit3A_1684 = arith.constant 57 : i32
    %broadcast_in_dim3A_1685 = vector.broadcast %jit3A_1684 : i32 to vector<8x4096xi32>
    %select_n3A_1686 = arith.select %lt3A_1682, %broadcast_in_dim3A_1685, %select_n3A_1680 : vector<8x4096xi1>, vector<8x4096xi32>
    %slice3A_1687 = vector.extract_strided_slice %add3A_1341 {offsets = [464, 0], sizes = [8, 4096], strides = [1, 1]} : vector<512x4096xf32> to vector<8x4096xf32>
    %lt3A_1688 = arith.cmpf olt, %slice3A_1687, %min3A_1683 : vector<8x4096xf32>
    %min3A_1689 = arith.minimumf %min3A_1683, %slice3A_1687 : vector<8x4096xf32>
    %jit3A_1690 = arith.constant 58 : i32
    %broadcast_in_dim3A_1691 = vector.broadcast %jit3A_1690 : i32 to vector<8x4096xi32>
    %select_n3A_1692 = arith.select %lt3A_1688, %broadcast_in_dim3A_1691, %select_n3A_1686 : vector<8x4096xi1>, vector<8x4096xi32>
    %slice3A_1693 = vector.extract_strided_slice %add3A_1341 {offsets = [472, 0], sizes = [8, 4096], strides = [1, 1]} : vector<512x4096xf32> to vector<8x4096xf32>
    %lt3A_1694 = arith.cmpf olt, %slice3A_1693, %min3A_1689 : vector<8x4096xf32>
    %min3A_1695 = arith.minimumf %min3A_1689, %slice3A_1693 : vector<8x4096xf32>
    %jit3A_1696 = arith.constant 59 : i32
    %broadcast_in_dim3A_1697 = vector.broadcast %jit3A_1696 : i32 to vector<8x4096xi32>
    %select_n3A_1698 = arith.select %lt3A_1694, %broadcast_in_dim3A_1697, %select_n3A_1692 : vector<8x4096xi1>, vector<8x4096xi32>
    %slice3A_1699 = vector.extract_strided_slice %add3A_1341 {offsets = [480, 0], sizes = [8, 4096], strides = [1, 1]} : vector<512x4096xf32> to vector<8x4096xf32>
    %lt3A_1700 = arith.cmpf olt, %slice3A_1699, %min3A_1695 : vector<8x4096xf32>
    %min3A_1701 = arith.minimumf %min3A_1695, %slice3A_1699 : vector<8x4096xf32>
    %jit3A_1702 = arith.constant 60 : i32
    %broadcast_in_dim3A_1703 = vector.broadcast %jit3A_1702 : i32 to vector<8x4096xi32>
    %select_n3A_1704 = arith.select %lt3A_1700, %broadcast_in_dim3A_1703, %select_n3A_1698 : vector<8x4096xi1>, vector<8x4096xi32>
    %slice3A_1705 = vector.extract_strided_slice %add3A_1341 {offsets = [488, 0], sizes = [8, 4096], strides = [1, 1]} : vector<512x4096xf32> to vector<8x4096xf32>
    %lt3A_1706 = arith.cmpf olt, %slice3A_1705, %min3A_1701 : vector<8x4096xf32>
    %min3A_1707 = arith.minimumf %min3A_1701, %slice3A_1705 : vector<8x4096xf32>
    %jit3A_1708 = arith.constant 61 : i32
    %broadcast_in_dim3A_1709 = vector.broadcast %jit3A_1708 : i32 to vector<8x4096xi32>
    %select_n3A_1710 = arith.select %lt3A_1706, %broadcast_in_dim3A_1709, %select_n3A_1704 : vector<8x4096xi1>, vector<8x4096xi32>
    %slice3A_1711 = vector.extract_strided_slice %add3A_1341 {offsets = [496, 0], sizes = [8, 4096], strides = [1, 1]} : vector<512x4096xf32> to vector<8x4096xf32>
    %lt3A_1712 = arith.cmpf olt, %slice3A_1711, %min3A_1707 : vector<8x4096xf32>
    %min3A_1713 = arith.minimumf %min3A_1707, %slice3A_1711 : vector<8x4096xf32>
    %jit3A_1714 = arith.constant 62 : i32
    %broadcast_in_dim3A_1715 = vector.broadcast %jit3A_1714 : i32 to vector<8x4096xi32>
    %select_n3A_1716 = arith.select %lt3A_1712, %broadcast_in_dim3A_1715, %select_n3A_1710 : vector<8x4096xi1>, vector<8x4096xi32>
    %slice3A_1717 = vector.extract_strided_slice %add3A_1341 {offsets = [504, 0], sizes = [8, 4096], strides = [1, 1]} : vector<512x4096xf32> to vector<8x4096xf32>
    %lt3A_1718 = arith.cmpf olt, %slice3A_1717, %min3A_1713 : vector<8x4096xf32>
    %min3A_1719 = arith.minimumf %min3A_1713, %slice3A_1717 : vector<8x4096xf32>
    %jit3A_1720 = arith.constant 63 : i32
    %broadcast_in_dim3A_1721 = vector.broadcast %jit3A_1720 : i32 to vector<8x4096xi32>
    %select_n3A_1722 = arith.select %lt3A_1718, %broadcast_in_dim3A_1721, %select_n3A_1716 : vector<8x4096xi1>, vector<8x4096xi32>
    %mul3A_1723 = arith.constant 8 : i32
    %mul3A_1724 = vector.broadcast %mul3A_1723 : i32 to vector<8x4096xi32>
    %mul3A_1725 = arith.muli %select_n3A_1722, %mul3A_1724 : vector<8x4096xi32>
    %add3A_1726 = arith.addi %mul3A_1725, %iota3A_7 : vector<8x4096xi32>
    %slice3A_1727 = vector.extract_strided_slice %min3A_1719 {offsets = [0, 0], sizes = [4, 4096], strides = [1, 1]} : vector<8x4096xf32> to vector<4x4096xf32>
    %slice3A_1728 = vector.extract_strided_slice %add3A_1726 {offsets = [0, 0], sizes = [4, 4096], strides = [1, 1]} : vector<8x4096xi32> to vector<4x4096xi32>
    %slice3A_1729 = vector.extract_strided_slice %min3A_1719 {offsets = [4, 0], sizes = [4, 4096], strides = [1, 1]} : vector<8x4096xf32> to vector<4x4096xf32>
    %slice3A_1730 = vector.extract_strided_slice %add3A_1726 {offsets = [4, 0], sizes = [4, 4096], strides = [1, 1]} : vector<8x4096xi32> to vector<4x4096xi32>
    %lt3A_1731 = arith.cmpf olt, %slice3A_1729, %slice3A_1727 : vector<4x4096xf32>
    %eq3A_1732 = arith.cmpf oeq, %slice3A_1729, %slice3A_1727 : vector<4x4096xf32>
    %lt3A_1733 = arith.cmpi slt, %slice3A_1730, %slice3A_1728 : vector<4x4096xi32>
    %and3A_1734 = arith.andi %eq3A_1732, %lt3A_1733 : vector<4x4096xi1>
    %or3A_1735 = arith.ori %lt3A_1731, %and3A_1734 : vector<4x4096xi1>
    %select_n3A_1736 = arith.select %or3A_1735, %slice3A_1729, %slice3A_1727 : vector<4x4096xi1>, vector<4x4096xf32>
    %select_n3A_1737 = arith.select %or3A_1735, %slice3A_1730, %slice3A_1728 : vector<4x4096xi1>, vector<4x4096xi32>
    %slice3A_1738 = vector.extract_strided_slice %select_n3A_1736 {offsets = [0, 0], sizes = [2, 4096], strides = [1, 1]} : vector<4x4096xf32> to vector<2x4096xf32>
    %slice3A_1739 = vector.extract_strided_slice %select_n3A_1737 {offsets = [0, 0], sizes = [2, 4096], strides = [1, 1]} : vector<4x4096xi32> to vector<2x4096xi32>
    %slice3A_1740 = vector.extract_strided_slice %select_n3A_1736 {offsets = [2, 0], sizes = [2, 4096], strides = [1, 1]} : vector<4x4096xf32> to vector<2x4096xf32>
    %slice3A_1741 = vector.extract_strided_slice %select_n3A_1737 {offsets = [2, 0], sizes = [2, 4096], strides = [1, 1]} : vector<4x4096xi32> to vector<2x4096xi32>
    %lt3A_1742 = arith.cmpf olt, %slice3A_1740, %slice3A_1738 : vector<2x4096xf32>
    %eq3A_1743 = arith.cmpf oeq, %slice3A_1740, %slice3A_1738 : vector<2x4096xf32>
    %lt3A_1744 = arith.cmpi slt, %slice3A_1741, %slice3A_1739 : vector<2x4096xi32>
    %and3A_1745 = arith.andi %eq3A_1743, %lt3A_1744 : vector<2x4096xi1>
    %or3A_1746 = arith.ori %lt3A_1742, %and3A_1745 : vector<2x4096xi1>
    %select_n3A_1747 = arith.select %or3A_1746, %slice3A_1740, %slice3A_1738 : vector<2x4096xi1>, vector<2x4096xf32>
    %select_n3A_1748 = arith.select %or3A_1746, %slice3A_1741, %slice3A_1739 : vector<2x4096xi1>, vector<2x4096xi32>
    %slice3A_1749 = vector.extract_strided_slice %select_n3A_1747 {offsets = [0, 0], sizes = [1, 4096], strides = [1, 1]} : vector<2x4096xf32> to vector<1x4096xf32>
    %slice3A_1750 = vector.extract_strided_slice %select_n3A_1748 {offsets = [0, 0], sizes = [1, 4096], strides = [1, 1]} : vector<2x4096xi32> to vector<1x4096xi32>
    %slice3A_1751 = vector.extract_strided_slice %select_n3A_1747 {offsets = [1, 0], sizes = [1, 4096], strides = [1, 1]} : vector<2x4096xf32> to vector<1x4096xf32>
    %slice3A_1752 = vector.extract_strided_slice %select_n3A_1748 {offsets = [1, 0], sizes = [1, 4096], strides = [1, 1]} : vector<2x4096xi32> to vector<1x4096xi32>
    %lt3A_1753 = arith.cmpf olt, %slice3A_1751, %slice3A_1749 : vector<1x4096xf32>
    %eq3A_1754 = arith.cmpf oeq, %slice3A_1751, %slice3A_1749 : vector<1x4096xf32>
    %lt3A_1755 = arith.cmpi slt, %slice3A_1752, %slice3A_1750 : vector<1x4096xi32>
    %and3A_1756 = arith.andi %eq3A_1754, %lt3A_1755 : vector<1x4096xi1>
    %or3A_1757 = arith.ori %lt3A_1753, %and3A_1756 : vector<1x4096xi1>
    %select_n3A_1758 = arith.select %or3A_1757, %slice3A_1751, %slice3A_1749 : vector<1x4096xi1>, vector<1x4096xf32>
    %select_n3A_1759 = arith.select %or3A_1757, %slice3A_1752, %slice3A_1750 : vector<1x4096xi1>, vector<1x4096xi32>
    %swap3A_1760 = arith.constant 0 : index
    %swap3A_1761 = arith.constant 0 : index
    %swap3A_1762 = vector.load %arg9[%swap3A_1760, %swap3A_1761] : memref<1x4096xi32, #tpu.memory_space<vmem>>, vector<1x4096xi32>
    tpu.vector_store %arg9[%swap3A_1760, %swap3A_1761], %select_n3A_1759 {strides = array<i32>} : memref<1x4096xi32, #tpu.memory_space<vmem>>, vector<1x4096xi32>,
    %eq3A_1763 = arith.constant 3 : i32
    %eq3A_1764 = vector.broadcast %eq3A_1763 : i32 to vector<1x128xi32>
    %eq3A_1765 = arith.cmpi eq, %iota3A, %eq3A_1764 : vector<1x128xi32>
    %reduce_sum3A_1766 = vector.shape_cast %select_n3A_1758 : vector<1x4096xf32> to vector<1x1x4096xf32>
    %reduce_sum3A_1767 = arith.constant dense<0.000000e+00> : vector<1xf32>
    %reduce_sum3A_1768 = vector.multi_reduction <add>, %reduce_sum3A_1766, %reduce_sum3A_1767 [1, 2] : vector<1x1x4096xf32> to vector<1xf32>
    %reduce_sum3A_1769 = vector.shape_cast %reduce_sum3A_1768 : vector<1xf32> to vector<1x1x1xf32>
    %reduce_sum3A_1770 = vector.extract %reduce_sum3A_1769[0, 0, 0] : f32 from vector<1x1x1xf32>
    %jit3A_1771 = arith.constant 0.000000e+00 : f32
    %broadcast_in_dim3A_1772 = vector.broadcast %reduce_sum3A_1770 : f32 to vector<1x128xf32>
    %broadcast_in_dim3A_1773 = vector.broadcast %jit3A_1771 : f32 to vector<1x128xf32>
    %select_n3A_1774 = arith.select %eq3A_1765, %broadcast_in_dim3A_1772, %broadcast_in_dim3A_1773 : vector<1x128xi1>, vector<1x128xf32>
    %add3A_1775 = arith.addf %add3A_1330, %select_n3A_1774 : vector<1x128xf32>
    %get3A_1776 = arith.constant 4 : index
    %get3A_1777 = arith.constant 0 : index
    %get3A_1778 = vector.load %arg2[%get3A_1776, %get3A_1777] : memref<8x4096xf32, #tpu.memory_space<vmem>>, vector<1x4096xf32>
    %get3A_1779 = arith.constant 2048 : index
    %get3A_1780 = arith.constant 0 : index
    %get3A_1781 = vector.load %arg4[%get3A_1779, %get3A_1780] : memref<2560x1xf32, #tpu.memory_space<vmem>>, vector<512x1xf32>
    %add3A_1782 = vector.broadcast %get3A_1778 : vector<1x4096xf32> to vector<512x4096xf32>
    %add3A_1783 = vector.broadcast %get3A_1781 : vector<512x1xf32> to vector<512x4096xf32>
    %add3A_1784 = arith.addf %add3A_1782, %add3A_1783 : vector<512x4096xf32>
    %slice3A_1785 = vector.extract_strided_slice %dot_general3A_5 {offsets = [2048, 0], sizes = [512, 4096], strides = [1, 1]} : vector<2560x4096xf32> to vector<512x4096xf32>
    %add3A_1786 = arith.addf %add3A_1784, %slice3A_1785 : vector<512x4096xf32>
    %slice3A_1787 = vector.extract_strided_slice %add3A_1786 {offsets = [0, 0], sizes = [8, 4096], strides = [1, 1]} : vector<512x4096xf32> to vector<8x4096xf32>
    %broadcast_in_dim3A_1788 = arith.constant 0 : i32
    %broadcast_in_dim3A_1789 = vector.broadcast %broadcast_in_dim3A_1788 : i32 to vector<8x4096xi32>
    %slice3A_1790 = vector.extract_strided_slice %add3A_1786 {offsets = [8, 0], sizes = [8, 4096], strides = [1, 1]} : vector<512x4096xf32> to vector<8x4096xf32>
    %lt3A_1791 = arith.cmpf olt, %slice3A_1790, %slice3A_1787 : vector<8x4096xf32>
    %min3A_1792 = arith.minimumf %slice3A_1787, %slice3A_1790 : vector<8x4096xf32>
    %jit3A_1793 = arith.constant 1 : i32
    %broadcast_in_dim3A_1794 = vector.broadcast %jit3A_1793 : i32 to vector<8x4096xi32>
    %select_n3A_1795 = arith.select %lt3A_1791, %broadcast_in_dim3A_1794, %broadcast_in_dim3A_1789 : vector<8x4096xi1>, vector<8x4096xi32>
    %slice3A_1796 = vector.extract_strided_slice %add3A_1786 {offsets = [16, 0], sizes = [8, 4096], strides = [1, 1]} : vector<512x4096xf32> to vector<8x4096xf32>
    %lt3A_1797 = arith.cmpf olt, %slice3A_1796, %min3A_1792 : vector<8x4096xf32>
    %min3A_1798 = arith.minimumf %min3A_1792, %slice3A_1796 : vector<8x4096xf32>
    %jit3A_1799 = arith.constant 2 : i32
    %broadcast_in_dim3A_1800 = vector.broadcast %jit3A_1799 : i32 to vector<8x4096xi32>
    %select_n3A_1801 = arith.select %lt3A_1797, %broadcast_in_dim3A_1800, %select_n3A_1795 : vector<8x4096xi1>, vector<8x4096xi32>
    %slice3A_1802 = vector.extract_strided_slice %add3A_1786 {offsets = [24, 0], sizes = [8, 4096], strides = [1, 1]} : vector<512x4096xf32> to vector<8x4096xf32>
    %lt3A_1803 = arith.cmpf olt, %slice3A_1802, %min3A_1798 : vector<8x4096xf32>
    %min3A_1804 = arith.minimumf %min3A_1798, %slice3A_1802 : vector<8x4096xf32>
    %jit3A_1805 = arith.constant 3 : i32
    %broadcast_in_dim3A_1806 = vector.broadcast %jit3A_1805 : i32 to vector<8x4096xi32>
    %select_n3A_1807 = arith.select %lt3A_1803, %broadcast_in_dim3A_1806, %select_n3A_1801 : vector<8x4096xi1>, vector<8x4096xi32>
    %slice3A_1808 = vector.extract_strided_slice %add3A_1786 {offsets = [32, 0], sizes = [8, 4096], strides = [1, 1]} : vector<512x4096xf32> to vector<8x4096xf32>
    %lt3A_1809 = arith.cmpf olt, %slice3A_1808, %min3A_1804 : vector<8x4096xf32>
    %min3A_1810 = arith.minimumf %min3A_1804, %slice3A_1808 : vector<8x4096xf32>
    %jit3A_1811 = arith.constant 4 : i32
    %broadcast_in_dim3A_1812 = vector.broadcast %jit3A_1811 : i32 to vector<8x4096xi32>
    %select_n3A_1813 = arith.select %lt3A_1809, %broadcast_in_dim3A_1812, %select_n3A_1807 : vector<8x4096xi1>, vector<8x4096xi32>
    %slice3A_1814 = vector.extract_strided_slice %add3A_1786 {offsets = [40, 0], sizes = [8, 4096], strides = [1, 1]} : vector<512x4096xf32> to vector<8x4096xf32>
    %lt3A_1815 = arith.cmpf olt, %slice3A_1814, %min3A_1810 : vector<8x4096xf32>
    %min3A_1816 = arith.minimumf %min3A_1810, %slice3A_1814 : vector<8x4096xf32>
    %jit3A_1817 = arith.constant 5 : i32
    %broadcast_in_dim3A_1818 = vector.broadcast %jit3A_1817 : i32 to vector<8x4096xi32>
    %select_n3A_1819 = arith.select %lt3A_1815, %broadcast_in_dim3A_1818, %select_n3A_1813 : vector<8x4096xi1>, vector<8x4096xi32>
    %slice3A_1820 = vector.extract_strided_slice %add3A_1786 {offsets = [48, 0], sizes = [8, 4096], strides = [1, 1]} : vector<512x4096xf32> to vector<8x4096xf32>
    %lt3A_1821 = arith.cmpf olt, %slice3A_1820, %min3A_1816 : vector<8x4096xf32>
    %min3A_1822 = arith.minimumf %min3A_1816, %slice3A_1820 : vector<8x4096xf32>
    %jit3A_1823 = arith.constant 6 : i32
    %broadcast_in_dim3A_1824 = vector.broadcast %jit3A_1823 : i32 to vector<8x4096xi32>
    %select_n3A_1825 = arith.select %lt3A_1821, %broadcast_in_dim3A_1824, %select_n3A_1819 : vector<8x4096xi1>, vector<8x4096xi32>
    %slice3A_1826 = vector.extract_strided_slice %add3A_1786 {offsets = [56, 0], sizes = [8, 4096], strides = [1, 1]} : vector<512x4096xf32> to vector<8x4096xf32>
    %lt3A_1827 = arith.cmpf olt, %slice3A_1826, %min3A_1822 : vector<8x4096xf32>
    %min3A_1828 = arith.minimumf %min3A_1822, %slice3A_1826 : vector<8x4096xf32>
    %jit3A_1829 = arith.constant 7 : i32
    %broadcast_in_dim3A_1830 = vector.broadcast %jit3A_1829 : i32 to vector<8x4096xi32>
    %select_n3A_1831 = arith.select %lt3A_1827, %broadcast_in_dim3A_1830, %select_n3A_1825 : vector<8x4096xi1>, vector<8x4096xi32>
    %slice3A_1832 = vector.extract_strided_slice %add3A_1786 {offsets = [64, 0], sizes = [8, 4096], strides = [1, 1]} : vector<512x4096xf32> to vector<8x4096xf32>
    %lt3A_1833 = arith.cmpf olt, %slice3A_1832, %min3A_1828 : vector<8x4096xf32>
    %min3A_1834 = arith.minimumf %min3A_1828, %slice3A_1832 : vector<8x4096xf32>
    %jit3A_1835 = arith.constant 8 : i32
    %broadcast_in_dim3A_1836 = vector.broadcast %jit3A_1835 : i32 to vector<8x4096xi32>
    %select_n3A_1837 = arith.select %lt3A_1833, %broadcast_in_dim3A_1836, %select_n3A_1831 : vector<8x4096xi1>, vector<8x4096xi32>
    %slice3A_1838 = vector.extract_strided_slice %add3A_1786 {offsets = [72, 0], sizes = [8, 4096], strides = [1, 1]} : vector<512x4096xf32> to vector<8x4096xf32>
    %lt3A_1839 = arith.cmpf olt, %slice3A_1838, %min3A_1834 : vector<8x4096xf32>
    %min3A_1840 = arith.minimumf %min3A_1834, %slice3A_1838 : vector<8x4096xf32>
    %jit3A_1841 = arith.constant 9 : i32
    %broadcast_in_dim3A_1842 = vector.broadcast %jit3A_1841 : i32 to vector<8x4096xi32>
    %select_n3A_1843 = arith.select %lt3A_1839, %broadcast_in_dim3A_1842, %select_n3A_1837 : vector<8x4096xi1>, vector<8x4096xi32>
    %slice3A_1844 = vector.extract_strided_slice %add3A_1786 {offsets = [80, 0], sizes = [8, 4096], strides = [1, 1]} : vector<512x4096xf32> to vector<8x4096xf32>
    %lt3A_1845 = arith.cmpf olt, %slice3A_1844, %min3A_1840 : vector<8x4096xf32>
    %min3A_1846 = arith.minimumf %min3A_1840, %slice3A_1844 : vector<8x4096xf32>
    %jit3A_1847 = arith.constant 10 : i32
    %broadcast_in_dim3A_1848 = vector.broadcast %jit3A_1847 : i32 to vector<8x4096xi32>
    %select_n3A_1849 = arith.select %lt3A_1845, %broadcast_in_dim3A_1848, %select_n3A_1843 : vector<8x4096xi1>, vector<8x4096xi32>
    %slice3A_1850 = vector.extract_strided_slice %add3A_1786 {offsets = [88, 0], sizes = [8, 4096], strides = [1, 1]} : vector<512x4096xf32> to vector<8x4096xf32>
    %lt3A_1851 = arith.cmpf olt, %slice3A_1850, %min3A_1846 : vector<8x4096xf32>
    %min3A_1852 = arith.minimumf %min3A_1846, %slice3A_1850 : vector<8x4096xf32>
    %jit3A_1853 = arith.constant 11 : i32
    %broadcast_in_dim3A_1854 = vector.broadcast %jit3A_1853 : i32 to vector<8x4096xi32>
    %select_n3A_1855 = arith.select %lt3A_1851, %broadcast_in_dim3A_1854, %select_n3A_1849 : vector<8x4096xi1>, vector<8x4096xi32>
    %slice3A_1856 = vector.extract_strided_slice %add3A_1786 {offsets = [96, 0], sizes = [8, 4096], strides = [1, 1]} : vector<512x4096xf32> to vector<8x4096xf32>
    %lt3A_1857 = arith.cmpf olt, %slice3A_1856, %min3A_1852 : vector<8x4096xf32>
    %min3A_1858 = arith.minimumf %min3A_1852, %slice3A_1856 : vector<8x4096xf32>
    %jit3A_1859 = arith.constant 12 : i32
    %broadcast_in_dim3A_1860 = vector.broadcast %jit3A_1859 : i32 to vector<8x4096xi32>
    %select_n3A_1861 = arith.select %lt3A_1857, %broadcast_in_dim3A_1860, %select_n3A_1855 : vector<8x4096xi1>, vector<8x4096xi32>
    %slice3A_1862 = vector.extract_strided_slice %add3A_1786 {offsets = [104, 0], sizes = [8, 4096], strides = [1, 1]} : vector<512x4096xf32> to vector<8x4096xf32>
    %lt3A_1863 = arith.cmpf olt, %slice3A_1862, %min3A_1858 : vector<8x4096xf32>
    %min3A_1864 = arith.minimumf %min3A_1858, %slice3A_1862 : vector<8x4096xf32>
    %jit3A_1865 = arith.constant 13 : i32
    %broadcast_in_dim3A_1866 = vector.broadcast %jit3A_1865 : i32 to vector<8x4096xi32>
    %select_n3A_1867 = arith.select %lt3A_1863, %broadcast_in_dim3A_1866, %select_n3A_1861 : vector<8x4096xi1>, vector<8x4096xi32>
    %slice3A_1868 = vector.extract_strided_slice %add3A_1786 {offsets = [112, 0], sizes = [8, 4096], strides = [1, 1]} : vector<512x4096xf32> to vector<8x4096xf32>
    %lt3A_1869 = arith.cmpf olt, %slice3A_1868, %min3A_1864 : vector<8x4096xf32>
    %min3A_1870 = arith.minimumf %min3A_1864, %slice3A_1868 : vector<8x4096xf32>
    %jit3A_1871 = arith.constant 14 : i32
    %broadcast_in_dim3A_1872 = vector.broadcast %jit3A_1871 : i32 to vector<8x4096xi32>
    %select_n3A_1873 = arith.select %lt3A_1869, %broadcast_in_dim3A_1872, %select_n3A_1867 : vector<8x4096xi1>, vector<8x4096xi32>
    %slice3A_1874 = vector.extract_strided_slice %add3A_1786 {offsets = [120, 0], sizes = [8, 4096], strides = [1, 1]} : vector<512x4096xf32> to vector<8x4096xf32>
    %lt3A_1875 = arith.cmpf olt, %slice3A_1874, %min3A_1870 : vector<8x4096xf32>
    %min3A_1876 = arith.minimumf %min3A_1870, %slice3A_1874 : vector<8x4096xf32>
    %jit3A_1877 = arith.constant 15 : i32
    %broadcast_in_dim3A_1878 = vector.broadcast %jit3A_1877 : i32 to vector<8x4096xi32>
    %select_n3A_1879 = arith.select %lt3A_1875, %broadcast_in_dim3A_1878, %select_n3A_1873 : vector<8x4096xi1>, vector<8x4096xi32>
    %slice3A_1880 = vector.extract_strided_slice %add3A_1786 {offsets = [128, 0], sizes = [8, 4096], strides = [1, 1]} : vector<512x4096xf32> to vector<8x4096xf32>
    %lt3A_1881 = arith.cmpf olt, %slice3A_1880, %min3A_1876 : vector<8x4096xf32>
    %min3A_1882 = arith.minimumf %min3A_1876, %slice3A_1880 : vector<8x4096xf32>
    %jit3A_1883 = arith.constant 16 : i32
    %broadcast_in_dim3A_1884 = vector.broadcast %jit3A_1883 : i32 to vector<8x4096xi32>
    %select_n3A_1885 = arith.select %lt3A_1881, %broadcast_in_dim3A_1884, %select_n3A_1879 : vector<8x4096xi1>, vector<8x4096xi32>
    %slice3A_1886 = vector.extract_strided_slice %add3A_1786 {offsets = [136, 0], sizes = [8, 4096], strides = [1, 1]} : vector<512x4096xf32> to vector<8x4096xf32>
    %lt3A_1887 = arith.cmpf olt, %slice3A_1886, %min3A_1882 : vector<8x4096xf32>
    %min3A_1888 = arith.minimumf %min3A_1882, %slice3A_1886 : vector<8x4096xf32>
    %jit3A_1889 = arith.constant 17 : i32
    %broadcast_in_dim3A_1890 = vector.broadcast %jit3A_1889 : i32 to vector<8x4096xi32>
    %select_n3A_1891 = arith.select %lt3A_1887, %broadcast_in_dim3A_1890, %select_n3A_1885 : vector<8x4096xi1>, vector<8x4096xi32>
    %slice3A_1892 = vector.extract_strided_slice %add3A_1786 {offsets = [144, 0], sizes = [8, 4096], strides = [1, 1]} : vector<512x4096xf32> to vector<8x4096xf32>
    %lt3A_1893 = arith.cmpf olt, %slice3A_1892, %min3A_1888 : vector<8x4096xf32>
    %min3A_1894 = arith.minimumf %min3A_1888, %slice3A_1892 : vector<8x4096xf32>
    %jit3A_1895 = arith.constant 18 : i32
    %broadcast_in_dim3A_1896 = vector.broadcast %jit3A_1895 : i32 to vector<8x4096xi32>
    %select_n3A_1897 = arith.select %lt3A_1893, %broadcast_in_dim3A_1896, %select_n3A_1891 : vector<8x4096xi1>, vector<8x4096xi32>
    %slice3A_1898 = vector.extract_strided_slice %add3A_1786 {offsets = [152, 0], sizes = [8, 4096], strides = [1, 1]} : vector<512x4096xf32> to vector<8x4096xf32>
    %lt3A_1899 = arith.cmpf olt, %slice3A_1898, %min3A_1894 : vector<8x4096xf32>
    %min3A_1900 = arith.minimumf %min3A_1894, %slice3A_1898 : vector<8x4096xf32>
    %jit3A_1901 = arith.constant 19 : i32
    %broadcast_in_dim3A_1902 = vector.broadcast %jit3A_1901 : i32 to vector<8x4096xi32>
    %select_n3A_1903 = arith.select %lt3A_1899, %broadcast_in_dim3A_1902, %select_n3A_1897 : vector<8x4096xi1>, vector<8x4096xi32>
    %slice3A_1904 = vector.extract_strided_slice %add3A_1786 {offsets = [160, 0], sizes = [8, 4096], strides = [1, 1]} : vector<512x4096xf32> to vector<8x4096xf32>
    %lt3A_1905 = arith.cmpf olt, %slice3A_1904, %min3A_1900 : vector<8x4096xf32>
    %min3A_1906 = arith.minimumf %min3A_1900, %slice3A_1904 : vector<8x4096xf32>
    %jit3A_1907 = arith.constant 20 : i32
    %broadcast_in_dim3A_1908 = vector.broadcast %jit3A_1907 : i32 to vector<8x4096xi32>
    %select_n3A_1909 = arith.select %lt3A_1905, %broadcast_in_dim3A_1908, %select_n3A_1903 : vector<8x4096xi1>, vector<8x4096xi32>
    %slice3A_1910 = vector.extract_strided_slice %add3A_1786 {offsets = [168, 0], sizes = [8, 4096], strides = [1, 1]} : vector<512x4096xf32> to vector<8x4096xf32>
    %lt3A_1911 = arith.cmpf olt, %slice3A_1910, %min3A_1906 : vector<8x4096xf32>
    %min3A_1912 = arith.minimumf %min3A_1906, %slice3A_1910 : vector<8x4096xf32>
    %jit3A_1913 = arith.constant 21 : i32
    %broadcast_in_dim3A_1914 = vector.broadcast %jit3A_1913 : i32 to vector<8x4096xi32>
    %select_n3A_1915 = arith.select %lt3A_1911, %broadcast_in_dim3A_1914, %select_n3A_1909 : vector<8x4096xi1>, vector<8x4096xi32>
    %slice3A_1916 = vector.extract_strided_slice %add3A_1786 {offsets = [176, 0], sizes = [8, 4096], strides = [1, 1]} : vector<512x4096xf32> to vector<8x4096xf32>
    %lt3A_1917 = arith.cmpf olt, %slice3A_1916, %min3A_1912 : vector<8x4096xf32>
    %min3A_1918 = arith.minimumf %min3A_1912, %slice3A_1916 : vector<8x4096xf32>
    %jit3A_1919 = arith.constant 22 : i32
    %broadcast_in_dim3A_1920 = vector.broadcast %jit3A_1919 : i32 to vector<8x4096xi32>
    %select_n3A_1921 = arith.select %lt3A_1917, %broadcast_in_dim3A_1920, %select_n3A_1915 : vector<8x4096xi1>, vector<8x4096xi32>
    %slice3A_1922 = vector.extract_strided_slice %add3A_1786 {offsets = [184, 0], sizes = [8, 4096], strides = [1, 1]} : vector<512x4096xf32> to vector<8x4096xf32>
    %lt3A_1923 = arith.cmpf olt, %slice3A_1922, %min3A_1918 : vector<8x4096xf32>
    %min3A_1924 = arith.minimumf %min3A_1918, %slice3A_1922 : vector<8x4096xf32>
    %jit3A_1925 = arith.constant 23 : i32
    %broadcast_in_dim3A_1926 = vector.broadcast %jit3A_1925 : i32 to vector<8x4096xi32>
    %select_n3A_1927 = arith.select %lt3A_1923, %broadcast_in_dim3A_1926, %select_n3A_1921 : vector<8x4096xi1>, vector<8x4096xi32>
    %slice3A_1928 = vector.extract_strided_slice %add3A_1786 {offsets = [192, 0], sizes = [8, 4096], strides = [1, 1]} : vector<512x4096xf32> to vector<8x4096xf32>
    %lt3A_1929 = arith.cmpf olt, %slice3A_1928, %min3A_1924 : vector<8x4096xf32>
    %min3A_1930 = arith.minimumf %min3A_1924, %slice3A_1928 : vector<8x4096xf32>
    %jit3A_1931 = arith.constant 24 : i32
    %broadcast_in_dim3A_1932 = vector.broadcast %jit3A_1931 : i32 to vector<8x4096xi32>
    %select_n3A_1933 = arith.select %lt3A_1929, %broadcast_in_dim3A_1932, %select_n3A_1927 : vector<8x4096xi1>, vector<8x4096xi32>
    %slice3A_1934 = vector.extract_strided_slice %add3A_1786 {offsets = [200, 0], sizes = [8, 4096], strides = [1, 1]} : vector<512x4096xf32> to vector<8x4096xf32>
    %lt3A_1935 = arith.cmpf olt, %slice3A_1934, %min3A_1930 : vector<8x4096xf32>
    %min3A_1936 = arith.minimumf %min3A_1930, %slice3A_1934 : vector<8x4096xf32>
    %jit3A_1937 = arith.constant 25 : i32
    %broadcast_in_dim3A_1938 = vector.broadcast %jit3A_1937 : i32 to vector<8x4096xi32>
    %select_n3A_1939 = arith.select %lt3A_1935, %broadcast_in_dim3A_1938, %select_n3A_1933 : vector<8x4096xi1>, vector<8x4096xi32>
    %slice3A_1940 = vector.extract_strided_slice %add3A_1786 {offsets = [208, 0], sizes = [8, 4096], strides = [1, 1]} : vector<512x4096xf32> to vector<8x4096xf32>
    %lt3A_1941 = arith.cmpf olt, %slice3A_1940, %min3A_1936 : vector<8x4096xf32>
    %min3A_1942 = arith.minimumf %min3A_1936, %slice3A_1940 : vector<8x4096xf32>
    %jit3A_1943 = arith.constant 26 : i32
    %broadcast_in_dim3A_1944 = vector.broadcast %jit3A_1943 : i32 to vector<8x4096xi32>
    %select_n3A_1945 = arith.select %lt3A_1941, %broadcast_in_dim3A_1944, %select_n3A_1939 : vector<8x4096xi1>, vector<8x4096xi32>
    %slice3A_1946 = vector.extract_strided_slice %add3A_1786 {offsets = [216, 0], sizes = [8, 4096], strides = [1, 1]} : vector<512x4096xf32> to vector<8x4096xf32>
    %lt3A_1947 = arith.cmpf olt, %slice3A_1946, %min3A_1942 : vector<8x4096xf32>
    %min3A_1948 = arith.minimumf %min3A_1942, %slice3A_1946 : vector<8x4096xf32>
    %jit3A_1949 = arith.constant 27 : i32
    %broadcast_in_dim3A_1950 = vector.broadcast %jit3A_1949 : i32 to vector<8x4096xi32>
    %select_n3A_1951 = arith.select %lt3A_1947, %broadcast_in_dim3A_1950, %select_n3A_1945 : vector<8x4096xi1>, vector<8x4096xi32>
    %slice3A_1952 = vector.extract_strided_slice %add3A_1786 {offsets = [224, 0], sizes = [8, 4096], strides = [1, 1]} : vector<512x4096xf32> to vector<8x4096xf32>
    %lt3A_1953 = arith.cmpf olt, %slice3A_1952, %min3A_1948 : vector<8x4096xf32>
    %min3A_1954 = arith.minimumf %min3A_1948, %slice3A_1952 : vector<8x4096xf32>
    %jit3A_1955 = arith.constant 28 : i32
    %broadcast_in_dim3A_1956 = vector.broadcast %jit3A_1955 : i32 to vector<8x4096xi32>
    %select_n3A_1957 = arith.select %lt3A_1953, %broadcast_in_dim3A_1956, %select_n3A_1951 : vector<8x4096xi1>, vector<8x4096xi32>
    %slice3A_1958 = vector.extract_strided_slice %add3A_1786 {offsets = [232, 0], sizes = [8, 4096], strides = [1, 1]} : vector<512x4096xf32> to vector<8x4096xf32>
    %lt3A_1959 = arith.cmpf olt, %slice3A_1958, %min3A_1954 : vector<8x4096xf32>
    %min3A_1960 = arith.minimumf %min3A_1954, %slice3A_1958 : vector<8x4096xf32>
    %jit3A_1961 = arith.constant 29 : i32
    %broadcast_in_dim3A_1962 = vector.broadcast %jit3A_1961 : i32 to vector<8x4096xi32>
    %select_n3A_1963 = arith.select %lt3A_1959, %broadcast_in_dim3A_1962, %select_n3A_1957 : vector<8x4096xi1>, vector<8x4096xi32>
    %slice3A_1964 = vector.extract_strided_slice %add3A_1786 {offsets = [240, 0], sizes = [8, 4096], strides = [1, 1]} : vector<512x4096xf32> to vector<8x4096xf32>
    %lt3A_1965 = arith.cmpf olt, %slice3A_1964, %min3A_1960 : vector<8x4096xf32>
    %min3A_1966 = arith.minimumf %min3A_1960, %slice3A_1964 : vector<8x4096xf32>
    %jit3A_1967 = arith.constant 30 : i32
    %broadcast_in_dim3A_1968 = vector.broadcast %jit3A_1967 : i32 to vector<8x4096xi32>
    %select_n3A_1969 = arith.select %lt3A_1965, %broadcast_in_dim3A_1968, %select_n3A_1963 : vector<8x4096xi1>, vector<8x4096xi32>
    %slice3A_1970 = vector.extract_strided_slice %add3A_1786 {offsets = [248, 0], sizes = [8, 4096], strides = [1, 1]} : vector<512x4096xf32> to vector<8x4096xf32>
    %lt3A_1971 = arith.cmpf olt, %slice3A_1970, %min3A_1966 : vector<8x4096xf32>
    %min3A_1972 = arith.minimumf %min3A_1966, %slice3A_1970 : vector<8x4096xf32>
    %jit3A_1973 = arith.constant 31 : i32
    %broadcast_in_dim3A_1974 = vector.broadcast %jit3A_1973 : i32 to vector<8x4096xi32>
    %select_n3A_1975 = arith.select %lt3A_1971, %broadcast_in_dim3A_1974, %select_n3A_1969 : vector<8x4096xi1>, vector<8x4096xi32>
    %slice3A_1976 = vector.extract_strided_slice %add3A_1786 {offsets = [256, 0], sizes = [8, 4096], strides = [1, 1]} : vector<512x4096xf32> to vector<8x4096xf32>
    %lt3A_1977 = arith.cmpf olt, %slice3A_1976, %min3A_1972 : vector<8x4096xf32>
    %min3A_1978 = arith.minimumf %min3A_1972, %slice3A_1976 : vector<8x4096xf32>
    %jit3A_1979 = arith.constant 32 : i32
    %broadcast_in_dim3A_1980 = vector.broadcast %jit3A_1979 : i32 to vector<8x4096xi32>
    %select_n3A_1981 = arith.select %lt3A_1977, %broadcast_in_dim3A_1980, %select_n3A_1975 : vector<8x4096xi1>, vector<8x4096xi32>
    %slice3A_1982 = vector.extract_strided_slice %add3A_1786 {offsets = [264, 0], sizes = [8, 4096], strides = [1, 1]} : vector<512x4096xf32> to vector<8x4096xf32>
    %lt3A_1983 = arith.cmpf olt, %slice3A_1982, %min3A_1978 : vector<8x4096xf32>
    %min3A_1984 = arith.minimumf %min3A_1978, %slice3A_1982 : vector<8x4096xf32>
    %jit3A_1985 = arith.constant 33 : i32
    %broadcast_in_dim3A_1986 = vector.broadcast %jit3A_1985 : i32 to vector<8x4096xi32>
    %select_n3A_1987 = arith.select %lt3A_1983, %broadcast_in_dim3A_1986, %select_n3A_1981 : vector<8x4096xi1>, vector<8x4096xi32>
    %slice3A_1988 = vector.extract_strided_slice %add3A_1786 {offsets = [272, 0], sizes = [8, 4096], strides = [1, 1]} : vector<512x4096xf32> to vector<8x4096xf32>
    %lt3A_1989 = arith.cmpf olt, %slice3A_1988, %min3A_1984 : vector<8x4096xf32>
    %min3A_1990 = arith.minimumf %min3A_1984, %slice3A_1988 : vector<8x4096xf32>
    %jit3A_1991 = arith.constant 34 : i32
    %broadcast_in_dim3A_1992 = vector.broadcast %jit3A_1991 : i32 to vector<8x4096xi32>
    %select_n3A_1993 = arith.select %lt3A_1989, %broadcast_in_dim3A_1992, %select_n3A_1987 : vector<8x4096xi1>, vector<8x4096xi32>
    %slice3A_1994 = vector.extract_strided_slice %add3A_1786 {offsets = [280, 0], sizes = [8, 4096], strides = [1, 1]} : vector<512x4096xf32> to vector<8x4096xf32>
    %lt3A_1995 = arith.cmpf olt, %slice3A_1994, %min3A_1990 : vector<8x4096xf32>
    %min3A_1996 = arith.minimumf %min3A_1990, %slice3A_1994 : vector<8x4096xf32>
    %jit3A_1997 = arith.constant 35 : i32
    %broadcast_in_dim3A_1998 = vector.broadcast %jit3A_1997 : i32 to vector<8x4096xi32>
    %select_n3A_1999 = arith.select %lt3A_1995, %broadcast_in_dim3A_1998, %select_n3A_1993 : vector<8x4096xi1>, vector<8x4096xi32>
    %slice3A_2000 = vector.extract_strided_slice %add3A_1786 {offsets = [288, 0], sizes = [8, 4096], strides = [1, 1]} : vector<512x4096xf32> to vector<8x4096xf32>
    %lt3A_2001 = arith.cmpf olt, %slice3A_2000, %min3A_1996 : vector<8x4096xf32>
    %min3A_2002 = arith.minimumf %min3A_1996, %slice3A_2000 : vector<8x4096xf32>
    %jit3A_2003 = arith.constant 36 : i32
    %broadcast_in_dim3A_2004 = vector.broadcast %jit3A_2003 : i32 to vector<8x4096xi32>
    %select_n3A_2005 = arith.select %lt3A_2001, %broadcast_in_dim3A_2004, %select_n3A_1999 : vector<8x4096xi1>, vector<8x4096xi32>
    %slice3A_2006 = vector.extract_strided_slice %add3A_1786 {offsets = [296, 0], sizes = [8, 4096], strides = [1, 1]} : vector<512x4096xf32> to vector<8x4096xf32>
    %lt3A_2007 = arith.cmpf olt, %slice3A_2006, %min3A_2002 : vector<8x4096xf32>
    %min3A_2008 = arith.minimumf %min3A_2002, %slice3A_2006 : vector<8x4096xf32>
    %jit3A_2009 = arith.constant 37 : i32
    %broadcast_in_dim3A_2010 = vector.broadcast %jit3A_2009 : i32 to vector<8x4096xi32>
    %select_n3A_2011 = arith.select %lt3A_2007, %broadcast_in_dim3A_2010, %select_n3A_2005 : vector<8x4096xi1>, vector<8x4096xi32>
    %slice3A_2012 = vector.extract_strided_slice %add3A_1786 {offsets = [304, 0], sizes = [8, 4096], strides = [1, 1]} : vector<512x4096xf32> to vector<8x4096xf32>
    %lt3A_2013 = arith.cmpf olt, %slice3A_2012, %min3A_2008 : vector<8x4096xf32>
    %min3A_2014 = arith.minimumf %min3A_2008, %slice3A_2012 : vector<8x4096xf32>
    %jit3A_2015 = arith.constant 38 : i32
    %broadcast_in_dim3A_2016 = vector.broadcast %jit3A_2015 : i32 to vector<8x4096xi32>
    %select_n3A_2017 = arith.select %lt3A_2013, %broadcast_in_dim3A_2016, %select_n3A_2011 : vector<8x4096xi1>, vector<8x4096xi32>
    %slice3A_2018 = vector.extract_strided_slice %add3A_1786 {offsets = [312, 0], sizes = [8, 4096], strides = [1, 1]} : vector<512x4096xf32> to vector<8x4096xf32>
    %lt3A_2019 = arith.cmpf olt, %slice3A_2018, %min3A_2014 : vector<8x4096xf32>
    %min3A_2020 = arith.minimumf %min3A_2014, %slice3A_2018 : vector<8x4096xf32>
    %jit3A_2021 = arith.constant 39 : i32
    %broadcast_in_dim3A_2022 = vector.broadcast %jit3A_2021 : i32 to vector<8x4096xi32>
    %select_n3A_2023 = arith.select %lt3A_2019, %broadcast_in_dim3A_2022, %select_n3A_2017 : vector<8x4096xi1>, vector<8x4096xi32>
    %slice3A_2024 = vector.extract_strided_slice %add3A_1786 {offsets = [320, 0], sizes = [8, 4096], strides = [1, 1]} : vector<512x4096xf32> to vector<8x4096xf32>
    %lt3A_2025 = arith.cmpf olt, %slice3A_2024, %min3A_2020 : vector<8x4096xf32>
    %min3A_2026 = arith.minimumf %min3A_2020, %slice3A_2024 : vector<8x4096xf32>
    %jit3A_2027 = arith.constant 40 : i32
    %broadcast_in_dim3A_2028 = vector.broadcast %jit3A_2027 : i32 to vector<8x4096xi32>
    %select_n3A_2029 = arith.select %lt3A_2025, %broadcast_in_dim3A_2028, %select_n3A_2023 : vector<8x4096xi1>, vector<8x4096xi32>
    %slice3A_2030 = vector.extract_strided_slice %add3A_1786 {offsets = [328, 0], sizes = [8, 4096], strides = [1, 1]} : vector<512x4096xf32> to vector<8x4096xf32>
    %lt3A_2031 = arith.cmpf olt, %slice3A_2030, %min3A_2026 : vector<8x4096xf32>
    %min3A_2032 = arith.minimumf %min3A_2026, %slice3A_2030 : vector<8x4096xf32>
    %jit3A_2033 = arith.constant 41 : i32
    %broadcast_in_dim3A_2034 = vector.broadcast %jit3A_2033 : i32 to vector<8x4096xi32>
    %select_n3A_2035 = arith.select %lt3A_2031, %broadcast_in_dim3A_2034, %select_n3A_2029 : vector<8x4096xi1>, vector<8x4096xi32>
    %slice3A_2036 = vector.extract_strided_slice %add3A_1786 {offsets = [336, 0], sizes = [8, 4096], strides = [1, 1]} : vector<512x4096xf32> to vector<8x4096xf32>
    %lt3A_2037 = arith.cmpf olt, %slice3A_2036, %min3A_2032 : vector<8x4096xf32>
    %min3A_2038 = arith.minimumf %min3A_2032, %slice3A_2036 : vector<8x4096xf32>
    %jit3A_2039 = arith.constant 42 : i32
    %broadcast_in_dim3A_2040 = vector.broadcast %jit3A_2039 : i32 to vector<8x4096xi32>
    %select_n3A_2041 = arith.select %lt3A_2037, %broadcast_in_dim3A_2040, %select_n3A_2035 : vector<8x4096xi1>, vector<8x4096xi32>
    %slice3A_2042 = vector.extract_strided_slice %add3A_1786 {offsets = [344, 0], sizes = [8, 4096], strides = [1, 1]} : vector<512x4096xf32> to vector<8x4096xf32>
    %lt3A_2043 = arith.cmpf olt, %slice3A_2042, %min3A_2038 : vector<8x4096xf32>
    %min3A_2044 = arith.minimumf %min3A_2038, %slice3A_2042 : vector<8x4096xf32>
    %jit3A_2045 = arith.constant 43 : i32
    %broadcast_in_dim3A_2046 = vector.broadcast %jit3A_2045 : i32 to vector<8x4096xi32>
    %select_n3A_2047 = arith.select %lt3A_2043, %broadcast_in_dim3A_2046, %select_n3A_2041 : vector<8x4096xi1>, vector<8x4096xi32>
    %slice3A_2048 = vector.extract_strided_slice %add3A_1786 {offsets = [352, 0], sizes = [8, 4096], strides = [1, 1]} : vector<512x4096xf32> to vector<8x4096xf32>
    %lt3A_2049 = arith.cmpf olt, %slice3A_2048, %min3A_2044 : vector<8x4096xf32>
    %min3A_2050 = arith.minimumf %min3A_2044, %slice3A_2048 : vector<8x4096xf32>
    %jit3A_2051 = arith.constant 44 : i32
    %broadcast_in_dim3A_2052 = vector.broadcast %jit3A_2051 : i32 to vector<8x4096xi32>
    %select_n3A_2053 = arith.select %lt3A_2049, %broadcast_in_dim3A_2052, %select_n3A_2047 : vector<8x4096xi1>, vector<8x4096xi32>
    %slice3A_2054 = vector.extract_strided_slice %add3A_1786 {offsets = [360, 0], sizes = [8, 4096], strides = [1, 1]} : vector<512x4096xf32> to vector<8x4096xf32>
    %lt3A_2055 = arith.cmpf olt, %slice3A_2054, %min3A_2050 : vector<8x4096xf32>
    %min3A_2056 = arith.minimumf %min3A_2050, %slice3A_2054 : vector<8x4096xf32>
    %jit3A_2057 = arith.constant 45 : i32
    %broadcast_in_dim3A_2058 = vector.broadcast %jit3A_2057 : i32 to vector<8x4096xi32>
    %select_n3A_2059 = arith.select %lt3A_2055, %broadcast_in_dim3A_2058, %select_n3A_2053 : vector<8x4096xi1>, vector<8x4096xi32>
    %slice3A_2060 = vector.extract_strided_slice %add3A_1786 {offsets = [368, 0], sizes = [8, 4096], strides = [1, 1]} : vector<512x4096xf32> to vector<8x4096xf32>
    %lt3A_2061 = arith.cmpf olt, %slice3A_2060, %min3A_2056 : vector<8x4096xf32>
    %min3A_2062 = arith.minimumf %min3A_2056, %slice3A_2060 : vector<8x4096xf32>
    %jit3A_2063 = arith.constant 46 : i32
    %broadcast_in_dim3A_2064 = vector.broadcast %jit3A_2063 : i32 to vector<8x4096xi32>
    %select_n3A_2065 = arith.select %lt3A_2061, %broadcast_in_dim3A_2064, %select_n3A_2059 : vector<8x4096xi1>, vector<8x4096xi32>
    %slice3A_2066 = vector.extract_strided_slice %add3A_1786 {offsets = [376, 0], sizes = [8, 4096], strides = [1, 1]} : vector<512x4096xf32> to vector<8x4096xf32>
    %lt3A_2067 = arith.cmpf olt, %slice3A_2066, %min3A_2062 : vector<8x4096xf32>
    %min3A_2068 = arith.minimumf %min3A_2062, %slice3A_2066 : vector<8x4096xf32>
    %jit3A_2069 = arith.constant 47 : i32
    %broadcast_in_dim3A_2070 = vector.broadcast %jit3A_2069 : i32 to vector<8x4096xi32>
    %select_n3A_2071 = arith.select %lt3A_2067, %broadcast_in_dim3A_2070, %select_n3A_2065 : vector<8x4096xi1>, vector<8x4096xi32>
    %slice3A_2072 = vector.extract_strided_slice %add3A_1786 {offsets = [384, 0], sizes = [8, 4096], strides = [1, 1]} : vector<512x4096xf32> to vector<8x4096xf32>
    %lt3A_2073 = arith.cmpf olt, %slice3A_2072, %min3A_2068 : vector<8x4096xf32>
    %min3A_2074 = arith.minimumf %min3A_2068, %slice3A_2072 : vector<8x4096xf32>
    %jit3A_2075 = arith.constant 48 : i32
    %broadcast_in_dim3A_2076 = vector.broadcast %jit3A_2075 : i32 to vector<8x4096xi32>
    %select_n3A_2077 = arith.select %lt3A_2073, %broadcast_in_dim3A_2076, %select_n3A_2071 : vector<8x4096xi1>, vector<8x4096xi32>
    %slice3A_2078 = vector.extract_strided_slice %add3A_1786 {offsets = [392, 0], sizes = [8, 4096], strides = [1, 1]} : vector<512x4096xf32> to vector<8x4096xf32>
    %lt3A_2079 = arith.cmpf olt, %slice3A_2078, %min3A_2074 : vector<8x4096xf32>
    %min3A_2080 = arith.minimumf %min3A_2074, %slice3A_2078 : vector<8x4096xf32>
    %jit3A_2081 = arith.constant 49 : i32
    %broadcast_in_dim3A_2082 = vector.broadcast %jit3A_2081 : i32 to vector<8x4096xi32>
    %select_n3A_2083 = arith.select %lt3A_2079, %broadcast_in_dim3A_2082, %select_n3A_2077 : vector<8x4096xi1>, vector<8x4096xi32>
    %slice3A_2084 = vector.extract_strided_slice %add3A_1786 {offsets = [400, 0], sizes = [8, 4096], strides = [1, 1]} : vector<512x4096xf32> to vector<8x4096xf32>
    %lt3A_2085 = arith.cmpf olt, %slice3A_2084, %min3A_2080 : vector<8x4096xf32>
    %min3A_2086 = arith.minimumf %min3A_2080, %slice3A_2084 : vector<8x4096xf32>
    %jit3A_2087 = arith.constant 50 : i32
    %broadcast_in_dim3A_2088 = vector.broadcast %jit3A_2087 : i32 to vector<8x4096xi32>
    %select_n3A_2089 = arith.select %lt3A_2085, %broadcast_in_dim3A_2088, %select_n3A_2083 : vector<8x4096xi1>, vector<8x4096xi32>
    %slice3A_2090 = vector.extract_strided_slice %add3A_1786 {offsets = [408, 0], sizes = [8, 4096], strides = [1, 1]} : vector<512x4096xf32> to vector<8x4096xf32>
    %lt3A_2091 = arith.cmpf olt, %slice3A_2090, %min3A_2086 : vector<8x4096xf32>
    %min3A_2092 = arith.minimumf %min3A_2086, %slice3A_2090 : vector<8x4096xf32>
    %jit3A_2093 = arith.constant 51 : i32
    %broadcast_in_dim3A_2094 = vector.broadcast %jit3A_2093 : i32 to vector<8x4096xi32>
    %select_n3A_2095 = arith.select %lt3A_2091, %broadcast_in_dim3A_2094, %select_n3A_2089 : vector<8x4096xi1>, vector<8x4096xi32>
    %slice3A_2096 = vector.extract_strided_slice %add3A_1786 {offsets = [416, 0], sizes = [8, 4096], strides = [1, 1]} : vector<512x4096xf32> to vector<8x4096xf32>
    %lt3A_2097 = arith.cmpf olt, %slice3A_2096, %min3A_2092 : vector<8x4096xf32>
    %min3A_2098 = arith.minimumf %min3A_2092, %slice3A_2096 : vector<8x4096xf32>
    %jit3A_2099 = arith.constant 52 : i32
    %broadcast_in_dim3A_2100 = vector.broadcast %jit3A_2099 : i32 to vector<8x4096xi32>
    %select_n3A_2101 = arith.select %lt3A_2097, %broadcast_in_dim3A_2100, %select_n3A_2095 : vector<8x4096xi1>, vector<8x4096xi32>
    %slice3A_2102 = vector.extract_strided_slice %add3A_1786 {offsets = [424, 0], sizes = [8, 4096], strides = [1, 1]} : vector<512x4096xf32> to vector<8x4096xf32>
    %lt3A_2103 = arith.cmpf olt, %slice3A_2102, %min3A_2098 : vector<8x4096xf32>
    %min3A_2104 = arith.minimumf %min3A_2098, %slice3A_2102 : vector<8x4096xf32>
    %jit3A_2105 = arith.constant 53 : i32
    %broadcast_in_dim3A_2106 = vector.broadcast %jit3A_2105 : i32 to vector<8x4096xi32>
    %select_n3A_2107 = arith.select %lt3A_2103, %broadcast_in_dim3A_2106, %select_n3A_2101 : vector<8x4096xi1>, vector<8x4096xi32>
    %slice3A_2108 = vector.extract_strided_slice %add3A_1786 {offsets = [432, 0], sizes = [8, 4096], strides = [1, 1]} : vector<512x4096xf32> to vector<8x4096xf32>
    %lt3A_2109 = arith.cmpf olt, %slice3A_2108, %min3A_2104 : vector<8x4096xf32>
    %min3A_2110 = arith.minimumf %min3A_2104, %slice3A_2108 : vector<8x4096xf32>
    %jit3A_2111 = arith.constant 54 : i32
    %broadcast_in_dim3A_2112 = vector.broadcast %jit3A_2111 : i32 to vector<8x4096xi32>
    %select_n3A_2113 = arith.select %lt3A_2109, %broadcast_in_dim3A_2112, %select_n3A_2107 : vector<8x4096xi1>, vector<8x4096xi32>
    %slice3A_2114 = vector.extract_strided_slice %add3A_1786 {offsets = [440, 0], sizes = [8, 4096], strides = [1, 1]} : vector<512x4096xf32> to vector<8x4096xf32>
    %lt3A_2115 = arith.cmpf olt, %slice3A_2114, %min3A_2110 : vector<8x4096xf32>
    %min3A_2116 = arith.minimumf %min3A_2110, %slice3A_2114 : vector<8x4096xf32>
    %jit3A_2117 = arith.constant 55 : i32
    %broadcast_in_dim3A_2118 = vector.broadcast %jit3A_2117 : i32 to vector<8x4096xi32>
    %select_n3A_2119 = arith.select %lt3A_2115, %broadcast_in_dim3A_2118, %select_n3A_2113 : vector<8x4096xi1>, vector<8x4096xi32>
    %slice3A_2120 = vector.extract_strided_slice %add3A_1786 {offsets = [448, 0], sizes = [8, 4096], strides = [1, 1]} : vector<512x4096xf32> to vector<8x4096xf32>
    %lt3A_2121 = arith.cmpf olt, %slice3A_2120, %min3A_2116 : vector<8x4096xf32>
    %min3A_2122 = arith.minimumf %min3A_2116, %slice3A_2120 : vector<8x4096xf32>
    %jit3A_2123 = arith.constant 56 : i32
    %broadcast_in_dim3A_2124 = vector.broadcast %jit3A_2123 : i32 to vector<8x4096xi32>
    %select_n3A_2125 = arith.select %lt3A_2121, %broadcast_in_dim3A_2124, %select_n3A_2119 : vector<8x4096xi1>, vector<8x4096xi32>
    %slice3A_2126 = vector.extract_strided_slice %add3A_1786 {offsets = [456, 0], sizes = [8, 4096], strides = [1, 1]} : vector<512x4096xf32> to vector<8x4096xf32>
    %lt3A_2127 = arith.cmpf olt, %slice3A_2126, %min3A_2122 : vector<8x4096xf32>
    %min3A_2128 = arith.minimumf %min3A_2122, %slice3A_2126 : vector<8x4096xf32>
    %jit3A_2129 = arith.constant 57 : i32
    %broadcast_in_dim3A_2130 = vector.broadcast %jit3A_2129 : i32 to vector<8x4096xi32>
    %select_n3A_2131 = arith.select %lt3A_2127, %broadcast_in_dim3A_2130, %select_n3A_2125 : vector<8x4096xi1>, vector<8x4096xi32>
    %slice3A_2132 = vector.extract_strided_slice %add3A_1786 {offsets = [464, 0], sizes = [8, 4096], strides = [1, 1]} : vector<512x4096xf32> to vector<8x4096xf32>
    %lt3A_2133 = arith.cmpf olt, %slice3A_2132, %min3A_2128 : vector<8x4096xf32>
    %min3A_2134 = arith.minimumf %min3A_2128, %slice3A_2132 : vector<8x4096xf32>
    %jit3A_2135 = arith.constant 58 : i32
    %broadcast_in_dim3A_2136 = vector.broadcast %jit3A_2135 : i32 to vector<8x4096xi32>
    %select_n3A_2137 = arith.select %lt3A_2133, %broadcast_in_dim3A_2136, %select_n3A_2131 : vector<8x4096xi1>, vector<8x4096xi32>
    %slice3A_2138 = vector.extract_strided_slice %add3A_1786 {offsets = [472, 0], sizes = [8, 4096], strides = [1, 1]} : vector<512x4096xf32> to vector<8x4096xf32>
    %lt3A_2139 = arith.cmpf olt, %slice3A_2138, %min3A_2134 : vector<8x4096xf32>
    %min3A_2140 = arith.minimumf %min3A_2134, %slice3A_2138 : vector<8x4096xf32>
    %jit3A_2141 = arith.constant 59 : i32
    %broadcast_in_dim3A_2142 = vector.broadcast %jit3A_2141 : i32 to vector<8x4096xi32>
    %select_n3A_2143 = arith.select %lt3A_2139, %broadcast_in_dim3A_2142, %select_n3A_2137 : vector<8x4096xi1>, vector<8x4096xi32>
    %slice3A_2144 = vector.extract_strided_slice %add3A_1786 {offsets = [480, 0], sizes = [8, 4096], strides = [1, 1]} : vector<512x4096xf32> to vector<8x4096xf32>
    %lt3A_2145 = arith.cmpf olt, %slice3A_2144, %min3A_2140 : vector<8x4096xf32>
    %min3A_2146 = arith.minimumf %min3A_2140, %slice3A_2144 : vector<8x4096xf32>
    %jit3A_2147 = arith.constant 60 : i32
    %broadcast_in_dim3A_2148 = vector.broadcast %jit3A_2147 : i32 to vector<8x4096xi32>
    %select_n3A_2149 = arith.select %lt3A_2145, %broadcast_in_dim3A_2148, %select_n3A_2143 : vector<8x4096xi1>, vector<8x4096xi32>
    %slice3A_2150 = vector.extract_strided_slice %add3A_1786 {offsets = [488, 0], sizes = [8, 4096], strides = [1, 1]} : vector<512x4096xf32> to vector<8x4096xf32>
    %lt3A_2151 = arith.cmpf olt, %slice3A_2150, %min3A_2146 : vector<8x4096xf32>
    %min3A_2152 = arith.minimumf %min3A_2146, %slice3A_2150 : vector<8x4096xf32>
    %jit3A_2153 = arith.constant 61 : i32
    %broadcast_in_dim3A_2154 = vector.broadcast %jit3A_2153 : i32 to vector<8x4096xi32>
    %select_n3A_2155 = arith.select %lt3A_2151, %broadcast_in_dim3A_2154, %select_n3A_2149 : vector<8x4096xi1>, vector<8x4096xi32>
    %slice3A_2156 = vector.extract_strided_slice %add3A_1786 {offsets = [496, 0], sizes = [8, 4096], strides = [1, 1]} : vector<512x4096xf32> to vector<8x4096xf32>
    %lt3A_2157 = arith.cmpf olt, %slice3A_2156, %min3A_2152 : vector<8x4096xf32>
    %min3A_2158 = arith.minimumf %min3A_2152, %slice3A_2156 : vector<8x4096xf32>
    %jit3A_2159 = arith.constant 62 : i32
    %broadcast_in_dim3A_2160 = vector.broadcast %jit3A_2159 : i32 to vector<8x4096xi32>
    %select_n3A_2161 = arith.select %lt3A_2157, %broadcast_in_dim3A_2160, %select_n3A_2155 : vector<8x4096xi1>, vector<8x4096xi32>
    %slice3A_2162 = vector.extract_strided_slice %add3A_1786 {offsets = [504, 0], sizes = [8, 4096], strides = [1, 1]} : vector<512x4096xf32> to vector<8x4096xf32>
    %lt3A_2163 = arith.cmpf olt, %slice3A_2162, %min3A_2158 : vector<8x4096xf32>
    %min3A_2164 = arith.minimumf %min3A_2158, %slice3A_2162 : vector<8x4096xf32>
    %jit3A_2165 = arith.constant 63 : i32
    %broadcast_in_dim3A_2166 = vector.broadcast %jit3A_2165 : i32 to vector<8x4096xi32>
    %select_n3A_2167 = arith.select %lt3A_2163, %broadcast_in_dim3A_2166, %select_n3A_2161 : vector<8x4096xi1>, vector<8x4096xi32>
    %mul3A_2168 = arith.constant 8 : i32
    %mul3A_2169 = vector.broadcast %mul3A_2168 : i32 to vector<8x4096xi32>
    %mul3A_2170 = arith.muli %select_n3A_2167, %mul3A_2169 : vector<8x4096xi32>
    %add3A_2171 = arith.addi %mul3A_2170, %iota3A_7 : vector<8x4096xi32>
    %slice3A_2172 = vector.extract_strided_slice %min3A_2164 {offsets = [0, 0], sizes = [4, 4096], strides = [1, 1]} : vector<8x4096xf32> to vector<4x4096xf32>
    %slice3A_2173 = vector.extract_strided_slice %add3A_2171 {offsets = [0, 0], sizes = [4, 4096], strides = [1, 1]} : vector<8x4096xi32> to vector<4x4096xi32>
    %slice3A_2174 = vector.extract_strided_slice %min3A_2164 {offsets = [4, 0], sizes = [4, 4096], strides = [1, 1]} : vector<8x4096xf32> to vector<4x4096xf32>
    %slice3A_2175 = vector.extract_strided_slice %add3A_2171 {offsets = [4, 0], sizes = [4, 4096], strides = [1, 1]} : vector<8x4096xi32> to vector<4x4096xi32>
    %lt3A_2176 = arith.cmpf olt, %slice3A_2174, %slice3A_2172 : vector<4x4096xf32>
    %eq3A_2177 = arith.cmpf oeq, %slice3A_2174, %slice3A_2172 : vector<4x4096xf32>
    %lt3A_2178 = arith.cmpi slt, %slice3A_2175, %slice3A_2173 : vector<4x4096xi32>
    %and3A_2179 = arith.andi %eq3A_2177, %lt3A_2178 : vector<4x4096xi1>
    %or3A_2180 = arith.ori %lt3A_2176, %and3A_2179 : vector<4x4096xi1>
    %select_n3A_2181 = arith.select %or3A_2180, %slice3A_2174, %slice3A_2172 : vector<4x4096xi1>, vector<4x4096xf32>
    %select_n3A_2182 = arith.select %or3A_2180, %slice3A_2175, %slice3A_2173 : vector<4x4096xi1>, vector<4x4096xi32>
    %slice3A_2183 = vector.extract_strided_slice %select_n3A_2181 {offsets = [0, 0], sizes = [2, 4096], strides = [1, 1]} : vector<4x4096xf32> to vector<2x4096xf32>
    %slice3A_2184 = vector.extract_strided_slice %select_n3A_2182 {offsets = [0, 0], sizes = [2, 4096], strides = [1, 1]} : vector<4x4096xi32> to vector<2x4096xi32>
    %slice3A_2185 = vector.extract_strided_slice %select_n3A_2181 {offsets = [2, 0], sizes = [2, 4096], strides = [1, 1]} : vector<4x4096xf32> to vector<2x4096xf32>
    %slice3A_2186 = vector.extract_strided_slice %select_n3A_2182 {offsets = [2, 0], sizes = [2, 4096], strides = [1, 1]} : vector<4x4096xi32> to vector<2x4096xi32>
    %lt3A_2187 = arith.cmpf olt, %slice3A_2185, %slice3A_2183 : vector<2x4096xf32>
    %eq3A_2188 = arith.cmpf oeq, %slice3A_2185, %slice3A_2183 : vector<2x4096xf32>
    %lt3A_2189 = arith.cmpi slt, %slice3A_2186, %slice3A_2184 : vector<2x4096xi32>
    %and3A_2190 = arith.andi %eq3A_2188, %lt3A_2189 : vector<2x4096xi1>
    %or3A_2191 = arith.ori %lt3A_2187, %and3A_2190 : vector<2x4096xi1>
    %select_n3A_2192 = arith.select %or3A_2191, %slice3A_2185, %slice3A_2183 : vector<2x4096xi1>, vector<2x4096xf32>
    %select_n3A_2193 = arith.select %or3A_2191, %slice3A_2186, %slice3A_2184 : vector<2x4096xi1>, vector<2x4096xi32>
    %slice3A_2194 = vector.extract_strided_slice %select_n3A_2192 {offsets = [0, 0], sizes = [1, 4096], strides = [1, 1]} : vector<2x4096xf32> to vector<1x4096xf32>
    %slice3A_2195 = vector.extract_strided_slice %select_n3A_2193 {offsets = [0, 0], sizes = [1, 4096], strides = [1, 1]} : vector<2x4096xi32> to vector<1x4096xi32>
    %slice3A_2196 = vector.extract_strided_slice %select_n3A_2192 {offsets = [1, 0], sizes = [1, 4096], strides = [1, 1]} : vector<2x4096xf32> to vector<1x4096xf32>
    %slice3A_2197 = vector.extract_strided_slice %select_n3A_2193 {offsets = [1, 0], sizes = [1, 4096], strides = [1, 1]} : vector<2x4096xi32> to vector<1x4096xi32>
    %lt3A_2198 = arith.cmpf olt, %slice3A_2196, %slice3A_2194 : vector<1x4096xf32>
    %eq3A_2199 = arith.cmpf oeq, %slice3A_2196, %slice3A_2194 : vector<1x4096xf32>
    %lt3A_2200 = arith.cmpi slt, %slice3A_2197, %slice3A_2195 : vector<1x4096xi32>
    %and3A_2201 = arith.andi %eq3A_2199, %lt3A_2200 : vector<1x4096xi1>
    %or3A_2202 = arith.ori %lt3A_2198, %and3A_2201 : vector<1x4096xi1>
    %select_n3A_2203 = arith.select %or3A_2202, %slice3A_2196, %slice3A_2194 : vector<1x4096xi1>, vector<1x4096xf32>
    %select_n3A_2204 = arith.select %or3A_2202, %slice3A_2197, %slice3A_2195 : vector<1x4096xi1>, vector<1x4096xi32>
    %swap3A_2205 = arith.constant 0 : index
    %swap3A_2206 = arith.constant 0 : index
    %swap3A_2207 = vector.load %arg10[%swap3A_2205, %swap3A_2206] : memref<1x4096xi32, #tpu.memory_space<vmem>>, vector<1x4096xi32>
    tpu.vector_store %arg10[%swap3A_2205, %swap3A_2206], %select_n3A_2204 {strides = array<i32>} : memref<1x4096xi32, #tpu.memory_space<vmem>>, vector<1x4096xi32>,
    %eq3A_2208 = arith.constant 4 : i32
    %eq3A_2209 = vector.broadcast %eq3A_2208 : i32 to vector<1x128xi32>
    %eq3A_2210 = arith.cmpi eq, %iota3A, %eq3A_2209 : vector<1x128xi32>
    %reduce_sum3A_2211 = vector.shape_cast %select_n3A_2203 : vector<1x4096xf32> to vector<1x1x4096xf32>
    %reduce_sum3A_2212 = arith.constant dense<0.000000e+00> : vector<1xf32>
    %reduce_sum3A_2213 = vector.multi_reduction <add>, %reduce_sum3A_2211, %reduce_sum3A_2212 [1, 2] : vector<1x1x4096xf32> to vector<1xf32>
    %reduce_sum3A_2214 = vector.shape_cast %reduce_sum3A_2213 : vector<1xf32> to vector<1x1x1xf32>
    %reduce_sum3A_2215 = vector.extract %reduce_sum3A_2214[0, 0, 0] : f32 from vector<1x1x1xf32>
    %jit3A_2216 = arith.constant 0.000000e+00 : f32
    %broadcast_in_dim3A_2217 = vector.broadcast %reduce_sum3A_2215 : f32 to vector<1x128xf32>
    %broadcast_in_dim3A_2218 = vector.broadcast %jit3A_2216 : f32 to vector<1x128xf32>
    %select_n3A_2219 = arith.select %eq3A_2210, %broadcast_in_dim3A_2217, %broadcast_in_dim3A_2218 : vector<1x128xi1>, vector<1x128xf32>
    %add3A_2220 = arith.addf %add3A_1775, %select_n3A_2219 : vector<1x128xf32>
    %eq3A_2221 = arith.constant 0 : i32
    %eq3A_2222 = arith.cmpi eq, %arg0, %eq3A_2221 : i32
    %convert_element_type3A = arith.extui %eq3A_2222 : i1 to i32
    %cond3A = arith.constant 0 : i32
    %cond3A_2223 = arith.cmpi ne, %convert_element_type3A, %cond3A : i32
    scf.if %cond3A_2223 {
      %broadcast_in_dim3A_2231 = arith.constant 0.000000e+00 : f32
      %broadcast_in_dim3A_2232 = vector.broadcast %broadcast_in_dim3A_2231 : f32 to vector<1x128xf32>
      %swap3A_2233 = arith.constant 0 : index
      %swap3A_2234 = arith.constant 0 : index
      %swap3A_2235 = vector.load %arg5[%swap3A_2233, %swap3A_2234] : memref<1x128xf32, #tpu.memory_space<vmem>>, vector<1x128xf32>
      tpu.vector_store %arg5[%swap3A_2233, %swap3A_2234], %broadcast_in_dim3A_2232 {strides = array<i32>} : memref<1x128xf32, #tpu.memory_space<vmem>>, vector<1x128xf32>,
    } else {
    }
    %get3A_2224 = arith.constant 0 : index
    %get3A_2225 = arith.constant 0 : index
    %get3A_2226 = vector.load %arg5[%get3A_2224, %get3A_2225] : memref<1x128xf32, #tpu.memory_space<vmem>>, vector<1x128xf32>
    %add3A_2227 = arith.addf %get3A_2226, %add3A_2220 : vector<1x128xf32>
    %swap3A_2228 = arith.constant 0 : index
    %swap3A_2229 = arith.constant 0 : index
    %swap3A_2230 = vector.load %arg5[%swap3A_2228, %swap3A_2229] : memref<1x128xf32, #tpu.memory_space<vmem>>, vector<1x128xf32>
    tpu.vector_store %arg5[%swap3A_2228, %swap3A_2229], %add3A_2227 {strides = array<i32>} : memref<1x128xf32, #tpu.memory_space<vmem>>, vector<1x128xf32>,
    return
  }
  func.func @transform_0(%arg0: i32) -> (i32, i32) {
    %c0_i32 = arith.constant 0 : i32
    %c0_i32_0 = arith.constant 0 : i32
    return %c0_i32, %arg0 : i32, i32
  }
  func.func @transform_1(%arg0: i32) -> (i32, i32) {
    %c0_i32 = arith.constant 0 : i32
    %c0_i32_0 = arith.constant 0 : i32
    return %c0_i32, %arg0 : i32, i32
  }
  func.func @transform_2(%arg0: i32) -> (i32, i32) {
    %c0_i32 = arith.constant 0 : i32
    %c0_i32_0 = arith.constant 0 : i32
    %c0_i32_1 = arith.constant 0 : i32
    return %c0_i32, %c0_i32_0 : i32, i32
  }
  func.func @transform_3(%arg0: i32) -> (i32, i32) {
    %c0_i32 = arith.constant 0 : i32
    %c0_i32_0 = arith.constant 0 : i32
    %c0_i32_1 = arith.constant 0 : i32
    return %c0_i32, %c0_i32_0 : i32, i32
  }
  func.func @transform_4(%arg0: i32) -> (i32, i32) {
    %c0_i32 = arith.constant 0 : i32
    %c0_i32_0 = arith.constant 0 : i32
    %c0_i32_1 = arith.constant 0 : i32
    return %c0_i32, %c0_i32_0 : i32, i32
  }
  func.func @transform_5(%arg0: i32) -> (i32, i32) {
    %c0_i32 = arith.constant 0 : i32
    %c0_i32_0 = arith.constant 0 : i32
    return %c0_i32, %arg0 : i32, i32
  }
  func.func @transform_6(%arg0: i32) -> (i32, i32) {
    %c0_i32 = arith.constant 0 : i32
    %c0_i32_0 = arith.constant 0 : i32
    return %c0_i32, %arg0 : i32, i32
  }
  func.func @transform_7(%arg0: i32) -> (i32, i32) {
    %c0_i32 = arith.constant 0 : i32
    %c0_i32_0 = arith.constant 0 : i32
    return %c0_i32, %arg0 : i32, i32
  }
  func.func @transform_8(%arg0: i32) -> (i32, i32) {
    %c0_i32 = arith.constant 0 : i32
    %c0_i32_0 = arith.constant 0 : i32
    return %c0_i32, %arg0 : i32, i32
  }
  func.func @transform_9(%arg0: i32) -> (i32, i32) {
    %c0_i32 = arith.constant 0 : i32
    %c0_i32_0 = arith.constant 0 : i32
    return %c0_i32, %arg0 : i32, i32
  }
}

</mosaic_0001>

<sc_bundles>
// kernel: kernel.6.cloned.1.call-start
scs
__scs_entry_jumppad:
0x0: {  	(pc) =	sbr.rel $0x88, $3  }
0x1: {  	(tag) =	ssettag $0x0;
	lr =	simm.s32 $0x1  }
0x2: {  	[smem:$0x3F9B] =	sst lr;
	_ =	strace $0xD0000000  }
0x3: {  	_ = 	snop  }
0x4: {  	_ = 	snop  }
0x5: {  	_ = 	snop  }
0x6: {  	_ = 	snop  }
0x7: {  	_ = 	snop  }
__scs_overlays_trampoline_lowered:
0x8: {  	[smem:$0x3FAA] =	sst s0  }
0x9: {  	[smem:$0x3FAB] =	sst s1  }
0xa: {  	[smem:$0x3FAC] =	sst s2  }
0xb: {  	[smem:$0x3FAD] =	sst s3  }
0xc: {  	[smem:$0x3FAE] =	sst s4  }
0xd: {  	[smem:$0x3FAF] =	sst s5  }
0xe: {  	[smem:$0x3FB0] =	sst s6  }
0xf: {  	[smem:$0x3FB1] =	sst s7  }
0x10: {  	[smem:$0x3FB2] =	sst s8  }
0x11: {  	[smem:$0x3FB3] =	sst s9;
	s0 =	simm.s32 @!p0 $0x0  }
0x12: {  	s1 =	sld [smem:$0x3F99];
	s0 =	simm.s32 @p0 $0x1  }
0x13: {  	[smem:$0x3FB4] =	sst s0;
	s0 =	simm.s32 @!p1 $0x0  }
0x14: {  	s2 =	sld [smem:$0x3F98];
	s0 =	simm.s32 @p1 $0x1  }
0x15: {  	[smem:$0x3FB5] =	sst s0;
	s0 =	simm.s32 @!p2 $0x0  }
0x16: {  	s3 =	sld [smem:$0x3FDB];
	s0 =	simm.s32 @p2 $0x1  }
0x17: {  	s4 =	simm.s32 $0x1BF5;
	[smem:$0x3FB7] =	sst s0  }
0x18: {  	s0 =	sld [smem:$0x3F9A];
	_ =	swait.ge [sflag:s4], $0x0  }
0x19: {  	s7 =	sld [smem:$0x3F9B]  }
0x1a: {  	s8 =	sadd.s32 $0xFFFFE003, lr  }
0x1b: {  	s9 =	sadd.s32 $0xFFFFFEF7, lr;
	s5 =	simm.s32 $0xFFFFFFFF;
	p2 =	slt.u32 s8, $0xFFFFF086  }
0x1c: {  	p1 =	slt.u32 s9, $0xF7A;
	s5 =	simm.s32 @!p2 $0x0  }
0x1d: {  	s5 =	simm.s32 @p1 $0x1;
	p0 =	seq.s32 s7, s2  }
0x1e: {  	s7 =	smul.u32 @!p0 $0xF7A, s2;
	p2 =	seq.s32 @!p0 s5, $0x0  }
0x1f: {  	s9 =	smul.u32 $0xF7A, s1;
	s8 =	simm.s32 @!p0 $0x1BF5;
	p2 =	por !p2, p0  }
0x20: {  	[sflag:s8] =	ssyncset.s32 @!p0 $0xFFFFF086;
	s6 =	sadd.s32 @!p0 s3, s7;
	s7 =	simm.s32 @!p0 $0x108  }
0x21: {  	s3 =	sadd.s32 s3, s9;
	s6 =	sadd.s32 @!p0 $0x88, s6;
	s7 =	simm.s32 @p2 $0x1082  }
0x22: {  	[simem:s7], [sflag:s8] =	dma.local @!p0 [hbm:s6], $0xF7A  }
0x23: {  	s9 =	sor.u32 $0xD0000000, s2;
	s6 =	simm.s32 $0x108;
	_ =	swait.ge @!p0 [sflag:s8], $0x0  }
0x24: {  	s3 =	sadd.s32 $0x88, s3;
	s6 =	simm.s32 @!p1 $0x1082;
	[sflag:s4] =	ssyncset.s32 $0xFFFFF086  }
0x25: {  	[simem:s6], [sflag:s4] =	dma.local [hbm:s3], $0xF7A  }
0x26: {  	[smem:$0x3F9B] =	sst s1;
	(tag) =	ssettag s2;
	_ =	strace s9  }
0x27: {  	s1 =	sld [smem:$0x3FAB]  }
0x28: {  	s2 =	sld [smem:$0x3FAC]  }
0x29: {  	s4 =	sld [smem:$0x3FAE]  }
0x2a: {  	p0 =	seq.s32 s5, $0x0;
	s5 =	sld [smem:$0x3FAF]  }
0x2b: {  	s6 =	sld [smem:$0x3FB0]  }
0x2c: {  	s7 =	sld [smem:$0x3FB1]  }
0x2d: {  	s3 =	simm.s32 $0x108;
	s8 =	sld [smem:$0x3FB2]  }
0x2e: {  	s3 =	simm.s32 @!p0 $0x1082;
	s9 =	sld [smem:$0x3FB3]  }
0x2f: {  	lr =	sadd.s32 s0, s3;
	s0 =	sld [smem:$0x3FAA]  }
0x30: {  	s3 =	sld [smem:$0x3FAD]  }
0x31: {  	[smem:$0x3FB6] =	sst s10  }
0x32: {  	s10 =	sld [smem:$0x3FB4];
	_ =	sdelay $0x3  }
0x33: {  	p0 =	seq.s32 s10, $0x1;
	s10 =	sld [smem:$0x3FB6];
	_ =	sdelay $0x3  }
0x34: {  	[smem:$0x3FB6] =	sst s10  }
0x35: {  	s10 =	sld [smem:$0x3FB5];
	_ =	sdelay $0x3  }
0x36: {  	p1 =	seq.s32 s10, $0x1;
	s10 =	sld [smem:$0x3FB6];
	_ =	sdelay $0x3  }
0x37: {  	[smem:$0x3FB6] =	sst s10  }
0x38: {  	s10 =	sld [smem:$0x3FB7]  }
0x39: {  	_ = 	snop;
	(pc) =	sbr.ind lr, $3  }
0x3a: {  	_ = 	snop  }
0x3b: {  	_ = 	snop  }
0x3c: {  	p2 =	seq.s32 s10, $0x1;
	s10 =	sld [smem:$0x3FB6]  }
0x3d: {  	_ =	shalt  }
0x3e: {  	_ =	shalt  }
0x3f: {  	_ =	shalt  }
0x40: {  	_ =	shalt  }
0x41: {  	_ =	shalt  }
0x42: {  	_ =	shalt  }
0x43: {  	_ =	shalt  }
0x44: {  	_ =	shalt  }
0x45: {  	_ =	shalt  }
0x46: {  	_ =	shalt  }
0x47: {  	_ =	shalt  }
0x48: {  	_ =	shalt  }
0x49: {  	_ =	shalt  }
0x4a: {  	_ =	shalt  }
0x4b: {  	_ =	shalt  }
0x4c: {  	_ =	shalt  }
0x4d: {  	_ =	shalt  }
0x4e: {  	_ =	shalt  }
0x4f: {  	_ =	shalt  }
0x50: {  	_ =	shalt  }
0x51: {  	_ =	shalt  }
0x52: {  	_ =	shalt  }
0x53: {  	_ =	shalt  }
0x54: {  	_ =	shalt  }
0x55: {  	_ =	shalt  }
0x56: {  	_ =	shalt  }
0x57: {  	_ =	shalt  }
0x58: {  	_ =	shalt  }
0x59: {  	_ =	shalt  }
0x5a: {  	_ =	shalt  }
0x5b: {  	_ =	shalt  }
0x5c: {  	_ =	shalt  }
0x5d: {  	_ =	shalt  }
0x5e: {  	_ =	shalt  }
0x5f: {  	_ =	shalt  }
0x60: {  	_ =	shalt  }
0x61: {  	_ =	shalt  }
0x62: {  	_ =	shalt  }
0x63: {  	_ =	shalt  }
0x64: {  	_ =	shalt  }
0x65: {  	_ =	shalt  }
0x66: {  	_ =	shalt  }
0x67: {  	_ =	shalt  }
0x68: {  	_ =	shalt  }
0x69: {  	_ =	shalt  }
0x6a: {  	_ =	shalt  }
0x6b: {  	_ =	shalt  }
0x6c: {  	_ =	shalt  }
0x6d: {  	_ =	shalt  }
0x6e: {  	_ =	shalt  }
0x6f: {  	_ =	shalt  }
0x70: {  	_ =	shalt  }
0x71: {  	_ =	shalt  }
0x72: {  	_ =	shalt  }
0x73: {  	_ =	shalt  }
0x74: {  	_ =	shalt  }
0x75: {  	_ =	shalt  }
0x76: {  	_ =	shalt  }
0x77: {  	_ =	shalt  }
0x78: {  	_ =	shalt  }
0x79: {  	_ =	shalt  }
0x7a: {  	_ =	shalt  }
0x7b: {  	_ =	shalt  }
0x7c: {  	_ =	shalt  }
0x7d: {  	_ =	shalt  }
0x7e: {  	_ =	shalt  }
0x7f: {  	_ =	shalt  }
0x80: {  	_ =	shalt  }
0x81: {  	_ =	shalt  }
0x82: {  	_ =	shalt  }
0x83: {  	_ =	shalt  }
0x84: {  	_ =	shalt  }
0x85: {  	_ =	shalt  }
0x86: {  	_ =	shalt  }
0x87: {  	_ =	shalt  }
.Lfunc_end0:
.L_simem_size_0:
called_computation_lowered:
.L_overlay_start_0:
0x88: {  	s2 =	sld [smem:$0x3FD9]  }
0x89: {  	s3 =	sld [smem:$0x3FFE];
	_ =	sdelay $0x1  }
0x8a: {  	s1 =	srdreg.scid  }
0x8b: {  	s0 =	sand.u32 $0x1, s1  }
0x8c: {  	s16 =	sshll.u32 s0, $0xA;
	s2 =	sadd.s32 s3, s2  }
0x8d: {  	s2 =	sadd.s32 s2, s16  }
0x8e: {  	[smem:$0x3FC2] =	sst s2  }
0x8f: {  	_ = 	snop  }
0x90: {  	(tm) =	ssettm $0x1  }
0x91: {  	s17 =	sld [smem:$0x3FFB];
	_ =	sdelay $0x3  }
0x92: {  	_ =	strace s17  }
0x93: {  	s2 =	sld [smem:$0x3FFC];
	_ =	sdelay $0x3  }
0x94: {  	_ =	strace s2  }
0x95: {  	s2 =	sld [smem:$0x3FFD];
	_ =	sdelay $0x3  }
0x96: {  	_ =	strace s2  }
0x97: {  	_ =	strace $0x8FFFFFFF  }
0x98: {  	s18 =	sld [smem:$0x3FDB];
	_ =	sdelay $0x1  }
0x99: {  	s19 =	simm.s32 $_scs_section_size  }
0x9a: {  	s4 =	simm.s32 $_size__tile_overlayer_lowered;
	s5 =	simm.s32 $_tile_overlayer_lowered  }
0x9b: {  	s22 =	simm.s32 $0x1BFF;
	s21 =	sshll.u32 s5, $0x1;
	s2 =	sadd.s32 s19, s18  }
0x9c: {  	s6 =	simm.s32 $0x0;
	s20 =	sshll.u32 s4, $0x1;
	s4 =	sadd.s32 s21, s2  }
0x9d: {  	[timem:s6], [sflag:s22] =	dma.local [hbm:s4], s20  }
0x9e: {  	_ =	swait.ge [sflag:s22], s20  }
0x9f: {  	s3 =	ssub.s32 $0x0, s20;
	[sflag:s22] =	ssyncset.done $0x0  }
0xa0: {  	[sflag:s22] =	ssyncadd.s32 s3;
	_ =	sdelay $0x1  }
0xa1: {  	s23 =	simm.s32 $0x1B8B  }
0xa2: {  	_ =	swait.ge [sflag:s23], $0x1  }
0xa3: {  	[sflag:s23] =	ssyncset.done $0x0  }
0xa4: {  	s25 =	simm.s32 $0x1B8E;
	s24 =	sld [smem:$0x3FFE];
	[sflag:s23] =	ssyncadd.s32 $0xFFFFFFFF  }
0xa5: {  	s26 =	simm.s32 $execute0_lowered;
	[smem:$0x3FD2] =	sst s25  }
0xa6: {  	s4 =	sshll.u32 s26, $0x1;
	_ =	strace $0x80000046;
	[dreg:$0x1] =	wrdreg $0xFFFFFFFF  }
0xa7: {  	s28 =	simm.s32 $_size_execute0_lowered;
	s2 =	sadd.s32 s2, s4;
	[dreg:$0x0] =	wrdreg $0x0  }
0xa8: {  	s4 =	sshll.u32 s28, $0x1;
	[dreg:$0x2] =	wrdreg s2  }
0xa9: {  	[dreg:$0x3] =	wrdreg s4  }
0xaa: {  	[dreg:$0x4] =	wrdreg $0xC0  }
0xab: {  	_ =	task [dreg:s6], $0x5FFFF  }
0xac: {  	[dreg:$0x1] =	wrdreg $0xFFFFFFFF  }
0xad: {  	[dreg:$0x0] =	wrdreg $0x60  }
0xae: {  	[dreg:$0x2] =	wrdreg s24  }
0xaf: {  	[dreg:$0x3] =	wrdreg $0x9  }
0xb0: {  	_ =	task.clear_ibuf [dreg:s6], $0x4FFFF;
	_ =	strace $0x90000046  }
0xb1: {  	s29 =	simm.s32 $0x9;
	_ =	strace $0x80000048  }
0xb2: {  	_ =	swait.ge [sflag:s29], $0x1  }
0xb3: {  	[sflag:s29] =	ssyncadd.s32 $0xFFFFFFFF  }
0xb4: {  	_ =	strace $0x90000048  }
0xb5: {  	_ =	sfence  }
0xb6: {  	s30 =	sld [smem:$0x0];
	_ =	sdelay $0x2  }
0xb7: {  	s31 =	sshll.u32 s1, $0xD;
	s1 =	sshrl.u32 s1, $0x2  }
0xb8: {  	s3 =	sand.u32 $0x4000, s31;
	s1 =	sadd.s32 s1, s30  }
0xb9: {  	s0 =	sor.u32 s3, s0;
	s1 =	sshll.u32 s1, $0x11  }
0xba: {  	s0 =	sor.u32 s1, s0  }
0xbb: {  	s0 =	sadd.s32 $0x8F2B, s0  }
0xbc: {  	[sflag:s0] =	ssyncadd.remote.s32 $0x1  }
0xbd: {  	_ =	sfence.sel $0xFFFF  }
0xbe: {  	[dreg:$0x0] =	wrdreg $0xFFFFFFFF;
	(pc) =	sbr.abs _section_cstart, $3  }
0xbf: {  	[dreg:$0x1] =	wrdreg $0xFFFFFFFF  }
0xc0: {  	_ =	task.clear_ibuf [dreg:s6], $0x2FFFF;
	_ =	strace $0x9FFFFFFF  }
0xc1: {  	(tm) =	ssettm $0x7FFFFFFF  }
tec
execute0_lowered:
.L_overlay_start_1:
0x0: {  	(tag) =	ssettag $0x1  }
0x1: {  	v0 =	vlaneseq.u32  }
0x2: {  	v0 =	vmul.u32 $0x24, v0;
	_ =	sdelay $0x1  }
0x3: {  	v1 =	vor.u32 $0x1, v0;
	v2 =	vor.u32 $0x2, v0  }
0x4: {  	s1 =	rddreg [dreg:$0x0];
	s2 =	simm.s32 $0x0;
	v3 =	vor.u32 $0x3, v0;
	v4 =	vadd.s32 $0x4, v0;
	v5 =	vadd.s32 $0x5, v0  }
0x5: {  	s11 =	srdreg.scid;
	s18 =	simm.s32 $0x2C00;
	s19 =	simm.s32 $0x3E00;
	v6 =	vadd.s32 $0x6, v0;
	v7 =	vadd.s32 $0x7, v0;
	v8 =	vadd.s32 $0x8, v0  }
0x6: {  	s20 =	simm.s32 $0x1;
	s21 =	simm.s32 $0x5C00;
	s22 =	simm.s32 $0x2;
	v9 =	vadd.s32 $0x9, v0;
	v10 =	vadd.s32 $0xA, v0;
	v11 =	vadd.s32 $0xB, v0  }
0x7: {  	s23 =	simm.s32 $0x0;
	[smem:$0x7FF] =	sst s2;
	s3 =	sadd.s32 $0xE00, s1;
	v12 =	vadd.s32 $0xC, v0;
	v13 =	vadd.s32 $0xD, v0;
	v14 =	vadd.s32 $0xE, v0  }
0x8: {  	s4 =	sadd.s32 $0x4E00, s1;
	s5 =	sadd.s32 $0x6E00, s1;
	s6 =	sadd.s32 $0x8E00, s1;
	v15 =	vadd.s32 $0xF, v0;
	v16 =	vadd.s32 $0x10, v0;
	v17 =	vadd.s32 $0x11, v0  }
0x9: {  	s7 =	sadd.s32 $0x2E00, s1;
	s8 =	sadd.s32 $0x400, s1;
	s9 =	sadd.s32 $0x600, s1;
	v18 =	vadd.s32 $0x12, v0;
	v19 =	vadd.s32 $0x13, v0;
	v20 =	vadd.s32 $0x14, v0  }
0xa: {  	s10 =	sadd.s32 $0x800, s1;
	s13 =	sand.u32 $0x1, s11;
	s12 =	sadd.s32 $0xC00, s1;
	v21 =	vadd.s32 $0x15, v0;
	v22 =	vadd.s32 $0x16, v0;
	v23 =	vadd.s32 $0x17, v0  }
0xb: {  	s11 =	stileid.u32;
	_ =	strace $0x80000047;
	s14 =	ssub.s32 $0x2, s13;
	v24 =	vadd.s32 $0x18, v0;
	v25 =	vadd.s32 $0x19, v0;
	v26 =	vadd.s32 $0x1A, v0  }
0xc: {  	s16 =	sshll.u32 s11, $0xC;
	s17 =	sshll.u32 s13, $0xB;
	s15 =	sshrl.u32 s14, $0x1;
	v27 =	vadd.s32 $0x1B, v0;
	v28 =	vadd.s32 $0x1C, v0;
	v29 =	vadd.s32 $0x1D, v0  }
0xd: {  	s13 =	sadd.s32 $0xAE00, s1;
	v30 =	vadd.s32 $0x1E, v0;
	v31 =	vadd.s32 $0x1F, v0;
	v32 =	vadd.s32 $0x20, v0;
	s15 =	ssub.s32 s14, s15;
	s14 =	sor.u32 s17, s16  }
0xe: {  	v33 =	vadd.s32 $0x21, v0;
	v34 =	vadd.s32 $0x22, v0;
	v35 =	vadd.s32 $0x23, v0;
	s16 =	simm.s32 $0x1400;
	s17 =	simm.s32 $0x2000;
	s15 =	smax.u32 s15, $0x1  }
.LBB2_1:
0xf: {  	p1 =	por $0x1, $0x1;
	s25 =	simm.s32 $0x0  }
.LBB2_2:
0x10: {  	s24 =	simm.s32 $0x0  }
0x11: {  	[tilespmem:s24], [sflag:$0x1] =	stream.linear.gather [hbm4b:s1+s24], $0x1400, $0x38;
	[tilespmem:$0xEC00] =	vst v63  }
0x12: {  	_ = 	snop  }
0x13: {  	[tilespmem:s16], [sflag:$0x1] =	stream.linear.gather [hbm4b:s8+s24], $0xC00, $0x38;
	[tilespmem:$0xEC00] =	vst v63  }
0x14: {  	_ = 	snop  }
0x15: {  	[tilespmem:s17], [sflag:$0x1] =	stream.linear.gather [hbm4b:s9+s24], $0xC00, $0x38;
	[tilespmem:$0xEC00] =	vst v63  }
0x16: {  	s25 =	sor.u32 s14, s25  }
0x17: {  	[tilespmem:s18], [sflag:$0x1] =	stream.linear.gather [hbm4b:s10+s24], $0x1200, $0x38;
	[tilespmem:$0xEC00] =	vst v63  }
0x18: {  	s31 =	sshrl.u32 s25, $0x3  }
0x19: {  	[tilespmem:s19], [sflag:$0x1] =	stream.linear.gather [hbm4b:s12+s24], $0xA00, $0x38;
	[tilespmem:$0xEC00] =	vst v63  }
0x1a: {  	s26 =	simm.s32 $0x4800;
	s28 =	sadd.s32 s3, s31  }
0x1b: {  	[tilespmem:s26], [sflag:$0x1] =	stream.linear.gather [hbm4b:s28+s24], $0x400, $0x38;
	[tilespmem:$0xEC00] =	vst v63  }
0x1c: {  	s29 =	sadd.s32 s4, s31;
	s28 =	simm.s32 $0x4C00  }
0x1d: {  	[tilespmem:s28], [sflag:$0x1] =	stream.linear.gather [hbm4b:s29+s24], $0x400, $0x38;
	[tilespmem:$0xEC00] =	vst v63  }
0x1e: {  	s30 =	sadd.s32 s5, s31;
	s29 =	simm.s32 $0x5000  }
0x1f: {  	[tilespmem:s29], [sflag:$0x1] =	stream.linear.gather [hbm4b:s30+s24], $0x400, $0x38;
	[tilespmem:$0xEC00] =	vst v63  }
0x20: {  	s0 =	sadd.s32 s6, s31;
	s30 =	simm.s32 $0x5400  }
0x21: {  	[tilespmem:s30], [sflag:$0x1] =	stream.linear.gather [hbm4b:s0+s24], $0x400, $0x38;
	[tilespmem:$0xEC00] =	vst v63  }
0x22: {  	s0 =	sadd.s32 s7, s31;
	s31 =	simm.s32 $0x5800  }
0x23: {  	[tilespmem:s31], [sflag:$0x1] =	stream.linear.gather [hbm4b:s0+s24], $0x400, $0x38;
	[tilespmem:$0xEC00] =	vst v63  }
0x24: {  	_ =	swait.ge [sflag:s20], $0x1400  }
0x25: {  	[sflag:s20] =	ssyncset.done $0x0  }
0x26: {  	[sflag:s20] =	ssyncadd.s32 $0xFFFFEC00  }
0x27: {  	_ =	swait.ge [sflag:s20], $0xC00  }
0x28: {  	[sflag:s20] =	ssyncset.done $0x0  }
0x29: {  	[sflag:s20] =	ssyncadd.s32 $0xFFFFF400  }
0x2a: {  	_ =	swait.ge [sflag:s20], $0xC00  }
0x2b: {  	[sflag:s20] =	ssyncset.done $0x0  }
0x2c: {  	[sflag:s20] =	ssyncadd.s32 $0xFFFFF400  }
0x2d: {  	_ =	swait.ge [sflag:s20], $0x1200  }
0x2e: {  	[sflag:s20] =	ssyncset.done $0x0  }
0x2f: {  	[sflag:s20] =	ssyncadd.s32 $0xFFFFEE00  }
0x30: {  	_ =	swait.ge [sflag:s20], $0xA00  }
0x31: {  	[sflag:s20] =	ssyncset.done $0x0  }
0x32: {  	[sflag:s20] =	ssyncadd.s32 $0xFFFFF600  }
0x33: {  	_ =	swait.ge [sflag:s20], $0x400  }
0x34: {  	[sflag:s20] =	ssyncset.done $0x0  }
0x35: {  	[sflag:s20] =	ssyncadd.s32 $0xFFFFFC00  }
0x36: {  	_ =	swait.ge [sflag:s20], $0x400  }
0x37: {  	[sflag:s20] =	ssyncset.done $0x0  }
0x38: {  	[sflag:s20] =	ssyncadd.s32 $0xFFFFFC00  }
0x39: {  	_ =	swait.ge [sflag:s20], $0x400  }
0x3a: {  	[sflag:s20] =	ssyncset.done $0x0  }
0x3b: {  	[sflag:s20] =	ssyncadd.s32 $0xFFFFFC00  }
0x3c: {  	_ =	swait.ge [sflag:s20], $0x400  }
0x3d: {  	[sflag:s20] =	ssyncset.done $0x0  }
0x3e: {  	[sflag:s20] =	ssyncadd.s32 $0xFFFFFC00  }
0x3f: {  	_ =	swait.ge [sflag:s20], $0x400  }
0x40: {  	[sflag:s20] =	ssyncset.done $0x0  }
0x41: {  	p0 =	por p1, p1;
	[sflag:s20] =	ssyncadd.s32 $0xFFFFFC00  }
.LBB2_3:
0x42: {  	v36 =	vld [tilespmem:s26+$0x0];
	_ =	sdelay $0x4  }
0x43: {  	v37 =	vmul.u32 $0xA, v36  }
0x44: {  	v44 =	vmov s24  }
0x45: {  	v36 =	vmul.u32 $0x24, v44;
	_ =	sdelay $0x1  }
0x46: {  	v36 =	vbroadcast v36, $0x0;
	_ =	sdelay $0x1  }
0x47: {  	v38 =	vadd.s32 v0, v36;
	v39 =	vld.idx.msk [tilespmem:v37+s2+$0x0], $0xffff  }
0x48: {  	v40 =	vor.u32 $0x1, v37;
	_ =	sdelay $0x3  }
0x49: {  	[tilespmem:v38+s21+$0x0] =	vst.idx.msk $0xffff, v39  }
0x4a: {  	v45 =	vadd.s32 v1, v36;
	v38 =	vld.idx.msk [tilespmem:v40+s2+$0x0], $0xffff  }
0x4b: {  	v46 =	vadd.s32 $0x2, v37;
	_ =	sdelay $0x3  }
0x4c: {  	[tilespmem:v45+s21+$0x0] =	vst.idx.msk $0xffff, v38  }
0x4d: {  	v47 =	vadd.s32 v2, v36;
	v38 =	vld.idx.msk [tilespmem:v46+s2+$0x0], $0xffff  }
0x4e: {  	v48 =	vadd.s32 $0x3, v37;
	_ =	sdelay $0x3  }
0x4f: {  	[tilespmem:v47+s21+$0x0] =	vst.idx.msk $0xffff, v38  }
0x50: {  	v49 =	vadd.s32 v3, v36;
	v38 =	vld.idx.msk [tilespmem:v48+s2+$0x0], $0xffff  }
0x51: {  	v50 =	vadd.s32 $0x4, v37;
	_ =	sdelay $0x3  }
0x52: {  	[tilespmem:v49+s21+$0x0] =	vst.idx.msk $0xffff, v38  }
0x53: {  	v51 =	vadd.s32 v4, v36;
	v38 =	vld.idx.msk [tilespmem:v50+s2+$0x0], $0xffff  }
0x54: {  	v52 =	vadd.s32 $0x5, v37;
	_ =	sdelay $0x3  }
0x55: {  	[tilespmem:v51+s21+$0x0] =	vst.idx.msk $0xffff, v38  }
0x56: {  	v53 =	vadd.s32 v5, v36;
	v38 =	vld.idx.msk [tilespmem:v52+s2+$0x0], $0xffff  }
0x57: {  	v54 =	vadd.s32 $0x6, v37;
	_ =	sdelay $0x3  }
0x58: {  	[tilespmem:v53+s21+$0x0] =	vst.idx.msk $0xffff, v38  }
0x59: {  	v55 =	vadd.s32 v6, v36;
	v38 =	vld.idx.msk [tilespmem:v54+s2+$0x0], $0xffff  }
0x5a: {  	v56 =	vadd.s32 $0x7, v37;
	_ =	sdelay $0x3  }
0x5b: {  	[tilespmem:v55+s21+$0x0] =	vst.idx.msk $0xffff, v38  }
0x5c: {  	v57 =	vadd.s32 v7, v36;
	v38 =	vld.idx.msk [tilespmem:v56+s2+$0x0], $0xffff  }
0x5d: {  	v58 =	vadd.s32 $0x8, v37;
	_ =	sdelay $0x3  }
0x5e: {  	[tilespmem:v57+s21+$0x0] =	vst.idx.msk $0xffff, v38  }
0x5f: {  	v59 =	vadd.s32 v8, v36;
	v38 =	vld.idx.msk [tilespmem:v58+s2+$0x0], $0xffff  }
0x60: {  	v37 =	vadd.s32 $0x9, v37;
	_ =	sdelay $0x3  }
0x61: {  	[tilespmem:v59+s21+$0x0] =	vst.idx.msk $0xffff, v38  }
0x62: {  	v60 =	vadd.s32 v9, v36;
	v37 =	vld.idx.msk [tilespmem:v37+s2+$0x0], $0xffff;
	_ =	sdelay $0x4  }
0x63: {  	[tilespmem:v60+s21+$0x0] =	vst.idx.msk $0xffff, v37  }
0x64: {  	v37 =	vld [tilespmem:s28+$0x0];
	_ =	sdelay $0x4  }
0x65: {  	v37 =	vmul.u32 $0x6, v37;
	_ =	sdelay $0x5  }
0x66: {  	v61 =	vadd.s32 v10, v36;
	v38 =	vld.idx.msk [tilespmem:v37+s16+$0x0], $0xffff  }
0x67: {  	v62 =	vor.u32 $0x1, v37;
	_ =	sdelay $0x3  }
0x68: {  	[tilespmem:v61+s21+$0x0] =	vst.idx.msk $0xffff, v38  }
0x69: {  	v63 =	vadd.s32 v11, v36;
	v38 =	vld.idx.msk [tilespmem:v62+s16+$0x0], $0xffff  }
0x6a: {  	v44 =	vadd.s32 $0x2, v37;
	_ =	sdelay $0x3  }
0x6b: {  	[tilespmem:v63+s21+$0x0] =	vst.idx.msk $0xffff, v38  }
0x6c: {  	v45 =	vadd.s32 v12, v36;
	v38 =	vld.idx.msk [tilespmem:v44+s16+$0x0], $0xffff  }
0x6d: {  	v46 =	vadd.s32 $0x3, v37;
	_ =	sdelay $0x3  }
0x6e: {  	[tilespmem:v45+s21+$0x0] =	vst.idx.msk $0xffff, v38  }
0x6f: {  	v47 =	vadd.s32 v13, v36;
	v38 =	vld.idx.msk [tilespmem:v46+s16+$0x0], $0xffff  }
0x70: {  	v48 =	vadd.s32 $0x4, v37;
	_ =	sdelay $0x3  }
0x71: {  	[tilespmem:v47+s21+$0x0] =	vst.idx.msk $0xffff, v38  }
0x72: {  	v49 =	vadd.s32 v14, v36;
	v38 =	vld.idx.msk [tilespmem:v48+s16+$0x0], $0xffff  }
0x73: {  	v37 =	vadd.s32 $0x5, v37;
	_ =	sdelay $0x3  }
0x74: {  	[tilespmem:v49+s21+$0x0] =	vst.idx.msk $0xffff, v38  }
0x75: {  	v50 =	vadd.s32 v15, v36;
	v37 =	vld.idx.msk [tilespmem:v37+s16+$0x0], $0xffff;
	_ =	sdelay $0x4  }
0x76: {  	[tilespmem:v50+s21+$0x0] =	vst.idx.msk $0xffff, v37  }
0x77: {  	v37 =	vld [tilespmem:s29+$0x0];
	_ =	sdelay $0x4  }
0x78: {  	v37 =	vmul.u32 $0x6, v37;
	_ =	sdelay $0x5  }
0x79: {  	v51 =	vadd.s32 v16, v36;
	v38 =	vld.idx.msk [tilespmem:v37+s17+$0x0], $0xffff  }
0x7a: {  	v52 =	vor.u32 $0x1, v37;
	_ =	sdelay $0x3  }
0x7b: {  	[tilespmem:v51+s21+$0x0] =	vst.idx.msk $0xffff, v38  }
0x7c: {  	v53 =	vadd.s32 v17, v36;
	v38 =	vld.idx.msk [tilespmem:v52+s17+$0x0], $0xffff  }
0x7d: {  	v54 =	vadd.s32 $0x2, v37;
	_ =	sdelay $0x3  }
0x7e: {  	[tilespmem:v53+s21+$0x0] =	vst.idx.msk $0xffff, v38  }
0x7f: {  	v55 =	vadd.s32 v18, v36;
	v38 =	vld.idx.msk [tilespmem:v54+s17+$0x0], $0xffff  }
0x80: {  	v56 =	vadd.s32 $0x3, v37;
	_ =	sdelay $0x3  }
0x81: {  	[tilespmem:v55+s21+$0x0] =	vst.idx.msk $0xffff, v38  }
0x82: {  	v57 =	vadd.s32 v19, v36;
	v38 =	vld.idx.msk [tilespmem:v56+s17+$0x0], $0xffff  }
0x83: {  	v58 =	vadd.s32 $0x4, v37;
	_ =	sdelay $0x3  }
0x84: {  	[tilespmem:v57+s21+$0x0] =	vst.idx.msk $0xffff, v38  }
0x85: {  	v59 =	vadd.s32 v20, v36;
	v38 =	vld.idx.msk [tilespmem:v58+s17+$0x0], $0xffff  }
0x86: {  	v37 =	vadd.s32 $0x5, v37;
	_ =	sdelay $0x3  }
0x87: {  	[tilespmem:v59+s21+$0x0] =	vst.idx.msk $0xffff, v38  }
0x88: {  	v60 =	vadd.s32 v21, v36;
	v37 =	vld.idx.msk [tilespmem:v37+s17+$0x0], $0xffff;
	_ =	sdelay $0x4  }
0x89: {  	[tilespmem:v60+s21+$0x0] =	vst.idx.msk $0xffff, v37  }
0x8a: {  	v37 =	vld [tilespmem:s30+$0x0];
	_ =	sdelay $0x4  }
0x8b: {  	v37 =	vmul.u32 $0x9, v37;
	_ =	sdelay $0x5  }
0x8c: {  	v61 =	vadd.s32 v22, v36;
	v38 =	vld.idx.msk [tilespmem:v37+s18+$0x0], $0xffff  }
0x8d: {  	v62 =	vadd.s32 $0x1, v37;
	_ =	sdelay $0x3  }
0x8e: {  	[tilespmem:v61+s21+$0x0] =	vst.idx.msk $0xffff, v38  }
0x8f: {  	v63 =	vadd.s32 v23, v36;
	v38 =	vld.idx.msk [tilespmem:v62+s18+$0x0], $0xffff  }
0x90: {  	v44 =	vadd.s32 $0x2, v37;
	_ =	sdelay $0x3  }
0x91: {  	[tilespmem:v63+s21+$0x0] =	vst.idx.msk $0xffff, v38  }
0x92: {  	v45 =	vadd.s32 v24, v36;
	v38 =	vld.idx.msk [tilespmem:v44+s18+$0x0], $0xffff  }
0x93: {  	v46 =	vadd.s32 $0x3, v37;
	_ =	sdelay $0x3  }
0x94: {  	[tilespmem:v45+s21+$0x0] =	vst.idx.msk $0xffff, v38  }
0x95: {  	v47 =	vadd.s32 v25, v36;
	v38 =	vld.idx.msk [tilespmem:v46+s18+$0x0], $0xffff  }
0x96: {  	v48 =	vadd.s32 $0x4, v37;
	_ =	sdelay $0x3  }
0x97: {  	[tilespmem:v47+s21+$0x0] =	vst.idx.msk $0xffff, v38  }
0x98: {  	v49 =	vadd.s32 v26, v36;
	v38 =	vld.idx.msk [tilespmem:v48+s18+$0x0], $0xffff  }
0x99: {  	v50 =	vadd.s32 $0x5, v37;
	_ =	sdelay $0x3  }
0x9a: {  	[tilespmem:v49+s21+$0x0] =	vst.idx.msk $0xffff, v38  }
0x9b: {  	v51 =	vadd.s32 v27, v36;
	v38 =	vld.idx.msk [tilespmem:v50+s18+$0x0], $0xffff  }
0x9c: {  	v52 =	vadd.s32 $0x6, v37;
	_ =	sdelay $0x3  }
0x9d: {  	[tilespmem:v51+s21+$0x0] =	vst.idx.msk $0xffff, v38  }
0x9e: {  	v53 =	vadd.s32 v28, v36;
	v38 =	vld.idx.msk [tilespmem:v52+s18+$0x0], $0xffff  }
0x9f: {  	v54 =	vadd.s32 $0x7, v37;
	_ =	sdelay $0x3  }
0xa0: {  	[tilespmem:v53+s21+$0x0] =	vst.idx.msk $0xffff, v38  }
0xa1: {  	v55 =	vadd.s32 v29, v36;
	v38 =	vld.idx.msk [tilespmem:v54+s18+$0x0], $0xffff  }
0xa2: {  	v37 =	vadd.s32 $0x8, v37;
	_ =	sdelay $0x3  }
0xa3: {  	[tilespmem:v55+s21+$0x0] =	vst.idx.msk $0xffff, v38  }
0xa4: {  	v56 =	vadd.s32 v30, v36;
	v37 =	vld.idx.msk [tilespmem:v37+s18+$0x0], $0xffff;
	_ =	sdelay $0x4  }
0xa5: {  	[tilespmem:v56+s21+$0x0] =	vst.idx.msk $0xffff, v37  }
0xa6: {  	v37 =	vld [tilespmem:s31+$0x0];
	_ =	sdelay $0x4  }
0xa7: {  	v37 =	vmul.u32 $0x5, v37;
	_ =	sdelay $0x5  }
0xa8: {  	v57 =	vadd.s32 v31, v36;
	v38 =	vld.idx.msk [tilespmem:v37+s19+$0x0], $0xffff  }
0xa9: {  	v58 =	vadd.s32 $0x1, v37;
	_ =	sdelay $0x3  }
0xaa: {  	[tilespmem:v57+s21+$0x0] =	vst.idx.msk $0xffff, v38  }
0xab: {  	v59 =	vadd.s32 v32, v36;
	v38 =	vld.idx.msk [tilespmem:v58+s19+$0x0], $0xffff  }
0xac: {  	v60 =	vadd.s32 $0x2, v37;
	_ =	sdelay $0x3  }
0xad: {  	[tilespmem:v59+s21+$0x0] =	vst.idx.msk $0xffff, v38  }
0xae: {  	v61 =	vadd.s32 v33, v36;
	v38 =	vld.idx.msk [tilespmem:v60+s19+$0x0], $0xffff  }
0xaf: {  	v62 =	vadd.s32 $0x3, v37;
	_ =	sdelay $0x3  }
0xb0: {  	[tilespmem:v61+s21+$0x0] =	vst.idx.msk $0xffff, v38  }
0xb1: {  	v63 =	vadd.s32 v34, v36;
	v38 =	vld.idx.msk [tilespmem:v62+s19+$0x0], $0xffff  }
0xb2: {  	v37 =	vadd.s32 $0x4, v37;
	_ =	sdelay $0x3  }
0xb3: {  	[tilespmem:v63+s21+$0x0] =	vst.idx.msk $0xffff, v38  }
0xb4: {  	p1 =	sne.s32 s24, $0x3F0;
	v36 =	vadd.s32 v35, v36;
	v37 =	vld.idx.msk [tilespmem:v37+s19+$0x0], $0xffff  }
.Ltmp0:
0xb5: {  	_ = 	snop;
	(pc) =	sbr.rel @p1 .LBB2_3-.Ltmp0, $3  }
0xb6: {  	_ =	sdelay $0x1  }
0xb7: {  	s26 =	sadd.s32 $0x10, s26;
	s24 =	sadd.s32 $0x10, s24;
	s28 =	sadd.s32 $0x10, s28  }
0xb8: {  	s29 =	sadd.s32 $0x10, s29;
	s30 =	sadd.s32 $0x10, s30;
	s31 =	sadd.s32 $0x10, s31;
	[tilespmem:v36+s21+$0x0] =	vst.idx.msk $0xffff, v37  }
0xb9: {  	s0 =	smul.u32 $0x24, s25;
	_ =	sdelay $0x1  }
0xba: {  	s0 =	sshrl.u32 s0, $0x3  }
.Ltmp1:
0xbb: {  	s0 =	sadd.s32 s13, s0;
	(pc) =	sbr.rel @p0 .LBB2_2-.Ltmp1, $4  }
0xbc: {  	[hbm4b:s0+s2] =	stream.linear.scatter [tilespmem:s21], [sflag:$0x2], $0x9000, $0x38;
	[tilespmem:$0xEC00] =	vst v63  }
0xbd: {  	_ =	swait.ge [sflag:s22], $0x9000  }
0xbe: {  	[sflag:s22] =	ssyncset.done $0x0  }
0xbf: {  	s25 =	simm.s32 $0x400;
	p1 =	por $0x0, $0x0;
	[sflag:s22] =	ssyncadd.s32 $0xFFFF7000  }
0xc0: {  	s23 =	sadd.s32 $0x1, s23  }
0xc1: {  	p0 =	sne.s32 s23, s15  }
.Ltmp2:
0xc2: {  	_ = 	snop;
	(pc) =	sbr.rel @p0 .LBB2_1-.Ltmp2, $1  }
0xc3: {  	_ =	sdelay $0x3  }
0xc4: {  	_ =	sfence.sel $0x180000  }
0xc5: {  	[bflag:$0x0] =	sbarrier.arrive $0xFFFF  }
0xc6: {  	_ =	strace $0x90000047  }
0xc7: {  	[bflag:$0x2] =	sbarrier.arrive $0xFFFF  }
0xc8: {  	p0 =	sne.s32 s11, $0x0;
	s0 =	rddreg [dreg:$0x1]  }
0xc9: {  	s0 =	sadd.s32 @!p0 $0x100000, s0  }
0xca: {  	[sflag:s0] =	ssyncadd.tile.s32 @!p0 $0x1;
	_ =	shalt  }
.Lfunc_end2:
_tile_overlayer_lowered:
.L_overlay_start_2:
0xcb: {  	(tag) =	ssettag $0x2  }
0xcc: {  	s0 =	rddreg [dreg:$0x0];
	s2 =	stileid.u32  }
0xcd: {  	s1 =	rddreg [dreg:$0x1];
	p0 =	sne.s32 s2, $0x0  }
0xce: {  	s3 =	rddreg [dreg:$0x2];
	[bflag:$0x3] =	sbarrier.arrive $0xFFFF;
	s2 =	simm.s32 @!p0 $0x1C02  }
0xcf: {  	[timem:s3], [sflag:s2] =	dma.local @!p0 [hbm:s0], s1  }
0xd0: {  	s0 =	simm.s32 @!p0 $0x2  }
0xd1: {  	_ =	swait.ge @!p0 [sflag:s0], s1  }
0xd2: {  	s1 =	ssub.s32 @!p0 $0x0, s1;
	[sflag:s0] =	ssyncset.done @!p0 $0x0  }
0xd3: {  	[sflag:s0] =	ssyncadd.s32 @!p0 s1  }
0xd4: {  	[bflag:$0x3] =	sbarrier.arrive $0xFFFF  }
0xd5: {  	_ =	shalt  }

// kernel: kernel.9.cloned.1.call-start
scs
__scs_entry_jumppad:
0x0: {  	(pc) =	sbr.rel $0x88, $3  }
0x1: {  	(tag) =	ssettag $0x0;
	lr =	simm.s32 $0x1  }
0x2: {  	[smem:$0x3F9B] =	sst lr;
	_ =	strace $0xD0000000  }
0x3: {  	_ = 	snop  }
0x4: {  	_ = 	snop  }
0x5: {  	_ = 	snop  }
0x6: {  	_ = 	snop  }
0x7: {  	_ = 	snop  }
__scs_overlays_trampoline_lowered:
0x8: {  	[smem:$0x3FAA] =	sst s0  }
0x9: {  	[smem:$0x3FAB] =	sst s1  }
0xa: {  	[smem:$0x3FAC] =	sst s2  }
0xb: {  	[smem:$0x3FAD] =	sst s3  }
0xc: {  	[smem:$0x3FAE] =	sst s4  }
0xd: {  	[smem:$0x3FAF] =	sst s5  }
0xe: {  	[smem:$0x3FB0] =	sst s6  }
0xf: {  	[smem:$0x3FB1] =	sst s7  }
0x10: {  	[smem:$0x3FB2] =	sst s8  }
0x11: {  	[smem:$0x3FB3] =	sst s9;
	s0 =	simm.s32 @!p0 $0x0  }
0x12: {  	s1 =	sld [smem:$0x3F99];
	s0 =	simm.s32 @p0 $0x1  }
0x13: {  	[smem:$0x3FB4] =	sst s0;
	s0 =	simm.s32 @!p1 $0x0  }
0x14: {  	s2 =	sld [smem:$0x3F98];
	s0 =	simm.s32 @p1 $0x1  }
0x15: {  	[smem:$0x3FB5] =	sst s0;
	s0 =	simm.s32 @!p2 $0x0  }
0x16: {  	s3 =	sld [smem:$0x3FDB];
	s0 =	simm.s32 @p2 $0x1  }
0x17: {  	s4 =	simm.s32 $0x1BF5;
	[smem:$0x3FB7] =	sst s0  }
0x18: {  	s0 =	sld [smem:$0x3F9A];
	_ =	swait.ge [sflag:s4], $0x0  }
0x19: {  	s7 =	sld [smem:$0x3F9B]  }
0x1a: {  	s8 =	sadd.s32 $0xFFFFE003, lr  }
0x1b: {  	s9 =	sadd.s32 $0xFFFFFEF7, lr;
	s5 =	simm.s32 $0xFFFFFFFF;
	p2 =	slt.u32 s8, $0xFFFFF086  }
0x1c: {  	p1 =	slt.u32 s9, $0xF7A;
	s5 =	simm.s32 @!p2 $0x0  }
0x1d: {  	s5 =	simm.s32 @p1 $0x1;
	p0 =	seq.s32 s7, s2  }
0x1e: {  	s7 =	smul.u32 @!p0 $0xF7A, s2;
	p2 =	seq.s32 @!p0 s5, $0x0  }
0x1f: {  	s9 =	smul.u32 $0xF7A, s1;
	s8 =	simm.s32 @!p0 $0x1BF5;
	p2 =	por !p2, p0  }
0x20: {  	[sflag:s8] =	ssyncset.s32 @!p0 $0xFFFFF086;
	s6 =	sadd.s32 @!p0 s3, s7;
	s7 =	simm.s32 @!p0 $0x108  }
0x21: {  	s3 =	sadd.s32 s3, s9;
	s6 =	sadd.s32 @!p0 $0x88, s6;
	s7 =	simm.s32 @p2 $0x1082  }
0x22: {  	[simem:s7], [sflag:s8] =	dma.local @!p0 [hbm:s6], $0xF7A  }
0x23: {  	s9 =	sor.u32 $0xD0000000, s2;
	s6 =	simm.s32 $0x108;
	_ =	swait.ge @!p0 [sflag:s8], $0x0  }
0x24: {  	s3 =	sadd.s32 $0x88, s3;
	s6 =	simm.s32 @!p1 $0x1082;
	[sflag:s4] =	ssyncset.s32 $0xFFFFF086  }
0x25: {  	[simem:s6], [sflag:s4] =	dma.local [hbm:s3], $0xF7A  }
0x26: {  	[smem:$0x3F9B] =	sst s1;
	(tag) =	ssettag s2;
	_ =	strace s9  }
0x27: {  	s1 =	sld [smem:$0x3FAB]  }
0x28: {  	s2 =	sld [smem:$0x3FAC]  }
0x29: {  	s4 =	sld [smem:$0x3FAE]  }
0x2a: {  	p0 =	seq.s32 s5, $0x0;
	s5 =	sld [smem:$0x3FAF]  }
0x2b: {  	s6 =	sld [smem:$0x3FB0]  }
0x2c: {  	s7 =	sld [smem:$0x3FB1]  }
0x2d: {  	s3 =	simm.s32 $0x108;
	s8 =	sld [smem:$0x3FB2]  }
0x2e: {  	s3 =	simm.s32 @!p0 $0x1082;
	s9 =	sld [smem:$0x3FB3]  }
0x2f: {  	lr =	sadd.s32 s0, s3;
	s0 =	sld [smem:$0x3FAA]  }
0x30: {  	s3 =	sld [smem:$0x3FAD]  }
0x31: {  	[smem:$0x3FB6] =	sst s10  }
0x32: {  	s10 =	sld [smem:$0x3FB4];
	_ =	sdelay $0x3  }
0x33: {  	p0 =	seq.s32 s10, $0x1;
	s10 =	sld [smem:$0x3FB6];
	_ =	sdelay $0x3  }
0x34: {  	[smem:$0x3FB6] =	sst s10  }
0x35: {  	s10 =	sld [smem:$0x3FB5];
	_ =	sdelay $0x3  }
0x36: {  	p1 =	seq.s32 s10, $0x1;
	s10 =	sld [smem:$0x3FB6];
	_ =	sdelay $0x3  }
0x37: {  	[smem:$0x3FB6] =	sst s10  }
0x38: {  	s10 =	sld [smem:$0x3FB7]  }
0x39: {  	_ = 	snop;
	(pc) =	sbr.ind lr, $3  }
0x3a: {  	_ = 	snop  }
0x3b: {  	_ = 	snop  }
0x3c: {  	p2 =	seq.s32 s10, $0x1;
	s10 =	sld [smem:$0x3FB6]  }
0x3d: {  	_ =	shalt  }
0x3e: {  	_ =	shalt  }
0x3f: {  	_ =	shalt  }
0x40: {  	_ =	shalt  }
0x41: {  	_ =	shalt  }
0x42: {  	_ =	shalt  }
0x43: {  	_ =	shalt  }
0x44: {  	_ =	shalt  }
0x45: {  	_ =	shalt  }
0x46: {  	_ =	shalt  }
0x47: {  	_ =	shalt  }
0x48: {  	_ =	shalt  }
0x49: {  	_ =	shalt  }
0x4a: {  	_ =	shalt  }
0x4b: {  	_ =	shalt  }
0x4c: {  	_ =	shalt  }
0x4d: {  	_ =	shalt  }
0x4e: {  	_ =	shalt  }
0x4f: {  	_ =	shalt  }
0x50: {  	_ =	shalt  }
0x51: {  	_ =	shalt  }
0x52: {  	_ =	shalt  }
0x53: {  	_ =	shalt  }
0x54: {  	_ =	shalt  }
0x55: {  	_ =	shalt  }
0x56: {  	_ =	shalt  }
0x57: {  	_ =	shalt  }
0x58: {  	_ =	shalt  }
0x59: {  	_ =	shalt  }
0x5a: {  	_ =	shalt  }
0x5b: {  	_ =	shalt  }
0x5c: {  	_ =	shalt  }
0x5d: {  	_ =	shalt  }
0x5e: {  	_ =	shalt  }
0x5f: {  	_ =	shalt  }
0x60: {  	_ =	shalt  }
0x61: {  	_ =	shalt  }
0x62: {  	_ =	shalt  }
0x63: {  	_ =	shalt  }
0x64: {  	_ =	shalt  }
0x65: {  	_ =	shalt  }
0x66: {  	_ =	shalt  }
0x67: {  	_ =	shalt  }
0x68: {  	_ =	shalt  }
0x69: {  	_ =	shalt  }
0x6a: {  	_ =	shalt  }
0x6b: {  	_ =	shalt  }
0x6c: {  	_ =	shalt  }
0x6d: {  	_ =	shalt  }
0x6e: {  	_ =	shalt  }
0x6f: {  	_ =	shalt  }
0x70: {  	_ =	shalt  }
0x71: {  	_ =	shalt  }
0x72: {  	_ =	shalt  }
0x73: {  	_ =	shalt  }
0x74: {  	_ =	shalt  }
0x75: {  	_ =	shalt  }
0x76: {  	_ =	shalt  }
0x77: {  	_ =	shalt  }
0x78: {  	_ =	shalt  }
0x79: {  	_ =	shalt  }
0x7a: {  	_ =	shalt  }
0x7b: {  	_ =	shalt  }
0x7c: {  	_ =	shalt  }
0x7d: {  	_ =	shalt  }
0x7e: {  	_ =	shalt  }
0x7f: {  	_ =	shalt  }
0x80: {  	_ =	shalt  }
0x81: {  	_ =	shalt  }
0x82: {  	_ =	shalt  }
0x83: {  	_ =	shalt  }
0x84: {  	_ =	shalt  }
0x85: {  	_ =	shalt  }
0x86: {  	_ =	shalt  }
0x87: {  	_ =	shalt  }
.Lfunc_end0:
.L_simem_size_0:
called_computation.1_lowered:
.L_overlay_start_0:
0x88: {  	s2 =	sld [smem:$0x3FD9]  }
0x89: {  	s3 =	sld [smem:$0x3FFE];
	_ =	sdelay $0x1  }
0x8a: {  	s1 =	srdreg.scid  }
0x8b: {  	s0 =	sand.u32 $0x1, s1  }
0x8c: {  	s15 =	sshll.u32 s0, $0xA;
	s2 =	sadd.s32 s3, s2  }
0x8d: {  	s2 =	sadd.s32 s2, s15  }
0x8e: {  	[smem:$0x3FC2] =	sst s2  }
0x8f: {  	_ = 	snop  }
0x90: {  	s2 =	sld [smem:$0x3FD0];
	_ =	sdelay $0x2  }
0x91: {  	s16 =	simm.s32 $0xB;
	s4 =	simm.s32 $0x10  }
0x92: {  	[smem:s4], [sflag:s16] =	dma.local [hbm:s2], $0x1  }
0x93: {  	_ =	swait.eq [sflag:s16], $0x1  }
0x94: {  	[sflag:s16] =	ssyncset.done $0x0  }
0x95: {  	[sflag:s16] =	ssyncadd.s32 $0xFFFFFFFF  }
0x96: {  	s17 =	sld [smem:$0x10];
	(tm) =	ssettm $0x1  }
0x97: {  	s18 =	sld [smem:$0x3FFB];
	_ =	sdelay $0x3  }
0x98: {  	_ =	strace s18  }
0x99: {  	s2 =	sld [smem:$0x3FFC];
	_ =	sdelay $0x3  }
0x9a: {  	_ =	strace s2  }
0x9b: {  	s2 =	sld [smem:$0x3FFD];
	_ =	sdelay $0x3  }
0x9c: {  	_ =	strace s2  }
0x9d: {  	_ =	strace $0x8FFFFFFF  }
0x9e: {  	s19 =	sld [smem:$0x3FDB];
	_ =	sdelay $0x1  }
0x9f: {  	s20 =	simm.s32 $_scs_section_size  }
0xa0: {  	s5 =	simm.s32 $_size__tile_overlayer_lowered;
	s6 =	simm.s32 $_tile_overlayer_lowered  }
0xa1: {  	s7 =	simm.s32 $0x1BFF;
	s21 =	sshll.u32 s6, $0x1;
	s4 =	sadd.s32 s20, s19  }
0xa2: {  	s22 =	simm.s32 $0x0;
	s5 =	sshll.u32 s5, $0x1;
	s6 =	sadd.s32 s21, s4  }
0xa3: {  	[timem:s22], [sflag:s7] =	dma.local [hbm:s6], s5  }
0xa4: {  	_ =	swait.ge [sflag:s7], s5  }
0xa5: {  	s5 =	ssub.s32 $0x0, s5;
	[sflag:s7] =	ssyncset.done $0x0  }
0xa6: {  	[sflag:s7] =	ssyncadd.s32 s5;
	_ =	sdelay $0x1  }
0xa7: {  	s23 =	simm.s32 $0x1B8B  }
0xa8: {  	_ =	swait.ge [sflag:s23], $0x1  }
0xa9: {  	[sflag:s23] =	ssyncset.done $0x0  }
0xaa: {  	[sflag:s23] =	ssyncadd.s32 $0xFFFFFFFF  }
0xab: {  	s5 =	sld [smem:$0x0]  }
0xac: {  	s6 =	sand.u32 $0xFFFFFFFE, s1  }
0xad: {  	p0 =	sne.s32 s1, s6  }
0xae: {  	s6 =	sshll.u32 @p0 s6, $0xE  }
0xaf: {  	s6 =	sadd.s32 @p0 $0x11B8D, s6;
	s7 =	sshll.u32 @p0 s5, $0x11  }
0xb0: {  	s6 =	sor.u32 @p0 s7, s6  }
0xb1: {  	[sflag:s6] =	ssyncadd.remote.s32 @p0 $0x1;
	_ =	sdelay $0x1  }
0xb2: {  	s6 =	simm.s32 @p0 $0x1B8D  }
0xb3: {  	_ =	swait.eq @p0 [sflag:s6], $0x1  }
0xb4: {  	[sflag:s6] =	ssyncadd.s32 @p0 $0xFFFFFFFF  }
0xb5: {  	s7 =	sshll.u32 @!p0 s1, $0xE  }
0xb6: {  	s7 =	sor.u32 @!p0 $0x4000, s7;
	s6 =	simm.s32 @!p0 $0x1B8D  }
0xb7: {  	s5 =	sshll.u32 @!p0 s5, $0x11;
	s7 =	sadd.s32 @!p0 $0x11B8D, s7;
	_ =	swait.eq @!p0 [sflag:s6], $0x1  }
0xb8: {  	s5 =	sor.u32 @!p0 s5, s7;
	[sflag:s6] =	ssyncadd.s32 @!p0 $0xFFFFFFFF  }
0xb9: {  	s25 =	simm.s32 $0x1B8E;
	s24 =	sld [smem:$0x3FFE];
	[sflag:s5] =	ssyncadd.remote.s32 @!p0 $0x1  }
0xba: {  	s26 =	simm.s32 $execute0_lowered;
	[smem:$0x3FD2] =	sst s25  }
0xbb: {  	s6 =	sshll.u32 s26, $0x1;
	_ =	strace $0x80000049;
	[dreg:$0x1] =	wrdreg $0xFFFFFFFF  }
0xbc: {  	s28 =	simm.s32 $_size_execute0_lowered;
	s4 =	sadd.s32 s4, s6;
	[dreg:$0x0] =	wrdreg $0x0  }
0xbd: {  	s6 =	sshll.u32 s28, $0x1;
	[dreg:$0x2] =	wrdreg s4  }
0xbe: {  	[dreg:$0x3] =	wrdreg s6  }
0xbf: {  	[dreg:$0x4] =	wrdreg $0xC0  }
0xc0: {  	_ =	task [dreg:s22], $0x5FFFF  }
0xc1: {  	[dreg:$0x1] =	wrdreg $0xFFFFFFFF  }
0xc2: {  	[dreg:$0x0] =	wrdreg $0x60  }
0xc3: {  	[dreg:$0x2] =	wrdreg s24  }
0xc4: {  	[dreg:$0x3] =	wrdreg s17  }
0xc5: {  	[dreg:$0x4] =	wrdreg $0xA  }
0xc6: {  	_ =	task.clear_ibuf [dreg:s22], $0x5FFFF;
	_ =	strace $0x90000049  }
0xc7: {  	s29 =	simm.s32 $0xA;
	_ =	strace $0x8000004B  }
0xc8: {  	_ =	swait.ge [sflag:s29], $0x1  }
0xc9: {  	[sflag:s29] =	ssyncadd.s32 $0xFFFFFFFF  }
0xca: {  	_ =	strace $0x9000004B  }
0xcb: {  	_ =	sfence  }
0xcc: {  	s30 =	sld [smem:$0x0];
	_ =	sdelay $0x2  }
0xcd: {  	s31 =	sshll.u32 s1, $0xD;
	s1 =	sshrl.u32 s1, $0x2  }
0xce: {  	s4 =	sand.u32 $0x4000, s31;
	s1 =	sadd.s32 s1, s30  }
0xcf: {  	s0 =	sor.u32 s4, s0;
	s1 =	sshll.u32 s1, $0x11  }
0xd0: {  	s0 =	sor.u32 s1, s0  }
0xd1: {  	s0 =	sadd.s32 $0x8F2B, s0  }
0xd2: {  	[sflag:s0] =	ssyncadd.remote.s32 $0x1  }
0xd3: {  	_ =	sfence.sel $0xFFFF  }
0xd4: {  	[dreg:$0x0] =	wrdreg $0xFFFFFFFF;
	(pc) =	sbr.abs _section_cstart, $3  }
0xd5: {  	[dreg:$0x1] =	wrdreg $0xFFFFFFFF  }
0xd6: {  	_ =	task.clear_ibuf [dreg:s22], $0x2FFFF;
	_ =	strace $0x9FFFFFFF  }
0xd7: {  	(tm) =	ssettm $0x7FFFFFFF  }
tec
execute0_lowered:
.L_overlay_start_1:
0x0: {  	(tag) =	ssettag $0x1  }
0x1: {  	v0 =	vlaneseq.u32  }
0x2: {  	v0 =	vmul.u32 $0x24, v0;
	_ =	sdelay $0x1  }
0x3: {  	s1 =	rddreg [dreg:$0x0];
	v1 =	vor.u32 $0x1, v0;
	v2 =	vor.u32 $0x2, v0  }
0x4: {  	s2 =	rddreg [dreg:$0x1];
	v3 =	vor.u32 $0x3, v0;
	v4 =	vadd.s32 $0x4, v0;
	v5 =	vadd.s32 $0x5, v0  }
0x5: {  	s3 =	simm.s32 $0x0;
	s11 =	srdreg.scid;
	s18 =	simm.s32 $0x2C00;
	v6 =	vadd.s32 $0x6, v0;
	v7 =	vadd.s32 $0x7, v0;
	v8 =	vadd.s32 $0x8, v0  }
0x6: {  	s19 =	simm.s32 $0x3E00;
	s20 =	simm.s32 $0x1;
	s21 =	simm.s32 $0x5C00;
	v9 =	vadd.s32 $0x9, v0;
	v10 =	vadd.s32 $0xA, v0;
	v11 =	vadd.s32 $0xB, v0  }
0x7: {  	s22 =	simm.s32 $0x2;
	s23 =	simm.s32 $0x0;
	[smem:$0x7FF] =	sst s3;
	v12 =	vadd.s32 $0xC, v0;
	v13 =	vadd.s32 $0xD, v0;
	v14 =	vadd.s32 $0xE, v0  }
0x8: {  	s4 =	sadd.s32 $0x52E00, s1;
	s5 =	sadd.s32 $0x56E00, s1;
	s6 =	sadd.s32 $0x58E00, s1;
	v15 =	vadd.s32 $0xF, v0;
	v16 =	vadd.s32 $0x10, v0;
	v17 =	vadd.s32 $0x11, v0  }
0x9: {  	s7 =	sadd.s32 $0x5AE00, s1;
	s8 =	sadd.s32 $0x54E00, s1;
	s9 =	sadd.s32 $0x400, s1;
	v18 =	vadd.s32 $0x12, v0;
	v19 =	vadd.s32 $0x13, v0;
	v20 =	vadd.s32 $0x14, v0  }
0xa: {  	s10 =	sadd.s32 $0x600, s1;
	s13 =	sand.u32 $0x1, s11;
	s12 =	sadd.s32 $0x800, s1;
	v21 =	vadd.s32 $0x15, v0;
	v22 =	vadd.s32 $0x16, v0;
	v23 =	vadd.s32 $0x17, v0  }
0xb: {  	s11 =	stileid.u32;
	_ =	strace $0x8000004A;
	s14 =	ssub.s32 $0x2, s13;
	v24 =	vadd.s32 $0x18, v0;
	v25 =	vadd.s32 $0x19, v0;
	v26 =	vadd.s32 $0x1A, v0  }
0xc: {  	s16 =	sshll.u32 s11, $0xC;
	s17 =	sshll.u32 s13, $0xB;
	s15 =	sshrl.u32 s14, $0x1;
	v27 =	vadd.s32 $0x1B, v0;
	v28 =	vadd.s32 $0x1C, v0;
	v29 =	vadd.s32 $0x1D, v0  }
0xd: {  	s13 =	sadd.s32 $0xC00, s1;
	v30 =	vadd.s32 $0x1E, v0;
	v31 =	vadd.s32 $0x1F, v0;
	v32 =	vadd.s32 $0x20, v0;
	s15 =	ssub.s32 s14, s15;
	s14 =	sor.u32 s17, s16  }
0xe: {  	v33 =	vadd.s32 $0x21, v0;
	v34 =	vadd.s32 $0x22, v0;
	v35 =	vadd.s32 $0x23, v0;
	s16 =	simm.s32 $0x1400;
	s17 =	simm.s32 $0x2000;
	s15 =	smax.u32 s15, $0x1  }
.LBB2_1:
0xf: {  	p1 =	por $0x1, $0x1;
	s25 =	simm.s32 $0x0  }
.LBB2_2:
0x10: {  	s24 =	simm.s32 $0x0  }
0x11: {  	[tilespmem:s24], [sflag:$0x1] =	stream.linear.gather [hbm4b:s1+s24], $0x1400, $0x38;
	[tilespmem:$0xEC00] =	vst v63  }
0x12: {  	_ = 	snop  }
0x13: {  	[tilespmem:s16], [sflag:$0x1] =	stream.linear.gather [hbm4b:s9+s24], $0xC00, $0x38;
	[tilespmem:$0xEC00] =	vst v63  }
0x14: {  	_ = 	snop  }
0x15: {  	[tilespmem:s17], [sflag:$0x1] =	stream.linear.gather [hbm4b:s10+s24], $0xC00, $0x38;
	[tilespmem:$0xEC00] =	vst v63  }
0x16: {  	s25 =	sor.u32 s14, s25  }
0x17: {  	[tilespmem:s18], [sflag:$0x1] =	stream.linear.gather [hbm4b:s12+s24], $0x1200, $0x38;
	[tilespmem:$0xEC00] =	vst v63  }
0x18: {  	s31 =	sshrl.u32 s25, $0x3  }
0x19: {  	[tilespmem:s19], [sflag:$0x1] =	stream.linear.gather [hbm4b:s13+s24], $0xA00, $0x38;
	[tilespmem:$0xEC00] =	vst v63  }
0x1a: {  	s26 =	simm.s32 $0x4800;
	s28 =	sadd.s32 s4, s31  }
0x1b: {  	[tilespmem:s26], [sflag:$0x1] =	stream.linear.gather [hbm4b:s28+s24], $0x400, $0x38;
	[tilespmem:$0xEC00] =	vst v63  }
0x1c: {  	s29 =	sadd.s32 s5, s31;
	s28 =	simm.s32 $0x4C00  }
0x1d: {  	[tilespmem:s28], [sflag:$0x1] =	stream.linear.gather [hbm4b:s29+s24], $0x400, $0x38;
	[tilespmem:$0xEC00] =	vst v63  }
0x1e: {  	s30 =	sadd.s32 s6, s31;
	s29 =	simm.s32 $0x5000  }
0x1f: {  	[tilespmem:s29], [sflag:$0x1] =	stream.linear.gather [hbm4b:s30+s24], $0x400, $0x38;
	[tilespmem:$0xEC00] =	vst v63  }
0x20: {  	s0 =	sadd.s32 s7, s31;
	s30 =	simm.s32 $0x5400  }
0x21: {  	[tilespmem:s30], [sflag:$0x1] =	stream.linear.gather [hbm4b:s0+s24], $0x400, $0x38;
	[tilespmem:$0xEC00] =	vst v63  }
0x22: {  	s0 =	sadd.s32 s8, s31;
	s31 =	simm.s32 $0x5800  }
0x23: {  	[tilespmem:s31], [sflag:$0x1] =	stream.linear.gather [hbm4b:s0+s24], $0x400, $0x38;
	[tilespmem:$0xEC00] =	vst v63  }
0x24: {  	_ =	swait.ge [sflag:s20], $0x1400  }
0x25: {  	[sflag:s20] =	ssyncset.done $0x0  }
0x26: {  	[sflag:s20] =	ssyncadd.s32 $0xFFFFEC00  }
0x27: {  	_ =	swait.ge [sflag:s20], $0xC00  }
0x28: {  	[sflag:s20] =	ssyncset.done $0x0  }
0x29: {  	[sflag:s20] =	ssyncadd.s32 $0xFFFFF400  }
0x2a: {  	_ =	swait.ge [sflag:s20], $0xC00  }
0x2b: {  	[sflag:s20] =	ssyncset.done $0x0  }
0x2c: {  	[sflag:s20] =	ssyncadd.s32 $0xFFFFF400  }
0x2d: {  	_ =	swait.ge [sflag:s20], $0x1200  }
0x2e: {  	[sflag:s20] =	ssyncset.done $0x0  }
0x2f: {  	[sflag:s20] =	ssyncadd.s32 $0xFFFFEE00  }
0x30: {  	_ =	swait.ge [sflag:s20], $0xA00  }
0x31: {  	[sflag:s20] =	ssyncset.done $0x0  }
0x32: {  	[sflag:s20] =	ssyncadd.s32 $0xFFFFF600  }
0x33: {  	_ =	swait.ge [sflag:s20], $0x400  }
0x34: {  	[sflag:s20] =	ssyncset.done $0x0  }
0x35: {  	[sflag:s20] =	ssyncadd.s32 $0xFFFFFC00  }
0x36: {  	_ =	swait.ge [sflag:s20], $0x400  }
0x37: {  	[sflag:s20] =	ssyncset.done $0x0  }
0x38: {  	[sflag:s20] =	ssyncadd.s32 $0xFFFFFC00  }
0x39: {  	_ =	swait.ge [sflag:s20], $0x400  }
0x3a: {  	[sflag:s20] =	ssyncset.done $0x0  }
0x3b: {  	[sflag:s20] =	ssyncadd.s32 $0xFFFFFC00  }
0x3c: {  	_ =	swait.ge [sflag:s20], $0x400  }
0x3d: {  	[sflag:s20] =	ssyncset.done $0x0  }
0x3e: {  	[sflag:s20] =	ssyncadd.s32 $0xFFFFFC00  }
0x3f: {  	_ =	swait.ge [sflag:s20], $0x400  }
0x40: {  	[sflag:s20] =	ssyncset.done $0x0  }
0x41: {  	p0 =	por p1, p1;
	[sflag:s20] =	ssyncadd.s32 $0xFFFFFC00  }
.LBB2_3:
0x42: {  	v36 =	vld [tilespmem:s26+$0x0];
	_ =	sdelay $0x4  }
0x43: {  	v37 =	vmul.u32 $0xA, v36  }
0x44: {  	v44 =	vmov s24  }
0x45: {  	v36 =	vmul.u32 $0x24, v44;
	_ =	sdelay $0x1  }
0x46: {  	v36 =	vbroadcast v36, $0x0;
	_ =	sdelay $0x1  }
0x47: {  	v38 =	vadd.s32 v0, v36;
	v39 =	vld.idx.msk [tilespmem:v37+s3+$0x0], $0xffff  }
0x48: {  	v40 =	vor.u32 $0x1, v37;
	_ =	sdelay $0x3  }
0x49: {  	[tilespmem:v38+s21+$0x0] =	vst.idx.msk $0xffff, v39  }
0x4a: {  	v45 =	vadd.s32 v1, v36;
	v38 =	vld.idx.msk [tilespmem:v40+s3+$0x0], $0xffff  }
0x4b: {  	v46 =	vadd.s32 $0x2, v37;
	_ =	sdelay $0x3  }
0x4c: {  	[tilespmem:v45+s21+$0x0] =	vst.idx.msk $0xffff, v38  }
0x4d: {  	v47 =	vadd.s32 v2, v36;
	v38 =	vld.idx.msk [tilespmem:v46+s3+$0x0], $0xffff  }
0x4e: {  	v48 =	vadd.s32 $0x3, v37;
	_ =	sdelay $0x3  }
0x4f: {  	[tilespmem:v47+s21+$0x0] =	vst.idx.msk $0xffff, v38  }
0x50: {  	v49 =	vadd.s32 v3, v36;
	v38 =	vld.idx.msk [tilespmem:v48+s3+$0x0], $0xffff  }
0x51: {  	v50 =	vadd.s32 $0x4, v37;
	_ =	sdelay $0x3  }
0x52: {  	[tilespmem:v49+s21+$0x0] =	vst.idx.msk $0xffff, v38  }
0x53: {  	v51 =	vadd.s32 v4, v36;
	v38 =	vld.idx.msk [tilespmem:v50+s3+$0x0], $0xffff  }
0x54: {  	v52 =	vadd.s32 $0x5, v37;
	_ =	sdelay $0x3  }
0x55: {  	[tilespmem:v51+s21+$0x0] =	vst.idx.msk $0xffff, v38  }
0x56: {  	v53 =	vadd.s32 v5, v36;
	v38 =	vld.idx.msk [tilespmem:v52+s3+$0x0], $0xffff  }
0x57: {  	v54 =	vadd.s32 $0x6, v37;
	_ =	sdelay $0x3  }
0x58: {  	[tilespmem:v53+s21+$0x0] =	vst.idx.msk $0xffff, v38  }
0x59: {  	v55 =	vadd.s32 v6, v36;
	v38 =	vld.idx.msk [tilespmem:v54+s3+$0x0], $0xffff  }
0x5a: {  	v56 =	vadd.s32 $0x7, v37;
	_ =	sdelay $0x3  }
0x5b: {  	[tilespmem:v55+s21+$0x0] =	vst.idx.msk $0xffff, v38  }
0x5c: {  	v57 =	vadd.s32 v7, v36;
	v38 =	vld.idx.msk [tilespmem:v56+s3+$0x0], $0xffff  }
0x5d: {  	v58 =	vadd.s32 $0x8, v37;
	_ =	sdelay $0x3  }
0x5e: {  	[tilespmem:v57+s21+$0x0] =	vst.idx.msk $0xffff, v38  }
0x5f: {  	v59 =	vadd.s32 v8, v36;
	v38 =	vld.idx.msk [tilespmem:v58+s3+$0x0], $0xffff  }
0x60: {  	v37 =	vadd.s32 $0x9, v37;
	_ =	sdelay $0x3  }
0x61: {  	[tilespmem:v59+s21+$0x0] =	vst.idx.msk $0xffff, v38  }
0x62: {  	v60 =	vadd.s32 v9, v36;
	v37 =	vld.idx.msk [tilespmem:v37+s3+$0x0], $0xffff;
	_ =	sdelay $0x4  }
0x63: {  	[tilespmem:v60+s21+$0x0] =	vst.idx.msk $0xffff, v37  }
0x64: {  	v37 =	vld [tilespmem:s28+$0x0];
	_ =	sdelay $0x4  }
0x65: {  	v37 =	vmul.u32 $0x6, v37;
	_ =	sdelay $0x5  }
0x66: {  	v61 =	vadd.s32 v10, v36;
	v38 =	vld.idx.msk [tilespmem:v37+s16+$0x0], $0xffff  }
0x67: {  	v62 =	vor.u32 $0x1, v37;
	_ =	sdelay $0x3  }
0x68: {  	[tilespmem:v61+s21+$0x0] =	vst.idx.msk $0xffff, v38  }
0x69: {  	v63 =	vadd.s32 v11, v36;
	v38 =	vld.idx.msk [tilespmem:v62+s16+$0x0], $0xffff  }
0x6a: {  	v44 =	vadd.s32 $0x2, v37;
	_ =	sdelay $0x3  }
0x6b: {  	[tilespmem:v63+s21+$0x0] =	vst.idx.msk $0xffff, v38  }
0x6c: {  	v45 =	vadd.s32 v12, v36;
	v38 =	vld.idx.msk [tilespmem:v44+s16+$0x0], $0xffff  }
0x6d: {  	v46 =	vadd.s32 $0x3, v37;
	_ =	sdelay $0x3  }
0x6e: {  	[tilespmem:v45+s21+$0x0] =	vst.idx.msk $0xffff, v38  }
0x6f: {  	v47 =	vadd.s32 v13, v36;
	v38 =	vld.idx.msk [tilespmem:v46+s16+$0x0], $0xffff  }
0x70: {  	v48 =	vadd.s32 $0x4, v37;
	_ =	sdelay $0x3  }
0x71: {  	[tilespmem:v47+s21+$0x0] =	vst.idx.msk $0xffff, v38  }
0x72: {  	v49 =	vadd.s32 v14, v36;
	v38 =	vld.idx.msk [tilespmem:v48+s16+$0x0], $0xffff  }
0x73: {  	v37 =	vadd.s32 $0x5, v37;
	_ =	sdelay $0x3  }
0x74: {  	[tilespmem:v49+s21+$0x0] =	vst.idx.msk $0xffff, v38  }
0x75: {  	v50 =	vadd.s32 v15, v36;
	v37 =	vld.idx.msk [tilespmem:v37+s16+$0x0], $0xffff;
	_ =	sdelay $0x4  }
0x76: {  	[tilespmem:v50+s21+$0x0] =	vst.idx.msk $0xffff, v37  }
0x77: {  	v37 =	vld [tilespmem:s29+$0x0];
	_ =	sdelay $0x4  }
0x78: {  	v37 =	vmul.u32 $0x6, v37;
	_ =	sdelay $0x5  }
0x79: {  	v51 =	vadd.s32 v16, v36;
	v38 =	vld.idx.msk [tilespmem:v37+s17+$0x0], $0xffff  }
0x7a: {  	v52 =	vor.u32 $0x1, v37;
	_ =	sdelay $0x3  }
0x7b: {  	[tilespmem:v51+s21+$0x0] =	vst.idx.msk $0xffff, v38  }
0x7c: {  	v53 =	vadd.s32 v17, v36;
	v38 =	vld.idx.msk [tilespmem:v52+s17+$0x0], $0xffff  }
0x7d: {  	v54 =	vadd.s32 $0x2, v37;
	_ =	sdelay $0x3  }
0x7e: {  	[tilespmem:v53+s21+$0x0] =	vst.idx.msk $0xffff, v38  }
0x7f: {  	v55 =	vadd.s32 v18, v36;
	v38 =	vld.idx.msk [tilespmem:v54+s17+$0x0], $0xffff  }
0x80: {  	v56 =	vadd.s32 $0x3, v37;
	_ =	sdelay $0x3  }
0x81: {  	[tilespmem:v55+s21+$0x0] =	vst.idx.msk $0xffff, v38  }
0x82: {  	v57 =	vadd.s32 v19, v36;
	v38 =	vld.idx.msk [tilespmem:v56+s17+$0x0], $0xffff  }
0x83: {  	v58 =	vadd.s32 $0x4, v37;
	_ =	sdelay $0x3  }
0x84: {  	[tilespmem:v57+s21+$0x0] =	vst.idx.msk $0xffff, v38  }
0x85: {  	v59 =	vadd.s32 v20, v36;
	v38 =	vld.idx.msk [tilespmem:v58+s17+$0x0], $0xffff  }
0x86: {  	v37 =	vadd.s32 $0x5, v37;
	_ =	sdelay $0x3  }
0x87: {  	[tilespmem:v59+s21+$0x0] =	vst.idx.msk $0xffff, v38  }
0x88: {  	v60 =	vadd.s32 v21, v36;
	v37 =	vld.idx.msk [tilespmem:v37+s17+$0x0], $0xffff;
	_ =	sdelay $0x4  }
0x89: {  	[tilespmem:v60+s21+$0x0] =	vst.idx.msk $0xffff, v37  }
0x8a: {  	v37 =	vld [tilespmem:s30+$0x0];
	_ =	sdelay $0x4  }
0x8b: {  	v37 =	vmul.u32 $0x9, v37;
	_ =	sdelay $0x5  }
0x8c: {  	v61 =	vadd.s32 v22, v36;
	v38 =	vld.idx.msk [tilespmem:v37+s18+$0x0], $0xffff  }
0x8d: {  	v62 =	vadd.s32 $0x1, v37;
	_ =	sdelay $0x3  }
0x8e: {  	[tilespmem:v61+s21+$0x0] =	vst.idx.msk $0xffff, v38  }
0x8f: {  	v63 =	vadd.s32 v23, v36;
	v38 =	vld.idx.msk [tilespmem:v62+s18+$0x0], $0xffff  }
0x90: {  	v44 =	vadd.s32 $0x2, v37;
	_ =	sdelay $0x3  }
0x91: {  	[tilespmem:v63+s21+$0x0] =	vst.idx.msk $0xffff, v38  }
0x92: {  	v45 =	vadd.s32 v24, v36;
	v38 =	vld.idx.msk [tilespmem:v44+s18+$0x0], $0xffff  }
0x93: {  	v46 =	vadd.s32 $0x3, v37;
	_ =	sdelay $0x3  }
0x94: {  	[tilespmem:v45+s21+$0x0] =	vst.idx.msk $0xffff, v38  }
0x95: {  	v47 =	vadd.s32 v25, v36;
	v38 =	vld.idx.msk [tilespmem:v46+s18+$0x0], $0xffff  }
0x96: {  	v48 =	vadd.s32 $0x4, v37;
	_ =	sdelay $0x3  }
0x97: {  	[tilespmem:v47+s21+$0x0] =	vst.idx.msk $0xffff, v38  }
0x98: {  	v49 =	vadd.s32 v26, v36;
	v38 =	vld.idx.msk [tilespmem:v48+s18+$0x0], $0xffff  }
0x99: {  	v50 =	vadd.s32 $0x5, v37;
	_ =	sdelay $0x3  }
0x9a: {  	[tilespmem:v49+s21+$0x0] =	vst.idx.msk $0xffff, v38  }
0x9b: {  	v51 =	vadd.s32 v27, v36;
	v38 =	vld.idx.msk [tilespmem:v50+s18+$0x0], $0xffff  }
0x9c: {  	v52 =	vadd.s32 $0x6, v37;
	_ =	sdelay $0x3  }
0x9d: {  	[tilespmem:v51+s21+$0x0] =	vst.idx.msk $0xffff, v38  }
0x9e: {  	v53 =	vadd.s32 v28, v36;
	v38 =	vld.idx.msk [tilespmem:v52+s18+$0x0], $0xffff  }
0x9f: {  	v54 =	vadd.s32 $0x7, v37;
	_ =	sdelay $0x3  }
0xa0: {  	[tilespmem:v53+s21+$0x0] =	vst.idx.msk $0xffff, v38  }
0xa1: {  	v55 =	vadd.s32 v29, v36;
	v38 =	vld.idx.msk [tilespmem:v54+s18+$0x0], $0xffff  }
0xa2: {  	v37 =	vadd.s32 $0x8, v37;
	_ =	sdelay $0x3  }
0xa3: {  	[tilespmem:v55+s21+$0x0] =	vst.idx.msk $0xffff, v38  }
0xa4: {  	v56 =	vadd.s32 v30, v36;
	v37 =	vld.idx.msk [tilespmem:v37+s18+$0x0], $0xffff;
	_ =	sdelay $0x4  }
0xa5: {  	[tilespmem:v56+s21+$0x0] =	vst.idx.msk $0xffff, v37  }
0xa6: {  	v37 =	vld [tilespmem:s31+$0x0];
	_ =	sdelay $0x4  }
0xa7: {  	v37 =	vmul.u32 $0x5, v37;
	_ =	sdelay $0x5  }
0xa8: {  	v57 =	vadd.s32 v31, v36;
	v38 =	vld.idx.msk [tilespmem:v37+s19+$0x0], $0xffff  }
0xa9: {  	v58 =	vadd.s32 $0x1, v37;
	_ =	sdelay $0x3  }
0xaa: {  	[tilespmem:v57+s21+$0x0] =	vst.idx.msk $0xffff, v38  }
0xab: {  	v59 =	vadd.s32 v32, v36;
	v38 =	vld.idx.msk [tilespmem:v58+s19+$0x0], $0xffff  }
0xac: {  	v60 =	vadd.s32 $0x2, v37;
	_ =	sdelay $0x3  }
0xad: {  	[tilespmem:v59+s21+$0x0] =	vst.idx.msk $0xffff, v38  }
0xae: {  	v61 =	vadd.s32 v33, v36;
	v38 =	vld.idx.msk [tilespmem:v60+s19+$0x0], $0xffff  }
0xaf: {  	v62 =	vadd.s32 $0x3, v37;
	_ =	sdelay $0x3  }
0xb0: {  	[tilespmem:v61+s21+$0x0] =	vst.idx.msk $0xffff, v38  }
0xb1: {  	v63 =	vadd.s32 v34, v36;
	v38 =	vld.idx.msk [tilespmem:v62+s19+$0x0], $0xffff  }
0xb2: {  	v37 =	vadd.s32 $0x4, v37;
	_ =	sdelay $0x3  }
0xb3: {  	[tilespmem:v63+s21+$0x0] =	vst.idx.msk $0xffff, v38  }
0xb4: {  	p1 =	sne.s32 s24, $0x3F0;
	v36 =	vadd.s32 v35, v36;
	v37 =	vld.idx.msk [tilespmem:v37+s19+$0x0], $0xffff  }
.Ltmp0:
0xb5: {  	_ = 	snop;
	(pc) =	sbr.rel @p1 .LBB2_3-.Ltmp0, $3  }
0xb6: {  	_ =	sdelay $0x1  }
0xb7: {  	s26 =	sadd.s32 $0x10, s26;
	s24 =	sadd.s32 $0x10, s24;
	s28 =	sadd.s32 $0x10, s28  }
0xb8: {  	s29 =	sadd.s32 $0x10, s29;
	s30 =	sadd.s32 $0x10, s30;
	s31 =	sadd.s32 $0x10, s31;
	[tilespmem:v36+s21+$0x0] =	vst.idx.msk $0xffff, v37  }
0xb9: {  	s0 =	smul.u32 $0x24, s25;
	_ =	sdelay $0x1  }
0xba: {  	s0 =	sshrl.u32 s0, $0x3  }
.Ltmp1:
0xbb: {  	s0 =	sadd.s32 s2, s0;
	(pc) =	sbr.rel @p0 .LBB2_2-.Ltmp1, $4  }
0xbc: {  	[hbm4b:s0+s3] =	stream.linear.scatter [tilespmem:s21], [sflag:$0x2], $0x9000, $0x38;
	[tilespmem:$0xEC00] =	vst v63  }
0xbd: {  	_ =	swait.ge [sflag:s22], $0x9000  }
0xbe: {  	[sflag:s22] =	ssyncset.done $0x0  }
0xbf: {  	s25 =	simm.s32 $0x400;
	p1 =	por $0x0, $0x0;
	[sflag:s22] =	ssyncadd.s32 $0xFFFF7000  }
0xc0: {  	s23 =	sadd.s32 $0x1, s23  }
0xc1: {  	p0 =	sne.s32 s23, s15  }
.Ltmp2:
0xc2: {  	_ = 	snop;
	(pc) =	sbr.rel @p0 .LBB2_1-.Ltmp2, $1  }
0xc3: {  	_ =	sdelay $0x3  }
0xc4: {  	_ =	sfence.sel $0x180000  }
0xc5: {  	[bflag:$0x0] =	sbarrier.arrive $0xFFFF  }
0xc6: {  	_ =	strace $0x9000004A  }
0xc7: {  	[bflag:$0x2] =	sbarrier.arrive $0xFFFF  }
0xc8: {  	p0 =	sne.s32 s11, $0x0;
	s0 =	rddreg [dreg:$0x2]  }
0xc9: {  	s0 =	sadd.s32 @!p0 $0x100000, s0  }
0xca: {  	[sflag:s0] =	ssyncadd.tile.s32 @!p0 $0x1;
	_ =	shalt  }
.Lfunc_end2:
_tile_overlayer_lowered:
.L_overlay_start_2:
0xcb: {  	(tag) =	ssettag $0x2  }
0xcc: {  	s0 =	rddreg [dreg:$0x0];
	s2 =	stileid.u32  }
0xcd: {  	s1 =	rddreg [dreg:$0x1];
	p0 =	sne.s32 s2, $0x0  }
0xce: {  	s3 =	rddreg [dreg:$0x2];
	[bflag:$0x3] =	sbarrier.arrive $0xFFFF;
	s2 =	simm.s32 @!p0 $0x1C02  }
0xcf: {  	[timem:s3], [sflag:s2] =	dma.local @!p0 [hbm:s0], s1  }
0xd0: {  	s0 =	simm.s32 @!p0 $0x2  }
0xd1: {  	_ =	swait.ge @!p0 [sflag:s0], s1  }
0xd2: {  	s1 =	ssub.s32 @!p0 $0x0, s1;
	[sflag:s0] =	ssyncset.done @!p0 $0x0  }
0xd3: {  	[sflag:s0] =	ssyncadd.s32 @!p0 s1  }
0xd4: {  	[bflag:$0x3] =	sbarrier.arrive $0xFFFF  }
0xd5: {  	_ =	shalt  }

</sc_bundles>
